<compile_context>
chip_gen: v7x
topology: tpu7x:2x2x1
jax: 0.10.2.dev20260603
libtpu: 0.0.44.dev20260713+nightly
codegen_flags: <defaults>
</compile_context>

<pallas_src>
import functools

import jax
import jax.numpy as jnp
from jax import lax
from jax.experimental import pallas as pl
from jax.experimental.pallas import tpu as pltpu
from jax.experimental.pallas import tpu_sc as plsc

B, T, M, D = 8, 1024, 6, 256
NI = 4096
KI = 1024
NW = 32


def _img_sort_body(noise_ref, out_ref):
    keys = noise_ref[0]
    r = lax.broadcasted_iota(jnp.int32, (32, 128), 0)
    c = lax.broadcasted_iota(jnp.int32, (32, 128), 1)
    e = r * 128 + c
    idx = e
    k = 2
    while k <= NI:
        j = k // 2
        while j >= 1:
            if j < 128:
                ax, sh = 1, j
            else:
                ax, sh = 0, j // 128
            lower = (e & j) == 0
            pk = jnp.where(lower, jnp.roll(keys, -sh, axis=ax),
                           jnp.roll(keys, sh, axis=ax))
            pi = jnp.where(lower, jnp.roll(idx, -sh, axis=ax),
                           jnp.roll(idx, sh, axis=ax))
            a_first = (keys < pk) | ((keys == pk) & (idx < pi))
            want_small = lower == ((e & k) == 0)
            take_a = a_first == want_small
            keys = jnp.where(take_a, keys, pk)
            idx = jnp.where(take_a, idx, pi)
            j //= 2
        k *= 2
    out_ref[0] = idx[:8] + 1


def _img_sort(noise_img):
    x = noise_img.reshape(B, 32, 128)
    out = pl.pallas_call(
        _img_sort_body,
        grid=(B,),
        in_specs=[pl.BlockSpec((1, 32, 128), lambda b: (b, 0, 0))],
        out_specs=pl.BlockSpec((1, 8, 128), lambda b: (b, 0, 0)),
        out_shape=jax.ShapeDtypeStruct((B, 8, 128), jnp.int32),
    )(x)
    return out.reshape(B * KI)


def _temporal_body(noise_ref, pad_ref, fcst_ref, idx_ref, pm_ref):
    v = [noise_ref[m] for m in range(5)]
    pad = pad_ref[...]
    fcst = fcst_ref[...]
    ranks = []
    for m in range(5):
        rm = jnp.zeros((64, 128), jnp.int32)
        for mp in range(5):
            if mp == m:
                continue
            if mp < m:
                first = v[mp] <= v[m]
            else:
                first = v[mp] < v[m]
            rm = rm + first.astype(jnp.int32)
        ranks.append(rm)
    idx0 = jnp.zeros((64, 128), jnp.int32)
    idx1 = jnp.zeros((64, 128), jnp.int32)
    for m in range(5):
        idx0 = jnp.where(ranks[m] == 0, m, idx0)
        idx1 = jnp.where(ranks[m] == 1, m, idx1)
    r = lax.broadcasted_iota(jnp.int32, (64, 128), 0)
    c = lax.broadcasted_iota(jnp.int32, (64, 128), 1)
    f = r * 128 + c
    idx_ref[0] = f
    idx_ref[1] = (idx0 + 1) * (B * T) + f
    idx_ref[2] = (idx1 + 1) * (B * T) + f
    pm_ref[0] = pad
    pm_ref[1] = jnp.where(idx0 == 0, fcst, pad)
    pm_ref[2] = jnp.where(idx1 == 0, fcst, pad)


def _temporal_idx(noise_temporal, pad_mask, fcst_mask):
    noise5 = noise_temporal.transpose(2, 0, 1).reshape(5, 64, 128)
    pad = pad_mask.reshape(64, 128)
    fcst = fcst_mask.reshape(64, 128)
    tidx, tpm = pl.pallas_call(
        _temporal_body,
        out_shape=[
            jax.ShapeDtypeStruct((3, 64, 128), jnp.int32),
            jax.ShapeDtypeStruct((3, 64, 128), jnp.float32),
        ],
    )(noise5, pad, fcst)
    t_idx = tidx.reshape(3, B * T).T.reshape(-1)
    pm = tpm.reshape(3, B * T).T.reshape(B, T, 3)
    return t_idx, pm


NT_ROWS = B * T * 3


def _sc_gather(t_tab, i_tab, n_tab, t_ix, i_ix, n_ix):
    mesh = plsc.VectorSubcoreMesh(core_axis_name="c", subcore_axis_name="s")

    @functools.partial(
        pl.kernel,
        mesh=mesh,
        out_type=[
            jax.ShapeDtypeStruct((NT_ROWS, D), jnp.float32),
            jax.ShapeDtypeStruct((B, 1025, D), jnp.float32),
            jax.ShapeDtypeStruct((B, 513, D), jnp.float32),
        ],
        scratch_types=[
            pltpu.VMEM((384,), jnp.int32),
            pltpu.VMEM((16,), jnp.int32),
            pltpu.VMEM((384, D), jnp.float32),
            pltpu.VMEM((16, D), jnp.float32),
            pltpu.SemaphoreType.DMA,
            pltpu.SemaphoreType.DMA,
        ],
    )
    def k(t_tab, i_tab, n_tab, t_ix, i_ix, n_ix, t_out, i_out, n_out,
          ixv, ixv16, rows, rows16, sem, sem2):
        wid = lax.axis_index("s") * 2 + lax.axis_index("c")
        b = wid // 4
        sub = wid % 4

        for ch in range(2):
            base = wid * 768 + ch * 384
            pltpu.sync_copy(t_ix.at[pl.ds(base, 384)], ixv)
            pltpu.async_copy(t_tab.at[ixv], rows, sem).wait()
            pltpu.sync_copy(rows, t_out.at[pl.ds(base, 384)])

        def chunk2(ix2, tab3, out3, base):
            pltpu.sync_copy(ix2.at[b, 0, pl.ds(base, 128)], ixv.at[pl.ds(0, 128)])
            pltpu.async_copy(tab3.at[b].at[ixv.at[pl.ds(0, 128)]],
                             rows.at[pl.ds(0, 128)], sem).wait()
            pltpu.sync_copy(rows.at[pl.ds(0, 128)], out3.at[b, pl.ds(base, 128)])

        def tail(ix2, tab3, out3, last):
            pltpu.sync_copy(ix2.at[b, 0, pl.ds(last, 16)], ixv16)
            pltpu.async_copy(tab3.at[b].at[ixv16], rows16, sem).wait()
            pltpu.sync_copy(rows16.at[pl.ds(0, 1)], out3.at[b, pl.ds(last, 1)])

        pltpu.sync_copy(i_ix.at[b, 0, pl.ds(sub * 256, 256)],
                        ixv.at[pl.ds(0, 256)])
        pltpu.async_copy(i_tab.at[b].at[ixv.at[pl.ds(0, 256)]],
                         rows.at[pl.ds(0, 256)], sem).wait()
        pltpu.sync_copy(rows.at[pl.ds(0, 256)], i_out.at[b, pl.ds(sub * 256, 256)])

        @pl.when(sub == 3)
        def _():
            tail(i_ix, i_tab, i_out, 1024)

        chunk2(n_ix, n_tab, n_out, sub * 128)

        @pl.when(sub == 2)
        def _():
            tail(n_ix, n_tab, n_out, 512)

    return k(t_tab, i_tab, n_tab, t_ix, i_ix, n_ix)


def kernel(temporal_data, img_data, nlp_data, temporal_padding_mask,
           target_fcst_mask, noise_temporal, noise_img, nlp_remain_idx):
    img_idx = _img_sort(noise_img).reshape(B, KI)
    t_idx, temporal_remain_pm = _temporal_idx(
        noise_temporal, temporal_padding_mask, target_fcst_mask)
    zb = jnp.zeros((B, 1), jnp.int32)
    i_ix = jnp.concatenate([zb, img_idx, jnp.zeros((B, 15), jnp.int32)],
                           axis=1).reshape(B, 1, 1040)
    n_src = nlp_remain_idx.astype(jnp.int32) + 1
    n_ix = jnp.concatenate([zb, n_src, jnp.zeros((B, 15), jnp.int32)],
                           axis=1).reshape(B, 1, 528)
    t_out, i_out, n_out = _sc_gather(
        temporal_data.reshape(M * B * T, D),
        img_data,
        nlp_data,
        t_idx,
        i_ix,
        n_ix,
    )
    temporal_block_remain = t_out.reshape(B, T, 3, D)
    img_remain = i_out
    nlp_remain = n_out
    img_remain_pm = jnp.ones((B, 1025), jnp.float32)
    return (temporal_block_remain, img_remain, nlp_remain,
            temporal_remain_pm, img_remain_pm)

# --- scband reference (transcript-rebuilt; emitter-appended) ---
"""Pipeline reference for scband-remain-4715874091588 (READ-ONLY COPY).

The authoritative reference and input builder live on the scoring server;
editing this copy changes nothing except your own understanding.
"""

import jax, jax.numpy as jnp
import numpy as np

REMAIN_RTO_TEMPORAL = 0.4
REMAIN_RTO_IMG = 0.25

def setup_inputs(seed: int = 0) -> dict:
    key = jax.random.key(seed)
    ks = jax.random.split(key, 8)
    B, T, M, D = 8, 1024, 6, 256
    temporal_data = jax.random.normal(ks[0], (M, B, T, D), dtype=jnp.float32)
    img_data = jax.random.normal(ks[1], (B, 4097, D), dtype=jnp.float32)
    nlp_data = jax.random.normal(ks[2], (B, 2049, D), dtype=jnp.float32)
    temporal_padding_mask = jnp.ones((B, T), dtype=jnp.float32)
    target_fcst_mask = jnp.ones((B, T), dtype=jnp.float32)
    noise_temporal = jax.random.uniform(ks[3], (B, T, M - 1), dtype=jnp.float32)
    noise_img = jax.random.uniform(ks[4], (B, 4096), dtype=jnp.float32)
    nlp_remain_idx = jax.random.randint(ks[5], (B, 512), 0, 2048)
    return {
        'temporal_data': temporal_data,
        'img_data': img_data,
        'nlp_data': nlp_data,
        'temporal_padding_mask': temporal_padding_mask,
        'target_fcst_mask': target_fcst_mask,
        'noise_temporal': noise_temporal,
        'noise_img': noise_img,
        'nlp_remain_idx': nlp_remain_idx,
    }


def reference(temporal_data, img_data, nlp_data, temporal_padding_mask,
              target_fcst_mask, noise_temporal, noise_img, nlp_remain_idx):
    # ---- TemporalRemain ----
    # stack temporal cols along dim=-2: [B, T, M, D]
    block = jnp.transpose(temporal_data, (1, 2, 0, 3))
    B, T, M, D = block.shape
    revert_pm = jnp.repeat(temporal_padding_mask[:, :, None], M, axis=-1)
    revert_pm = revert_pm.at[:, :, 1].set(target_fcst_mask)
    global_tok = block[:, :, :1, :]
    valid = block[:, :, 1:, :]
    g_pm = revert_pm[:, :, :1]
    v_pm = revert_pm[:, :, 1:]
    valid_m = valid.shape[-2]
    num_remain_t = int(valid_m * REMAIN_RTO_TEMPORAL)
    shuffle_t = jnp.argsort(noise_temporal, axis=-1)
    remain_t = shuffle_t[:, :, :num_remain_t]
    masked_t = shuffle_t[:, :, num_remain_t:]
    revert_t = jnp.argsort(shuffle_t, axis=-1)
    remain_t_ = jnp.broadcast_to(remain_t[..., None], remain_t.shape + (D,))
    valid_remain_t = jnp.take_along_axis(valid, remain_t_, axis=2)
    temporal_block_remain = jnp.concatenate([global_tok, valid_remain_t], axis=2)
    v_pm_r = jnp.take_along_axis(v_pm, remain_t, axis=-1)
    temporal_remain_pm = jnp.concatenate([g_pm, v_pm_r], axis=-1)
    # ---- ImgRemain ----
    img_revert_pm = jnp.ones(img_data.shape[:-1], dtype=jnp.float32)
    g_img = img_data[:, :1, :]
    v_img = img_data[:, 1:, :]
    g_img_pm = img_revert_pm[:, :1]
    v_img_pm = img_revert_pm[:, 1:]
    seq_len = v_img.shape[1]
    num_remain_i = int(seq_len * REMAIN_RTO_IMG)
    shuffle_i = jnp.argsort(noise_img, axis=1)
    remain_i = shuffle_i[:, :num_remain_i]
    masked_i = shuffle_i[:, num_remain_i:]
    revert_i = jnp.argsort(shuffle_i, axis=1)
    remain_i_ = jnp.broadcast_to(remain_i[:, :, None], remain_i.shape + (v_img.shape[-1],))
    v_img_remain = jnp.take_along_axis(v_img, remain_i_, axis=1)
    img_remain = jnp.concatenate([g_img, v_img_remain], axis=1)
    v_img_pm_r = jnp.take_along_axis(v_img_pm, remain_i, axis=1)
    img_remain_pm = jnp.concatenate([g_img_pm, v_img_pm_r], axis=1)
    # ---- NlpRemain ----
    g_nlp = nlp_data[:, :1, :]
    v_nlp = nlp_data[:, 1:, :]
    nidx_ = jnp.broadcast_to(nlp_remain_idx[:, :, None], nlp_remain_idx.shape + (v_nlp.shape[-1],))
    v_nlp_remain = jnp.take_along_axis(v_nlp, nidx_, axis=1)
    nlp_remain = jnp.concatenate([g_nlp, v_nlp_remain], axis=1)
    return (temporal_block_remain, img_remain, nlp_remain, temporal_remain_pm, img_remain_pm)

if __name__ == "__main__":
    import jax
    _d = setup_inputs()
    print(jax.jit(kernel)(*tuple(_d.values())))

</pallas_src>

<mosaic_0001>
#map = affine_map<(d0, d1) -> (0, 0)>
#map1 = affine_map<(d0, d1) -> (0, 0, 0)>
#map2 = affine_map<(d0, d1) -> (0)>
module attributes {stable_mosaic.version = 14 : i64} {
  func.func @k(%arg0: i32, %arg1: i32, %arg2: memref<49152x256xf32, #tpu.memory_space<hbm>>, %arg3: memref<8x4097x256xf32, #tpu.memory_space<hbm>>, %arg4: memref<8x2049x256xf32, #tpu.memory_space<hbm>>, %arg5: memref<24576xi32, #tpu.memory_space<hbm>>, %arg6: memref<8x1x1040xi32, #tpu.memory_space<hbm>>, %arg7: memref<8x1x528xi32, #tpu.memory_space<hbm>>, %arg8: memref<24576x256xf32, #tpu.memory_space<hbm>>, %arg9: memref<8x1025x256xf32, #tpu.memory_space<hbm>>, %arg10: memref<8x513x256xf32, #tpu.memory_space<hbm>>, %arg11: memref<384xi32, #tpu.memory_space<vmem>>, %arg12: memref<16xi32, #tpu.memory_space<vmem>>, %arg13: memref<384x256xf32, #tpu.memory_space<vmem>>, %arg14: memref<16x256xf32, #tpu.memory_space<vmem>>, %arg15: memref<!tpu.dma_semaphore, #tpu.memory_space<semaphore_mem>>, %arg16: memref<!tpu.dma_semaphore, #tpu.memory_space<semaphore_mem>>) attributes {dimension_semantics = [#tpu.dimension_semantics<core_parallel>, #tpu.dimension_semantics<subcore_parallel>], iteration_bounds = array<i64: 2, 16>, scalar_prefetch = 0 : i64, scratch_operands = 6 : i64, tpu.core_type = #tpu.core_type<sc_vector_subcore>, window_params = [{transform_indices = #map}, {transform_indices = #map1}, {transform_indices = #map1}, {transform_indices = #map2}, {transform_indices = #map1}, {transform_indices = #map1}, {transform_indices = #map}, {transform_indices = #map1}, {transform_indices = #map1}]} {
    %mul3A = arith.constant 2 : i32
    %mul3A_0 = arith.muli %arg1, %mul3A : i32
    %add3A = arith.addi %mul3A_0, %arg0 : i32
    %jit3A = arith.constant 4 : i32
    %div3A = arith.divsi %add3A, %jit3A : i32
    %sign3A = arith.constant 0 : i32
    %sign3A_1 = arith.cmpi sgt, %add3A, %sign3A : i32
    %sign3A_2 = arith.extui %sign3A_1 : i1 to i32
    %sign3A_3 = arith.constant 0 : i32
    %sign3A_4 = arith.cmpi slt, %add3A, %sign3A_3 : i32
    %sign3A_5 = arith.extui %sign3A_4 : i1 to i32
    %sign3A_6 = arith.subi %sign3A_2, %sign3A_5 : i32
    %sign3A_7 = arith.constant 0 : i32
    %sign3A_8 = arith.cmpi sgt, %jit3A, %sign3A_7 : i32
    %sign3A_9 = arith.extui %sign3A_8 : i1 to i32
    %sign3A_10 = arith.constant 0 : i32
    %sign3A_11 = arith.cmpi slt, %jit3A, %sign3A_10 : i32
    %sign3A_12 = arith.extui %sign3A_11 : i1 to i32
    %sign3A_13 = arith.subi %sign3A_9, %sign3A_12 : i32
    %ne3A = arith.cmpi ne, %sign3A_6, %sign3A_13 : i32
    %rem3A = arith.remsi %add3A, %jit3A : i32
    %ne3A_14 = arith.constant 0 : i32
    %ne3A_15 = arith.cmpi ne, %rem3A, %ne3A_14 : i32
    %and3A = arith.andi %ne3A, %ne3A_15 : i1
    %sub3A = arith.constant 1 : i32
    %sub3A_16 = arith.subi %div3A, %sub3A : i32
    %select_n3A = arith.select %and3A, %sub3A_16, %div3A : i32
    %jit3A_17 = arith.constant 4 : i32
    %eq3A = arith.constant 0 : i32
    %eq3A_18 = arith.cmpi eq, %jit3A_17, %eq3A : i32
    %jit3A_19 = arith.constant 1 : i32
    %select_n3A_20 = arith.select %eq3A_18, %jit3A_19, %jit3A_17 : i32
    %rem3A_21 = arith.remsi %add3A, %select_n3A_20 : i32
    %ne3A_22 = arith.constant 0 : i32
    %ne3A_23 = arith.cmpi ne, %rem3A_21, %ne3A_22 : i32
    %lt3A = arith.constant 0 : i32
    %lt3A_24 = arith.cmpi slt, %rem3A_21, %lt3A : i32
    %lt3A_25 = arith.constant 0 : i32
    %lt3A_26 = arith.cmpi slt, %select_n3A_20, %lt3A_25 : i32
    %ne3A_27 = arith.xori %lt3A_24, %lt3A_26 : i1
    %and3A_28 = arith.andi %ne3A_27, %ne3A_23 : i1
    %add3A_29 = arith.addi %rem3A_21, %select_n3A_20 : i32
    %select_n3A_30 = arith.select %and3A_28, %add3A_29, %rem3A_21 : i32
    %mul3A_31 = arith.constant 768 : i32
    %mul3A_32 = arith.muli %add3A, %mul3A_31 : i32
    %add3A_33 = arith.constant 0 : i32
    %add3A_34 = arith.addi %mul3A_32, %add3A_33 : i32
    "tpu.region"() ({
      %run_scoped3A_112 = tpu.sem_alloc : memref<!tpu.dma_semaphore, #tpu.memory_space<semaphore_mem>>
      %dma_start3A_113 = tpu.memref_slice %arg5[%add3A_34] : memref<24576xi32, #tpu.memory_space<hbm>> -> memref<384xi32, #tpu.memory_space<hbm>>
      %dma_start3A_114 = tpu.memref_slice %arg5[%add3A_34] : memref<24576xi32, #tpu.memory_space<hbm>> -> memref<384xi32, #tpu.memory_space<hbm>>
      tpu.enqueue_dma source(%dma_start3A_114 : memref<384xi32, #tpu.memory_space<hbm>>) target(%arg11 : memref<384xi32, #tpu.memory_space<vmem>>) target_semaphore(%run_scoped3A_112 : memref<!tpu.dma_semaphore, #tpu.memory_space<semaphore_mem>>)
      %dma_wait3A_115 = tpu.memref_slice %arg5[%add3A_34] : memref<24576xi32, #tpu.memory_space<hbm>> -> memref<384xi32, #tpu.memory_space<hbm>>
      %dma_wait3A_116 = tpu.memref_slice %arg5[%add3A_34] : memref<24576xi32, #tpu.memory_space<hbm>> -> memref<384xi32, #tpu.memory_space<hbm>>
      tpu.wait_dma2 semaphore(%run_scoped3A_112 : memref<!tpu.dma_semaphore, #tpu.memory_space<semaphore_mem>>) src(%dma_wait3A_116 : memref<384xi32, #tpu.memory_space<hbm>>) dst(%arg11 : memref<384xi32, #tpu.memory_space<vmem>>)
      tpu.yield
    }) : () -> ()
    %dma_start3A = arith.constant 0 : i32
    %dma_start3A_35 = arith.constant 0 : i32
    %dma_start3A_36 = tpu.memref_slice %arg2[%dma_start3A, %dma_start3A_35] : memref<49152x256xf32, #tpu.memory_space<hbm>> -> memref<49152x256xf32, #tpu.memory_space<hbm>>
    tpu.enqueue_indirect_dma source(%dma_start3A_36 : memref<49152x256xf32, #tpu.memory_space<hbm>>) target(%arg13 : memref<384x256xf32, #tpu.memory_space<vmem>>) offsets(%arg11 : memref<384xi32, #tpu.memory_space<vmem>>) semaphore(%arg15 : memref<!tpu.dma_semaphore, #tpu.memory_space<semaphore_mem>>)
    %dma_wait3A = arith.constant 0 : i32
    %dma_wait3A_37 = arith.constant 0 : i32
    %dma_wait3A_38 = tpu.memref_slice %arg2[%dma_wait3A, %dma_wait3A_37] : memref<49152x256xf32, #tpu.memory_space<hbm>> -> memref<49152x256xf32, #tpu.memory_space<hbm>>
    tpu.wait_indirect_dma semaphore(%arg15 : memref<!tpu.dma_semaphore, #tpu.memory_space<semaphore_mem>>) src(%dma_wait3A_38 : memref<49152x256xf32, #tpu.memory_space<hbm>>) dst(%arg13 : memref<384x256xf32, #tpu.memory_space<vmem>>)
    "tpu.region"() ({
      %run_scoped3A_112 = tpu.sem_alloc : memref<!tpu.dma_semaphore, #tpu.memory_space<semaphore_mem>>
      %dma_start3A_113 = arith.constant 0 : i32
      %dma_start3A_114 = tpu.memref_slice %arg8[%add3A_34, %dma_start3A_113] : memref<24576x256xf32, #tpu.memory_space<hbm>> -> memref<384x256xf32, #tpu.memory_space<hbm>>
      %dma_start3A_115 = arith.constant 0 : i32
      %dma_start3A_116 = tpu.memref_slice %arg8[%add3A_34, %dma_start3A_115] : memref<24576x256xf32, #tpu.memory_space<hbm>> -> memref<384x256xf32, #tpu.memory_space<hbm>>
      tpu.enqueue_dma source(%arg13 : memref<384x256xf32, #tpu.memory_space<vmem>>) target(%dma_start3A_116 : memref<384x256xf32, #tpu.memory_space<hbm>>) target_semaphore(%run_scoped3A_112 : memref<!tpu.dma_semaphore, #tpu.memory_space<semaphore_mem>>)
      %dma_wait3A_117 = arith.constant 0 : i32
      %dma_wait3A_118 = tpu.memref_slice %arg8[%add3A_34, %dma_wait3A_117] : memref<24576x256xf32, #tpu.memory_space<hbm>> -> memref<384x256xf32, #tpu.memory_space<hbm>>
      %dma_wait3A_119 = arith.constant 0 : i32
      %dma_wait3A_120 = tpu.memref_slice %arg8[%add3A_34, %dma_wait3A_119] : memref<24576x256xf32, #tpu.memory_space<hbm>> -> memref<384x256xf32, #tpu.memory_space<hbm>>
      tpu.wait_dma2 semaphore(%run_scoped3A_112 : memref<!tpu.dma_semaphore, #tpu.memory_space<semaphore_mem>>) src(%arg13 : memref<384x256xf32, #tpu.memory_space<vmem>>) dst(%dma_wait3A_120 : memref<384x256xf32, #tpu.memory_space<hbm>>)
      tpu.yield
    }) : () -> ()
    %mul3A_39 = arith.constant 768 : i32
    %mul3A_40 = arith.muli %add3A, %mul3A_39 : i32
    %add3A_41 = arith.constant 384 : i32
    %add3A_42 = arith.addi %mul3A_40, %add3A_41 : i32
    "tpu.region"() ({
      %run_scoped3A_112 = tpu.sem_alloc : memref<!tpu.dma_semaphore, #tpu.memory_space<semaphore_mem>>
      %dma_start3A_113 = tpu.memref_slice %arg5[%add3A_42] : memref<24576xi32, #tpu.memory_space<hbm>> -> memref<384xi32, #tpu.memory_space<hbm>>
      %dma_start3A_114 = tpu.memref_slice %arg5[%add3A_42] : memref<24576xi32, #tpu.memory_space<hbm>> -> memref<384xi32, #tpu.memory_space<hbm>>
      tpu.enqueue_dma source(%dma_start3A_114 : memref<384xi32, #tpu.memory_space<hbm>>) target(%arg11 : memref<384xi32, #tpu.memory_space<vmem>>) target_semaphore(%run_scoped3A_112 : memref<!tpu.dma_semaphore, #tpu.memory_space<semaphore_mem>>)
      %dma_wait3A_115 = tpu.memref_slice %arg5[%add3A_42] : memref<24576xi32, #tpu.memory_space<hbm>> -> memref<384xi32, #tpu.memory_space<hbm>>
      %dma_wait3A_116 = tpu.memref_slice %arg5[%add3A_42] : memref<24576xi32, #tpu.memory_space<hbm>> -> memref<384xi32, #tpu.memory_space<hbm>>
      tpu.wait_dma2 semaphore(%run_scoped3A_112 : memref<!tpu.dma_semaphore, #tpu.memory_space<semaphore_mem>>) src(%dma_wait3A_116 : memref<384xi32, #tpu.memory_space<hbm>>) dst(%arg11 : memref<384xi32, #tpu.memory_space<vmem>>)
      tpu.yield
    }) : () -> ()
    %dma_start3A_43 = arith.constant 0 : i32
    %dma_start3A_44 = arith.constant 0 : i32
    %dma_start3A_45 = tpu.memref_slice %arg2[%dma_start3A_43, %dma_start3A_44] : memref<49152x256xf32, #tpu.memory_space<hbm>> -> memref<49152x256xf32, #tpu.memory_space<hbm>>
    tpu.enqueue_indirect_dma source(%dma_start3A_45 : memref<49152x256xf32, #tpu.memory_space<hbm>>) target(%arg13 : memref<384x256xf32, #tpu.memory_space<vmem>>) offsets(%arg11 : memref<384xi32, #tpu.memory_space<vmem>>) semaphore(%arg15 : memref<!tpu.dma_semaphore, #tpu.memory_space<semaphore_mem>>)
    %dma_wait3A_46 = arith.constant 0 : i32
    %dma_wait3A_47 = arith.constant 0 : i32
    %dma_wait3A_48 = tpu.memref_slice %arg2[%dma_wait3A_46, %dma_wait3A_47] : memref<49152x256xf32, #tpu.memory_space<hbm>> -> memref<49152x256xf32, #tpu.memory_space<hbm>>
    tpu.wait_indirect_dma semaphore(%arg15 : memref<!tpu.dma_semaphore, #tpu.memory_space<semaphore_mem>>) src(%dma_wait3A_48 : memref<49152x256xf32, #tpu.memory_space<hbm>>) dst(%arg13 : memref<384x256xf32, #tpu.memory_space<vmem>>)
    "tpu.region"() ({
      %run_scoped3A_112 = tpu.sem_alloc : memref<!tpu.dma_semaphore, #tpu.memory_space<semaphore_mem>>
      %dma_start3A_113 = arith.constant 0 : i32
      %dma_start3A_114 = tpu.memref_slice %arg8[%add3A_42, %dma_start3A_113] : memref<24576x256xf32, #tpu.memory_space<hbm>> -> memref<384x256xf32, #tpu.memory_space<hbm>>
      %dma_start3A_115 = arith.constant 0 : i32
      %dma_start3A_116 = tpu.memref_slice %arg8[%add3A_42, %dma_start3A_115] : memref<24576x256xf32, #tpu.memory_space<hbm>> -> memref<384x256xf32, #tpu.memory_space<hbm>>
      tpu.enqueue_dma source(%arg13 : memref<384x256xf32, #tpu.memory_space<vmem>>) target(%dma_start3A_116 : memref<384x256xf32, #tpu.memory_space<hbm>>) target_semaphore(%run_scoped3A_112 : memref<!tpu.dma_semaphore, #tpu.memory_space<semaphore_mem>>)
      %dma_wait3A_117 = arith.constant 0 : i32
      %dma_wait3A_118 = tpu.memref_slice %arg8[%add3A_42, %dma_wait3A_117] : memref<24576x256xf32, #tpu.memory_space<hbm>> -> memref<384x256xf32, #tpu.memory_space<hbm>>
      %dma_wait3A_119 = arith.constant 0 : i32
      %dma_wait3A_120 = tpu.memref_slice %arg8[%add3A_42, %dma_wait3A_119] : memref<24576x256xf32, #tpu.memory_space<hbm>> -> memref<384x256xf32, #tpu.memory_space<hbm>>
      tpu.wait_dma2 semaphore(%run_scoped3A_112 : memref<!tpu.dma_semaphore, #tpu.memory_space<semaphore_mem>>) src(%arg13 : memref<384x256xf32, #tpu.memory_space<vmem>>) dst(%dma_wait3A_120 : memref<384x256xf32, #tpu.memory_space<hbm>>)
      tpu.yield
    }) : () -> ()
    %mul3A_49 = arith.constant 256 : i32
    %mul3A_50 = arith.muli %select_n3A_30, %mul3A_49 : i32
    %run_scoped3A = arith.constant 0 : i32
    "tpu.region"() ({
      %run_scoped3A_112 = tpu.sem_alloc : memref<!tpu.dma_semaphore, #tpu.memory_space<semaphore_mem>>
      %dma_start3A_113 = arith.constant 0 : i32
      %dma_start3A_114 = tpu.memref_slice %arg11[%dma_start3A_113] : memref<384xi32, #tpu.memory_space<vmem>> -> memref<256xi32, #tpu.memory_space<vmem>>
      %dma_start3A_115 = tpu.memref_slice %arg6[%select_n3A, %run_scoped3A, %mul3A_50] : memref<8x1x1040xi32, #tpu.memory_space<hbm>> -> memref<1x1x256xi32, #tpu.memory_space<hbm>>
      %dma_start3A_116 = tpu.memref_squeeze %dma_start3A_115 : memref<1x1x256xi32, #tpu.memory_space<hbm>> -> memref<256xi32, #tpu.memory_space<hbm>>
      %dma_start3A_117 = arith.constant 0 : i32
      %dma_start3A_118 = tpu.memref_slice %arg11[%dma_start3A_117] : memref<384xi32, #tpu.memory_space<vmem>> -> memref<256xi32, #tpu.memory_space<vmem>>
      %dma_start3A_119 = tpu.memref_slice %arg6[%select_n3A, %run_scoped3A, %mul3A_50] : memref<8x1x1040xi32, #tpu.memory_space<hbm>> -> memref<1x1x256xi32, #tpu.memory_space<hbm>>
      %dma_start3A_120 = tpu.memref_squeeze %dma_start3A_119 : memref<1x1x256xi32, #tpu.memory_space<hbm>> -> memref<256xi32, #tpu.memory_space<hbm>>
      tpu.enqueue_dma source(%dma_start3A_120 : memref<256xi32, #tpu.memory_space<hbm>>) target(%dma_start3A_118 : memref<256xi32, #tpu.memory_space<vmem>>) target_semaphore(%run_scoped3A_112 : memref<!tpu.dma_semaphore, #tpu.memory_space<semaphore_mem>>)
      %dma_wait3A_121 = arith.constant 0 : i32
      %dma_wait3A_122 = tpu.memref_slice %arg11[%dma_wait3A_121] : memref<384xi32, #tpu.memory_space<vmem>> -> memref<256xi32, #tpu.memory_space<vmem>>
      %dma_wait3A_123 = tpu.memref_slice %arg6[%select_n3A, %run_scoped3A, %mul3A_50] : memref<8x1x1040xi32, #tpu.memory_space<hbm>> -> memref<1x1x256xi32, #tpu.memory_space<hbm>>
      %dma_wait3A_124 = tpu.memref_squeeze %dma_wait3A_123 : memref<1x1x256xi32, #tpu.memory_space<hbm>> -> memref<256xi32, #tpu.memory_space<hbm>>
      %dma_wait3A_125 = arith.constant 0 : i32
      %dma_wait3A_126 = tpu.memref_slice %arg11[%dma_wait3A_125] : memref<384xi32, #tpu.memory_space<vmem>> -> memref<256xi32, #tpu.memory_space<vmem>>
      %dma_wait3A_127 = tpu.memref_slice %arg6[%select_n3A, %run_scoped3A, %mul3A_50] : memref<8x1x1040xi32, #tpu.memory_space<hbm>> -> memref<1x1x256xi32, #tpu.memory_space<hbm>>
      %dma_wait3A_128 = tpu.memref_squeeze %dma_wait3A_127 : memref<1x1x256xi32, #tpu.memory_space<hbm>> -> memref<256xi32, #tpu.memory_space<hbm>>
      tpu.wait_dma2 semaphore(%run_scoped3A_112 : memref<!tpu.dma_semaphore, #tpu.memory_space<semaphore_mem>>) src(%dma_wait3A_128 : memref<256xi32, #tpu.memory_space<hbm>>) dst(%dma_wait3A_126 : memref<256xi32, #tpu.memory_space<vmem>>)
      tpu.yield
    }) : () -> ()
    %dma_start3A_51 = arith.constant 0 : i32
    %dma_start3A_52 = arith.constant 0 : i32
    %dma_start3A_53 = tpu.memref_slice %arg13[%dma_start3A_51, %dma_start3A_52] : memref<384x256xf32, #tpu.memory_space<vmem>> -> memref<256x256xf32, #tpu.memory_space<vmem>>
    %dma_start3A_54 = arith.constant 0 : i32
    %dma_start3A_55 = tpu.memref_slice %arg11[%dma_start3A_54] : memref<384xi32, #tpu.memory_space<vmem>> -> memref<256xi32, #tpu.memory_space<vmem>>
    %dma_start3A_56 = arith.constant 0 : i32
    %dma_start3A_57 = arith.constant 0 : i32
    %dma_start3A_58 = tpu.memref_slice %arg3[%select_n3A, %dma_start3A_56, %dma_start3A_57] : memref<8x4097x256xf32, #tpu.memory_space<hbm>> -> memref<1x4097x256xf32, #tpu.memory_space<hbm>>
    %dma_start3A_59 = tpu.memref_squeeze %dma_start3A_58 : memref<1x4097x256xf32, #tpu.memory_space<hbm>> -> memref<4097x256xf32, #tpu.memory_space<hbm>>
    %dma_start3A_60 = arith.constant 0 : i32
    %dma_start3A_61 = arith.constant 0 : i32
    %dma_start3A_62 = tpu.memref_slice %dma_start3A_59[%dma_start3A_60, %dma_start3A_61] : memref<4097x256xf32, #tpu.memory_space<hbm>> -> memref<4097x256xf32, #tpu.memory_space<hbm>>
    tpu.enqueue_indirect_dma source(%dma_start3A_62 : memref<4097x256xf32, #tpu.memory_space<hbm>>) target(%dma_start3A_53 : memref<256x256xf32, #tpu.memory_space<vmem>>) offsets(%dma_start3A_55 : memref<256xi32, #tpu.memory_space<vmem>>) semaphore(%arg15 : memref<!tpu.dma_semaphore, #tpu.memory_space<semaphore_mem>>)
    %dma_wait3A_63 = arith.constant 0 : i32
    %dma_wait3A_64 = arith.constant 0 : i32
    %dma_wait3A_65 = tpu.memref_slice %arg13[%dma_wait3A_63, %dma_wait3A_64] : memref<384x256xf32, #tpu.memory_space<vmem>> -> memref<256x256xf32, #tpu.memory_space<vmem>>
    %dma_wait3A_66 = arith.constant 0 : i32
    %dma_wait3A_67 = tpu.memref_slice %arg11[%dma_wait3A_66] : memref<384xi32, #tpu.memory_space<vmem>> -> memref<256xi32, #tpu.memory_space<vmem>>
    %dma_wait3A_68 = arith.constant 0 : i32
    %dma_wait3A_69 = arith.constant 0 : i32
    %dma_wait3A_70 = tpu.memref_slice %arg3[%select_n3A, %dma_wait3A_68, %dma_wait3A_69] : memref<8x4097x256xf32, #tpu.memory_space<hbm>> -> memref<1x4097x256xf32, #tpu.memory_space<hbm>>
    %dma_wait3A_71 = tpu.memref_squeeze %dma_wait3A_70 : memref<1x4097x256xf32, #tpu.memory_space<hbm>> -> memref<4097x256xf32, #tpu.memory_space<hbm>>
    %dma_wait3A_72 = arith.constant 0 : i32
    %dma_wait3A_73 = arith.constant 0 : i32
    %dma_wait3A_74 = tpu.memref_slice %dma_wait3A_71[%dma_wait3A_72, %dma_wait3A_73] : memref<4097x256xf32, #tpu.memory_space<hbm>> -> memref<4097x256xf32, #tpu.memory_space<hbm>>
    tpu.wait_indirect_dma semaphore(%arg15 : memref<!tpu.dma_semaphore, #tpu.memory_space<semaphore_mem>>) src(%dma_wait3A_74 : memref<4097x256xf32, #tpu.memory_space<hbm>>) dst(%dma_wait3A_65 : memref<256x256xf32, #tpu.memory_space<vmem>>)
    %mul3A_75 = arith.constant 256 : i32
    %mul3A_76 = arith.muli %select_n3A_30, %mul3A_75 : i32
    "tpu.region"() ({
      %run_scoped3A_112 = tpu.sem_alloc : memref<!tpu.dma_semaphore, #tpu.memory_space<semaphore_mem>>
      %dma_start3A_113 = arith.constant 0 : i32
      %dma_start3A_114 = arith.constant 0 : i32
      %dma_start3A_115 = tpu.memref_slice %arg13[%dma_start3A_113, %dma_start3A_114] : memref<384x256xf32, #tpu.memory_space<vmem>> -> memref<256x256xf32, #tpu.memory_space<vmem>>
      %dma_start3A_116 = arith.constant 0 : i32
      %dma_start3A_117 = tpu.memref_slice %arg9[%select_n3A, %mul3A_76, %dma_start3A_116] : memref<8x1025x256xf32, #tpu.memory_space<hbm>> -> memref<1x256x256xf32, #tpu.memory_space<hbm>>
      %dma_start3A_118 = tpu.memref_squeeze %dma_start3A_117 : memref<1x256x256xf32, #tpu.memory_space<hbm>> -> memref<256x256xf32, #tpu.memory_space<hbm>>
      %dma_start3A_119 = arith.constant 0 : i32
      %dma_start3A_120 = tpu.memref_slice %arg9[%select_n3A, %mul3A_76, %dma_start3A_119] : memref<8x1025x256xf32, #tpu.memory_space<hbm>> -> memref<1x256x256xf32, #tpu.memory_space<hbm>>
      %dma_start3A_121 = tpu.memref_squeeze %dma_start3A_120 : memref<1x256x256xf32, #tpu.memory_space<hbm>> -> memref<256x256xf32, #tpu.memory_space<hbm>>
      %dma_start3A_122 = arith.constant 0 : i32
      %dma_start3A_123 = arith.constant 0 : i32
      %dma_start3A_124 = tpu.memref_slice %arg13[%dma_start3A_122, %dma_start3A_123] : memref<384x256xf32, #tpu.memory_space<vmem>> -> memref<256x256xf32, #tpu.memory_space<vmem>>
      tpu.enqueue_dma source(%dma_start3A_124 : memref<256x256xf32, #tpu.memory_space<vmem>>) target(%dma_start3A_121 : memref<256x256xf32, #tpu.memory_space<hbm>>) target_semaphore(%run_scoped3A_112 : memref<!tpu.dma_semaphore, #tpu.memory_space<semaphore_mem>>)
      %dma_wait3A_125 = arith.constant 0 : i32
      %dma_wait3A_126 = arith.constant 0 : i32
      %dma_wait3A_127 = tpu.memref_slice %arg13[%dma_wait3A_125, %dma_wait3A_126] : memref<384x256xf32, #tpu.memory_space<vmem>> -> memref<256x256xf32, #tpu.memory_space<vmem>>
      %dma_wait3A_128 = arith.constant 0 : i32
      %dma_wait3A_129 = tpu.memref_slice %arg9[%select_n3A, %mul3A_76, %dma_wait3A_128] : memref<8x1025x256xf32, #tpu.memory_space<hbm>> -> memref<1x256x256xf32, #tpu.memory_space<hbm>>
      %dma_wait3A_130 = tpu.memref_squeeze %dma_wait3A_129 : memref<1x256x256xf32, #tpu.memory_space<hbm>> -> memref<256x256xf32, #tpu.memory_space<hbm>>
      %dma_wait3A_131 = arith.constant 0 : i32
      %dma_wait3A_132 = tpu.memref_slice %arg9[%select_n3A, %mul3A_76, %dma_wait3A_131] : memref<8x1025x256xf32, #tpu.memory_space<hbm>> -> memref<1x256x256xf32, #tpu.memory_space<hbm>>
      %dma_wait3A_133 = tpu.memref_squeeze %dma_wait3A_132 : memref<1x256x256xf32, #tpu.memory_space<hbm>> -> memref<256x256xf32, #tpu.memory_space<hbm>>
      %dma_wait3A_134 = arith.constant 0 : i32
      %dma_wait3A_135 = arith.constant 0 : i32
      %dma_wait3A_136 = tpu.memref_slice %arg13[%dma_wait3A_134, %dma_wait3A_135] : memref<384x256xf32, #tpu.memory_space<vmem>> -> memref<256x256xf32, #tpu.memory_space<vmem>>
      tpu.wait_dma2 semaphore(%run_scoped3A_112 : memref<!tpu.dma_semaphore, #tpu.memory_space<semaphore_mem>>) src(%dma_wait3A_136 : memref<256x256xf32, #tpu.memory_space<vmem>>) dst(%dma_wait3A_133 : memref<256x256xf32, #tpu.memory_space<hbm>>)
      tpu.yield
    }) : () -> ()
    %eq3A_77 = arith.constant 3 : i32
    %eq3A_78 = arith.cmpi eq, %select_n3A_30, %eq3A_77 : i32
    %convert_element_type3A = arith.extui %eq3A_78 : i1 to i32
    %cond3A = arith.constant 0 : i32
    %cond3A_79 = arith.cmpi ne, %convert_element_type3A, %cond3A : i32
    scf.if %cond3A_79 {
      %run_scoped3A_112 = arith.constant 0 : i32
      "tpu.region"() ({
        %run_scoped3A_127 = tpu.sem_alloc : memref<!tpu.dma_semaphore, #tpu.memory_space<semaphore_mem>>
        %dma_start3A_128 = arith.constant 1024 : i32
        %dma_start3A_129 = tpu.memref_slice %arg6[%select_n3A, %run_scoped3A_112, %dma_start3A_128] : memref<8x1x1040xi32, #tpu.memory_space<hbm>> -> memref<1x1x16xi32, #tpu.memory_space<hbm>>
        %dma_start3A_130 = tpu.memref_squeeze %dma_start3A_129 : memref<1x1x16xi32, #tpu.memory_space<hbm>> -> memref<16xi32, #tpu.memory_space<hbm>>
        %dma_start3A_131 = arith.constant 1024 : i32
        %dma_start3A_132 = tpu.memref_slice %arg6[%select_n3A, %run_scoped3A_112, %dma_start3A_131] : memref<8x1x1040xi32, #tpu.memory_space<hbm>> -> memref<1x1x16xi32, #tpu.memory_space<hbm>>
        %dma_start3A_133 = tpu.memref_squeeze %dma_start3A_132 : memref<1x1x16xi32, #tpu.memory_space<hbm>> -> memref<16xi32, #tpu.memory_space<hbm>>
        tpu.enqueue_dma source(%dma_start3A_133 : memref<16xi32, #tpu.memory_space<hbm>>) target(%arg12 : memref<16xi32, #tpu.memory_space<vmem>>) target_semaphore(%run_scoped3A_127 : memref<!tpu.dma_semaphore, #tpu.memory_space<semaphore_mem>>)
        %dma_wait3A_134 = arith.constant 1024 : i32
        %dma_wait3A_135 = tpu.memref_slice %arg6[%select_n3A, %run_scoped3A_112, %dma_wait3A_134] : memref<8x1x1040xi32, #tpu.memory_space<hbm>> -> memref<1x1x16xi32, #tpu.memory_space<hbm>>
        %dma_wait3A_136 = tpu.memref_squeeze %dma_wait3A_135 : memref<1x1x16xi32, #tpu.memory_space<hbm>> -> memref<16xi32, #tpu.memory_space<hbm>>
        %dma_wait3A_137 = arith.constant 1024 : i32
        %dma_wait3A_138 = tpu.memref_slice %arg6[%select_n3A, %run_scoped3A_112, %dma_wait3A_137] : memref<8x1x1040xi32, #tpu.memory_space<hbm>> -> memref<1x1x16xi32, #tpu.memory_space<hbm>>
        %dma_wait3A_139 = tpu.memref_squeeze %dma_wait3A_138 : memref<1x1x16xi32, #tpu.memory_space<hbm>> -> memref<16xi32, #tpu.memory_space<hbm>>
        tpu.wait_dma2 semaphore(%run_scoped3A_127 : memref<!tpu.dma_semaphore, #tpu.memory_space<semaphore_mem>>) src(%dma_wait3A_139 : memref<16xi32, #tpu.memory_space<hbm>>) dst(%arg12 : memref<16xi32, #tpu.memory_space<vmem>>)
        tpu.yield
      }) : () -> ()
      %dma_start3A_113 = arith.constant 0 : i32
      %dma_start3A_114 = arith.constant 0 : i32
      %dma_start3A_115 = tpu.memref_slice %arg3[%select_n3A, %dma_start3A_113, %dma_start3A_114] : memref<8x4097x256xf32, #tpu.memory_space<hbm>> -> memref<1x4097x256xf32, #tpu.memory_space<hbm>>
      %dma_start3A_116 = tpu.memref_squeeze %dma_start3A_115 : memref<1x4097x256xf32, #tpu.memory_space<hbm>> -> memref<4097x256xf32, #tpu.memory_space<hbm>>
      %dma_start3A_117 = arith.constant 0 : i32
      %dma_start3A_118 = arith.constant 0 : i32
      %dma_start3A_119 = tpu.memref_slice %dma_start3A_116[%dma_start3A_117, %dma_start3A_118] : memref<4097x256xf32, #tpu.memory_space<hbm>> -> memref<4097x256xf32, #tpu.memory_space<hbm>>
      tpu.enqueue_indirect_dma source(%dma_start3A_119 : memref<4097x256xf32, #tpu.memory_space<hbm>>) target(%arg14 : memref<16x256xf32, #tpu.memory_space<vmem>>) offsets(%arg12 : memref<16xi32, #tpu.memory_space<vmem>>) semaphore(%arg15 : memref<!tpu.dma_semaphore, #tpu.memory_space<semaphore_mem>>)
      %dma_wait3A_120 = arith.constant 0 : i32
      %dma_wait3A_121 = arith.constant 0 : i32
      %dma_wait3A_122 = tpu.memref_slice %arg3[%select_n3A, %dma_wait3A_120, %dma_wait3A_121] : memref<8x4097x256xf32, #tpu.memory_space<hbm>> -> memref<1x4097x256xf32, #tpu.memory_space<hbm>>
      %dma_wait3A_123 = tpu.memref_squeeze %dma_wait3A_122 : memref<1x4097x256xf32, #tpu.memory_space<hbm>> -> memref<4097x256xf32, #tpu.memory_space<hbm>>
      %dma_wait3A_124 = arith.constant 0 : i32
      %dma_wait3A_125 = arith.constant 0 : i32
      %dma_wait3A_126 = tpu.memref_slice %dma_wait3A_123[%dma_wait3A_124, %dma_wait3A_125] : memref<4097x256xf32, #tpu.memory_space<hbm>> -> memref<4097x256xf32, #tpu.memory_space<hbm>>
      tpu.wait_indirect_dma semaphore(%arg15 : memref<!tpu.dma_semaphore, #tpu.memory_space<semaphore_mem>>) src(%dma_wait3A_126 : memref<4097x256xf32, #tpu.memory_space<hbm>>) dst(%arg14 : memref<16x256xf32, #tpu.memory_space<vmem>>)
      "tpu.region"() ({
        %run_scoped3A_127 = tpu.sem_alloc : memref<!tpu.dma_semaphore, #tpu.memory_space<semaphore_mem>>
        %dma_start3A_128 = arith.constant 0 : i32
        %dma_start3A_129 = arith.constant 0 : i32
        %dma_start3A_130 = tpu.memref_slice %arg14[%dma_start3A_128, %dma_start3A_129] : memref<16x256xf32, #tpu.memory_space<vmem>> -> memref<1x256xf32, #tpu.memory_space<vmem>>
        %dma_start3A_131 = arith.constant 1024 : i32
        %dma_start3A_132 = arith.constant 0 : i32
        %dma_start3A_133 = tpu.memref_slice %arg9[%select_n3A, %dma_start3A_131, %dma_start3A_132] : memref<8x1025x256xf32, #tpu.memory_space<hbm>> -> memref<1x1x256xf32, #tpu.memory_space<hbm>>
        %dma_start3A_134 = tpu.memref_squeeze %dma_start3A_133 : memref<1x1x256xf32, #tpu.memory_space<hbm>> -> memref<1x256xf32, #tpu.memory_space<hbm>>
        %dma_start3A_135 = arith.constant 1024 : i32
        %dma_start3A_136 = arith.constant 0 : i32
        %dma_start3A_137 = tpu.memref_slice %arg9[%select_n3A, %dma_start3A_135, %dma_start3A_136] : memref<8x1025x256xf32, #tpu.memory_space<hbm>> -> memref<1x1x256xf32, #tpu.memory_space<hbm>>
        %dma_start3A_138 = tpu.memref_squeeze %dma_start3A_137 : memref<1x1x256xf32, #tpu.memory_space<hbm>> -> memref<1x256xf32, #tpu.memory_space<hbm>>
        %dma_start3A_139 = arith.constant 0 : i32
        %dma_start3A_140 = arith.constant 0 : i32
        %dma_start3A_141 = tpu.memref_slice %arg14[%dma_start3A_139, %dma_start3A_140] : memref<16x256xf32, #tpu.memory_space<vmem>> -> memref<1x256xf32, #tpu.memory_space<vmem>>
        tpu.enqueue_dma source(%dma_start3A_141 : memref<1x256xf32, #tpu.memory_space<vmem>>) target(%dma_start3A_138 : memref<1x256xf32, #tpu.memory_space<hbm>>) target_semaphore(%run_scoped3A_127 : memref<!tpu.dma_semaphore, #tpu.memory_space<semaphore_mem>>)
        %dma_wait3A_142 = arith.constant 0 : i32
        %dma_wait3A_143 = arith.constant 0 : i32
        %dma_wait3A_144 = tpu.memref_slice %arg14[%dma_wait3A_142, %dma_wait3A_143] : memref<16x256xf32, #tpu.memory_space<vmem>> -> memref<1x256xf32, #tpu.memory_space<vmem>>
        %dma_wait3A_145 = arith.constant 1024 : i32
        %dma_wait3A_146 = arith.constant 0 : i32
        %dma_wait3A_147 = tpu.memref_slice %arg9[%select_n3A, %dma_wait3A_145, %dma_wait3A_146] : memref<8x1025x256xf32, #tpu.memory_space<hbm>> -> memref<1x1x256xf32, #tpu.memory_space<hbm>>
        %dma_wait3A_148 = tpu.memref_squeeze %dma_wait3A_147 : memref<1x1x256xf32, #tpu.memory_space<hbm>> -> memref<1x256xf32, #tpu.memory_space<hbm>>
        %dma_wait3A_149 = arith.constant 1024 : i32
        %dma_wait3A_150 = arith.constant 0 : i32
        %dma_wait3A_151 = tpu.memref_slice %arg9[%select_n3A, %dma_wait3A_149, %dma_wait3A_150] : memref<8x1025x256xf32, #tpu.memory_space<hbm>> -> memref<1x1x256xf32, #tpu.memory_space<hbm>>
        %dma_wait3A_152 = tpu.memref_squeeze %dma_wait3A_151 : memref<1x1x256xf32, #tpu.memory_space<hbm>> -> memref<1x256xf32, #tpu.memory_space<hbm>>
        %dma_wait3A_153 = arith.constant 0 : i32
        %dma_wait3A_154 = arith.constant 0 : i32
        %dma_wait3A_155 = tpu.memref_slice %arg14[%dma_wait3A_153, %dma_wait3A_154] : memref<16x256xf32, #tpu.memory_space<vmem>> -> memref<1x256xf32, #tpu.memory_space<vmem>>
        tpu.wait_dma2 semaphore(%run_scoped3A_127 : memref<!tpu.dma_semaphore, #tpu.memory_space<semaphore_mem>>) src(%dma_wait3A_155 : memref<1x256xf32, #tpu.memory_space<vmem>>) dst(%dma_wait3A_152 : memref<1x256xf32, #tpu.memory_space<hbm>>)
        tpu.yield
      }) : () -> ()
    } else {
    }
    %mul3A_80 = arith.constant 128 : i32
    %mul3A_81 = arith.muli %select_n3A_30, %mul3A_80 : i32
    %run_scoped3A_82 = arith.constant 0 : i32
    "tpu.region"() ({
      %run_scoped3A_112 = tpu.sem_alloc : memref<!tpu.dma_semaphore, #tpu.memory_space<semaphore_mem>>
      %dma_start3A_113 = arith.constant 0 : i32
      %dma_start3A_114 = tpu.memref_slice %arg11[%dma_start3A_113] : memref<384xi32, #tpu.memory_space<vmem>> -> memref<128xi32, #tpu.memory_space<vmem>>
      %dma_start3A_115 = tpu.memref_slice %arg7[%select_n3A, %run_scoped3A_82, %mul3A_81] : memref<8x1x528xi32, #tpu.memory_space<hbm>> -> memref<1x1x128xi32, #tpu.memory_space<hbm>>
      %dma_start3A_116 = tpu.memref_squeeze %dma_start3A_115 : memref<1x1x128xi32, #tpu.memory_space<hbm>> -> memref<128xi32, #tpu.memory_space<hbm>>
      %dma_start3A_117 = arith.constant 0 : i32
      %dma_start3A_118 = tpu.memref_slice %arg11[%dma_start3A_117] : memref<384xi32, #tpu.memory_space<vmem>> -> memref<128xi32, #tpu.memory_space<vmem>>
      %dma_start3A_119 = tpu.memref_slice %arg7[%select_n3A, %run_scoped3A_82, %mul3A_81] : memref<8x1x528xi32, #tpu.memory_space<hbm>> -> memref<1x1x128xi32, #tpu.memory_space<hbm>>
      %dma_start3A_120 = tpu.memref_squeeze %dma_start3A_119 : memref<1x1x128xi32, #tpu.memory_space<hbm>> -> memref<128xi32, #tpu.memory_space<hbm>>
      tpu.enqueue_dma source(%dma_start3A_120 : memref<128xi32, #tpu.memory_space<hbm>>) target(%dma_start3A_118 : memref<128xi32, #tpu.memory_space<vmem>>) target_semaphore(%run_scoped3A_112 : memref<!tpu.dma_semaphore, #tpu.memory_space<semaphore_mem>>)
      %dma_wait3A_121 = arith.constant 0 : i32
      %dma_wait3A_122 = tpu.memref_slice %arg11[%dma_wait3A_121] : memref<384xi32, #tpu.memory_space<vmem>> -> memref<128xi32, #tpu.memory_space<vmem>>
      %dma_wait3A_123 = tpu.memref_slice %arg7[%select_n3A, %run_scoped3A_82, %mul3A_81] : memref<8x1x528xi32, #tpu.memory_space<hbm>> -> memref<1x1x128xi32, #tpu.memory_space<hbm>>
      %dma_wait3A_124 = tpu.memref_squeeze %dma_wait3A_123 : memref<1x1x128xi32, #tpu.memory_space<hbm>> -> memref<128xi32, #tpu.memory_space<hbm>>
      %dma_wait3A_125 = arith.constant 0 : i32
      %dma_wait3A_126 = tpu.memref_slice %arg11[%dma_wait3A_125] : memref<384xi32, #tpu.memory_space<vmem>> -> memref<128xi32, #tpu.memory_space<vmem>>
      %dma_wait3A_127 = tpu.memref_slice %arg7[%select_n3A, %run_scoped3A_82, %mul3A_81] : memref<8x1x528xi32, #tpu.memory_space<hbm>> -> memref<1x1x128xi32, #tpu.memory_space<hbm>>
      %dma_wait3A_128 = tpu.memref_squeeze %dma_wait3A_127 : memref<1x1x128xi32, #tpu.memory_space<hbm>> -> memref<128xi32, #tpu.memory_space<hbm>>
      tpu.wait_dma2 semaphore(%run_scoped3A_112 : memref<!tpu.dma_semaphore, #tpu.memory_space<semaphore_mem>>) src(%dma_wait3A_128 : memref<128xi32, #tpu.memory_space<hbm>>) dst(%dma_wait3A_126 : memref<128xi32, #tpu.memory_space<vmem>>)
      tpu.yield
    }) : () -> ()
    %dma_start3A_83 = arith.constant 0 : i32
    %dma_start3A_84 = arith.constant 0 : i32
    %dma_start3A_85 = tpu.memref_slice %arg13[%dma_start3A_83, %dma_start3A_84] : memref<384x256xf32, #tpu.memory_space<vmem>> -> memref<128x256xf32, #tpu.memory_space<vmem>>
    %dma_start3A_86 = arith.constant 0 : i32
    %dma_start3A_87 = tpu.memref_slice %arg11[%dma_start3A_86] : memref<384xi32, #tpu.memory_space<vmem>> -> memref<128xi32, #tpu.memory_space<vmem>>
    %dma_start3A_88 = arith.constant 0 : i32
    %dma_start3A_89 = arith.constant 0 : i32
    %dma_start3A_90 = tpu.memref_slice %arg4[%select_n3A, %dma_start3A_88, %dma_start3A_89] : memref<8x2049x256xf32, #tpu.memory_space<hbm>> -> memref<1x2049x256xf32, #tpu.memory_space<hbm>>
    %dma_start3A_91 = tpu.memref_squeeze %dma_start3A_90 : memref<1x2049x256xf32, #tpu.memory_space<hbm>> -> memref<2049x256xf32, #tpu.memory_space<hbm>>
    %dma_start3A_92 = arith.constant 0 : i32
    %dma_start3A_93 = arith.constant 0 : i32
    %dma_start3A_94 = tpu.memref_slice %dma_start3A_91[%dma_start3A_92, %dma_start3A_93] : memref<2049x256xf32, #tpu.memory_space<hbm>> -> memref<2049x256xf32, #tpu.memory_space<hbm>>
    tpu.enqueue_indirect_dma source(%dma_start3A_94 : memref<2049x256xf32, #tpu.memory_space<hbm>>) target(%dma_start3A_85 : memref<128x256xf32, #tpu.memory_space<vmem>>) offsets(%dma_start3A_87 : memref<128xi32, #tpu.memory_space<vmem>>) semaphore(%arg15 : memref<!tpu.dma_semaphore, #tpu.memory_space<semaphore_mem>>)
    %dma_wait3A_95 = arith.constant 0 : i32
    %dma_wait3A_96 = arith.constant 0 : i32
    %dma_wait3A_97 = tpu.memref_slice %arg13[%dma_wait3A_95, %dma_wait3A_96] : memref<384x256xf32, #tpu.memory_space<vmem>> -> memref<128x256xf32, #tpu.memory_space<vmem>>
    %dma_wait3A_98 = arith.constant 0 : i32
    %dma_wait3A_99 = tpu.memref_slice %arg11[%dma_wait3A_98] : memref<384xi32, #tpu.memory_space<vmem>> -> memref<128xi32, #tpu.memory_space<vmem>>
    %dma_wait3A_100 = arith.constant 0 : i32
    %dma_wait3A_101 = arith.constant 0 : i32
    %dma_wait3A_102 = tpu.memref_slice %arg4[%select_n3A, %dma_wait3A_100, %dma_wait3A_101] : memref<8x2049x256xf32, #tpu.memory_space<hbm>> -> memref<1x2049x256xf32, #tpu.memory_space<hbm>>
    %dma_wait3A_103 = tpu.memref_squeeze %dma_wait3A_102 : memref<1x2049x256xf32, #tpu.memory_space<hbm>> -> memref<2049x256xf32, #tpu.memory_space<hbm>>
    %dma_wait3A_104 = arith.constant 0 : i32
    %dma_wait3A_105 = arith.constant 0 : i32
    %dma_wait3A_106 = tpu.memref_slice %dma_wait3A_103[%dma_wait3A_104, %dma_wait3A_105] : memref<2049x256xf32, #tpu.memory_space<hbm>> -> memref<2049x256xf32, #tpu.memory_space<hbm>>
    tpu.wait_indirect_dma semaphore(%arg15 : memref<!tpu.dma_semaphore, #tpu.memory_space<semaphore_mem>>) src(%dma_wait3A_106 : memref<2049x256xf32, #tpu.memory_space<hbm>>) dst(%dma_wait3A_97 : memref<128x256xf32, #tpu.memory_space<vmem>>)
    "tpu.region"() ({
      %run_scoped3A_112 = tpu.sem_alloc : memref<!tpu.dma_semaphore, #tpu.memory_space<semaphore_mem>>
      %dma_start3A_113 = arith.constant 0 : i32
      %dma_start3A_114 = arith.constant 0 : i32
      %dma_start3A_115 = tpu.memref_slice %arg13[%dma_start3A_113, %dma_start3A_114] : memref<384x256xf32, #tpu.memory_space<vmem>> -> memref<128x256xf32, #tpu.memory_space<vmem>>
      %dma_start3A_116 = arith.constant 0 : i32
      %dma_start3A_117 = tpu.memref_slice %arg10[%select_n3A, %mul3A_81, %dma_start3A_116] : memref<8x513x256xf32, #tpu.memory_space<hbm>> -> memref<1x128x256xf32, #tpu.memory_space<hbm>>
      %dma_start3A_118 = tpu.memref_squeeze %dma_start3A_117 : memref<1x128x256xf32, #tpu.memory_space<hbm>> -> memref<128x256xf32, #tpu.memory_space<hbm>>
      %dma_start3A_119 = arith.constant 0 : i32
      %dma_start3A_120 = tpu.memref_slice %arg10[%select_n3A, %mul3A_81, %dma_start3A_119] : memref<8x513x256xf32, #tpu.memory_space<hbm>> -> memref<1x128x256xf32, #tpu.memory_space<hbm>>
      %dma_start3A_121 = tpu.memref_squeeze %dma_start3A_120 : memref<1x128x256xf32, #tpu.memory_space<hbm>> -> memref<128x256xf32, #tpu.memory_space<hbm>>
      %dma_start3A_122 = arith.constant 0 : i32
      %dma_start3A_123 = arith.constant 0 : i32
      %dma_start3A_124 = tpu.memref_slice %arg13[%dma_start3A_122, %dma_start3A_123] : memref<384x256xf32, #tpu.memory_space<vmem>> -> memref<128x256xf32, #tpu.memory_space<vmem>>
      tpu.enqueue_dma source(%dma_start3A_124 : memref<128x256xf32, #tpu.memory_space<vmem>>) target(%dma_start3A_121 : memref<128x256xf32, #tpu.memory_space<hbm>>) target_semaphore(%run_scoped3A_112 : memref<!tpu.dma_semaphore, #tpu.memory_space<semaphore_mem>>)
      %dma_wait3A_125 = arith.constant 0 : i32
      %dma_wait3A_126 = arith.constant 0 : i32
      %dma_wait3A_127 = tpu.memref_slice %arg13[%dma_wait3A_125, %dma_wait3A_126] : memref<384x256xf32, #tpu.memory_space<vmem>> -> memref<128x256xf32, #tpu.memory_space<vmem>>
      %dma_wait3A_128 = arith.constant 0 : i32
      %dma_wait3A_129 = tpu.memref_slice %arg10[%select_n3A, %mul3A_81, %dma_wait3A_128] : memref<8x513x256xf32, #tpu.memory_space<hbm>> -> memref<1x128x256xf32, #tpu.memory_space<hbm>>
      %dma_wait3A_130 = tpu.memref_squeeze %dma_wait3A_129 : memref<1x128x256xf32, #tpu.memory_space<hbm>> -> memref<128x256xf32, #tpu.memory_space<hbm>>
      %dma_wait3A_131 = arith.constant 0 : i32
      %dma_wait3A_132 = tpu.memref_slice %arg10[%select_n3A, %mul3A_81, %dma_wait3A_131] : memref<8x513x256xf32, #tpu.memory_space<hbm>> -> memref<1x128x256xf32, #tpu.memory_space<hbm>>
      %dma_wait3A_133 = tpu.memref_squeeze %dma_wait3A_132 : memref<1x128x256xf32, #tpu.memory_space<hbm>> -> memref<128x256xf32, #tpu.memory_space<hbm>>
      %dma_wait3A_134 = arith.constant 0 : i32
      %dma_wait3A_135 = arith.constant 0 : i32
      %dma_wait3A_136 = tpu.memref_slice %arg13[%dma_wait3A_134, %dma_wait3A_135] : memref<384x256xf32, #tpu.memory_space<vmem>> -> memref<128x256xf32, #tpu.memory_space<vmem>>
      tpu.wait_dma2 semaphore(%run_scoped3A_112 : memref<!tpu.dma_semaphore, #tpu.memory_space<semaphore_mem>>) src(%dma_wait3A_136 : memref<128x256xf32, #tpu.memory_space<vmem>>) dst(%dma_wait3A_133 : memref<128x256xf32, #tpu.memory_space<hbm>>)
      tpu.yield
    }) : () -> ()
    %eq3A_107 = arith.constant 2 : i32
    %eq3A_108 = arith.cmpi eq, %select_n3A_30, %eq3A_107 : i32
    %convert_element_type3A_109 = arith.extui %eq3A_108 : i1 to i32
    %cond3A_110 = arith.constant 0 : i32
    %cond3A_111 = arith.cmpi ne, %convert_element_type3A_109, %cond3A_110 : i32
    scf.if %cond3A_111 {
      %run_scoped3A_112 = arith.constant 0 : i32
      "tpu.region"() ({
        %run_scoped3A_127 = tpu.sem_alloc : memref<!tpu.dma_semaphore, #tpu.memory_space<semaphore_mem>>
        %dma_start3A_128 = arith.constant 512 : i32
        %dma_start3A_129 = tpu.memref_slice %arg7[%select_n3A, %run_scoped3A_112, %dma_start3A_128] : memref<8x1x528xi32, #tpu.memory_space<hbm>> -> memref<1x1x16xi32, #tpu.memory_space<hbm>>
        %dma_start3A_130 = tpu.memref_squeeze %dma_start3A_129 : memref<1x1x16xi32, #tpu.memory_space<hbm>> -> memref<16xi32, #tpu.memory_space<hbm>>
        %dma_start3A_131 = arith.constant 512 : i32
        %dma_start3A_132 = tpu.memref_slice %arg7[%select_n3A, %run_scoped3A_112, %dma_start3A_131] : memref<8x1x528xi32, #tpu.memory_space<hbm>> -> memref<1x1x16xi32, #tpu.memory_space<hbm>>
        %dma_start3A_133 = tpu.memref_squeeze %dma_start3A_132 : memref<1x1x16xi32, #tpu.memory_space<hbm>> -> memref<16xi32, #tpu.memory_space<hbm>>
        tpu.enqueue_dma source(%dma_start3A_133 : memref<16xi32, #tpu.memory_space<hbm>>) target(%arg12 : memref<16xi32, #tpu.memory_space<vmem>>) target_semaphore(%run_scoped3A_127 : memref<!tpu.dma_semaphore, #tpu.memory_space<semaphore_mem>>)
        %dma_wait3A_134 = arith.constant 512 : i32
        %dma_wait3A_135 = tpu.memref_slice %arg7[%select_n3A, %run_scoped3A_112, %dma_wait3A_134] : memref<8x1x528xi32, #tpu.memory_space<hbm>> -> memref<1x1x16xi32, #tpu.memory_space<hbm>>
        %dma_wait3A_136 = tpu.memref_squeeze %dma_wait3A_135 : memref<1x1x16xi32, #tpu.memory_space<hbm>> -> memref<16xi32, #tpu.memory_space<hbm>>
        %dma_wait3A_137 = arith.constant 512 : i32
        %dma_wait3A_138 = tpu.memref_slice %arg7[%select_n3A, %run_scoped3A_112, %dma_wait3A_137] : memref<8x1x528xi32, #tpu.memory_space<hbm>> -> memref<1x1x16xi32, #tpu.memory_space<hbm>>
        %dma_wait3A_139 = tpu.memref_squeeze %dma_wait3A_138 : memref<1x1x16xi32, #tpu.memory_space<hbm>> -> memref<16xi32, #tpu.memory_space<hbm>>
        tpu.wait_dma2 semaphore(%run_scoped3A_127 : memref<!tpu.dma_semaphore, #tpu.memory_space<semaphore_mem>>) src(%dma_wait3A_139 : memref<16xi32, #tpu.memory_space<hbm>>) dst(%arg12 : memref<16xi32, #tpu.memory_space<vmem>>)
        tpu.yield
      }) : () -> ()
      %dma_start3A_113 = arith.constant 0 : i32
      %dma_start3A_114 = arith.constant 0 : i32
      %dma_start3A_115 = tpu.memref_slice %arg4[%select_n3A, %dma_start3A_113, %dma_start3A_114] : memref<8x2049x256xf32, #tpu.memory_space<hbm>> -> memref<1x2049x256xf32, #tpu.memory_space<hbm>>
      %dma_start3A_116 = tpu.memref_squeeze %dma_start3A_115 : memref<1x2049x256xf32, #tpu.memory_space<hbm>> -> memref<2049x256xf32, #tpu.memory_space<hbm>>
      %dma_start3A_117 = arith.constant 0 : i32
      %dma_start3A_118 = arith.constant 0 : i32
      %dma_start3A_119 = tpu.memref_slice %dma_start3A_116[%dma_start3A_117, %dma_start3A_118] : memref<2049x256xf32, #tpu.memory_space<hbm>> -> memref<2049x256xf32, #tpu.memory_space<hbm>>
      tpu.enqueue_indirect_dma source(%dma_start3A_119 : memref<2049x256xf32, #tpu.memory_space<hbm>>) target(%arg14 : memref<16x256xf32, #tpu.memory_space<vmem>>) offsets(%arg12 : memref<16xi32, #tpu.memory_space<vmem>>) semaphore(%arg15 : memref<!tpu.dma_semaphore, #tpu.memory_space<semaphore_mem>>)
      %dma_wait3A_120 = arith.constant 0 : i32
      %dma_wait3A_121 = arith.constant 0 : i32
      %dma_wait3A_122 = tpu.memref_slice %arg4[%select_n3A, %dma_wait3A_120, %dma_wait3A_121] : memref<8x2049x256xf32, #tpu.memory_space<hbm>> -> memref<1x2049x256xf32, #tpu.memory_space<hbm>>
      %dma_wait3A_123 = tpu.memref_squeeze %dma_wait3A_122 : memref<1x2049x256xf32, #tpu.memory_space<hbm>> -> memref<2049x256xf32, #tpu.memory_space<hbm>>
      %dma_wait3A_124 = arith.constant 0 : i32
      %dma_wait3A_125 = arith.constant 0 : i32
      %dma_wait3A_126 = tpu.memref_slice %dma_wait3A_123[%dma_wait3A_124, %dma_wait3A_125] : memref<2049x256xf32, #tpu.memory_space<hbm>> -> memref<2049x256xf32, #tpu.memory_space<hbm>>
      tpu.wait_indirect_dma semaphore(%arg15 : memref<!tpu.dma_semaphore, #tpu.memory_space<semaphore_mem>>) src(%dma_wait3A_126 : memref<2049x256xf32, #tpu.memory_space<hbm>>) dst(%arg14 : memref<16x256xf32, #tpu.memory_space<vmem>>)
      "tpu.region"() ({
        %run_scoped3A_127 = tpu.sem_alloc : memref<!tpu.dma_semaphore, #tpu.memory_space<semaphore_mem>>
        %dma_start3A_128 = arith.constant 0 : i32
        %dma_start3A_129 = arith.constant 0 : i32
        %dma_start3A_130 = tpu.memref_slice %arg14[%dma_start3A_128, %dma_start3A_129] : memref<16x256xf32, #tpu.memory_space<vmem>> -> memref<1x256xf32, #tpu.memory_space<vmem>>
        %dma_start3A_131 = arith.constant 512 : i32
        %dma_start3A_132 = arith.constant 0 : i32
        %dma_start3A_133 = tpu.memref_slice %arg10[%select_n3A, %dma_start3A_131, %dma_start3A_132] : memref<8x513x256xf32, #tpu.memory_space<hbm>> -> memref<1x1x256xf32, #tpu.memory_space<hbm>>
        %dma_start3A_134 = tpu.memref_squeeze %dma_start3A_133 : memref<1x1x256xf32, #tpu.memory_space<hbm>> -> memref<1x256xf32, #tpu.memory_space<hbm>>
        %dma_start3A_135 = arith.constant 512 : i32
        %dma_start3A_136 = arith.constant 0 : i32
        %dma_start3A_137 = tpu.memref_slice %arg10[%select_n3A, %dma_start3A_135, %dma_start3A_136] : memref<8x513x256xf32, #tpu.memory_space<hbm>> -> memref<1x1x256xf32, #tpu.memory_space<hbm>>
        %dma_start3A_138 = tpu.memref_squeeze %dma_start3A_137 : memref<1x1x256xf32, #tpu.memory_space<hbm>> -> memref<1x256xf32, #tpu.memory_space<hbm>>
        %dma_start3A_139 = arith.constant 0 : i32
        %dma_start3A_140 = arith.constant 0 : i32
        %dma_start3A_141 = tpu.memref_slice %arg14[%dma_start3A_139, %dma_start3A_140] : memref<16x256xf32, #tpu.memory_space<vmem>> -> memref<1x256xf32, #tpu.memory_space<vmem>>
        tpu.enqueue_dma source(%dma_start3A_141 : memref<1x256xf32, #tpu.memory_space<vmem>>) target(%dma_start3A_138 : memref<1x256xf32, #tpu.memory_space<hbm>>) target_semaphore(%run_scoped3A_127 : memref<!tpu.dma_semaphore, #tpu.memory_space<semaphore_mem>>)
        %dma_wait3A_142 = arith.constant 0 : i32
        %dma_wait3A_143 = arith.constant 0 : i32
        %dma_wait3A_144 = tpu.memref_slice %arg14[%dma_wait3A_142, %dma_wait3A_143] : memref<16x256xf32, #tpu.memory_space<vmem>> -> memref<1x256xf32, #tpu.memory_space<vmem>>
        %dma_wait3A_145 = arith.constant 512 : i32
        %dma_wait3A_146 = arith.constant 0 : i32
        %dma_wait3A_147 = tpu.memref_slice %arg10[%select_n3A, %dma_wait3A_145, %dma_wait3A_146] : memref<8x513x256xf32, #tpu.memory_space<hbm>> -> memref<1x1x256xf32, #tpu.memory_space<hbm>>
        %dma_wait3A_148 = tpu.memref_squeeze %dma_wait3A_147 : memref<1x1x256xf32, #tpu.memory_space<hbm>> -> memref<1x256xf32, #tpu.memory_space<hbm>>
        %dma_wait3A_149 = arith.constant 512 : i32
        %dma_wait3A_150 = arith.constant 0 : i32
        %dma_wait3A_151 = tpu.memref_slice %arg10[%select_n3A, %dma_wait3A_149, %dma_wait3A_150] : memref<8x513x256xf32, #tpu.memory_space<hbm>> -> memref<1x1x256xf32, #tpu.memory_space<hbm>>
        %dma_wait3A_152 = tpu.memref_squeeze %dma_wait3A_151 : memref<1x1x256xf32, #tpu.memory_space<hbm>> -> memref<1x256xf32, #tpu.memory_space<hbm>>
        %dma_wait3A_153 = arith.constant 0 : i32
        %dma_wait3A_154 = arith.constant 0 : i32
        %dma_wait3A_155 = tpu.memref_slice %arg14[%dma_wait3A_153, %dma_wait3A_154] : memref<16x256xf32, #tpu.memory_space<vmem>> -> memref<1x256xf32, #tpu.memory_space<vmem>>
        tpu.wait_dma2 semaphore(%run_scoped3A_127 : memref<!tpu.dma_semaphore, #tpu.memory_space<semaphore_mem>>) src(%dma_wait3A_155 : memref<1x256xf32, #tpu.memory_space<vmem>>) dst(%dma_wait3A_152 : memref<1x256xf32, #tpu.memory_space<hbm>>)
        tpu.yield
      }) : () -> ()
    } else {
    }
    return
  }
}

module attributes {stable_mosaic.version = 14 : i64} {
  func.func @_temporal_body(%arg0: memref<5x64x128xf32, #tpu.memory_space<vmem>>, %arg1: memref<64x128xf32, #tpu.memory_space<vmem>>, %arg2: memref<64x128xf32, #tpu.memory_space<vmem>>, %arg3: memref<3x64x128xi32, #tpu.memory_space<vmem>>, %arg4: memref<3x64x128xf32, #tpu.memory_space<vmem>>) attributes {dimension_semantics = [], scalar_prefetch = 0 : i64, scratch_operands = 0 : i64, tpu.core_type = #tpu.core_type<tc>} {
    %get3A = arith.constant 0 : index
    %get3A_0 = arith.constant 0 : index
    %get3A_1 = arith.constant 0 : index
    %get3A_2 = vector.load %arg0[%get3A, %get3A_0, %get3A_1] : memref<5x64x128xf32, #tpu.memory_space<vmem>>, vector<1x64x128xf32>
    %get3A_3 = vector.shape_cast %get3A_2 : vector<1x64x128xf32> to vector<64x128xf32>
    %get3A_4 = arith.constant 1 : index
    %get3A_5 = arith.constant 0 : index
    %get3A_6 = arith.constant 0 : index
    %get3A_7 = vector.load %arg0[%get3A_4, %get3A_5, %get3A_6] : memref<5x64x128xf32, #tpu.memory_space<vmem>>, vector<1x64x128xf32>
    %get3A_8 = vector.shape_cast %get3A_7 : vector<1x64x128xf32> to vector<64x128xf32>
    %get3A_9 = arith.constant 2 : index
    %get3A_10 = arith.constant 0 : index
    %get3A_11 = arith.constant 0 : index
    %get3A_12 = vector.load %arg0[%get3A_9, %get3A_10, %get3A_11] : memref<5x64x128xf32, #tpu.memory_space<vmem>>, vector<1x64x128xf32>
    %get3A_13 = vector.shape_cast %get3A_12 : vector<1x64x128xf32> to vector<64x128xf32>
    %get3A_14 = arith.constant 3 : index
    %get3A_15 = arith.constant 0 : index
    %get3A_16 = arith.constant 0 : index
    %get3A_17 = vector.load %arg0[%get3A_14, %get3A_15, %get3A_16] : memref<5x64x128xf32, #tpu.memory_space<vmem>>, vector<1x64x128xf32>
    %get3A_18 = vector.shape_cast %get3A_17 : vector<1x64x128xf32> to vector<64x128xf32>
    %get3A_19 = arith.constant 4 : index
    %get3A_20 = arith.constant 0 : index
    %get3A_21 = arith.constant 0 : index
    %get3A_22 = vector.load %arg0[%get3A_19, %get3A_20, %get3A_21] : memref<5x64x128xf32, #tpu.memory_space<vmem>>, vector<1x64x128xf32>
    %get3A_23 = vector.shape_cast %get3A_22 : vector<1x64x128xf32> to vector<64x128xf32>
    %get3A_24 = arith.constant 0 : index
    %get3A_25 = arith.constant 0 : index
    %get3A_26 = vector.load %arg1[%get3A_24, %get3A_25] : memref<64x128xf32, #tpu.memory_space<vmem>>, vector<64x128xf32>
    %get3A_27 = arith.constant 0 : index
    %get3A_28 = arith.constant 0 : index
    %get3A_29 = vector.load %arg2[%get3A_27, %get3A_28] : memref<64x128xf32, #tpu.memory_space<vmem>>, vector<64x128xf32>
    %broadcast_in_dim3A = arith.constant 0 : i32
    %broadcast_in_dim3A_30 = vector.broadcast %broadcast_in_dim3A : i32 to vector<64x128xi32>
    %lt3A = arith.cmpf olt, %get3A_8, %get3A_3 : vector<64x128xf32>
    %convert_element_type3A = arith.extui %lt3A : vector<64x128xi1> to vector<64x128xi32>
    %add3A = arith.addi %broadcast_in_dim3A_30, %convert_element_type3A : vector<64x128xi32>
    %lt3A_31 = arith.cmpf olt, %get3A_13, %get3A_3 : vector<64x128xf32>
    %convert_element_type3A_32 = arith.extui %lt3A_31 : vector<64x128xi1> to vector<64x128xi32>
    %add3A_33 = arith.addi %add3A, %convert_element_type3A_32 : vector<64x128xi32>
    %lt3A_34 = arith.cmpf olt, %get3A_18, %get3A_3 : vector<64x128xf32>
    %convert_element_type3A_35 = arith.extui %lt3A_34 : vector<64x128xi1> to vector<64x128xi32>
    %add3A_36 = arith.addi %add3A_33, %convert_element_type3A_35 : vector<64x128xi32>
    %lt3A_37 = arith.cmpf olt, %get3A_23, %get3A_3 : vector<64x128xf32>
    %convert_element_type3A_38 = arith.extui %lt3A_37 : vector<64x128xi1> to vector<64x128xi32>
    %add3A_39 = arith.addi %add3A_36, %convert_element_type3A_38 : vector<64x128xi32>
    %broadcast_in_dim3A_40 = arith.constant 0 : i32
    %broadcast_in_dim3A_41 = vector.broadcast %broadcast_in_dim3A_40 : i32 to vector<64x128xi32>
    %le3A = arith.cmpf ole, %get3A_3, %get3A_8 : vector<64x128xf32>
    %convert_element_type3A_42 = arith.extui %le3A : vector<64x128xi1> to vector<64x128xi32>
    %add3A_43 = arith.addi %broadcast_in_dim3A_41, %convert_element_type3A_42 : vector<64x128xi32>
    %lt3A_44 = arith.cmpf olt, %get3A_13, %get3A_8 : vector<64x128xf32>
    %convert_element_type3A_45 = arith.extui %lt3A_44 : vector<64x128xi1> to vector<64x128xi32>
    %add3A_46 = arith.addi %add3A_43, %convert_element_type3A_45 : vector<64x128xi32>
    %lt3A_47 = arith.cmpf olt, %get3A_18, %get3A_8 : vector<64x128xf32>
    %convert_element_type3A_48 = arith.extui %lt3A_47 : vector<64x128xi1> to vector<64x128xi32>
    %add3A_49 = arith.addi %add3A_46, %convert_element_type3A_48 : vector<64x128xi32>
    %lt3A_50 = arith.cmpf olt, %get3A_23, %get3A_8 : vector<64x128xf32>
    %convert_element_type3A_51 = arith.extui %lt3A_50 : vector<64x128xi1> to vector<64x128xi32>
    %add3A_52 = arith.addi %add3A_49, %convert_element_type3A_51 : vector<64x128xi32>
    %broadcast_in_dim3A_53 = arith.constant 0 : i32
    %broadcast_in_dim3A_54 = vector.broadcast %broadcast_in_dim3A_53 : i32 to vector<64x128xi32>
    %le3A_55 = arith.cmpf ole, %get3A_3, %get3A_13 : vector<64x128xf32>
    %convert_element_type3A_56 = arith.extui %le3A_55 : vector<64x128xi1> to vector<64x128xi32>
    %add3A_57 = arith.addi %broadcast_in_dim3A_54, %convert_element_type3A_56 : vector<64x128xi32>
    %le3A_58 = arith.cmpf ole, %get3A_8, %get3A_13 : vector<64x128xf32>
    %convert_element_type3A_59 = arith.extui %le3A_58 : vector<64x128xi1> to vector<64x128xi32>
    %add3A_60 = arith.addi %add3A_57, %convert_element_type3A_59 : vector<64x128xi32>
    %lt3A_61 = arith.cmpf olt, %get3A_18, %get3A_13 : vector<64x128xf32>
    %convert_element_type3A_62 = arith.extui %lt3A_61 : vector<64x128xi1> to vector<64x128xi32>
    %add3A_63 = arith.addi %add3A_60, %convert_element_type3A_62 : vector<64x128xi32>
    %lt3A_64 = arith.cmpf olt, %get3A_23, %get3A_13 : vector<64x128xf32>
    %convert_element_type3A_65 = arith.extui %lt3A_64 : vector<64x128xi1> to vector<64x128xi32>
    %add3A_66 = arith.addi %add3A_63, %convert_element_type3A_65 : vector<64x128xi32>
    %broadcast_in_dim3A_67 = arith.constant 0 : i32
    %broadcast_in_dim3A_68 = vector.broadcast %broadcast_in_dim3A_67 : i32 to vector<64x128xi32>
    %le3A_69 = arith.cmpf ole, %get3A_3, %get3A_18 : vector<64x128xf32>
    %convert_element_type3A_70 = arith.extui %le3A_69 : vector<64x128xi1> to vector<64x128xi32>
    %add3A_71 = arith.addi %broadcast_in_dim3A_68, %convert_element_type3A_70 : vector<64x128xi32>
    %le3A_72 = arith.cmpf ole, %get3A_8, %get3A_18 : vector<64x128xf32>
    %convert_element_type3A_73 = arith.extui %le3A_72 : vector<64x128xi1> to vector<64x128xi32>
    %add3A_74 = arith.addi %add3A_71, %convert_element_type3A_73 : vector<64x128xi32>
    %le3A_75 = arith.cmpf ole, %get3A_13, %get3A_18 : vector<64x128xf32>
    %convert_element_type3A_76 = arith.extui %le3A_75 : vector<64x128xi1> to vector<64x128xi32>
    %add3A_77 = arith.addi %add3A_74, %convert_element_type3A_76 : vector<64x128xi32>
    %lt3A_78 = arith.cmpf olt, %get3A_23, %get3A_18 : vector<64x128xf32>
    %convert_element_type3A_79 = arith.extui %lt3A_78 : vector<64x128xi1> to vector<64x128xi32>
    %add3A_80 = arith.addi %add3A_77, %convert_element_type3A_79 : vector<64x128xi32>
    %broadcast_in_dim3A_81 = arith.constant 0 : i32
    %broadcast_in_dim3A_82 = vector.broadcast %broadcast_in_dim3A_81 : i32 to vector<64x128xi32>
    %le3A_83 = arith.cmpf ole, %get3A_3, %get3A_23 : vector<64x128xf32>
    %convert_element_type3A_84 = arith.extui %le3A_83 : vector<64x128xi1> to vector<64x128xi32>
    %add3A_85 = arith.addi %broadcast_in_dim3A_82, %convert_element_type3A_84 : vector<64x128xi32>
    %le3A_86 = arith.cmpf ole, %get3A_8, %get3A_23 : vector<64x128xf32>
    %convert_element_type3A_87 = arith.extui %le3A_86 : vector<64x128xi1> to vector<64x128xi32>
    %add3A_88 = arith.addi %add3A_85, %convert_element_type3A_87 : vector<64x128xi32>
    %le3A_89 = arith.cmpf ole, %get3A_13, %get3A_23 : vector<64x128xf32>
    %convert_element_type3A_90 = arith.extui %le3A_89 : vector<64x128xi1> to vector<64x128xi32>
    %add3A_91 = arith.addi %add3A_88, %convert_element_type3A_90 : vector<64x128xi32>
    %le3A_92 = arith.cmpf ole, %get3A_18, %get3A_23 : vector<64x128xf32>
    %convert_element_type3A_93 = arith.extui %le3A_92 : vector<64x128xi1> to vector<64x128xi32>
    %add3A_94 = arith.addi %add3A_91, %convert_element_type3A_93 : vector<64x128xi32>
    %broadcast_in_dim3A_95 = arith.constant 0 : i32
    %broadcast_in_dim3A_96 = vector.broadcast %broadcast_in_dim3A_95 : i32 to vector<64x128xi32>
    %broadcast_in_dim3A_97 = arith.constant 0 : i32
    %broadcast_in_dim3A_98 = vector.broadcast %broadcast_in_dim3A_97 : i32 to vector<64x128xi32>
    %eq3A = arith.constant 0 : i32
    %eq3A_99 = vector.broadcast %eq3A : i32 to vector<64x128xi32>
    %eq3A_100 = arith.cmpi eq, %add3A_39, %eq3A_99 : vector<64x128xi32>
    %jit3A = arith.constant 0 : i32
    %broadcast_in_dim3A_101 = vector.broadcast %jit3A : i32 to vector<64x128xi32>
    %select_n3A = arith.select %eq3A_100, %broadcast_in_dim3A_101, %broadcast_in_dim3A_96 : vector<64x128xi1>, vector<64x128xi32>
    %eq3A_102 = arith.constant 1 : i32
    %eq3A_103 = vector.broadcast %eq3A_102 : i32 to vector<64x128xi32>
    %eq3A_104 = arith.cmpi eq, %add3A_39, %eq3A_103 : vector<64x128xi32>
    %jit3A_105 = arith.constant 0 : i32
    %broadcast_in_dim3A_106 = vector.broadcast %jit3A_105 : i32 to vector<64x128xi32>
    %select_n3A_107 = arith.select %eq3A_104, %broadcast_in_dim3A_106, %broadcast_in_dim3A_98 : vector<64x128xi1>, vector<64x128xi32>
    %eq3A_108 = arith.constant 0 : i32
    %eq3A_109 = vector.broadcast %eq3A_108 : i32 to vector<64x128xi32>
    %eq3A_110 = arith.cmpi eq, %add3A_52, %eq3A_109 : vector<64x128xi32>
    %jit3A_111 = arith.constant 1 : i32
    %broadcast_in_dim3A_112 = vector.broadcast %jit3A_111 : i32 to vector<64x128xi32>
    %select_n3A_113 = arith.select %eq3A_110, %broadcast_in_dim3A_112, %select_n3A : vector<64x128xi1>, vector<64x128xi32>
    %eq3A_114 = arith.constant 1 : i32
    %eq3A_115 = vector.broadcast %eq3A_114 : i32 to vector<64x128xi32>
    %eq3A_116 = arith.cmpi eq, %add3A_52, %eq3A_115 : vector<64x128xi32>
    %jit3A_117 = arith.constant 1 : i32
    %broadcast_in_dim3A_118 = vector.broadcast %jit3A_117 : i32 to vector<64x128xi32>
    %select_n3A_119 = arith.select %eq3A_116, %broadcast_in_dim3A_118, %select_n3A_107 : vector<64x128xi1>, vector<64x128xi32>
    %eq3A_120 = arith.constant 0 : i32
    %eq3A_121 = vector.broadcast %eq3A_120 : i32 to vector<64x128xi32>
    %eq3A_122 = arith.cmpi eq, %add3A_66, %eq3A_121 : vector<64x128xi32>
    %jit3A_123 = arith.constant 2 : i32
    %broadcast_in_dim3A_124 = vector.broadcast %jit3A_123 : i32 to vector<64x128xi32>
    %select_n3A_125 = arith.select %eq3A_122, %broadcast_in_dim3A_124, %select_n3A_113 : vector<64x128xi1>, vector<64x128xi32>
    %eq3A_126 = arith.constant 1 : i32
    %eq3A_127 = vector.broadcast %eq3A_126 : i32 to vector<64x128xi32>
    %eq3A_128 = arith.cmpi eq, %add3A_66, %eq3A_127 : vector<64x128xi32>
    %jit3A_129 = arith.constant 2 : i32
    %broadcast_in_dim3A_130 = vector.broadcast %jit3A_129 : i32 to vector<64x128xi32>
    %select_n3A_131 = arith.select %eq3A_128, %broadcast_in_dim3A_130, %select_n3A_119 : vector<64x128xi1>, vector<64x128xi32>
    %eq3A_132 = arith.constant 0 : i32
    %eq3A_133 = vector.broadcast %eq3A_132 : i32 to vector<64x128xi32>
    %eq3A_134 = arith.cmpi eq, %add3A_80, %eq3A_133 : vector<64x128xi32>
    %jit3A_135 = arith.constant 3 : i32
    %broadcast_in_dim3A_136 = vector.broadcast %jit3A_135 : i32 to vector<64x128xi32>
    %select_n3A_137 = arith.select %eq3A_134, %broadcast_in_dim3A_136, %select_n3A_125 : vector<64x128xi1>, vector<64x128xi32>
    %eq3A_138 = arith.constant 1 : i32
    %eq3A_139 = vector.broadcast %eq3A_138 : i32 to vector<64x128xi32>
    %eq3A_140 = arith.cmpi eq, %add3A_80, %eq3A_139 : vector<64x128xi32>
    %jit3A_141 = arith.constant 3 : i32
    %broadcast_in_dim3A_142 = vector.broadcast %jit3A_141 : i32 to vector<64x128xi32>
    %select_n3A_143 = arith.select %eq3A_140, %broadcast_in_dim3A_142, %select_n3A_131 : vector<64x128xi1>, vector<64x128xi32>
    %eq3A_144 = arith.constant 0 : i32
    %eq3A_145 = vector.broadcast %eq3A_144 : i32 to vector<64x128xi32>
    %eq3A_146 = arith.cmpi eq, %add3A_94, %eq3A_145 : vector<64x128xi32>
    %jit3A_147 = arith.constant 4 : i32
    %broadcast_in_dim3A_148 = vector.broadcast %jit3A_147 : i32 to vector<64x128xi32>
    %select_n3A_149 = arith.select %eq3A_146, %broadcast_in_dim3A_148, %select_n3A_137 : vector<64x128xi1>, vector<64x128xi32>
    %eq3A_150 = arith.constant 1 : i32
    %eq3A_151 = vector.broadcast %eq3A_150 : i32 to vector<64x128xi32>
    %eq3A_152 = arith.cmpi eq, %add3A_94, %eq3A_151 : vector<64x128xi32>
    %jit3A_153 = arith.constant 4 : i32
    %broadcast_in_dim3A_154 = vector.broadcast %jit3A_153 : i32 to vector<64x128xi32>
    %select_n3A_155 = arith.select %eq3A_152, %broadcast_in_dim3A_154, %select_n3A_143 : vector<64x128xi1>, vector<64x128xi32>
    %iota3A = tpu.iota {dimensions = array<i32: 0>} : vector<64x128xi32>
    %iota3A_156 = tpu.iota {dimensions = array<i32: 1>} : vector<64x128xi32>
    %mul3A = arith.constant 128 : i32
    %mul3A_157 = vector.broadcast %mul3A : i32 to vector<64x128xi32>
    %mul3A_158 = arith.muli %iota3A, %mul3A_157 : vector<64x128xi32>
    %add3A_159 = arith.addi %mul3A_158, %iota3A_156 : vector<64x128xi32>
    %swap3A = arith.constant 0 : index
    %swap3A_160 = arith.constant 0 : index
    %swap3A_161 = arith.constant 0 : index
    %swap3A_162 = vector.load %arg3[%swap3A, %swap3A_160, %swap3A_161] : memref<3x64x128xi32, #tpu.memory_space<vmem>>, vector<1x64x128xi32>
    %swap3A_163 = vector.shape_cast %swap3A_162 : vector<1x64x128xi32> to vector<64x128xi32>
    %swap3A_164 = vector.shape_cast %add3A_159 : vector<64x128xi32> to vector<1x64x128xi32>
    tpu.vector_store %arg3[%swap3A, %swap3A_160, %swap3A_161], %swap3A_164 {strides = array<i32>} : memref<3x64x128xi32, #tpu.memory_space<vmem>>, vector<1x64x128xi32>,
    %add3A_165 = arith.constant 1 : i32
    %add3A_166 = vector.broadcast %add3A_165 : i32 to vector<64x128xi32>
    %add3A_167 = arith.addi %select_n3A_149, %add3A_166 : vector<64x128xi32>
    %mul3A_168 = arith.constant 8192 : i32
    %mul3A_169 = vector.broadcast %mul3A_168 : i32 to vector<64x128xi32>
    %mul3A_170 = arith.muli %add3A_167, %mul3A_169 : vector<64x128xi32>
    %add3A_171 = arith.addi %mul3A_170, %add3A_159 : vector<64x128xi32>
    %swap3A_172 = arith.constant 1 : index
    %swap3A_173 = arith.constant 0 : index
    %swap3A_174 = arith.constant 0 : index
    %swap3A_175 = vector.load %arg3[%swap3A_172, %swap3A_173, %swap3A_174] : memref<3x64x128xi32, #tpu.memory_space<vmem>>, vector<1x64x128xi32>
    %swap3A_176 = vector.shape_cast %swap3A_175 : vector<1x64x128xi32> to vector<64x128xi32>
    %swap3A_177 = vector.shape_cast %add3A_171 : vector<64x128xi32> to vector<1x64x128xi32>
    tpu.vector_store %arg3[%swap3A_172, %swap3A_173, %swap3A_174], %swap3A_177 {strides = array<i32>} : memref<3x64x128xi32, #tpu.memory_space<vmem>>, vector<1x64x128xi32>,
    %add3A_178 = arith.constant 1 : i32
    %add3A_179 = vector.broadcast %add3A_178 : i32 to vector<64x128xi32>
    %add3A_180 = arith.addi %select_n3A_155, %add3A_179 : vector<64x128xi32>
    %mul3A_181 = arith.constant 8192 : i32
    %mul3A_182 = vector.broadcast %mul3A_181 : i32 to vector<64x128xi32>
    %mul3A_183 = arith.muli %add3A_180, %mul3A_182 : vector<64x128xi32>
    %add3A_184 = arith.addi %mul3A_183, %add3A_159 : vector<64x128xi32>
    %swap3A_185 = arith.constant 2 : index
    %swap3A_186 = arith.constant 0 : index
    %swap3A_187 = arith.constant 0 : index
    %swap3A_188 = vector.load %arg3[%swap3A_185, %swap3A_186, %swap3A_187] : memref<3x64x128xi32, #tpu.memory_space<vmem>>, vector<1x64x128xi32>
    %swap3A_189 = vector.shape_cast %swap3A_188 : vector<1x64x128xi32> to vector<64x128xi32>
    %swap3A_190 = vector.shape_cast %add3A_184 : vector<64x128xi32> to vector<1x64x128xi32>
    tpu.vector_store %arg3[%swap3A_185, %swap3A_186, %swap3A_187], %swap3A_190 {strides = array<i32>} : memref<3x64x128xi32, #tpu.memory_space<vmem>>, vector<1x64x128xi32>,
    %swap3A_191 = arith.constant 0 : index
    %swap3A_192 = arith.constant 0 : index
    %swap3A_193 = arith.constant 0 : index
    %swap3A_194 = vector.load %arg4[%swap3A_191, %swap3A_192, %swap3A_193] : memref<3x64x128xf32, #tpu.memory_space<vmem>>, vector<1x64x128xf32>
    %swap3A_195 = vector.shape_cast %swap3A_194 : vector<1x64x128xf32> to vector<64x128xf32>
    %swap3A_196 = vector.shape_cast %get3A_26 : vector<64x128xf32> to vector<1x64x128xf32>
    tpu.vector_store %arg4[%swap3A_191, %swap3A_192, %swap3A_193], %swap3A_196 {strides = array<i32>} : memref<3x64x128xf32, #tpu.memory_space<vmem>>, vector<1x64x128xf32>,
    %eq3A_197 = arith.constant 0 : i32
    %eq3A_198 = vector.broadcast %eq3A_197 : i32 to vector<64x128xi32>
    %eq3A_199 = arith.cmpi eq, %select_n3A_149, %eq3A_198 : vector<64x128xi32>
    %select_n3A_200 = arith.select %eq3A_199, %get3A_29, %get3A_26 : vector<64x128xi1>, vector<64x128xf32>
    %swap3A_201 = arith.constant 1 : index
    %swap3A_202 = arith.constant 0 : index
    %swap3A_203 = arith.constant 0 : index
    %swap3A_204 = vector.load %arg4[%swap3A_201, %swap3A_202, %swap3A_203] : memref<3x64x128xf32, #tpu.memory_space<vmem>>, vector<1x64x128xf32>
    %swap3A_205 = vector.shape_cast %swap3A_204 : vector<1x64x128xf32> to vector<64x128xf32>
    %swap3A_206 = vector.shape_cast %select_n3A_200 : vector<64x128xf32> to vector<1x64x128xf32>
    tpu.vector_store %arg4[%swap3A_201, %swap3A_202, %swap3A_203], %swap3A_206 {strides = array<i32>} : memref<3x64x128xf32, #tpu.memory_space<vmem>>, vector<1x64x128xf32>,
    %eq3A_207 = arith.constant 0 : i32
    %eq3A_208 = vector.broadcast %eq3A_207 : i32 to vector<64x128xi32>
    %eq3A_209 = arith.cmpi eq, %select_n3A_155, %eq3A_208 : vector<64x128xi32>
    %select_n3A_210 = arith.select %eq3A_209, %get3A_29, %get3A_26 : vector<64x128xi1>, vector<64x128xf32>
    %swap3A_211 = arith.constant 2 : index
    %swap3A_212 = arith.constant 0 : index
    %swap3A_213 = arith.constant 0 : index
    %swap3A_214 = vector.load %arg4[%swap3A_211, %swap3A_212, %swap3A_213] : memref<3x64x128xf32, #tpu.memory_space<vmem>>, vector<1x64x128xf32>
    %swap3A_215 = vector.shape_cast %swap3A_214 : vector<1x64x128xf32> to vector<64x128xf32>
    %swap3A_216 = vector.shape_cast %select_n3A_210 : vector<64x128xf32> to vector<1x64x128xf32>
    tpu.vector_store %arg4[%swap3A_211, %swap3A_212, %swap3A_213], %swap3A_216 {strides = array<i32>} : memref<3x64x128xf32, #tpu.memory_space<vmem>>, vector<1x64x128xf32>,
    return
  }
}

module attributes {stable_mosaic.version = 14 : i64} {
  func.func @_img_sort_body(%arg0: i32, %arg1: memref<1x32x128xf32, #tpu.memory_space<vmem>>, %arg2: memref<1x8x128xi32, #tpu.memory_space<vmem>>) attributes {dimension_semantics = [#tpu.dimension_semantics<arbitrary>], iteration_bounds = array<i64: 8>, scalar_prefetch = 0 : i64, scratch_operands = 0 : i64, tpu.core_type = #tpu.core_type<tc>, window_params = [{transform_indices = @transform_0, window_bounds = array<i64: 1, 32, 128>}, {transform_indices = @transform_1, window_bounds = array<i64: 1, 8, 128>}]} {
    %get3A = arith.constant 0 : index
    %get3A_0 = arith.constant 0 : index
    %get3A_1 = arith.constant 0 : index
    %get3A_2 = vector.load %arg1[%get3A, %get3A_0, %get3A_1] : memref<1x32x128xf32, #tpu.memory_space<vmem>>, vector<1x32x128xf32>
    %get3A_3 = vector.shape_cast %get3A_2 : vector<1x32x128xf32> to vector<32x128xf32>
    %iota3A = tpu.iota {dimensions = array<i32: 0>} : vector<32x128xi32>
    %iota3A_4 = tpu.iota {dimensions = array<i32: 1>} : vector<32x128xi32>
    %mul3A = arith.constant 128 : i32
    %mul3A_5 = vector.broadcast %mul3A : i32 to vector<32x128xi32>
    %mul3A_6 = arith.muli %iota3A, %mul3A_5 : vector<32x128xi32>
    %add3A = arith.addi %mul3A_6, %iota3A_4 : vector<32x128xi32>
    %and3A = arith.constant 1 : i32
    %and3A_7 = vector.broadcast %and3A : i32 to vector<32x128xi32>
    %and3A_8 = arith.andi %add3A, %and3A_7 : vector<32x128xi32>
    %eq3A = arith.constant 0 : i32
    %eq3A_9 = vector.broadcast %eq3A : i32 to vector<32x128xi32>
    %eq3A_10 = arith.cmpi eq, %and3A_8, %eq3A_9 : vector<32x128xi32>
    %slice3A = vector.extract_strided_slice %get3A_3 {offsets = [0, 1], sizes = [32, 127], strides = [1, 1]} : vector<32x128xf32> to vector<32x127xf32>
    %slice3A_11 = vector.extract_strided_slice %get3A_3 {offsets = [0, 0], sizes = [32, 1], strides = [1, 1]} : vector<32x128xf32> to vector<32x1xf32>
    %concatenate3A = tpu.concatenate %slice3A, %slice3A_11 in 1 : vector<32x127xf32>, vector<32x1xf32> -> vector<32x128xf32>
    %slice3A_12 = vector.extract_strided_slice %get3A_3 {offsets = [0, 127], sizes = [32, 1], strides = [1, 1]} : vector<32x128xf32> to vector<32x1xf32>
    %slice3A_13 = vector.extract_strided_slice %get3A_3 {offsets = [0, 0], sizes = [32, 127], strides = [1, 1]} : vector<32x128xf32> to vector<32x127xf32>
    %concatenate3A_14 = tpu.concatenate %slice3A_12, %slice3A_13 in 1 : vector<32x1xf32>, vector<32x127xf32> -> vector<32x128xf32>
    %select_n3A = arith.select %eq3A_10, %concatenate3A, %concatenate3A_14 : vector<32x128xi1>, vector<32x128xf32>
    %slice3A_15 = vector.extract_strided_slice %add3A {offsets = [0, 1], sizes = [32, 127], strides = [1, 1]} : vector<32x128xi32> to vector<32x127xi32>
    %slice3A_16 = vector.extract_strided_slice %add3A {offsets = [0, 0], sizes = [32, 1], strides = [1, 1]} : vector<32x128xi32> to vector<32x1xi32>
    %concatenate3A_17 = tpu.concatenate %slice3A_15, %slice3A_16 in 1 : vector<32x127xi32>, vector<32x1xi32> -> vector<32x128xi32>
    %slice3A_18 = vector.extract_strided_slice %add3A {offsets = [0, 127], sizes = [32, 1], strides = [1, 1]} : vector<32x128xi32> to vector<32x1xi32>
    %slice3A_19 = vector.extract_strided_slice %add3A {offsets = [0, 0], sizes = [32, 127], strides = [1, 1]} : vector<32x128xi32> to vector<32x127xi32>
    %concatenate3A_20 = tpu.concatenate %slice3A_18, %slice3A_19 in 1 : vector<32x1xi32>, vector<32x127xi32> -> vector<32x128xi32>
    %select_n3A_21 = arith.select %eq3A_10, %concatenate3A_17, %concatenate3A_20 : vector<32x128xi1>, vector<32x128xi32>
    %lt3A = arith.cmpf olt, %get3A_3, %select_n3A : vector<32x128xf32>
    %eq3A_22 = arith.cmpf oeq, %get3A_3, %select_n3A : vector<32x128xf32>
    %lt3A_23 = arith.cmpi slt, %add3A, %select_n3A_21 : vector<32x128xi32>
    %and3A_24 = arith.andi %eq3A_22, %lt3A_23 : vector<32x128xi1>
    %or3A = arith.ori %lt3A, %and3A_24 : vector<32x128xi1>
    %and3A_25 = arith.constant 2 : i32
    %and3A_26 = vector.broadcast %and3A_25 : i32 to vector<32x128xi32>
    %and3A_27 = arith.andi %add3A, %and3A_26 : vector<32x128xi32>
    %eq3A_28 = arith.constant 0 : i32
    %eq3A_29 = vector.broadcast %eq3A_28 : i32 to vector<32x128xi32>
    %eq3A_30 = arith.cmpi eq, %and3A_27, %eq3A_29 : vector<32x128xi32>
    %eq3A_31 = arith.xori %eq3A_10, %eq3A_30 : vector<32x128xi1>
    %eq3A_32 = arith.constant dense<true> : vector<32x128xi1>
    %eq3A_33 = arith.xori %eq3A_31, %eq3A_32 : vector<32x128xi1>
    %eq3A_34 = arith.xori %or3A, %eq3A_33 : vector<32x128xi1>
    %eq3A_35 = arith.constant dense<true> : vector<32x128xi1>
    %eq3A_36 = arith.xori %eq3A_34, %eq3A_35 : vector<32x128xi1>
    %select_n3A_37 = arith.select %eq3A_36, %get3A_3, %select_n3A : vector<32x128xi1>, vector<32x128xf32>
    %select_n3A_38 = arith.select %eq3A_36, %add3A, %select_n3A_21 : vector<32x128xi1>, vector<32x128xi32>
    %and3A_39 = arith.constant 2 : i32
    %and3A_40 = vector.broadcast %and3A_39 : i32 to vector<32x128xi32>
    %and3A_41 = arith.andi %add3A, %and3A_40 : vector<32x128xi32>
    %eq3A_42 = arith.constant 0 : i32
    %eq3A_43 = vector.broadcast %eq3A_42 : i32 to vector<32x128xi32>
    %eq3A_44 = arith.cmpi eq, %and3A_41, %eq3A_43 : vector<32x128xi32>
    %slice3A_45 = vector.extract_strided_slice %select_n3A_37 {offsets = [0, 2], sizes = [32, 126], strides = [1, 1]} : vector<32x128xf32> to vector<32x126xf32>
    %slice3A_46 = vector.extract_strided_slice %select_n3A_37 {offsets = [0, 0], sizes = [32, 2], strides = [1, 1]} : vector<32x128xf32> to vector<32x2xf32>
    %concatenate3A_47 = tpu.concatenate %slice3A_45, %slice3A_46 in 1 : vector<32x126xf32>, vector<32x2xf32> -> vector<32x128xf32>
    %slice3A_48 = vector.extract_strided_slice %select_n3A_37 {offsets = [0, 126], sizes = [32, 2], strides = [1, 1]} : vector<32x128xf32> to vector<32x2xf32>
    %slice3A_49 = vector.extract_strided_slice %select_n3A_37 {offsets = [0, 0], sizes = [32, 126], strides = [1, 1]} : vector<32x128xf32> to vector<32x126xf32>
    %concatenate3A_50 = tpu.concatenate %slice3A_48, %slice3A_49 in 1 : vector<32x2xf32>, vector<32x126xf32> -> vector<32x128xf32>
    %select_n3A_51 = arith.select %eq3A_44, %concatenate3A_47, %concatenate3A_50 : vector<32x128xi1>, vector<32x128xf32>
    %slice3A_52 = vector.extract_strided_slice %select_n3A_38 {offsets = [0, 2], sizes = [32, 126], strides = [1, 1]} : vector<32x128xi32> to vector<32x126xi32>
    %slice3A_53 = vector.extract_strided_slice %select_n3A_38 {offsets = [0, 0], sizes = [32, 2], strides = [1, 1]} : vector<32x128xi32> to vector<32x2xi32>
    %concatenate3A_54 = tpu.concatenate %slice3A_52, %slice3A_53 in 1 : vector<32x126xi32>, vector<32x2xi32> -> vector<32x128xi32>
    %slice3A_55 = vector.extract_strided_slice %select_n3A_38 {offsets = [0, 126], sizes = [32, 2], strides = [1, 1]} : vector<32x128xi32> to vector<32x2xi32>
    %slice3A_56 = vector.extract_strided_slice %select_n3A_38 {offsets = [0, 0], sizes = [32, 126], strides = [1, 1]} : vector<32x128xi32> to vector<32x126xi32>
    %concatenate3A_57 = tpu.concatenate %slice3A_55, %slice3A_56 in 1 : vector<32x2xi32>, vector<32x126xi32> -> vector<32x128xi32>
    %select_n3A_58 = arith.select %eq3A_44, %concatenate3A_54, %concatenate3A_57 : vector<32x128xi1>, vector<32x128xi32>
    %lt3A_59 = arith.cmpf olt, %select_n3A_37, %select_n3A_51 : vector<32x128xf32>
    %eq3A_60 = arith.cmpf oeq, %select_n3A_37, %select_n3A_51 : vector<32x128xf32>
    %lt3A_61 = arith.cmpi slt, %select_n3A_38, %select_n3A_58 : vector<32x128xi32>
    %and3A_62 = arith.andi %eq3A_60, %lt3A_61 : vector<32x128xi1>
    %or3A_63 = arith.ori %lt3A_59, %and3A_62 : vector<32x128xi1>
    %and3A_64 = arith.constant 4 : i32
    %and3A_65 = vector.broadcast %and3A_64 : i32 to vector<32x128xi32>
    %and3A_66 = arith.andi %add3A, %and3A_65 : vector<32x128xi32>
    %eq3A_67 = arith.constant 0 : i32
    %eq3A_68 = vector.broadcast %eq3A_67 : i32 to vector<32x128xi32>
    %eq3A_69 = arith.cmpi eq, %and3A_66, %eq3A_68 : vector<32x128xi32>
    %eq3A_70 = arith.xori %eq3A_44, %eq3A_69 : vector<32x128xi1>
    %eq3A_71 = arith.constant dense<true> : vector<32x128xi1>
    %eq3A_72 = arith.xori %eq3A_70, %eq3A_71 : vector<32x128xi1>
    %eq3A_73 = arith.xori %or3A_63, %eq3A_72 : vector<32x128xi1>
    %eq3A_74 = arith.constant dense<true> : vector<32x128xi1>
    %eq3A_75 = arith.xori %eq3A_73, %eq3A_74 : vector<32x128xi1>
    %select_n3A_76 = arith.select %eq3A_75, %select_n3A_37, %select_n3A_51 : vector<32x128xi1>, vector<32x128xf32>
    %select_n3A_77 = arith.select %eq3A_75, %select_n3A_38, %select_n3A_58 : vector<32x128xi1>, vector<32x128xi32>
    %and3A_78 = arith.constant 1 : i32
    %and3A_79 = vector.broadcast %and3A_78 : i32 to vector<32x128xi32>
    %and3A_80 = arith.andi %add3A, %and3A_79 : vector<32x128xi32>
    %eq3A_81 = arith.constant 0 : i32
    %eq3A_82 = vector.broadcast %eq3A_81 : i32 to vector<32x128xi32>
    %eq3A_83 = arith.cmpi eq, %and3A_80, %eq3A_82 : vector<32x128xi32>
    %slice3A_84 = vector.extract_strided_slice %select_n3A_76 {offsets = [0, 1], sizes = [32, 127], strides = [1, 1]} : vector<32x128xf32> to vector<32x127xf32>
    %slice3A_85 = vector.extract_strided_slice %select_n3A_76 {offsets = [0, 0], sizes = [32, 1], strides = [1, 1]} : vector<32x128xf32> to vector<32x1xf32>
    %concatenate3A_86 = tpu.concatenate %slice3A_84, %slice3A_85 in 1 : vector<32x127xf32>, vector<32x1xf32> -> vector<32x128xf32>
    %slice3A_87 = vector.extract_strided_slice %select_n3A_76 {offsets = [0, 127], sizes = [32, 1], strides = [1, 1]} : vector<32x128xf32> to vector<32x1xf32>
    %slice3A_88 = vector.extract_strided_slice %select_n3A_76 {offsets = [0, 0], sizes = [32, 127], strides = [1, 1]} : vector<32x128xf32> to vector<32x127xf32>
    %concatenate3A_89 = tpu.concatenate %slice3A_87, %slice3A_88 in 1 : vector<32x1xf32>, vector<32x127xf32> -> vector<32x128xf32>
    %select_n3A_90 = arith.select %eq3A_83, %concatenate3A_86, %concatenate3A_89 : vector<32x128xi1>, vector<32x128xf32>
    %slice3A_91 = vector.extract_strided_slice %select_n3A_77 {offsets = [0, 1], sizes = [32, 127], strides = [1, 1]} : vector<32x128xi32> to vector<32x127xi32>
    %slice3A_92 = vector.extract_strided_slice %select_n3A_77 {offsets = [0, 0], sizes = [32, 1], strides = [1, 1]} : vector<32x128xi32> to vector<32x1xi32>
    %concatenate3A_93 = tpu.concatenate %slice3A_91, %slice3A_92 in 1 : vector<32x127xi32>, vector<32x1xi32> -> vector<32x128xi32>
    %slice3A_94 = vector.extract_strided_slice %select_n3A_77 {offsets = [0, 127], sizes = [32, 1], strides = [1, 1]} : vector<32x128xi32> to vector<32x1xi32>
    %slice3A_95 = vector.extract_strided_slice %select_n3A_77 {offsets = [0, 0], sizes = [32, 127], strides = [1, 1]} : vector<32x128xi32> to vector<32x127xi32>
    %concatenate3A_96 = tpu.concatenate %slice3A_94, %slice3A_95 in 1 : vector<32x1xi32>, vector<32x127xi32> -> vector<32x128xi32>
    %select_n3A_97 = arith.select %eq3A_83, %concatenate3A_93, %concatenate3A_96 : vector<32x128xi1>, vector<32x128xi32>
    %lt3A_98 = arith.cmpf olt, %select_n3A_76, %select_n3A_90 : vector<32x128xf32>
    %eq3A_99 = arith.cmpf oeq, %select_n3A_76, %select_n3A_90 : vector<32x128xf32>
    %lt3A_100 = arith.cmpi slt, %select_n3A_77, %select_n3A_97 : vector<32x128xi32>
    %and3A_101 = arith.andi %eq3A_99, %lt3A_100 : vector<32x128xi1>
    %or3A_102 = arith.ori %lt3A_98, %and3A_101 : vector<32x128xi1>
    %and3A_103 = arith.constant 4 : i32
    %and3A_104 = vector.broadcast %and3A_103 : i32 to vector<32x128xi32>
    %and3A_105 = arith.andi %add3A, %and3A_104 : vector<32x128xi32>
    %eq3A_106 = arith.constant 0 : i32
    %eq3A_107 = vector.broadcast %eq3A_106 : i32 to vector<32x128xi32>
    %eq3A_108 = arith.cmpi eq, %and3A_105, %eq3A_107 : vector<32x128xi32>
    %eq3A_109 = arith.xori %eq3A_83, %eq3A_108 : vector<32x128xi1>
    %eq3A_110 = arith.constant dense<true> : vector<32x128xi1>
    %eq3A_111 = arith.xori %eq3A_109, %eq3A_110 : vector<32x128xi1>
    %eq3A_112 = arith.xori %or3A_102, %eq3A_111 : vector<32x128xi1>
    %eq3A_113 = arith.constant dense<true> : vector<32x128xi1>
    %eq3A_114 = arith.xori %eq3A_112, %eq3A_113 : vector<32x128xi1>
    %select_n3A_115 = arith.select %eq3A_114, %select_n3A_76, %select_n3A_90 : vector<32x128xi1>, vector<32x128xf32>
    %select_n3A_116 = arith.select %eq3A_114, %select_n3A_77, %select_n3A_97 : vector<32x128xi1>, vector<32x128xi32>
    %and3A_117 = arith.constant 4 : i32
    %and3A_118 = vector.broadcast %and3A_117 : i32 to vector<32x128xi32>
    %and3A_119 = arith.andi %add3A, %and3A_118 : vector<32x128xi32>
    %eq3A_120 = arith.constant 0 : i32
    %eq3A_121 = vector.broadcast %eq3A_120 : i32 to vector<32x128xi32>
    %eq3A_122 = arith.cmpi eq, %and3A_119, %eq3A_121 : vector<32x128xi32>
    %slice3A_123 = vector.extract_strided_slice %select_n3A_115 {offsets = [0, 4], sizes = [32, 124], strides = [1, 1]} : vector<32x128xf32> to vector<32x124xf32>
    %slice3A_124 = vector.extract_strided_slice %select_n3A_115 {offsets = [0, 0], sizes = [32, 4], strides = [1, 1]} : vector<32x128xf32> to vector<32x4xf32>
    %concatenate3A_125 = tpu.concatenate %slice3A_123, %slice3A_124 in 1 : vector<32x124xf32>, vector<32x4xf32> -> vector<32x128xf32>
    %slice3A_126 = vector.extract_strided_slice %select_n3A_115 {offsets = [0, 124], sizes = [32, 4], strides = [1, 1]} : vector<32x128xf32> to vector<32x4xf32>
    %slice3A_127 = vector.extract_strided_slice %select_n3A_115 {offsets = [0, 0], sizes = [32, 124], strides = [1, 1]} : vector<32x128xf32> to vector<32x124xf32>
    %concatenate3A_128 = tpu.concatenate %slice3A_126, %slice3A_127 in 1 : vector<32x4xf32>, vector<32x124xf32> -> vector<32x128xf32>
    %select_n3A_129 = arith.select %eq3A_122, %concatenate3A_125, %concatenate3A_128 : vector<32x128xi1>, vector<32x128xf32>
    %slice3A_130 = vector.extract_strided_slice %select_n3A_116 {offsets = [0, 4], sizes = [32, 124], strides = [1, 1]} : vector<32x128xi32> to vector<32x124xi32>
    %slice3A_131 = vector.extract_strided_slice %select_n3A_116 {offsets = [0, 0], sizes = [32, 4], strides = [1, 1]} : vector<32x128xi32> to vector<32x4xi32>
    %concatenate3A_132 = tpu.concatenate %slice3A_130, %slice3A_131 in 1 : vector<32x124xi32>, vector<32x4xi32> -> vector<32x128xi32>
    %slice3A_133 = vector.extract_strided_slice %select_n3A_116 {offsets = [0, 124], sizes = [32, 4], strides = [1, 1]} : vector<32x128xi32> to vector<32x4xi32>
    %slice3A_134 = vector.extract_strided_slice %select_n3A_116 {offsets = [0, 0], sizes = [32, 124], strides = [1, 1]} : vector<32x128xi32> to vector<32x124xi32>
    %concatenate3A_135 = tpu.concatenate %slice3A_133, %slice3A_134 in 1 : vector<32x4xi32>, vector<32x124xi32> -> vector<32x128xi32>
    %select_n3A_136 = arith.select %eq3A_122, %concatenate3A_132, %concatenate3A_135 : vector<32x128xi1>, vector<32x128xi32>
    %lt3A_137 = arith.cmpf olt, %select_n3A_115, %select_n3A_129 : vector<32x128xf32>
    %eq3A_138 = arith.cmpf oeq, %select_n3A_115, %select_n3A_129 : vector<32x128xf32>
    %lt3A_139 = arith.cmpi slt, %select_n3A_116, %select_n3A_136 : vector<32x128xi32>
    %and3A_140 = arith.andi %eq3A_138, %lt3A_139 : vector<32x128xi1>
    %or3A_141 = arith.ori %lt3A_137, %and3A_140 : vector<32x128xi1>
    %and3A_142 = arith.constant 8 : i32
    %and3A_143 = vector.broadcast %and3A_142 : i32 to vector<32x128xi32>
    %and3A_144 = arith.andi %add3A, %and3A_143 : vector<32x128xi32>
    %eq3A_145 = arith.constant 0 : i32
    %eq3A_146 = vector.broadcast %eq3A_145 : i32 to vector<32x128xi32>
    %eq3A_147 = arith.cmpi eq, %and3A_144, %eq3A_146 : vector<32x128xi32>
    %eq3A_148 = arith.xori %eq3A_122, %eq3A_147 : vector<32x128xi1>
    %eq3A_149 = arith.constant dense<true> : vector<32x128xi1>
    %eq3A_150 = arith.xori %eq3A_148, %eq3A_149 : vector<32x128xi1>
    %eq3A_151 = arith.xori %or3A_141, %eq3A_150 : vector<32x128xi1>
    %eq3A_152 = arith.constant dense<true> : vector<32x128xi1>
    %eq3A_153 = arith.xori %eq3A_151, %eq3A_152 : vector<32x128xi1>
    %select_n3A_154 = arith.select %eq3A_153, %select_n3A_115, %select_n3A_129 : vector<32x128xi1>, vector<32x128xf32>
    %select_n3A_155 = arith.select %eq3A_153, %select_n3A_116, %select_n3A_136 : vector<32x128xi1>, vector<32x128xi32>
    %and3A_156 = arith.constant 2 : i32
    %and3A_157 = vector.broadcast %and3A_156 : i32 to vector<32x128xi32>
    %and3A_158 = arith.andi %add3A, %and3A_157 : vector<32x128xi32>
    %eq3A_159 = arith.constant 0 : i32
    %eq3A_160 = vector.broadcast %eq3A_159 : i32 to vector<32x128xi32>
    %eq3A_161 = arith.cmpi eq, %and3A_158, %eq3A_160 : vector<32x128xi32>
    %slice3A_162 = vector.extract_strided_slice %select_n3A_154 {offsets = [0, 2], sizes = [32, 126], strides = [1, 1]} : vector<32x128xf32> to vector<32x126xf32>
    %slice3A_163 = vector.extract_strided_slice %select_n3A_154 {offsets = [0, 0], sizes = [32, 2], strides = [1, 1]} : vector<32x128xf32> to vector<32x2xf32>
    %concatenate3A_164 = tpu.concatenate %slice3A_162, %slice3A_163 in 1 : vector<32x126xf32>, vector<32x2xf32> -> vector<32x128xf32>
    %slice3A_165 = vector.extract_strided_slice %select_n3A_154 {offsets = [0, 126], sizes = [32, 2], strides = [1, 1]} : vector<32x128xf32> to vector<32x2xf32>
    %slice3A_166 = vector.extract_strided_slice %select_n3A_154 {offsets = [0, 0], sizes = [32, 126], strides = [1, 1]} : vector<32x128xf32> to vector<32x126xf32>
    %concatenate3A_167 = tpu.concatenate %slice3A_165, %slice3A_166 in 1 : vector<32x2xf32>, vector<32x126xf32> -> vector<32x128xf32>
    %select_n3A_168 = arith.select %eq3A_161, %concatenate3A_164, %concatenate3A_167 : vector<32x128xi1>, vector<32x128xf32>
    %slice3A_169 = vector.extract_strided_slice %select_n3A_155 {offsets = [0, 2], sizes = [32, 126], strides = [1, 1]} : vector<32x128xi32> to vector<32x126xi32>
    %slice3A_170 = vector.extract_strided_slice %select_n3A_155 {offsets = [0, 0], sizes = [32, 2], strides = [1, 1]} : vector<32x128xi32> to vector<32x2xi32>
    %concatenate3A_171 = tpu.concatenate %slice3A_169, %slice3A_170 in 1 : vector<32x126xi32>, vector<32x2xi32> -> vector<32x128xi32>
    %slice3A_172 = vector.extract_strided_slice %select_n3A_155 {offsets = [0, 126], sizes = [32, 2], strides = [1, 1]} : vector<32x128xi32> to vector<32x2xi32>
    %slice3A_173 = vector.extract_strided_slice %select_n3A_155 {offsets = [0, 0], sizes = [32, 126], strides = [1, 1]} : vector<32x128xi32> to vector<32x126xi32>
    %concatenate3A_174 = tpu.concatenate %slice3A_172, %slice3A_173 in 1 : vector<32x2xi32>, vector<32x126xi32> -> vector<32x128xi32>
    %select_n3A_175 = arith.select %eq3A_161, %concatenate3A_171, %concatenate3A_174 : vector<32x128xi1>, vector<32x128xi32>
    %lt3A_176 = arith.cmpf olt, %select_n3A_154, %select_n3A_168 : vector<32x128xf32>
    %eq3A_177 = arith.cmpf oeq, %select_n3A_154, %select_n3A_168 : vector<32x128xf32>
    %lt3A_178 = arith.cmpi slt, %select_n3A_155, %select_n3A_175 : vector<32x128xi32>
    %and3A_179 = arith.andi %eq3A_177, %lt3A_178 : vector<32x128xi1>
    %or3A_180 = arith.ori %lt3A_176, %and3A_179 : vector<32x128xi1>
    %and3A_181 = arith.constant 8 : i32
    %and3A_182 = vector.broadcast %and3A_181 : i32 to vector<32x128xi32>
    %and3A_183 = arith.andi %add3A, %and3A_182 : vector<32x128xi32>
    %eq3A_184 = arith.constant 0 : i32
    %eq3A_185 = vector.broadcast %eq3A_184 : i32 to vector<32x128xi32>
    %eq3A_186 = arith.cmpi eq, %and3A_183, %eq3A_185 : vector<32x128xi32>
    %eq3A_187 = arith.xori %eq3A_161, %eq3A_186 : vector<32x128xi1>
    %eq3A_188 = arith.constant dense<true> : vector<32x128xi1>
    %eq3A_189 = arith.xori %eq3A_187, %eq3A_188 : vector<32x128xi1>
    %eq3A_190 = arith.xori %or3A_180, %eq3A_189 : vector<32x128xi1>
    %eq3A_191 = arith.constant dense<true> : vector<32x128xi1>
    %eq3A_192 = arith.xori %eq3A_190, %eq3A_191 : vector<32x128xi1>
    %select_n3A_193 = arith.select %eq3A_192, %select_n3A_154, %select_n3A_168 : vector<32x128xi1>, vector<32x128xf32>
    %select_n3A_194 = arith.select %eq3A_192, %select_n3A_155, %select_n3A_175 : vector<32x128xi1>, vector<32x128xi32>
    %and3A_195 = arith.constant 1 : i32
    %and3A_196 = vector.broadcast %and3A_195 : i32 to vector<32x128xi32>
    %and3A_197 = arith.andi %add3A, %and3A_196 : vector<32x128xi32>
    %eq3A_198 = arith.constant 0 : i32
    %eq3A_199 = vector.broadcast %eq3A_198 : i32 to vector<32x128xi32>
    %eq3A_200 = arith.cmpi eq, %and3A_197, %eq3A_199 : vector<32x128xi32>
    %slice3A_201 = vector.extract_strided_slice %select_n3A_193 {offsets = [0, 1], sizes = [32, 127], strides = [1, 1]} : vector<32x128xf32> to vector<32x127xf32>
    %slice3A_202 = vector.extract_strided_slice %select_n3A_193 {offsets = [0, 0], sizes = [32, 1], strides = [1, 1]} : vector<32x128xf32> to vector<32x1xf32>
    %concatenate3A_203 = tpu.concatenate %slice3A_201, %slice3A_202 in 1 : vector<32x127xf32>, vector<32x1xf32> -> vector<32x128xf32>
    %slice3A_204 = vector.extract_strided_slice %select_n3A_193 {offsets = [0, 127], sizes = [32, 1], strides = [1, 1]} : vector<32x128xf32> to vector<32x1xf32>
    %slice3A_205 = vector.extract_strided_slice %select_n3A_193 {offsets = [0, 0], sizes = [32, 127], strides = [1, 1]} : vector<32x128xf32> to vector<32x127xf32>
    %concatenate3A_206 = tpu.concatenate %slice3A_204, %slice3A_205 in 1 : vector<32x1xf32>, vector<32x127xf32> -> vector<32x128xf32>
    %select_n3A_207 = arith.select %eq3A_200, %concatenate3A_203, %concatenate3A_206 : vector<32x128xi1>, vector<32x128xf32>
    %slice3A_208 = vector.extract_strided_slice %select_n3A_194 {offsets = [0, 1], sizes = [32, 127], strides = [1, 1]} : vector<32x128xi32> to vector<32x127xi32>
    %slice3A_209 = vector.extract_strided_slice %select_n3A_194 {offsets = [0, 0], sizes = [32, 1], strides = [1, 1]} : vector<32x128xi32> to vector<32x1xi32>
    %concatenate3A_210 = tpu.concatenate %slice3A_208, %slice3A_209 in 1 : vector<32x127xi32>, vector<32x1xi32> -> vector<32x128xi32>
    %slice3A_211 = vector.extract_strided_slice %select_n3A_194 {offsets = [0, 127], sizes = [32, 1], strides = [1, 1]} : vector<32x128xi32> to vector<32x1xi32>
    %slice3A_212 = vector.extract_strided_slice %select_n3A_194 {offsets = [0, 0], sizes = [32, 127], strides = [1, 1]} : vector<32x128xi32> to vector<32x127xi32>
    %concatenate3A_213 = tpu.concatenate %slice3A_211, %slice3A_212 in 1 : vector<32x1xi32>, vector<32x127xi32> -> vector<32x128xi32>
    %select_n3A_214 = arith.select %eq3A_200, %concatenate3A_210, %concatenate3A_213 : vector<32x128xi1>, vector<32x128xi32>
    %lt3A_215 = arith.cmpf olt, %select_n3A_193, %select_n3A_207 : vector<32x128xf32>
    %eq3A_216 = arith.cmpf oeq, %select_n3A_193, %select_n3A_207 : vector<32x128xf32>
    %lt3A_217 = arith.cmpi slt, %select_n3A_194, %select_n3A_214 : vector<32x128xi32>
    %and3A_218 = arith.andi %eq3A_216, %lt3A_217 : vector<32x128xi1>
    %or3A_219 = arith.ori %lt3A_215, %and3A_218 : vector<32x128xi1>
    %and3A_220 = arith.constant 8 : i32
    %and3A_221 = vector.broadcast %and3A_220 : i32 to vector<32x128xi32>
    %and3A_222 = arith.andi %add3A, %and3A_221 : vector<32x128xi32>
    %eq3A_223 = arith.constant 0 : i32
    %eq3A_224 = vector.broadcast %eq3A_223 : i32 to vector<32x128xi32>
    %eq3A_225 = arith.cmpi eq, %and3A_222, %eq3A_224 : vector<32x128xi32>
    %eq3A_226 = arith.xori %eq3A_200, %eq3A_225 : vector<32x128xi1>
    %eq3A_227 = arith.constant dense<true> : vector<32x128xi1>
    %eq3A_228 = arith.xori %eq3A_226, %eq3A_227 : vector<32x128xi1>
    %eq3A_229 = arith.xori %or3A_219, %eq3A_228 : vector<32x128xi1>
    %eq3A_230 = arith.constant dense<true> : vector<32x128xi1>
    %eq3A_231 = arith.xori %eq3A_229, %eq3A_230 : vector<32x128xi1>
    %select_n3A_232 = arith.select %eq3A_231, %select_n3A_193, %select_n3A_207 : vector<32x128xi1>, vector<32x128xf32>
    %select_n3A_233 = arith.select %eq3A_231, %select_n3A_194, %select_n3A_214 : vector<32x128xi1>, vector<32x128xi32>
    %and3A_234 = arith.constant 8 : i32
    %and3A_235 = vector.broadcast %and3A_234 : i32 to vector<32x128xi32>
    %and3A_236 = arith.andi %add3A, %and3A_235 : vector<32x128xi32>
    %eq3A_237 = arith.constant 0 : i32
    %eq3A_238 = vector.broadcast %eq3A_237 : i32 to vector<32x128xi32>
    %eq3A_239 = arith.cmpi eq, %and3A_236, %eq3A_238 : vector<32x128xi32>
    %slice3A_240 = vector.extract_strided_slice %select_n3A_232 {offsets = [0, 8], sizes = [32, 120], strides = [1, 1]} : vector<32x128xf32> to vector<32x120xf32>
    %slice3A_241 = vector.extract_strided_slice %select_n3A_232 {offsets = [0, 0], sizes = [32, 8], strides = [1, 1]} : vector<32x128xf32> to vector<32x8xf32>
    %concatenate3A_242 = tpu.concatenate %slice3A_240, %slice3A_241 in 1 : vector<32x120xf32>, vector<32x8xf32> -> vector<32x128xf32>
    %slice3A_243 = vector.extract_strided_slice %select_n3A_232 {offsets = [0, 120], sizes = [32, 8], strides = [1, 1]} : vector<32x128xf32> to vector<32x8xf32>
    %slice3A_244 = vector.extract_strided_slice %select_n3A_232 {offsets = [0, 0], sizes = [32, 120], strides = [1, 1]} : vector<32x128xf32> to vector<32x120xf32>
    %concatenate3A_245 = tpu.concatenate %slice3A_243, %slice3A_244 in 1 : vector<32x8xf32>, vector<32x120xf32> -> vector<32x128xf32>
    %select_n3A_246 = arith.select %eq3A_239, %concatenate3A_242, %concatenate3A_245 : vector<32x128xi1>, vector<32x128xf32>
    %slice3A_247 = vector.extract_strided_slice %select_n3A_233 {offsets = [0, 8], sizes = [32, 120], strides = [1, 1]} : vector<32x128xi32> to vector<32x120xi32>
    %slice3A_248 = vector.extract_strided_slice %select_n3A_233 {offsets = [0, 0], sizes = [32, 8], strides = [1, 1]} : vector<32x128xi32> to vector<32x8xi32>
    %concatenate3A_249 = tpu.concatenate %slice3A_247, %slice3A_248 in 1 : vector<32x120xi32>, vector<32x8xi32> -> vector<32x128xi32>
    %slice3A_250 = vector.extract_strided_slice %select_n3A_233 {offsets = [0, 120], sizes = [32, 8], strides = [1, 1]} : vector<32x128xi32> to vector<32x8xi32>
    %slice3A_251 = vector.extract_strided_slice %select_n3A_233 {offsets = [0, 0], sizes = [32, 120], strides = [1, 1]} : vector<32x128xi32> to vector<32x120xi32>
    %concatenate3A_252 = tpu.concatenate %slice3A_250, %slice3A_251 in 1 : vector<32x8xi32>, vector<32x120xi32> -> vector<32x128xi32>
    %select_n3A_253 = arith.select %eq3A_239, %concatenate3A_249, %concatenate3A_252 : vector<32x128xi1>, vector<32x128xi32>
    %lt3A_254 = arith.cmpf olt, %select_n3A_232, %select_n3A_246 : vector<32x128xf32>
    %eq3A_255 = arith.cmpf oeq, %select_n3A_232, %select_n3A_246 : vector<32x128xf32>
    %lt3A_256 = arith.cmpi slt, %select_n3A_233, %select_n3A_253 : vector<32x128xi32>
    %and3A_257 = arith.andi %eq3A_255, %lt3A_256 : vector<32x128xi1>
    %or3A_258 = arith.ori %lt3A_254, %and3A_257 : vector<32x128xi1>
    %and3A_259 = arith.constant 16 : i32
    %and3A_260 = vector.broadcast %and3A_259 : i32 to vector<32x128xi32>
    %and3A_261 = arith.andi %add3A, %and3A_260 : vector<32x128xi32>
    %eq3A_262 = arith.constant 0 : i32
    %eq3A_263 = vector.broadcast %eq3A_262 : i32 to vector<32x128xi32>
    %eq3A_264 = arith.cmpi eq, %and3A_261, %eq3A_263 : vector<32x128xi32>
    %eq3A_265 = arith.xori %eq3A_239, %eq3A_264 : vector<32x128xi1>
    %eq3A_266 = arith.constant dense<true> : vector<32x128xi1>
    %eq3A_267 = arith.xori %eq3A_265, %eq3A_266 : vector<32x128xi1>
    %eq3A_268 = arith.xori %or3A_258, %eq3A_267 : vector<32x128xi1>
    %eq3A_269 = arith.constant dense<true> : vector<32x128xi1>
    %eq3A_270 = arith.xori %eq3A_268, %eq3A_269 : vector<32x128xi1>
    %select_n3A_271 = arith.select %eq3A_270, %select_n3A_232, %select_n3A_246 : vector<32x128xi1>, vector<32x128xf32>
    %select_n3A_272 = arith.select %eq3A_270, %select_n3A_233, %select_n3A_253 : vector<32x128xi1>, vector<32x128xi32>
    %and3A_273 = arith.constant 4 : i32
    %and3A_274 = vector.broadcast %and3A_273 : i32 to vector<32x128xi32>
    %and3A_275 = arith.andi %add3A, %and3A_274 : vector<32x128xi32>
    %eq3A_276 = arith.constant 0 : i32
    %eq3A_277 = vector.broadcast %eq3A_276 : i32 to vector<32x128xi32>
    %eq3A_278 = arith.cmpi eq, %and3A_275, %eq3A_277 : vector<32x128xi32>
    %slice3A_279 = vector.extract_strided_slice %select_n3A_271 {offsets = [0, 4], sizes = [32, 124], strides = [1, 1]} : vector<32x128xf32> to vector<32x124xf32>
    %slice3A_280 = vector.extract_strided_slice %select_n3A_271 {offsets = [0, 0], sizes = [32, 4], strides = [1, 1]} : vector<32x128xf32> to vector<32x4xf32>
    %concatenate3A_281 = tpu.concatenate %slice3A_279, %slice3A_280 in 1 : vector<32x124xf32>, vector<32x4xf32> -> vector<32x128xf32>
    %slice3A_282 = vector.extract_strided_slice %select_n3A_271 {offsets = [0, 124], sizes = [32, 4], strides = [1, 1]} : vector<32x128xf32> to vector<32x4xf32>
    %slice3A_283 = vector.extract_strided_slice %select_n3A_271 {offsets = [0, 0], sizes = [32, 124], strides = [1, 1]} : vector<32x128xf32> to vector<32x124xf32>
    %concatenate3A_284 = tpu.concatenate %slice3A_282, %slice3A_283 in 1 : vector<32x4xf32>, vector<32x124xf32> -> vector<32x128xf32>
    %select_n3A_285 = arith.select %eq3A_278, %concatenate3A_281, %concatenate3A_284 : vector<32x128xi1>, vector<32x128xf32>
    %slice3A_286 = vector.extract_strided_slice %select_n3A_272 {offsets = [0, 4], sizes = [32, 124], strides = [1, 1]} : vector<32x128xi32> to vector<32x124xi32>
    %slice3A_287 = vector.extract_strided_slice %select_n3A_272 {offsets = [0, 0], sizes = [32, 4], strides = [1, 1]} : vector<32x128xi32> to vector<32x4xi32>
    %concatenate3A_288 = tpu.concatenate %slice3A_286, %slice3A_287 in 1 : vector<32x124xi32>, vector<32x4xi32> -> vector<32x128xi32>
    %slice3A_289 = vector.extract_strided_slice %select_n3A_272 {offsets = [0, 124], sizes = [32, 4], strides = [1, 1]} : vector<32x128xi32> to vector<32x4xi32>
    %slice3A_290 = vector.extract_strided_slice %select_n3A_272 {offsets = [0, 0], sizes = [32, 124], strides = [1, 1]} : vector<32x128xi32> to vector<32x124xi32>
    %concatenate3A_291 = tpu.concatenate %slice3A_289, %slice3A_290 in 1 : vector<32x4xi32>, vector<32x124xi32> -> vector<32x128xi32>
    %select_n3A_292 = arith.select %eq3A_278, %concatenate3A_288, %concatenate3A_291 : vector<32x128xi1>, vector<32x128xi32>
    %lt3A_293 = arith.cmpf olt, %select_n3A_271, %select_n3A_285 : vector<32x128xf32>
    %eq3A_294 = arith.cmpf oeq, %select_n3A_271, %select_n3A_285 : vector<32x128xf32>
    %lt3A_295 = arith.cmpi slt, %select_n3A_272, %select_n3A_292 : vector<32x128xi32>
    %and3A_296 = arith.andi %eq3A_294, %lt3A_295 : vector<32x128xi1>
    %or3A_297 = arith.ori %lt3A_293, %and3A_296 : vector<32x128xi1>
    %and3A_298 = arith.constant 16 : i32
    %and3A_299 = vector.broadcast %and3A_298 : i32 to vector<32x128xi32>
    %and3A_300 = arith.andi %add3A, %and3A_299 : vector<32x128xi32>
    %eq3A_301 = arith.constant 0 : i32
    %eq3A_302 = vector.broadcast %eq3A_301 : i32 to vector<32x128xi32>
    %eq3A_303 = arith.cmpi eq, %and3A_300, %eq3A_302 : vector<32x128xi32>
    %eq3A_304 = arith.xori %eq3A_278, %eq3A_303 : vector<32x128xi1>
    %eq3A_305 = arith.constant dense<true> : vector<32x128xi1>
    %eq3A_306 = arith.xori %eq3A_304, %eq3A_305 : vector<32x128xi1>
    %eq3A_307 = arith.xori %or3A_297, %eq3A_306 : vector<32x128xi1>
    %eq3A_308 = arith.constant dense<true> : vector<32x128xi1>
    %eq3A_309 = arith.xori %eq3A_307, %eq3A_308 : vector<32x128xi1>
    %select_n3A_310 = arith.select %eq3A_309, %select_n3A_271, %select_n3A_285 : vector<32x128xi1>, vector<32x128xf32>
    %select_n3A_311 = arith.select %eq3A_309, %select_n3A_272, %select_n3A_292 : vector<32x128xi1>, vector<32x128xi32>
    %and3A_312 = arith.constant 2 : i32
    %and3A_313 = vector.broadcast %and3A_312 : i32 to vector<32x128xi32>
    %and3A_314 = arith.andi %add3A, %and3A_313 : vector<32x128xi32>
    %eq3A_315 = arith.constant 0 : i32
    %eq3A_316 = vector.broadcast %eq3A_315 : i32 to vector<32x128xi32>
    %eq3A_317 = arith.cmpi eq, %and3A_314, %eq3A_316 : vector<32x128xi32>
    %slice3A_318 = vector.extract_strided_slice %select_n3A_310 {offsets = [0, 2], sizes = [32, 126], strides = [1, 1]} : vector<32x128xf32> to vector<32x126xf32>
    %slice3A_319 = vector.extract_strided_slice %select_n3A_310 {offsets = [0, 0], sizes = [32, 2], strides = [1, 1]} : vector<32x128xf32> to vector<32x2xf32>
    %concatenate3A_320 = tpu.concatenate %slice3A_318, %slice3A_319 in 1 : vector<32x126xf32>, vector<32x2xf32> -> vector<32x128xf32>
    %slice3A_321 = vector.extract_strided_slice %select_n3A_310 {offsets = [0, 126], sizes = [32, 2], strides = [1, 1]} : vector<32x128xf32> to vector<32x2xf32>
    %slice3A_322 = vector.extract_strided_slice %select_n3A_310 {offsets = [0, 0], sizes = [32, 126], strides = [1, 1]} : vector<32x128xf32> to vector<32x126xf32>
    %concatenate3A_323 = tpu.concatenate %slice3A_321, %slice3A_322 in 1 : vector<32x2xf32>, vector<32x126xf32> -> vector<32x128xf32>
    %select_n3A_324 = arith.select %eq3A_317, %concatenate3A_320, %concatenate3A_323 : vector<32x128xi1>, vector<32x128xf32>
    %slice3A_325 = vector.extract_strided_slice %select_n3A_311 {offsets = [0, 2], sizes = [32, 126], strides = [1, 1]} : vector<32x128xi32> to vector<32x126xi32>
    %slice3A_326 = vector.extract_strided_slice %select_n3A_311 {offsets = [0, 0], sizes = [32, 2], strides = [1, 1]} : vector<32x128xi32> to vector<32x2xi32>
    %concatenate3A_327 = tpu.concatenate %slice3A_325, %slice3A_326 in 1 : vector<32x126xi32>, vector<32x2xi32> -> vector<32x128xi32>
    %slice3A_328 = vector.extract_strided_slice %select_n3A_311 {offsets = [0, 126], sizes = [32, 2], strides = [1, 1]} : vector<32x128xi32> to vector<32x2xi32>
    %slice3A_329 = vector.extract_strided_slice %select_n3A_311 {offsets = [0, 0], sizes = [32, 126], strides = [1, 1]} : vector<32x128xi32> to vector<32x126xi32>
    %concatenate3A_330 = tpu.concatenate %slice3A_328, %slice3A_329 in 1 : vector<32x2xi32>, vector<32x126xi32> -> vector<32x128xi32>
    %select_n3A_331 = arith.select %eq3A_317, %concatenate3A_327, %concatenate3A_330 : vector<32x128xi1>, vector<32x128xi32>
    %lt3A_332 = arith.cmpf olt, %select_n3A_310, %select_n3A_324 : vector<32x128xf32>
    %eq3A_333 = arith.cmpf oeq, %select_n3A_310, %select_n3A_324 : vector<32x128xf32>
    %lt3A_334 = arith.cmpi slt, %select_n3A_311, %select_n3A_331 : vector<32x128xi32>
    %and3A_335 = arith.andi %eq3A_333, %lt3A_334 : vector<32x128xi1>
    %or3A_336 = arith.ori %lt3A_332, %and3A_335 : vector<32x128xi1>
    %and3A_337 = arith.constant 16 : i32
    %and3A_338 = vector.broadcast %and3A_337 : i32 to vector<32x128xi32>
    %and3A_339 = arith.andi %add3A, %and3A_338 : vector<32x128xi32>
    %eq3A_340 = arith.constant 0 : i32
    %eq3A_341 = vector.broadcast %eq3A_340 : i32 to vector<32x128xi32>
    %eq3A_342 = arith.cmpi eq, %and3A_339, %eq3A_341 : vector<32x128xi32>
    %eq3A_343 = arith.xori %eq3A_317, %eq3A_342 : vector<32x128xi1>
    %eq3A_344 = arith.constant dense<true> : vector<32x128xi1>
    %eq3A_345 = arith.xori %eq3A_343, %eq3A_344 : vector<32x128xi1>
    %eq3A_346 = arith.xori %or3A_336, %eq3A_345 : vector<32x128xi1>
    %eq3A_347 = arith.constant dense<true> : vector<32x128xi1>
    %eq3A_348 = arith.xori %eq3A_346, %eq3A_347 : vector<32x128xi1>
    %select_n3A_349 = arith.select %eq3A_348, %select_n3A_310, %select_n3A_324 : vector<32x128xi1>, vector<32x128xf32>
    %select_n3A_350 = arith.select %eq3A_348, %select_n3A_311, %select_n3A_331 : vector<32x128xi1>, vector<32x128xi32>
    %and3A_351 = arith.constant 1 : i32
    %and3A_352 = vector.broadcast %and3A_351 : i32 to vector<32x128xi32>
    %and3A_353 = arith.andi %add3A, %and3A_352 : vector<32x128xi32>
    %eq3A_354 = arith.constant 0 : i32
    %eq3A_355 = vector.broadcast %eq3A_354 : i32 to vector<32x128xi32>
    %eq3A_356 = arith.cmpi eq, %and3A_353, %eq3A_355 : vector<32x128xi32>
    %slice3A_357 = vector.extract_strided_slice %select_n3A_349 {offsets = [0, 1], sizes = [32, 127], strides = [1, 1]} : vector<32x128xf32> to vector<32x127xf32>
    %slice3A_358 = vector.extract_strided_slice %select_n3A_349 {offsets = [0, 0], sizes = [32, 1], strides = [1, 1]} : vector<32x128xf32> to vector<32x1xf32>
    %concatenate3A_359 = tpu.concatenate %slice3A_357, %slice3A_358 in 1 : vector<32x127xf32>, vector<32x1xf32> -> vector<32x128xf32>
    %slice3A_360 = vector.extract_strided_slice %select_n3A_349 {offsets = [0, 127], sizes = [32, 1], strides = [1, 1]} : vector<32x128xf32> to vector<32x1xf32>
    %slice3A_361 = vector.extract_strided_slice %select_n3A_349 {offsets = [0, 0], sizes = [32, 127], strides = [1, 1]} : vector<32x128xf32> to vector<32x127xf32>
    %concatenate3A_362 = tpu.concatenate %slice3A_360, %slice3A_361 in 1 : vector<32x1xf32>, vector<32x127xf32> -> vector<32x128xf32>
    %select_n3A_363 = arith.select %eq3A_356, %concatenate3A_359, %concatenate3A_362 : vector<32x128xi1>, vector<32x128xf32>
    %slice3A_364 = vector.extract_strided_slice %select_n3A_350 {offsets = [0, 1], sizes = [32, 127], strides = [1, 1]} : vector<32x128xi32> to vector<32x127xi32>
    %slice3A_365 = vector.extract_strided_slice %select_n3A_350 {offsets = [0, 0], sizes = [32, 1], strides = [1, 1]} : vector<32x128xi32> to vector<32x1xi32>
    %concatenate3A_366 = tpu.concatenate %slice3A_364, %slice3A_365 in 1 : vector<32x127xi32>, vector<32x1xi32> -> vector<32x128xi32>
    %slice3A_367 = vector.extract_strided_slice %select_n3A_350 {offsets = [0, 127], sizes = [32, 1], strides = [1, 1]} : vector<32x128xi32> to vector<32x1xi32>
    %slice3A_368 = vector.extract_strided_slice %select_n3A_350 {offsets = [0, 0], sizes = [32, 127], strides = [1, 1]} : vector<32x128xi32> to vector<32x127xi32>
    %concatenate3A_369 = tpu.concatenate %slice3A_367, %slice3A_368 in 1 : vector<32x1xi32>, vector<32x127xi32> -> vector<32x128xi32>
    %select_n3A_370 = arith.select %eq3A_356, %concatenate3A_366, %concatenate3A_369 : vector<32x128xi1>, vector<32x128xi32>
    %lt3A_371 = arith.cmpf olt, %select_n3A_349, %select_n3A_363 : vector<32x128xf32>
    %eq3A_372 = arith.cmpf oeq, %select_n3A_349, %select_n3A_363 : vector<32x128xf32>
    %lt3A_373 = arith.cmpi slt, %select_n3A_350, %select_n3A_370 : vector<32x128xi32>
    %and3A_374 = arith.andi %eq3A_372, %lt3A_373 : vector<32x128xi1>
    %or3A_375 = arith.ori %lt3A_371, %and3A_374 : vector<32x128xi1>
    %and3A_376 = arith.constant 16 : i32
    %and3A_377 = vector.broadcast %and3A_376 : i32 to vector<32x128xi32>
    %and3A_378 = arith.andi %add3A, %and3A_377 : vector<32x128xi32>
    %eq3A_379 = arith.constant 0 : i32
    %eq3A_380 = vector.broadcast %eq3A_379 : i32 to vector<32x128xi32>
    %eq3A_381 = arith.cmpi eq, %and3A_378, %eq3A_380 : vector<32x128xi32>
    %eq3A_382 = arith.xori %eq3A_356, %eq3A_381 : vector<32x128xi1>
    %eq3A_383 = arith.constant dense<true> : vector<32x128xi1>
    %eq3A_384 = arith.xori %eq3A_382, %eq3A_383 : vector<32x128xi1>
    %eq3A_385 = arith.xori %or3A_375, %eq3A_384 : vector<32x128xi1>
    %eq3A_386 = arith.constant dense<true> : vector<32x128xi1>
    %eq3A_387 = arith.xori %eq3A_385, %eq3A_386 : vector<32x128xi1>
    %select_n3A_388 = arith.select %eq3A_387, %select_n3A_349, %select_n3A_363 : vector<32x128xi1>, vector<32x128xf32>
    %select_n3A_389 = arith.select %eq3A_387, %select_n3A_350, %select_n3A_370 : vector<32x128xi1>, vector<32x128xi32>
    %and3A_390 = arith.constant 16 : i32
    %and3A_391 = vector.broadcast %and3A_390 : i32 to vector<32x128xi32>
    %and3A_392 = arith.andi %add3A, %and3A_391 : vector<32x128xi32>
    %eq3A_393 = arith.constant 0 : i32
    %eq3A_394 = vector.broadcast %eq3A_393 : i32 to vector<32x128xi32>
    %eq3A_395 = arith.cmpi eq, %and3A_392, %eq3A_394 : vector<32x128xi32>
    %slice3A_396 = vector.extract_strided_slice %select_n3A_388 {offsets = [0, 16], sizes = [32, 112], strides = [1, 1]} : vector<32x128xf32> to vector<32x112xf32>
    %slice3A_397 = vector.extract_strided_slice %select_n3A_388 {offsets = [0, 0], sizes = [32, 16], strides = [1, 1]} : vector<32x128xf32> to vector<32x16xf32>
    %concatenate3A_398 = tpu.concatenate %slice3A_396, %slice3A_397 in 1 : vector<32x112xf32>, vector<32x16xf32> -> vector<32x128xf32>
    %slice3A_399 = vector.extract_strided_slice %select_n3A_388 {offsets = [0, 112], sizes = [32, 16], strides = [1, 1]} : vector<32x128xf32> to vector<32x16xf32>
    %slice3A_400 = vector.extract_strided_slice %select_n3A_388 {offsets = [0, 0], sizes = [32, 112], strides = [1, 1]} : vector<32x128xf32> to vector<32x112xf32>
    %concatenate3A_401 = tpu.concatenate %slice3A_399, %slice3A_400 in 1 : vector<32x16xf32>, vector<32x112xf32> -> vector<32x128xf32>
    %select_n3A_402 = arith.select %eq3A_395, %concatenate3A_398, %concatenate3A_401 : vector<32x128xi1>, vector<32x128xf32>
    %slice3A_403 = vector.extract_strided_slice %select_n3A_389 {offsets = [0, 16], sizes = [32, 112], strides = [1, 1]} : vector<32x128xi32> to vector<32x112xi32>
    %slice3A_404 = vector.extract_strided_slice %select_n3A_389 {offsets = [0, 0], sizes = [32, 16], strides = [1, 1]} : vector<32x128xi32> to vector<32x16xi32>
    %concatenate3A_405 = tpu.concatenate %slice3A_403, %slice3A_404 in 1 : vector<32x112xi32>, vector<32x16xi32> -> vector<32x128xi32>
    %slice3A_406 = vector.extract_strided_slice %select_n3A_389 {offsets = [0, 112], sizes = [32, 16], strides = [1, 1]} : vector<32x128xi32> to vector<32x16xi32>
    %slice3A_407 = vector.extract_strided_slice %select_n3A_389 {offsets = [0, 0], sizes = [32, 112], strides = [1, 1]} : vector<32x128xi32> to vector<32x112xi32>
    %concatenate3A_408 = tpu.concatenate %slice3A_406, %slice3A_407 in 1 : vector<32x16xi32>, vector<32x112xi32> -> vector<32x128xi32>
    %select_n3A_409 = arith.select %eq3A_395, %concatenate3A_405, %concatenate3A_408 : vector<32x128xi1>, vector<32x128xi32>
    %lt3A_410 = arith.cmpf olt, %select_n3A_388, %select_n3A_402 : vector<32x128xf32>
    %eq3A_411 = arith.cmpf oeq, %select_n3A_388, %select_n3A_402 : vector<32x128xf32>
    %lt3A_412 = arith.cmpi slt, %select_n3A_389, %select_n3A_409 : vector<32x128xi32>
    %and3A_413 = arith.andi %eq3A_411, %lt3A_412 : vector<32x128xi1>
    %or3A_414 = arith.ori %lt3A_410, %and3A_413 : vector<32x128xi1>
    %and3A_415 = arith.constant 32 : i32
    %and3A_416 = vector.broadcast %and3A_415 : i32 to vector<32x128xi32>
    %and3A_417 = arith.andi %add3A, %and3A_416 : vector<32x128xi32>
    %eq3A_418 = arith.constant 0 : i32
    %eq3A_419 = vector.broadcast %eq3A_418 : i32 to vector<32x128xi32>
    %eq3A_420 = arith.cmpi eq, %and3A_417, %eq3A_419 : vector<32x128xi32>
    %eq3A_421 = arith.xori %eq3A_395, %eq3A_420 : vector<32x128xi1>
    %eq3A_422 = arith.constant dense<true> : vector<32x128xi1>
    %eq3A_423 = arith.xori %eq3A_421, %eq3A_422 : vector<32x128xi1>
    %eq3A_424 = arith.xori %or3A_414, %eq3A_423 : vector<32x128xi1>
    %eq3A_425 = arith.constant dense<true> : vector<32x128xi1>
    %eq3A_426 = arith.xori %eq3A_424, %eq3A_425 : vector<32x128xi1>
    %select_n3A_427 = arith.select %eq3A_426, %select_n3A_388, %select_n3A_402 : vector<32x128xi1>, vector<32x128xf32>
    %select_n3A_428 = arith.select %eq3A_426, %select_n3A_389, %select_n3A_409 : vector<32x128xi1>, vector<32x128xi32>
    %and3A_429 = arith.constant 8 : i32
    %and3A_430 = vector.broadcast %and3A_429 : i32 to vector<32x128xi32>
    %and3A_431 = arith.andi %add3A, %and3A_430 : vector<32x128xi32>
    %eq3A_432 = arith.constant 0 : i32
    %eq3A_433 = vector.broadcast %eq3A_432 : i32 to vector<32x128xi32>
    %eq3A_434 = arith.cmpi eq, %and3A_431, %eq3A_433 : vector<32x128xi32>
    %slice3A_435 = vector.extract_strided_slice %select_n3A_427 {offsets = [0, 8], sizes = [32, 120], strides = [1, 1]} : vector<32x128xf32> to vector<32x120xf32>
    %slice3A_436 = vector.extract_strided_slice %select_n3A_427 {offsets = [0, 0], sizes = [32, 8], strides = [1, 1]} : vector<32x128xf32> to vector<32x8xf32>
    %concatenate3A_437 = tpu.concatenate %slice3A_435, %slice3A_436 in 1 : vector<32x120xf32>, vector<32x8xf32> -> vector<32x128xf32>
    %slice3A_438 = vector.extract_strided_slice %select_n3A_427 {offsets = [0, 120], sizes = [32, 8], strides = [1, 1]} : vector<32x128xf32> to vector<32x8xf32>
    %slice3A_439 = vector.extract_strided_slice %select_n3A_427 {offsets = [0, 0], sizes = [32, 120], strides = [1, 1]} : vector<32x128xf32> to vector<32x120xf32>
    %concatenate3A_440 = tpu.concatenate %slice3A_438, %slice3A_439 in 1 : vector<32x8xf32>, vector<32x120xf32> -> vector<32x128xf32>
    %select_n3A_441 = arith.select %eq3A_434, %concatenate3A_437, %concatenate3A_440 : vector<32x128xi1>, vector<32x128xf32>
    %slice3A_442 = vector.extract_strided_slice %select_n3A_428 {offsets = [0, 8], sizes = [32, 120], strides = [1, 1]} : vector<32x128xi32> to vector<32x120xi32>
    %slice3A_443 = vector.extract_strided_slice %select_n3A_428 {offsets = [0, 0], sizes = [32, 8], strides = [1, 1]} : vector<32x128xi32> to vector<32x8xi32>
    %concatenate3A_444 = tpu.concatenate %slice3A_442, %slice3A_443 in 1 : vector<32x120xi32>, vector<32x8xi32> -> vector<32x128xi32>
    %slice3A_445 = vector.extract_strided_slice %select_n3A_428 {offsets = [0, 120], sizes = [32, 8], strides = [1, 1]} : vector<32x128xi32> to vector<32x8xi32>
    %slice3A_446 = vector.extract_strided_slice %select_n3A_428 {offsets = [0, 0], sizes = [32, 120], strides = [1, 1]} : vector<32x128xi32> to vector<32x120xi32>
    %concatenate3A_447 = tpu.concatenate %slice3A_445, %slice3A_446 in 1 : vector<32x8xi32>, vector<32x120xi32> -> vector<32x128xi32>
    %select_n3A_448 = arith.select %eq3A_434, %concatenate3A_444, %concatenate3A_447 : vector<32x128xi1>, vector<32x128xi32>
    %lt3A_449 = arith.cmpf olt, %select_n3A_427, %select_n3A_441 : vector<32x128xf32>
    %eq3A_450 = arith.cmpf oeq, %select_n3A_427, %select_n3A_441 : vector<32x128xf32>
    %lt3A_451 = arith.cmpi slt, %select_n3A_428, %select_n3A_448 : vector<32x128xi32>
    %and3A_452 = arith.andi %eq3A_450, %lt3A_451 : vector<32x128xi1>
    %or3A_453 = arith.ori %lt3A_449, %and3A_452 : vector<32x128xi1>
    %and3A_454 = arith.constant 32 : i32
    %and3A_455 = vector.broadcast %and3A_454 : i32 to vector<32x128xi32>
    %and3A_456 = arith.andi %add3A, %and3A_455 : vector<32x128xi32>
    %eq3A_457 = arith.constant 0 : i32
    %eq3A_458 = vector.broadcast %eq3A_457 : i32 to vector<32x128xi32>
    %eq3A_459 = arith.cmpi eq, %and3A_456, %eq3A_458 : vector<32x128xi32>
    %eq3A_460 = arith.xori %eq3A_434, %eq3A_459 : vector<32x128xi1>
    %eq3A_461 = arith.constant dense<true> : vector<32x128xi1>
    %eq3A_462 = arith.xori %eq3A_460, %eq3A_461 : vector<32x128xi1>
    %eq3A_463 = arith.xori %or3A_453, %eq3A_462 : vector<32x128xi1>
    %eq3A_464 = arith.constant dense<true> : vector<32x128xi1>
    %eq3A_465 = arith.xori %eq3A_463, %eq3A_464 : vector<32x128xi1>
    %select_n3A_466 = arith.select %eq3A_465, %select_n3A_427, %select_n3A_441 : vector<32x128xi1>, vector<32x128xf32>
    %select_n3A_467 = arith.select %eq3A_465, %select_n3A_428, %select_n3A_448 : vector<32x128xi1>, vector<32x128xi32>
    %and3A_468 = arith.constant 4 : i32
    %and3A_469 = vector.broadcast %and3A_468 : i32 to vector<32x128xi32>
    %and3A_470 = arith.andi %add3A, %and3A_469 : vector<32x128xi32>
    %eq3A_471 = arith.constant 0 : i32
    %eq3A_472 = vector.broadcast %eq3A_471 : i32 to vector<32x128xi32>
    %eq3A_473 = arith.cmpi eq, %and3A_470, %eq3A_472 : vector<32x128xi32>
    %slice3A_474 = vector.extract_strided_slice %select_n3A_466 {offsets = [0, 4], sizes = [32, 124], strides = [1, 1]} : vector<32x128xf32> to vector<32x124xf32>
    %slice3A_475 = vector.extract_strided_slice %select_n3A_466 {offsets = [0, 0], sizes = [32, 4], strides = [1, 1]} : vector<32x128xf32> to vector<32x4xf32>
    %concatenate3A_476 = tpu.concatenate %slice3A_474, %slice3A_475 in 1 : vector<32x124xf32>, vector<32x4xf32> -> vector<32x128xf32>
    %slice3A_477 = vector.extract_strided_slice %select_n3A_466 {offsets = [0, 124], sizes = [32, 4], strides = [1, 1]} : vector<32x128xf32> to vector<32x4xf32>
    %slice3A_478 = vector.extract_strided_slice %select_n3A_466 {offsets = [0, 0], sizes = [32, 124], strides = [1, 1]} : vector<32x128xf32> to vector<32x124xf32>
    %concatenate3A_479 = tpu.concatenate %slice3A_477, %slice3A_478 in 1 : vector<32x4xf32>, vector<32x124xf32> -> vector<32x128xf32>
    %select_n3A_480 = arith.select %eq3A_473, %concatenate3A_476, %concatenate3A_479 : vector<32x128xi1>, vector<32x128xf32>
    %slice3A_481 = vector.extract_strided_slice %select_n3A_467 {offsets = [0, 4], sizes = [32, 124], strides = [1, 1]} : vector<32x128xi32> to vector<32x124xi32>
    %slice3A_482 = vector.extract_strided_slice %select_n3A_467 {offsets = [0, 0], sizes = [32, 4], strides = [1, 1]} : vector<32x128xi32> to vector<32x4xi32>
    %concatenate3A_483 = tpu.concatenate %slice3A_481, %slice3A_482 in 1 : vector<32x124xi32>, vector<32x4xi32> -> vector<32x128xi32>
    %slice3A_484 = vector.extract_strided_slice %select_n3A_467 {offsets = [0, 124], sizes = [32, 4], strides = [1, 1]} : vector<32x128xi32> to vector<32x4xi32>
    %slice3A_485 = vector.extract_strided_slice %select_n3A_467 {offsets = [0, 0], sizes = [32, 124], strides = [1, 1]} : vector<32x128xi32> to vector<32x124xi32>
    %concatenate3A_486 = tpu.concatenate %slice3A_484, %slice3A_485 in 1 : vector<32x4xi32>, vector<32x124xi32> -> vector<32x128xi32>
    %select_n3A_487 = arith.select %eq3A_473, %concatenate3A_483, %concatenate3A_486 : vector<32x128xi1>, vector<32x128xi32>
    %lt3A_488 = arith.cmpf olt, %select_n3A_466, %select_n3A_480 : vector<32x128xf32>
    %eq3A_489 = arith.cmpf oeq, %select_n3A_466, %select_n3A_480 : vector<32x128xf32>
    %lt3A_490 = arith.cmpi slt, %select_n3A_467, %select_n3A_487 : vector<32x128xi32>
    %and3A_491 = arith.andi %eq3A_489, %lt3A_490 : vector<32x128xi1>
    %or3A_492 = arith.ori %lt3A_488, %and3A_491 : vector<32x128xi1>
    %and3A_493 = arith.constant 32 : i32
    %and3A_494 = vector.broadcast %and3A_493 : i32 to vector<32x128xi32>
    %and3A_495 = arith.andi %add3A, %and3A_494 : vector<32x128xi32>
    %eq3A_496 = arith.constant 0 : i32
    %eq3A_497 = vector.broadcast %eq3A_496 : i32 to vector<32x128xi32>
    %eq3A_498 = arith.cmpi eq, %and3A_495, %eq3A_497 : vector<32x128xi32>
    %eq3A_499 = arith.xori %eq3A_473, %eq3A_498 : vector<32x128xi1>
    %eq3A_500 = arith.constant dense<true> : vector<32x128xi1>
    %eq3A_501 = arith.xori %eq3A_499, %eq3A_500 : vector<32x128xi1>
    %eq3A_502 = arith.xori %or3A_492, %eq3A_501 : vector<32x128xi1>
    %eq3A_503 = arith.constant dense<true> : vector<32x128xi1>
    %eq3A_504 = arith.xori %eq3A_502, %eq3A_503 : vector<32x128xi1>
    %select_n3A_505 = arith.select %eq3A_504, %select_n3A_466, %select_n3A_480 : vector<32x128xi1>, vector<32x128xf32>
    %select_n3A_506 = arith.select %eq3A_504, %select_n3A_467, %select_n3A_487 : vector<32x128xi1>, vector<32x128xi32>
    %and3A_507 = arith.constant 2 : i32
    %and3A_508 = vector.broadcast %and3A_507 : i32 to vector<32x128xi32>
    %and3A_509 = arith.andi %add3A, %and3A_508 : vector<32x128xi32>
    %eq3A_510 = arith.constant 0 : i32
    %eq3A_511 = vector.broadcast %eq3A_510 : i32 to vector<32x128xi32>
    %eq3A_512 = arith.cmpi eq, %and3A_509, %eq3A_511 : vector<32x128xi32>
    %slice3A_513 = vector.extract_strided_slice %select_n3A_505 {offsets = [0, 2], sizes = [32, 126], strides = [1, 1]} : vector<32x128xf32> to vector<32x126xf32>
    %slice3A_514 = vector.extract_strided_slice %select_n3A_505 {offsets = [0, 0], sizes = [32, 2], strides = [1, 1]} : vector<32x128xf32> to vector<32x2xf32>
    %concatenate3A_515 = tpu.concatenate %slice3A_513, %slice3A_514 in 1 : vector<32x126xf32>, vector<32x2xf32> -> vector<32x128xf32>
    %slice3A_516 = vector.extract_strided_slice %select_n3A_505 {offsets = [0, 126], sizes = [32, 2], strides = [1, 1]} : vector<32x128xf32> to vector<32x2xf32>
    %slice3A_517 = vector.extract_strided_slice %select_n3A_505 {offsets = [0, 0], sizes = [32, 126], strides = [1, 1]} : vector<32x128xf32> to vector<32x126xf32>
    %concatenate3A_518 = tpu.concatenate %slice3A_516, %slice3A_517 in 1 : vector<32x2xf32>, vector<32x126xf32> -> vector<32x128xf32>
    %select_n3A_519 = arith.select %eq3A_512, %concatenate3A_515, %concatenate3A_518 : vector<32x128xi1>, vector<32x128xf32>
    %slice3A_520 = vector.extract_strided_slice %select_n3A_506 {offsets = [0, 2], sizes = [32, 126], strides = [1, 1]} : vector<32x128xi32> to vector<32x126xi32>
    %slice3A_521 = vector.extract_strided_slice %select_n3A_506 {offsets = [0, 0], sizes = [32, 2], strides = [1, 1]} : vector<32x128xi32> to vector<32x2xi32>
    %concatenate3A_522 = tpu.concatenate %slice3A_520, %slice3A_521 in 1 : vector<32x126xi32>, vector<32x2xi32> -> vector<32x128xi32>
    %slice3A_523 = vector.extract_strided_slice %select_n3A_506 {offsets = [0, 126], sizes = [32, 2], strides = [1, 1]} : vector<32x128xi32> to vector<32x2xi32>
    %slice3A_524 = vector.extract_strided_slice %select_n3A_506 {offsets = [0, 0], sizes = [32, 126], strides = [1, 1]} : vector<32x128xi32> to vector<32x126xi32>
    %concatenate3A_525 = tpu.concatenate %slice3A_523, %slice3A_524 in 1 : vector<32x2xi32>, vector<32x126xi32> -> vector<32x128xi32>
    %select_n3A_526 = arith.select %eq3A_512, %concatenate3A_522, %concatenate3A_525 : vector<32x128xi1>, vector<32x128xi32>
    %lt3A_527 = arith.cmpf olt, %select_n3A_505, %select_n3A_519 : vector<32x128xf32>
    %eq3A_528 = arith.cmpf oeq, %select_n3A_505, %select_n3A_519 : vector<32x128xf32>
    %lt3A_529 = arith.cmpi slt, %select_n3A_506, %select_n3A_526 : vector<32x128xi32>
    %and3A_530 = arith.andi %eq3A_528, %lt3A_529 : vector<32x128xi1>
    %or3A_531 = arith.ori %lt3A_527, %and3A_530 : vector<32x128xi1>
    %and3A_532 = arith.constant 32 : i32
    %and3A_533 = vector.broadcast %and3A_532 : i32 to vector<32x128xi32>
    %and3A_534 = arith.andi %add3A, %and3A_533 : vector<32x128xi32>
    %eq3A_535 = arith.constant 0 : i32
    %eq3A_536 = vector.broadcast %eq3A_535 : i32 to vector<32x128xi32>
    %eq3A_537 = arith.cmpi eq, %and3A_534, %eq3A_536 : vector<32x128xi32>
    %eq3A_538 = arith.xori %eq3A_512, %eq3A_537 : vector<32x128xi1>
    %eq3A_539 = arith.constant dense<true> : vector<32x128xi1>
    %eq3A_540 = arith.xori %eq3A_538, %eq3A_539 : vector<32x128xi1>
    %eq3A_541 = arith.xori %or3A_531, %eq3A_540 : vector<32x128xi1>
    %eq3A_542 = arith.constant dense<true> : vector<32x128xi1>
    %eq3A_543 = arith.xori %eq3A_541, %eq3A_542 : vector<32x128xi1>
    %select_n3A_544 = arith.select %eq3A_543, %select_n3A_505, %select_n3A_519 : vector<32x128xi1>, vector<32x128xf32>
    %select_n3A_545 = arith.select %eq3A_543, %select_n3A_506, %select_n3A_526 : vector<32x128xi1>, vector<32x128xi32>
    %and3A_546 = arith.constant 1 : i32
    %and3A_547 = vector.broadcast %and3A_546 : i32 to vector<32x128xi32>
    %and3A_548 = arith.andi %add3A, %and3A_547 : vector<32x128xi32>
    %eq3A_549 = arith.constant 0 : i32
    %eq3A_550 = vector.broadcast %eq3A_549 : i32 to vector<32x128xi32>
    %eq3A_551 = arith.cmpi eq, %and3A_548, %eq3A_550 : vector<32x128xi32>
    %slice3A_552 = vector.extract_strided_slice %select_n3A_544 {offsets = [0, 1], sizes = [32, 127], strides = [1, 1]} : vector<32x128xf32> to vector<32x127xf32>
    %slice3A_553 = vector.extract_strided_slice %select_n3A_544 {offsets = [0, 0], sizes = [32, 1], strides = [1, 1]} : vector<32x128xf32> to vector<32x1xf32>
    %concatenate3A_554 = tpu.concatenate %slice3A_552, %slice3A_553 in 1 : vector<32x127xf32>, vector<32x1xf32> -> vector<32x128xf32>
    %slice3A_555 = vector.extract_strided_slice %select_n3A_544 {offsets = [0, 127], sizes = [32, 1], strides = [1, 1]} : vector<32x128xf32> to vector<32x1xf32>
    %slice3A_556 = vector.extract_strided_slice %select_n3A_544 {offsets = [0, 0], sizes = [32, 127], strides = [1, 1]} : vector<32x128xf32> to vector<32x127xf32>
    %concatenate3A_557 = tpu.concatenate %slice3A_555, %slice3A_556 in 1 : vector<32x1xf32>, vector<32x127xf32> -> vector<32x128xf32>
    %select_n3A_558 = arith.select %eq3A_551, %concatenate3A_554, %concatenate3A_557 : vector<32x128xi1>, vector<32x128xf32>
    %slice3A_559 = vector.extract_strided_slice %select_n3A_545 {offsets = [0, 1], sizes = [32, 127], strides = [1, 1]} : vector<32x128xi32> to vector<32x127xi32>
    %slice3A_560 = vector.extract_strided_slice %select_n3A_545 {offsets = [0, 0], sizes = [32, 1], strides = [1, 1]} : vector<32x128xi32> to vector<32x1xi32>
    %concatenate3A_561 = tpu.concatenate %slice3A_559, %slice3A_560 in 1 : vector<32x127xi32>, vector<32x1xi32> -> vector<32x128xi32>
    %slice3A_562 = vector.extract_strided_slice %select_n3A_545 {offsets = [0, 127], sizes = [32, 1], strides = [1, 1]} : vector<32x128xi32> to vector<32x1xi32>
    %slice3A_563 = vector.extract_strided_slice %select_n3A_545 {offsets = [0, 0], sizes = [32, 127], strides = [1, 1]} : vector<32x128xi32> to vector<32x127xi32>
    %concatenate3A_564 = tpu.concatenate %slice3A_562, %slice3A_563 in 1 : vector<32x1xi32>, vector<32x127xi32> -> vector<32x128xi32>
    %select_n3A_565 = arith.select %eq3A_551, %concatenate3A_561, %concatenate3A_564 : vector<32x128xi1>, vector<32x128xi32>
    %lt3A_566 = arith.cmpf olt, %select_n3A_544, %select_n3A_558 : vector<32x128xf32>
    %eq3A_567 = arith.cmpf oeq, %select_n3A_544, %select_n3A_558 : vector<32x128xf32>
    %lt3A_568 = arith.cmpi slt, %select_n3A_545, %select_n3A_565 : vector<32x128xi32>
    %and3A_569 = arith.andi %eq3A_567, %lt3A_568 : vector<32x128xi1>
    %or3A_570 = arith.ori %lt3A_566, %and3A_569 : vector<32x128xi1>
    %and3A_571 = arith.constant 32 : i32
    %and3A_572 = vector.broadcast %and3A_571 : i32 to vector<32x128xi32>
    %and3A_573 = arith.andi %add3A, %and3A_572 : vector<32x128xi32>
    %eq3A_574 = arith.constant 0 : i32
    %eq3A_575 = vector.broadcast %eq3A_574 : i32 to vector<32x128xi32>
    %eq3A_576 = arith.cmpi eq, %and3A_573, %eq3A_575 : vector<32x128xi32>
    %eq3A_577 = arith.xori %eq3A_551, %eq3A_576 : vector<32x128xi1>
    %eq3A_578 = arith.constant dense<true> : vector<32x128xi1>
    %eq3A_579 = arith.xori %eq3A_577, %eq3A_578 : vector<32x128xi1>
    %eq3A_580 = arith.xori %or3A_570, %eq3A_579 : vector<32x128xi1>
    %eq3A_581 = arith.constant dense<true> : vector<32x128xi1>
    %eq3A_582 = arith.xori %eq3A_580, %eq3A_581 : vector<32x128xi1>
    %select_n3A_583 = arith.select %eq3A_582, %select_n3A_544, %select_n3A_558 : vector<32x128xi1>, vector<32x128xf32>
    %select_n3A_584 = arith.select %eq3A_582, %select_n3A_545, %select_n3A_565 : vector<32x128xi1>, vector<32x128xi32>
    %and3A_585 = arith.constant 32 : i32
    %and3A_586 = vector.broadcast %and3A_585 : i32 to vector<32x128xi32>
    %and3A_587 = arith.andi %add3A, %and3A_586 : vector<32x128xi32>
    %eq3A_588 = arith.constant 0 : i32
    %eq3A_589 = vector.broadcast %eq3A_588 : i32 to vector<32x128xi32>
    %eq3A_590 = arith.cmpi eq, %and3A_587, %eq3A_589 : vector<32x128xi32>
    %slice3A_591 = vector.extract_strided_slice %select_n3A_583 {offsets = [0, 32], sizes = [32, 96], strides = [1, 1]} : vector<32x128xf32> to vector<32x96xf32>
    %slice3A_592 = vector.extract_strided_slice %select_n3A_583 {offsets = [0, 0], sizes = [32, 32], strides = [1, 1]} : vector<32x128xf32> to vector<32x32xf32>
    %concatenate3A_593 = tpu.concatenate %slice3A_591, %slice3A_592 in 1 : vector<32x96xf32>, vector<32x32xf32> -> vector<32x128xf32>
    %slice3A_594 = vector.extract_strided_slice %select_n3A_583 {offsets = [0, 96], sizes = [32, 32], strides = [1, 1]} : vector<32x128xf32> to vector<32x32xf32>
    %slice3A_595 = vector.extract_strided_slice %select_n3A_583 {offsets = [0, 0], sizes = [32, 96], strides = [1, 1]} : vector<32x128xf32> to vector<32x96xf32>
    %concatenate3A_596 = tpu.concatenate %slice3A_594, %slice3A_595 in 1 : vector<32x32xf32>, vector<32x96xf32> -> vector<32x128xf32>
    %select_n3A_597 = arith.select %eq3A_590, %concatenate3A_593, %concatenate3A_596 : vector<32x128xi1>, vector<32x128xf32>
    %slice3A_598 = vector.extract_strided_slice %select_n3A_584 {offsets = [0, 32], sizes = [32, 96], strides = [1, 1]} : vector<32x128xi32> to vector<32x96xi32>
    %slice3A_599 = vector.extract_strided_slice %select_n3A_584 {offsets = [0, 0], sizes = [32, 32], strides = [1, 1]} : vector<32x128xi32> to vector<32x32xi32>
    %concatenate3A_600 = tpu.concatenate %slice3A_598, %slice3A_599 in 1 : vector<32x96xi32>, vector<32x32xi32> -> vector<32x128xi32>
    %slice3A_601 = vector.extract_strided_slice %select_n3A_584 {offsets = [0, 96], sizes = [32, 32], strides = [1, 1]} : vector<32x128xi32> to vector<32x32xi32>
    %slice3A_602 = vector.extract_strided_slice %select_n3A_584 {offsets = [0, 0], sizes = [32, 96], strides = [1, 1]} : vector<32x128xi32> to vector<32x96xi32>
    %concatenate3A_603 = tpu.concatenate %slice3A_601, %slice3A_602 in 1 : vector<32x32xi32>, vector<32x96xi32> -> vector<32x128xi32>
    %select_n3A_604 = arith.select %eq3A_590, %concatenate3A_600, %concatenate3A_603 : vector<32x128xi1>, vector<32x128xi32>
    %lt3A_605 = arith.cmpf olt, %select_n3A_583, %select_n3A_597 : vector<32x128xf32>
    %eq3A_606 = arith.cmpf oeq, %select_n3A_583, %select_n3A_597 : vector<32x128xf32>
    %lt3A_607 = arith.cmpi slt, %select_n3A_584, %select_n3A_604 : vector<32x128xi32>
    %and3A_608 = arith.andi %eq3A_606, %lt3A_607 : vector<32x128xi1>
    %or3A_609 = arith.ori %lt3A_605, %and3A_608 : vector<32x128xi1>
    %and3A_610 = arith.constant 64 : i32
    %and3A_611 = vector.broadcast %and3A_610 : i32 to vector<32x128xi32>
    %and3A_612 = arith.andi %add3A, %and3A_611 : vector<32x128xi32>
    %eq3A_613 = arith.constant 0 : i32
    %eq3A_614 = vector.broadcast %eq3A_613 : i32 to vector<32x128xi32>
    %eq3A_615 = arith.cmpi eq, %and3A_612, %eq3A_614 : vector<32x128xi32>
    %eq3A_616 = arith.xori %eq3A_590, %eq3A_615 : vector<32x128xi1>
    %eq3A_617 = arith.constant dense<true> : vector<32x128xi1>
    %eq3A_618 = arith.xori %eq3A_616, %eq3A_617 : vector<32x128xi1>
    %eq3A_619 = arith.xori %or3A_609, %eq3A_618 : vector<32x128xi1>
    %eq3A_620 = arith.constant dense<true> : vector<32x128xi1>
    %eq3A_621 = arith.xori %eq3A_619, %eq3A_620 : vector<32x128xi1>
    %select_n3A_622 = arith.select %eq3A_621, %select_n3A_583, %select_n3A_597 : vector<32x128xi1>, vector<32x128xf32>
    %select_n3A_623 = arith.select %eq3A_621, %select_n3A_584, %select_n3A_604 : vector<32x128xi1>, vector<32x128xi32>
    %and3A_624 = arith.constant 16 : i32
    %and3A_625 = vector.broadcast %and3A_624 : i32 to vector<32x128xi32>
    %and3A_626 = arith.andi %add3A, %and3A_625 : vector<32x128xi32>
    %eq3A_627 = arith.constant 0 : i32
    %eq3A_628 = vector.broadcast %eq3A_627 : i32 to vector<32x128xi32>
    %eq3A_629 = arith.cmpi eq, %and3A_626, %eq3A_628 : vector<32x128xi32>
    %slice3A_630 = vector.extract_strided_slice %select_n3A_622 {offsets = [0, 16], sizes = [32, 112], strides = [1, 1]} : vector<32x128xf32> to vector<32x112xf32>
    %slice3A_631 = vector.extract_strided_slice %select_n3A_622 {offsets = [0, 0], sizes = [32, 16], strides = [1, 1]} : vector<32x128xf32> to vector<32x16xf32>
    %concatenate3A_632 = tpu.concatenate %slice3A_630, %slice3A_631 in 1 : vector<32x112xf32>, vector<32x16xf32> -> vector<32x128xf32>
    %slice3A_633 = vector.extract_strided_slice %select_n3A_622 {offsets = [0, 112], sizes = [32, 16], strides = [1, 1]} : vector<32x128xf32> to vector<32x16xf32>
    %slice3A_634 = vector.extract_strided_slice %select_n3A_622 {offsets = [0, 0], sizes = [32, 112], strides = [1, 1]} : vector<32x128xf32> to vector<32x112xf32>
    %concatenate3A_635 = tpu.concatenate %slice3A_633, %slice3A_634 in 1 : vector<32x16xf32>, vector<32x112xf32> -> vector<32x128xf32>
    %select_n3A_636 = arith.select %eq3A_629, %concatenate3A_632, %concatenate3A_635 : vector<32x128xi1>, vector<32x128xf32>
    %slice3A_637 = vector.extract_strided_slice %select_n3A_623 {offsets = [0, 16], sizes = [32, 112], strides = [1, 1]} : vector<32x128xi32> to vector<32x112xi32>
    %slice3A_638 = vector.extract_strided_slice %select_n3A_623 {offsets = [0, 0], sizes = [32, 16], strides = [1, 1]} : vector<32x128xi32> to vector<32x16xi32>
    %concatenate3A_639 = tpu.concatenate %slice3A_637, %slice3A_638 in 1 : vector<32x112xi32>, vector<32x16xi32> -> vector<32x128xi32>
    %slice3A_640 = vector.extract_strided_slice %select_n3A_623 {offsets = [0, 112], sizes = [32, 16], strides = [1, 1]} : vector<32x128xi32> to vector<32x16xi32>
    %slice3A_641 = vector.extract_strided_slice %select_n3A_623 {offsets = [0, 0], sizes = [32, 112], strides = [1, 1]} : vector<32x128xi32> to vector<32x112xi32>
    %concatenate3A_642 = tpu.concatenate %slice3A_640, %slice3A_641 in 1 : vector<32x16xi32>, vector<32x112xi32> -> vector<32x128xi32>
    %select_n3A_643 = arith.select %eq3A_629, %concatenate3A_639, %concatenate3A_642 : vector<32x128xi1>, vector<32x128xi32>
    %lt3A_644 = arith.cmpf olt, %select_n3A_622, %select_n3A_636 : vector<32x128xf32>
    %eq3A_645 = arith.cmpf oeq, %select_n3A_622, %select_n3A_636 : vector<32x128xf32>
    %lt3A_646 = arith.cmpi slt, %select_n3A_623, %select_n3A_643 : vector<32x128xi32>
    %and3A_647 = arith.andi %eq3A_645, %lt3A_646 : vector<32x128xi1>
    %or3A_648 = arith.ori %lt3A_644, %and3A_647 : vector<32x128xi1>
    %and3A_649 = arith.constant 64 : i32
    %and3A_650 = vector.broadcast %and3A_649 : i32 to vector<32x128xi32>
    %and3A_651 = arith.andi %add3A, %and3A_650 : vector<32x128xi32>
    %eq3A_652 = arith.constant 0 : i32
    %eq3A_653 = vector.broadcast %eq3A_652 : i32 to vector<32x128xi32>
    %eq3A_654 = arith.cmpi eq, %and3A_651, %eq3A_653 : vector<32x128xi32>
    %eq3A_655 = arith.xori %eq3A_629, %eq3A_654 : vector<32x128xi1>
    %eq3A_656 = arith.constant dense<true> : vector<32x128xi1>
    %eq3A_657 = arith.xori %eq3A_655, %eq3A_656 : vector<32x128xi1>
    %eq3A_658 = arith.xori %or3A_648, %eq3A_657 : vector<32x128xi1>
    %eq3A_659 = arith.constant dense<true> : vector<32x128xi1>
    %eq3A_660 = arith.xori %eq3A_658, %eq3A_659 : vector<32x128xi1>
    %select_n3A_661 = arith.select %eq3A_660, %select_n3A_622, %select_n3A_636 : vector<32x128xi1>, vector<32x128xf32>
    %select_n3A_662 = arith.select %eq3A_660, %select_n3A_623, %select_n3A_643 : vector<32x128xi1>, vector<32x128xi32>
    %and3A_663 = arith.constant 8 : i32
    %and3A_664 = vector.broadcast %and3A_663 : i32 to vector<32x128xi32>
    %and3A_665 = arith.andi %add3A, %and3A_664 : vector<32x128xi32>
    %eq3A_666 = arith.constant 0 : i32
    %eq3A_667 = vector.broadcast %eq3A_666 : i32 to vector<32x128xi32>
    %eq3A_668 = arith.cmpi eq, %and3A_665, %eq3A_667 : vector<32x128xi32>
    %slice3A_669 = vector.extract_strided_slice %select_n3A_661 {offsets = [0, 8], sizes = [32, 120], strides = [1, 1]} : vector<32x128xf32> to vector<32x120xf32>
    %slice3A_670 = vector.extract_strided_slice %select_n3A_661 {offsets = [0, 0], sizes = [32, 8], strides = [1, 1]} : vector<32x128xf32> to vector<32x8xf32>
    %concatenate3A_671 = tpu.concatenate %slice3A_669, %slice3A_670 in 1 : vector<32x120xf32>, vector<32x8xf32> -> vector<32x128xf32>
    %slice3A_672 = vector.extract_strided_slice %select_n3A_661 {offsets = [0, 120], sizes = [32, 8], strides = [1, 1]} : vector<32x128xf32> to vector<32x8xf32>
    %slice3A_673 = vector.extract_strided_slice %select_n3A_661 {offsets = [0, 0], sizes = [32, 120], strides = [1, 1]} : vector<32x128xf32> to vector<32x120xf32>
    %concatenate3A_674 = tpu.concatenate %slice3A_672, %slice3A_673 in 1 : vector<32x8xf32>, vector<32x120xf32> -> vector<32x128xf32>
    %select_n3A_675 = arith.select %eq3A_668, %concatenate3A_671, %concatenate3A_674 : vector<32x128xi1>, vector<32x128xf32>
    %slice3A_676 = vector.extract_strided_slice %select_n3A_662 {offsets = [0, 8], sizes = [32, 120], strides = [1, 1]} : vector<32x128xi32> to vector<32x120xi32>
    %slice3A_677 = vector.extract_strided_slice %select_n3A_662 {offsets = [0, 0], sizes = [32, 8], strides = [1, 1]} : vector<32x128xi32> to vector<32x8xi32>
    %concatenate3A_678 = tpu.concatenate %slice3A_676, %slice3A_677 in 1 : vector<32x120xi32>, vector<32x8xi32> -> vector<32x128xi32>
    %slice3A_679 = vector.extract_strided_slice %select_n3A_662 {offsets = [0, 120], sizes = [32, 8], strides = [1, 1]} : vector<32x128xi32> to vector<32x8xi32>
    %slice3A_680 = vector.extract_strided_slice %select_n3A_662 {offsets = [0, 0], sizes = [32, 120], strides = [1, 1]} : vector<32x128xi32> to vector<32x120xi32>
    %concatenate3A_681 = tpu.concatenate %slice3A_679, %slice3A_680 in 1 : vector<32x8xi32>, vector<32x120xi32> -> vector<32x128xi32>
    %select_n3A_682 = arith.select %eq3A_668, %concatenate3A_678, %concatenate3A_681 : vector<32x128xi1>, vector<32x128xi32>
    %lt3A_683 = arith.cmpf olt, %select_n3A_661, %select_n3A_675 : vector<32x128xf32>
    %eq3A_684 = arith.cmpf oeq, %select_n3A_661, %select_n3A_675 : vector<32x128xf32>
    %lt3A_685 = arith.cmpi slt, %select_n3A_662, %select_n3A_682 : vector<32x128xi32>
    %and3A_686 = arith.andi %eq3A_684, %lt3A_685 : vector<32x128xi1>
    %or3A_687 = arith.ori %lt3A_683, %and3A_686 : vector<32x128xi1>
    %and3A_688 = arith.constant 64 : i32
    %and3A_689 = vector.broadcast %and3A_688 : i32 to vector<32x128xi32>
    %and3A_690 = arith.andi %add3A, %and3A_689 : vector<32x128xi32>
    %eq3A_691 = arith.constant 0 : i32
    %eq3A_692 = vector.broadcast %eq3A_691 : i32 to vector<32x128xi32>
    %eq3A_693 = arith.cmpi eq, %and3A_690, %eq3A_692 : vector<32x128xi32>
    %eq3A_694 = arith.xori %eq3A_668, %eq3A_693 : vector<32x128xi1>
    %eq3A_695 = arith.constant dense<true> : vector<32x128xi1>
    %eq3A_696 = arith.xori %eq3A_694, %eq3A_695 : vector<32x128xi1>
    %eq3A_697 = arith.xori %or3A_687, %eq3A_696 : vector<32x128xi1>
    %eq3A_698 = arith.constant dense<true> : vector<32x128xi1>
    %eq3A_699 = arith.xori %eq3A_697, %eq3A_698 : vector<32x128xi1>
    %select_n3A_700 = arith.select %eq3A_699, %select_n3A_661, %select_n3A_675 : vector<32x128xi1>, vector<32x128xf32>
    %select_n3A_701 = arith.select %eq3A_699, %select_n3A_662, %select_n3A_682 : vector<32x128xi1>, vector<32x128xi32>
    %and3A_702 = arith.constant 4 : i32
    %and3A_703 = vector.broadcast %and3A_702 : i32 to vector<32x128xi32>
    %and3A_704 = arith.andi %add3A, %and3A_703 : vector<32x128xi32>
    %eq3A_705 = arith.constant 0 : i32
    %eq3A_706 = vector.broadcast %eq3A_705 : i32 to vector<32x128xi32>
    %eq3A_707 = arith.cmpi eq, %and3A_704, %eq3A_706 : vector<32x128xi32>
    %slice3A_708 = vector.extract_strided_slice %select_n3A_700 {offsets = [0, 4], sizes = [32, 124], strides = [1, 1]} : vector<32x128xf32> to vector<32x124xf32>
    %slice3A_709 = vector.extract_strided_slice %select_n3A_700 {offsets = [0, 0], sizes = [32, 4], strides = [1, 1]} : vector<32x128xf32> to vector<32x4xf32>
    %concatenate3A_710 = tpu.concatenate %slice3A_708, %slice3A_709 in 1 : vector<32x124xf32>, vector<32x4xf32> -> vector<32x128xf32>
    %slice3A_711 = vector.extract_strided_slice %select_n3A_700 {offsets = [0, 124], sizes = [32, 4], strides = [1, 1]} : vector<32x128xf32> to vector<32x4xf32>
    %slice3A_712 = vector.extract_strided_slice %select_n3A_700 {offsets = [0, 0], sizes = [32, 124], strides = [1, 1]} : vector<32x128xf32> to vector<32x124xf32>
    %concatenate3A_713 = tpu.concatenate %slice3A_711, %slice3A_712 in 1 : vector<32x4xf32>, vector<32x124xf32> -> vector<32x128xf32>
    %select_n3A_714 = arith.select %eq3A_707, %concatenate3A_710, %concatenate3A_713 : vector<32x128xi1>, vector<32x128xf32>
    %slice3A_715 = vector.extract_strided_slice %select_n3A_701 {offsets = [0, 4], sizes = [32, 124], strides = [1, 1]} : vector<32x128xi32> to vector<32x124xi32>
    %slice3A_716 = vector.extract_strided_slice %select_n3A_701 {offsets = [0, 0], sizes = [32, 4], strides = [1, 1]} : vector<32x128xi32> to vector<32x4xi32>
    %concatenate3A_717 = tpu.concatenate %slice3A_715, %slice3A_716 in 1 : vector<32x124xi32>, vector<32x4xi32> -> vector<32x128xi32>
    %slice3A_718 = vector.extract_strided_slice %select_n3A_701 {offsets = [0, 124], sizes = [32, 4], strides = [1, 1]} : vector<32x128xi32> to vector<32x4xi32>
    %slice3A_719 = vector.extract_strided_slice %select_n3A_701 {offsets = [0, 0], sizes = [32, 124], strides = [1, 1]} : vector<32x128xi32> to vector<32x124xi32>
    %concatenate3A_720 = tpu.concatenate %slice3A_718, %slice3A_719 in 1 : vector<32x4xi32>, vector<32x124xi32> -> vector<32x128xi32>
    %select_n3A_721 = arith.select %eq3A_707, %concatenate3A_717, %concatenate3A_720 : vector<32x128xi1>, vector<32x128xi32>
    %lt3A_722 = arith.cmpf olt, %select_n3A_700, %select_n3A_714 : vector<32x128xf32>
    %eq3A_723 = arith.cmpf oeq, %select_n3A_700, %select_n3A_714 : vector<32x128xf32>
    %lt3A_724 = arith.cmpi slt, %select_n3A_701, %select_n3A_721 : vector<32x128xi32>
    %and3A_725 = arith.andi %eq3A_723, %lt3A_724 : vector<32x128xi1>
    %or3A_726 = arith.ori %lt3A_722, %and3A_725 : vector<32x128xi1>
    %and3A_727 = arith.constant 64 : i32
    %and3A_728 = vector.broadcast %and3A_727 : i32 to vector<32x128xi32>
    %and3A_729 = arith.andi %add3A, %and3A_728 : vector<32x128xi32>
    %eq3A_730 = arith.constant 0 : i32
    %eq3A_731 = vector.broadcast %eq3A_730 : i32 to vector<32x128xi32>
    %eq3A_732 = arith.cmpi eq, %and3A_729, %eq3A_731 : vector<32x128xi32>
    %eq3A_733 = arith.xori %eq3A_707, %eq3A_732 : vector<32x128xi1>
    %eq3A_734 = arith.constant dense<true> : vector<32x128xi1>
    %eq3A_735 = arith.xori %eq3A_733, %eq3A_734 : vector<32x128xi1>
    %eq3A_736 = arith.xori %or3A_726, %eq3A_735 : vector<32x128xi1>
    %eq3A_737 = arith.constant dense<true> : vector<32x128xi1>
    %eq3A_738 = arith.xori %eq3A_736, %eq3A_737 : vector<32x128xi1>
    %select_n3A_739 = arith.select %eq3A_738, %select_n3A_700, %select_n3A_714 : vector<32x128xi1>, vector<32x128xf32>
    %select_n3A_740 = arith.select %eq3A_738, %select_n3A_701, %select_n3A_721 : vector<32x128xi1>, vector<32x128xi32>
    %and3A_741 = arith.constant 2 : i32
    %and3A_742 = vector.broadcast %and3A_741 : i32 to vector<32x128xi32>
    %and3A_743 = arith.andi %add3A, %and3A_742 : vector<32x128xi32>
    %eq3A_744 = arith.constant 0 : i32
    %eq3A_745 = vector.broadcast %eq3A_744 : i32 to vector<32x128xi32>
    %eq3A_746 = arith.cmpi eq, %and3A_743, %eq3A_745 : vector<32x128xi32>
    %slice3A_747 = vector.extract_strided_slice %select_n3A_739 {offsets = [0, 2], sizes = [32, 126], strides = [1, 1]} : vector<32x128xf32> to vector<32x126xf32>
    %slice3A_748 = vector.extract_strided_slice %select_n3A_739 {offsets = [0, 0], sizes = [32, 2], strides = [1, 1]} : vector<32x128xf32> to vector<32x2xf32>
    %concatenate3A_749 = tpu.concatenate %slice3A_747, %slice3A_748 in 1 : vector<32x126xf32>, vector<32x2xf32> -> vector<32x128xf32>
    %slice3A_750 = vector.extract_strided_slice %select_n3A_739 {offsets = [0, 126], sizes = [32, 2], strides = [1, 1]} : vector<32x128xf32> to vector<32x2xf32>
    %slice3A_751 = vector.extract_strided_slice %select_n3A_739 {offsets = [0, 0], sizes = [32, 126], strides = [1, 1]} : vector<32x128xf32> to vector<32x126xf32>
    %concatenate3A_752 = tpu.concatenate %slice3A_750, %slice3A_751 in 1 : vector<32x2xf32>, vector<32x126xf32> -> vector<32x128xf32>
    %select_n3A_753 = arith.select %eq3A_746, %concatenate3A_749, %concatenate3A_752 : vector<32x128xi1>, vector<32x128xf32>
    %slice3A_754 = vector.extract_strided_slice %select_n3A_740 {offsets = [0, 2], sizes = [32, 126], strides = [1, 1]} : vector<32x128xi32> to vector<32x126xi32>
    %slice3A_755 = vector.extract_strided_slice %select_n3A_740 {offsets = [0, 0], sizes = [32, 2], strides = [1, 1]} : vector<32x128xi32> to vector<32x2xi32>
    %concatenate3A_756 = tpu.concatenate %slice3A_754, %slice3A_755 in 1 : vector<32x126xi32>, vector<32x2xi32> -> vector<32x128xi32>
    %slice3A_757 = vector.extract_strided_slice %select_n3A_740 {offsets = [0, 126], sizes = [32, 2], strides = [1, 1]} : vector<32x128xi32> to vector<32x2xi32>
    %slice3A_758 = vector.extract_strided_slice %select_n3A_740 {offsets = [0, 0], sizes = [32, 126], strides = [1, 1]} : vector<32x128xi32> to vector<32x126xi32>
    %concatenate3A_759 = tpu.concatenate %slice3A_757, %slice3A_758 in 1 : vector<32x2xi32>, vector<32x126xi32> -> vector<32x128xi32>
    %select_n3A_760 = arith.select %eq3A_746, %concatenate3A_756, %concatenate3A_759 : vector<32x128xi1>, vector<32x128xi32>
    %lt3A_761 = arith.cmpf olt, %select_n3A_739, %select_n3A_753 : vector<32x128xf32>
    %eq3A_762 = arith.cmpf oeq, %select_n3A_739, %select_n3A_753 : vector<32x128xf32>
    %lt3A_763 = arith.cmpi slt, %select_n3A_740, %select_n3A_760 : vector<32x128xi32>
    %and3A_764 = arith.andi %eq3A_762, %lt3A_763 : vector<32x128xi1>
    %or3A_765 = arith.ori %lt3A_761, %and3A_764 : vector<32x128xi1>
    %and3A_766 = arith.constant 64 : i32
    %and3A_767 = vector.broadcast %and3A_766 : i32 to vector<32x128xi32>
    %and3A_768 = arith.andi %add3A, %and3A_767 : vector<32x128xi32>
    %eq3A_769 = arith.constant 0 : i32
    %eq3A_770 = vector.broadcast %eq3A_769 : i32 to vector<32x128xi32>
    %eq3A_771 = arith.cmpi eq, %and3A_768, %eq3A_770 : vector<32x128xi32>
    %eq3A_772 = arith.xori %eq3A_746, %eq3A_771 : vector<32x128xi1>
    %eq3A_773 = arith.constant dense<true> : vector<32x128xi1>
    %eq3A_774 = arith.xori %eq3A_772, %eq3A_773 : vector<32x128xi1>
    %eq3A_775 = arith.xori %or3A_765, %eq3A_774 : vector<32x128xi1>
    %eq3A_776 = arith.constant dense<true> : vector<32x128xi1>
    %eq3A_777 = arith.xori %eq3A_775, %eq3A_776 : vector<32x128xi1>
    %select_n3A_778 = arith.select %eq3A_777, %select_n3A_739, %select_n3A_753 : vector<32x128xi1>, vector<32x128xf32>
    %select_n3A_779 = arith.select %eq3A_777, %select_n3A_740, %select_n3A_760 : vector<32x128xi1>, vector<32x128xi32>
    %and3A_780 = arith.constant 1 : i32
    %and3A_781 = vector.broadcast %and3A_780 : i32 to vector<32x128xi32>
    %and3A_782 = arith.andi %add3A, %and3A_781 : vector<32x128xi32>
    %eq3A_783 = arith.constant 0 : i32
    %eq3A_784 = vector.broadcast %eq3A_783 : i32 to vector<32x128xi32>
    %eq3A_785 = arith.cmpi eq, %and3A_782, %eq3A_784 : vector<32x128xi32>
    %slice3A_786 = vector.extract_strided_slice %select_n3A_778 {offsets = [0, 1], sizes = [32, 127], strides = [1, 1]} : vector<32x128xf32> to vector<32x127xf32>
    %slice3A_787 = vector.extract_strided_slice %select_n3A_778 {offsets = [0, 0], sizes = [32, 1], strides = [1, 1]} : vector<32x128xf32> to vector<32x1xf32>
    %concatenate3A_788 = tpu.concatenate %slice3A_786, %slice3A_787 in 1 : vector<32x127xf32>, vector<32x1xf32> -> vector<32x128xf32>
    %slice3A_789 = vector.extract_strided_slice %select_n3A_778 {offsets = [0, 127], sizes = [32, 1], strides = [1, 1]} : vector<32x128xf32> to vector<32x1xf32>
    %slice3A_790 = vector.extract_strided_slice %select_n3A_778 {offsets = [0, 0], sizes = [32, 127], strides = [1, 1]} : vector<32x128xf32> to vector<32x127xf32>
    %concatenate3A_791 = tpu.concatenate %slice3A_789, %slice3A_790 in 1 : vector<32x1xf32>, vector<32x127xf32> -> vector<32x128xf32>
    %select_n3A_792 = arith.select %eq3A_785, %concatenate3A_788, %concatenate3A_791 : vector<32x128xi1>, vector<32x128xf32>
    %slice3A_793 = vector.extract_strided_slice %select_n3A_779 {offsets = [0, 1], sizes = [32, 127], strides = [1, 1]} : vector<32x128xi32> to vector<32x127xi32>
    %slice3A_794 = vector.extract_strided_slice %select_n3A_779 {offsets = [0, 0], sizes = [32, 1], strides = [1, 1]} : vector<32x128xi32> to vector<32x1xi32>
    %concatenate3A_795 = tpu.concatenate %slice3A_793, %slice3A_794 in 1 : vector<32x127xi32>, vector<32x1xi32> -> vector<32x128xi32>
    %slice3A_796 = vector.extract_strided_slice %select_n3A_779 {offsets = [0, 127], sizes = [32, 1], strides = [1, 1]} : vector<32x128xi32> to vector<32x1xi32>
    %slice3A_797 = vector.extract_strided_slice %select_n3A_779 {offsets = [0, 0], sizes = [32, 127], strides = [1, 1]} : vector<32x128xi32> to vector<32x127xi32>
    %concatenate3A_798 = tpu.concatenate %slice3A_796, %slice3A_797 in 1 : vector<32x1xi32>, vector<32x127xi32> -> vector<32x128xi32>
    %select_n3A_799 = arith.select %eq3A_785, %concatenate3A_795, %concatenate3A_798 : vector<32x128xi1>, vector<32x128xi32>
    %lt3A_800 = arith.cmpf olt, %select_n3A_778, %select_n3A_792 : vector<32x128xf32>
    %eq3A_801 = arith.cmpf oeq, %select_n3A_778, %select_n3A_792 : vector<32x128xf32>
    %lt3A_802 = arith.cmpi slt, %select_n3A_779, %select_n3A_799 : vector<32x128xi32>
    %and3A_803 = arith.andi %eq3A_801, %lt3A_802 : vector<32x128xi1>
    %or3A_804 = arith.ori %lt3A_800, %and3A_803 : vector<32x128xi1>
    %and3A_805 = arith.constant 64 : i32
    %and3A_806 = vector.broadcast %and3A_805 : i32 to vector<32x128xi32>
    %and3A_807 = arith.andi %add3A, %and3A_806 : vector<32x128xi32>
    %eq3A_808 = arith.constant 0 : i32
    %eq3A_809 = vector.broadcast %eq3A_808 : i32 to vector<32x128xi32>
    %eq3A_810 = arith.cmpi eq, %and3A_807, %eq3A_809 : vector<32x128xi32>
    %eq3A_811 = arith.xori %eq3A_785, %eq3A_810 : vector<32x128xi1>
    %eq3A_812 = arith.constant dense<true> : vector<32x128xi1>
    %eq3A_813 = arith.xori %eq3A_811, %eq3A_812 : vector<32x128xi1>
    %eq3A_814 = arith.xori %or3A_804, %eq3A_813 : vector<32x128xi1>
    %eq3A_815 = arith.constant dense<true> : vector<32x128xi1>
    %eq3A_816 = arith.xori %eq3A_814, %eq3A_815 : vector<32x128xi1>
    %select_n3A_817 = arith.select %eq3A_816, %select_n3A_778, %select_n3A_792 : vector<32x128xi1>, vector<32x128xf32>
    %select_n3A_818 = arith.select %eq3A_816, %select_n3A_779, %select_n3A_799 : vector<32x128xi1>, vector<32x128xi32>
    %and3A_819 = arith.constant 64 : i32
    %and3A_820 = vector.broadcast %and3A_819 : i32 to vector<32x128xi32>
    %and3A_821 = arith.andi %add3A, %and3A_820 : vector<32x128xi32>
    %eq3A_822 = arith.constant 0 : i32
    %eq3A_823 = vector.broadcast %eq3A_822 : i32 to vector<32x128xi32>
    %eq3A_824 = arith.cmpi eq, %and3A_821, %eq3A_823 : vector<32x128xi32>
    %slice3A_825 = vector.extract_strided_slice %select_n3A_817 {offsets = [0, 64], sizes = [32, 64], strides = [1, 1]} : vector<32x128xf32> to vector<32x64xf32>
    %slice3A_826 = vector.extract_strided_slice %select_n3A_817 {offsets = [0, 0], sizes = [32, 64], strides = [1, 1]} : vector<32x128xf32> to vector<32x64xf32>
    %concatenate3A_827 = tpu.concatenate %slice3A_825, %slice3A_826 in 1 : vector<32x64xf32>, vector<32x64xf32> -> vector<32x128xf32>
    %slice3A_828 = vector.extract_strided_slice %select_n3A_817 {offsets = [0, 64], sizes = [32, 64], strides = [1, 1]} : vector<32x128xf32> to vector<32x64xf32>
    %slice3A_829 = vector.extract_strided_slice %select_n3A_817 {offsets = [0, 0], sizes = [32, 64], strides = [1, 1]} : vector<32x128xf32> to vector<32x64xf32>
    %concatenate3A_830 = tpu.concatenate %slice3A_828, %slice3A_829 in 1 : vector<32x64xf32>, vector<32x64xf32> -> vector<32x128xf32>
    %select_n3A_831 = arith.select %eq3A_824, %concatenate3A_827, %concatenate3A_830 : vector<32x128xi1>, vector<32x128xf32>
    %slice3A_832 = vector.extract_strided_slice %select_n3A_818 {offsets = [0, 64], sizes = [32, 64], strides = [1, 1]} : vector<32x128xi32> to vector<32x64xi32>
    %slice3A_833 = vector.extract_strided_slice %select_n3A_818 {offsets = [0, 0], sizes = [32, 64], strides = [1, 1]} : vector<32x128xi32> to vector<32x64xi32>
    %concatenate3A_834 = tpu.concatenate %slice3A_832, %slice3A_833 in 1 : vector<32x64xi32>, vector<32x64xi32> -> vector<32x128xi32>
    %slice3A_835 = vector.extract_strided_slice %select_n3A_818 {offsets = [0, 64], sizes = [32, 64], strides = [1, 1]} : vector<32x128xi32> to vector<32x64xi32>
    %slice3A_836 = vector.extract_strided_slice %select_n3A_818 {offsets = [0, 0], sizes = [32, 64], strides = [1, 1]} : vector<32x128xi32> to vector<32x64xi32>
    %concatenate3A_837 = tpu.concatenate %slice3A_835, %slice3A_836 in 1 : vector<32x64xi32>, vector<32x64xi32> -> vector<32x128xi32>
    %select_n3A_838 = arith.select %eq3A_824, %concatenate3A_834, %concatenate3A_837 : vector<32x128xi1>, vector<32x128xi32>
    %lt3A_839 = arith.cmpf olt, %select_n3A_817, %select_n3A_831 : vector<32x128xf32>
    %eq3A_840 = arith.cmpf oeq, %select_n3A_817, %select_n3A_831 : vector<32x128xf32>
    %lt3A_841 = arith.cmpi slt, %select_n3A_818, %select_n3A_838 : vector<32x128xi32>
    %and3A_842 = arith.andi %eq3A_840, %lt3A_841 : vector<32x128xi1>
    %or3A_843 = arith.ori %lt3A_839, %and3A_842 : vector<32x128xi1>
    %and3A_844 = arith.constant 128 : i32
    %and3A_845 = vector.broadcast %and3A_844 : i32 to vector<32x128xi32>
    %and3A_846 = arith.andi %add3A, %and3A_845 : vector<32x128xi32>
    %eq3A_847 = arith.constant 0 : i32
    %eq3A_848 = vector.broadcast %eq3A_847 : i32 to vector<32x128xi32>
    %eq3A_849 = arith.cmpi eq, %and3A_846, %eq3A_848 : vector<32x128xi32>
    %eq3A_850 = arith.xori %eq3A_824, %eq3A_849 : vector<32x128xi1>
    %eq3A_851 = arith.constant dense<true> : vector<32x128xi1>
    %eq3A_852 = arith.xori %eq3A_850, %eq3A_851 : vector<32x128xi1>
    %eq3A_853 = arith.xori %or3A_843, %eq3A_852 : vector<32x128xi1>
    %eq3A_854 = arith.constant dense<true> : vector<32x128xi1>
    %eq3A_855 = arith.xori %eq3A_853, %eq3A_854 : vector<32x128xi1>
    %select_n3A_856 = arith.select %eq3A_855, %select_n3A_817, %select_n3A_831 : vector<32x128xi1>, vector<32x128xf32>
    %select_n3A_857 = arith.select %eq3A_855, %select_n3A_818, %select_n3A_838 : vector<32x128xi1>, vector<32x128xi32>
    %and3A_858 = arith.constant 32 : i32
    %and3A_859 = vector.broadcast %and3A_858 : i32 to vector<32x128xi32>
    %and3A_860 = arith.andi %add3A, %and3A_859 : vector<32x128xi32>
    %eq3A_861 = arith.constant 0 : i32
    %eq3A_862 = vector.broadcast %eq3A_861 : i32 to vector<32x128xi32>
    %eq3A_863 = arith.cmpi eq, %and3A_860, %eq3A_862 : vector<32x128xi32>
    %slice3A_864 = vector.extract_strided_slice %select_n3A_856 {offsets = [0, 32], sizes = [32, 96], strides = [1, 1]} : vector<32x128xf32> to vector<32x96xf32>
    %slice3A_865 = vector.extract_strided_slice %select_n3A_856 {offsets = [0, 0], sizes = [32, 32], strides = [1, 1]} : vector<32x128xf32> to vector<32x32xf32>
    %concatenate3A_866 = tpu.concatenate %slice3A_864, %slice3A_865 in 1 : vector<32x96xf32>, vector<32x32xf32> -> vector<32x128xf32>
    %slice3A_867 = vector.extract_strided_slice %select_n3A_856 {offsets = [0, 96], sizes = [32, 32], strides = [1, 1]} : vector<32x128xf32> to vector<32x32xf32>
    %slice3A_868 = vector.extract_strided_slice %select_n3A_856 {offsets = [0, 0], sizes = [32, 96], strides = [1, 1]} : vector<32x128xf32> to vector<32x96xf32>
    %concatenate3A_869 = tpu.concatenate %slice3A_867, %slice3A_868 in 1 : vector<32x32xf32>, vector<32x96xf32> -> vector<32x128xf32>
    %select_n3A_870 = arith.select %eq3A_863, %concatenate3A_866, %concatenate3A_869 : vector<32x128xi1>, vector<32x128xf32>
    %slice3A_871 = vector.extract_strided_slice %select_n3A_857 {offsets = [0, 32], sizes = [32, 96], strides = [1, 1]} : vector<32x128xi32> to vector<32x96xi32>
    %slice3A_872 = vector.extract_strided_slice %select_n3A_857 {offsets = [0, 0], sizes = [32, 32], strides = [1, 1]} : vector<32x128xi32> to vector<32x32xi32>
    %concatenate3A_873 = tpu.concatenate %slice3A_871, %slice3A_872 in 1 : vector<32x96xi32>, vector<32x32xi32> -> vector<32x128xi32>
    %slice3A_874 = vector.extract_strided_slice %select_n3A_857 {offsets = [0, 96], sizes = [32, 32], strides = [1, 1]} : vector<32x128xi32> to vector<32x32xi32>
    %slice3A_875 = vector.extract_strided_slice %select_n3A_857 {offsets = [0, 0], sizes = [32, 96], strides = [1, 1]} : vector<32x128xi32> to vector<32x96xi32>
    %concatenate3A_876 = tpu.concatenate %slice3A_874, %slice3A_875 in 1 : vector<32x32xi32>, vector<32x96xi32> -> vector<32x128xi32>
    %select_n3A_877 = arith.select %eq3A_863, %concatenate3A_873, %concatenate3A_876 : vector<32x128xi1>, vector<32x128xi32>
    %lt3A_878 = arith.cmpf olt, %select_n3A_856, %select_n3A_870 : vector<32x128xf32>
    %eq3A_879 = arith.cmpf oeq, %select_n3A_856, %select_n3A_870 : vector<32x128xf32>
    %lt3A_880 = arith.cmpi slt, %select_n3A_857, %select_n3A_877 : vector<32x128xi32>
    %and3A_881 = arith.andi %eq3A_879, %lt3A_880 : vector<32x128xi1>
    %or3A_882 = arith.ori %lt3A_878, %and3A_881 : vector<32x128xi1>
    %and3A_883 = arith.constant 128 : i32
    %and3A_884 = vector.broadcast %and3A_883 : i32 to vector<32x128xi32>
    %and3A_885 = arith.andi %add3A, %and3A_884 : vector<32x128xi32>
    %eq3A_886 = arith.constant 0 : i32
    %eq3A_887 = vector.broadcast %eq3A_886 : i32 to vector<32x128xi32>
    %eq3A_888 = arith.cmpi eq, %and3A_885, %eq3A_887 : vector<32x128xi32>
    %eq3A_889 = arith.xori %eq3A_863, %eq3A_888 : vector<32x128xi1>
    %eq3A_890 = arith.constant dense<true> : vector<32x128xi1>
    %eq3A_891 = arith.xori %eq3A_889, %eq3A_890 : vector<32x128xi1>
    %eq3A_892 = arith.xori %or3A_882, %eq3A_891 : vector<32x128xi1>
    %eq3A_893 = arith.constant dense<true> : vector<32x128xi1>
    %eq3A_894 = arith.xori %eq3A_892, %eq3A_893 : vector<32x128xi1>
    %select_n3A_895 = arith.select %eq3A_894, %select_n3A_856, %select_n3A_870 : vector<32x128xi1>, vector<32x128xf32>
    %select_n3A_896 = arith.select %eq3A_894, %select_n3A_857, %select_n3A_877 : vector<32x128xi1>, vector<32x128xi32>
    %and3A_897 = arith.constant 16 : i32
    %and3A_898 = vector.broadcast %and3A_897 : i32 to vector<32x128xi32>
    %and3A_899 = arith.andi %add3A, %and3A_898 : vector<32x128xi32>
    %eq3A_900 = arith.constant 0 : i32
    %eq3A_901 = vector.broadcast %eq3A_900 : i32 to vector<32x128xi32>
    %eq3A_902 = arith.cmpi eq, %and3A_899, %eq3A_901 : vector<32x128xi32>
    %slice3A_903 = vector.extract_strided_slice %select_n3A_895 {offsets = [0, 16], sizes = [32, 112], strides = [1, 1]} : vector<32x128xf32> to vector<32x112xf32>
    %slice3A_904 = vector.extract_strided_slice %select_n3A_895 {offsets = [0, 0], sizes = [32, 16], strides = [1, 1]} : vector<32x128xf32> to vector<32x16xf32>
    %concatenate3A_905 = tpu.concatenate %slice3A_903, %slice3A_904 in 1 : vector<32x112xf32>, vector<32x16xf32> -> vector<32x128xf32>
    %slice3A_906 = vector.extract_strided_slice %select_n3A_895 {offsets = [0, 112], sizes = [32, 16], strides = [1, 1]} : vector<32x128xf32> to vector<32x16xf32>
    %slice3A_907 = vector.extract_strided_slice %select_n3A_895 {offsets = [0, 0], sizes = [32, 112], strides = [1, 1]} : vector<32x128xf32> to vector<32x112xf32>
    %concatenate3A_908 = tpu.concatenate %slice3A_906, %slice3A_907 in 1 : vector<32x16xf32>, vector<32x112xf32> -> vector<32x128xf32>
    %select_n3A_909 = arith.select %eq3A_902, %concatenate3A_905, %concatenate3A_908 : vector<32x128xi1>, vector<32x128xf32>
    %slice3A_910 = vector.extract_strided_slice %select_n3A_896 {offsets = [0, 16], sizes = [32, 112], strides = [1, 1]} : vector<32x128xi32> to vector<32x112xi32>
    %slice3A_911 = vector.extract_strided_slice %select_n3A_896 {offsets = [0, 0], sizes = [32, 16], strides = [1, 1]} : vector<32x128xi32> to vector<32x16xi32>
    %concatenate3A_912 = tpu.concatenate %slice3A_910, %slice3A_911 in 1 : vector<32x112xi32>, vector<32x16xi32> -> vector<32x128xi32>
    %slice3A_913 = vector.extract_strided_slice %select_n3A_896 {offsets = [0, 112], sizes = [32, 16], strides = [1, 1]} : vector<32x128xi32> to vector<32x16xi32>
    %slice3A_914 = vector.extract_strided_slice %select_n3A_896 {offsets = [0, 0], sizes = [32, 112], strides = [1, 1]} : vector<32x128xi32> to vector<32x112xi32>
    %concatenate3A_915 = tpu.concatenate %slice3A_913, %slice3A_914 in 1 : vector<32x16xi32>, vector<32x112xi32> -> vector<32x128xi32>
    %select_n3A_916 = arith.select %eq3A_902, %concatenate3A_912, %concatenate3A_915 : vector<32x128xi1>, vector<32x128xi32>
    %lt3A_917 = arith.cmpf olt, %select_n3A_895, %select_n3A_909 : vector<32x128xf32>
    %eq3A_918 = arith.cmpf oeq, %select_n3A_895, %select_n3A_909 : vector<32x128xf32>
    %lt3A_919 = arith.cmpi slt, %select_n3A_896, %select_n3A_916 : vector<32x128xi32>
    %and3A_920 = arith.andi %eq3A_918, %lt3A_919 : vector<32x128xi1>
    %or3A_921 = arith.ori %lt3A_917, %and3A_920 : vector<32x128xi1>
    %and3A_922 = arith.constant 128 : i32
    %and3A_923 = vector.broadcast %and3A_922 : i32 to vector<32x128xi32>
    %and3A_924 = arith.andi %add3A, %and3A_923 : vector<32x128xi32>
    %eq3A_925 = arith.constant 0 : i32
    %eq3A_926 = vector.broadcast %eq3A_925 : i32 to vector<32x128xi32>
    %eq3A_927 = arith.cmpi eq, %and3A_924, %eq3A_926 : vector<32x128xi32>
    %eq3A_928 = arith.xori %eq3A_902, %eq3A_927 : vector<32x128xi1>
    %eq3A_929 = arith.constant dense<true> : vector<32x128xi1>
    %eq3A_930 = arith.xori %eq3A_928, %eq3A_929 : vector<32x128xi1>
    %eq3A_931 = arith.xori %or3A_921, %eq3A_930 : vector<32x128xi1>
    %eq3A_932 = arith.constant dense<true> : vector<32x128xi1>
    %eq3A_933 = arith.xori %eq3A_931, %eq3A_932 : vector<32x128xi1>
    %select_n3A_934 = arith.select %eq3A_933, %select_n3A_895, %select_n3A_909 : vector<32x128xi1>, vector<32x128xf32>
    %select_n3A_935 = arith.select %eq3A_933, %select_n3A_896, %select_n3A_916 : vector<32x128xi1>, vector<32x128xi32>
    %and3A_936 = arith.constant 8 : i32
    %and3A_937 = vector.broadcast %and3A_936 : i32 to vector<32x128xi32>
    %and3A_938 = arith.andi %add3A, %and3A_937 : vector<32x128xi32>
    %eq3A_939 = arith.constant 0 : i32
    %eq3A_940 = vector.broadcast %eq3A_939 : i32 to vector<32x128xi32>
    %eq3A_941 = arith.cmpi eq, %and3A_938, %eq3A_940 : vector<32x128xi32>
    %slice3A_942 = vector.extract_strided_slice %select_n3A_934 {offsets = [0, 8], sizes = [32, 120], strides = [1, 1]} : vector<32x128xf32> to vector<32x120xf32>
    %slice3A_943 = vector.extract_strided_slice %select_n3A_934 {offsets = [0, 0], sizes = [32, 8], strides = [1, 1]} : vector<32x128xf32> to vector<32x8xf32>
    %concatenate3A_944 = tpu.concatenate %slice3A_942, %slice3A_943 in 1 : vector<32x120xf32>, vector<32x8xf32> -> vector<32x128xf32>
    %slice3A_945 = vector.extract_strided_slice %select_n3A_934 {offsets = [0, 120], sizes = [32, 8], strides = [1, 1]} : vector<32x128xf32> to vector<32x8xf32>
    %slice3A_946 = vector.extract_strided_slice %select_n3A_934 {offsets = [0, 0], sizes = [32, 120], strides = [1, 1]} : vector<32x128xf32> to vector<32x120xf32>
    %concatenate3A_947 = tpu.concatenate %slice3A_945, %slice3A_946 in 1 : vector<32x8xf32>, vector<32x120xf32> -> vector<32x128xf32>
    %select_n3A_948 = arith.select %eq3A_941, %concatenate3A_944, %concatenate3A_947 : vector<32x128xi1>, vector<32x128xf32>
    %slice3A_949 = vector.extract_strided_slice %select_n3A_935 {offsets = [0, 8], sizes = [32, 120], strides = [1, 1]} : vector<32x128xi32> to vector<32x120xi32>
    %slice3A_950 = vector.extract_strided_slice %select_n3A_935 {offsets = [0, 0], sizes = [32, 8], strides = [1, 1]} : vector<32x128xi32> to vector<32x8xi32>
    %concatenate3A_951 = tpu.concatenate %slice3A_949, %slice3A_950 in 1 : vector<32x120xi32>, vector<32x8xi32> -> vector<32x128xi32>
    %slice3A_952 = vector.extract_strided_slice %select_n3A_935 {offsets = [0, 120], sizes = [32, 8], strides = [1, 1]} : vector<32x128xi32> to vector<32x8xi32>
    %slice3A_953 = vector.extract_strided_slice %select_n3A_935 {offsets = [0, 0], sizes = [32, 120], strides = [1, 1]} : vector<32x128xi32> to vector<32x120xi32>
    %concatenate3A_954 = tpu.concatenate %slice3A_952, %slice3A_953 in 1 : vector<32x8xi32>, vector<32x120xi32> -> vector<32x128xi32>
    %select_n3A_955 = arith.select %eq3A_941, %concatenate3A_951, %concatenate3A_954 : vector<32x128xi1>, vector<32x128xi32>
    %lt3A_956 = arith.cmpf olt, %select_n3A_934, %select_n3A_948 : vector<32x128xf32>
    %eq3A_957 = arith.cmpf oeq, %select_n3A_934, %select_n3A_948 : vector<32x128xf32>
    %lt3A_958 = arith.cmpi slt, %select_n3A_935, %select_n3A_955 : vector<32x128xi32>
    %and3A_959 = arith.andi %eq3A_957, %lt3A_958 : vector<32x128xi1>
    %or3A_960 = arith.ori %lt3A_956, %and3A_959 : vector<32x128xi1>
    %and3A_961 = arith.constant 128 : i32
    %and3A_962 = vector.broadcast %and3A_961 : i32 to vector<32x128xi32>
    %and3A_963 = arith.andi %add3A, %and3A_962 : vector<32x128xi32>
    %eq3A_964 = arith.constant 0 : i32
    %eq3A_965 = vector.broadcast %eq3A_964 : i32 to vector<32x128xi32>
    %eq3A_966 = arith.cmpi eq, %and3A_963, %eq3A_965 : vector<32x128xi32>
    %eq3A_967 = arith.xori %eq3A_941, %eq3A_966 : vector<32x128xi1>
    %eq3A_968 = arith.constant dense<true> : vector<32x128xi1>
    %eq3A_969 = arith.xori %eq3A_967, %eq3A_968 : vector<32x128xi1>
    %eq3A_970 = arith.xori %or3A_960, %eq3A_969 : vector<32x128xi1>
    %eq3A_971 = arith.constant dense<true> : vector<32x128xi1>
    %eq3A_972 = arith.xori %eq3A_970, %eq3A_971 : vector<32x128xi1>
    %select_n3A_973 = arith.select %eq3A_972, %select_n3A_934, %select_n3A_948 : vector<32x128xi1>, vector<32x128xf32>
    %select_n3A_974 = arith.select %eq3A_972, %select_n3A_935, %select_n3A_955 : vector<32x128xi1>, vector<32x128xi32>
    %and3A_975 = arith.constant 4 : i32
    %and3A_976 = vector.broadcast %and3A_975 : i32 to vector<32x128xi32>
    %and3A_977 = arith.andi %add3A, %and3A_976 : vector<32x128xi32>
    %eq3A_978 = arith.constant 0 : i32
    %eq3A_979 = vector.broadcast %eq3A_978 : i32 to vector<32x128xi32>
    %eq3A_980 = arith.cmpi eq, %and3A_977, %eq3A_979 : vector<32x128xi32>
    %slice3A_981 = vector.extract_strided_slice %select_n3A_973 {offsets = [0, 4], sizes = [32, 124], strides = [1, 1]} : vector<32x128xf32> to vector<32x124xf32>
    %slice3A_982 = vector.extract_strided_slice %select_n3A_973 {offsets = [0, 0], sizes = [32, 4], strides = [1, 1]} : vector<32x128xf32> to vector<32x4xf32>
    %concatenate3A_983 = tpu.concatenate %slice3A_981, %slice3A_982 in 1 : vector<32x124xf32>, vector<32x4xf32> -> vector<32x128xf32>
    %slice3A_984 = vector.extract_strided_slice %select_n3A_973 {offsets = [0, 124], sizes = [32, 4], strides = [1, 1]} : vector<32x128xf32> to vector<32x4xf32>
    %slice3A_985 = vector.extract_strided_slice %select_n3A_973 {offsets = [0, 0], sizes = [32, 124], strides = [1, 1]} : vector<32x128xf32> to vector<32x124xf32>
    %concatenate3A_986 = tpu.concatenate %slice3A_984, %slice3A_985 in 1 : vector<32x4xf32>, vector<32x124xf32> -> vector<32x128xf32>
    %select_n3A_987 = arith.select %eq3A_980, %concatenate3A_983, %concatenate3A_986 : vector<32x128xi1>, vector<32x128xf32>
    %slice3A_988 = vector.extract_strided_slice %select_n3A_974 {offsets = [0, 4], sizes = [32, 124], strides = [1, 1]} : vector<32x128xi32> to vector<32x124xi32>
    %slice3A_989 = vector.extract_strided_slice %select_n3A_974 {offsets = [0, 0], sizes = [32, 4], strides = [1, 1]} : vector<32x128xi32> to vector<32x4xi32>
    %concatenate3A_990 = tpu.concatenate %slice3A_988, %slice3A_989 in 1 : vector<32x124xi32>, vector<32x4xi32> -> vector<32x128xi32>
    %slice3A_991 = vector.extract_strided_slice %select_n3A_974 {offsets = [0, 124], sizes = [32, 4], strides = [1, 1]} : vector<32x128xi32> to vector<32x4xi32>
    %slice3A_992 = vector.extract_strided_slice %select_n3A_974 {offsets = [0, 0], sizes = [32, 124], strides = [1, 1]} : vector<32x128xi32> to vector<32x124xi32>
    %concatenate3A_993 = tpu.concatenate %slice3A_991, %slice3A_992 in 1 : vector<32x4xi32>, vector<32x124xi32> -> vector<32x128xi32>
    %select_n3A_994 = arith.select %eq3A_980, %concatenate3A_990, %concatenate3A_993 : vector<32x128xi1>, vector<32x128xi32>
    %lt3A_995 = arith.cmpf olt, %select_n3A_973, %select_n3A_987 : vector<32x128xf32>
    %eq3A_996 = arith.cmpf oeq, %select_n3A_973, %select_n3A_987 : vector<32x128xf32>
    %lt3A_997 = arith.cmpi slt, %select_n3A_974, %select_n3A_994 : vector<32x128xi32>
    %and3A_998 = arith.andi %eq3A_996, %lt3A_997 : vector<32x128xi1>
    %or3A_999 = arith.ori %lt3A_995, %and3A_998 : vector<32x128xi1>
    %and3A_1000 = arith.constant 128 : i32
    %and3A_1001 = vector.broadcast %and3A_1000 : i32 to vector<32x128xi32>
    %and3A_1002 = arith.andi %add3A, %and3A_1001 : vector<32x128xi32>
    %eq3A_1003 = arith.constant 0 : i32
    %eq3A_1004 = vector.broadcast %eq3A_1003 : i32 to vector<32x128xi32>
    %eq3A_1005 = arith.cmpi eq, %and3A_1002, %eq3A_1004 : vector<32x128xi32>
    %eq3A_1006 = arith.xori %eq3A_980, %eq3A_1005 : vector<32x128xi1>
    %eq3A_1007 = arith.constant dense<true> : vector<32x128xi1>
    %eq3A_1008 = arith.xori %eq3A_1006, %eq3A_1007 : vector<32x128xi1>
    %eq3A_1009 = arith.xori %or3A_999, %eq3A_1008 : vector<32x128xi1>
    %eq3A_1010 = arith.constant dense<true> : vector<32x128xi1>
    %eq3A_1011 = arith.xori %eq3A_1009, %eq3A_1010 : vector<32x128xi1>
    %select_n3A_1012 = arith.select %eq3A_1011, %select_n3A_973, %select_n3A_987 : vector<32x128xi1>, vector<32x128xf32>
    %select_n3A_1013 = arith.select %eq3A_1011, %select_n3A_974, %select_n3A_994 : vector<32x128xi1>, vector<32x128xi32>
    %and3A_1014 = arith.constant 2 : i32
    %and3A_1015 = vector.broadcast %and3A_1014 : i32 to vector<32x128xi32>
    %and3A_1016 = arith.andi %add3A, %and3A_1015 : vector<32x128xi32>
    %eq3A_1017 = arith.constant 0 : i32
    %eq3A_1018 = vector.broadcast %eq3A_1017 : i32 to vector<32x128xi32>
    %eq3A_1019 = arith.cmpi eq, %and3A_1016, %eq3A_1018 : vector<32x128xi32>
    %slice3A_1020 = vector.extract_strided_slice %select_n3A_1012 {offsets = [0, 2], sizes = [32, 126], strides = [1, 1]} : vector<32x128xf32> to vector<32x126xf32>
    %slice3A_1021 = vector.extract_strided_slice %select_n3A_1012 {offsets = [0, 0], sizes = [32, 2], strides = [1, 1]} : vector<32x128xf32> to vector<32x2xf32>
    %concatenate3A_1022 = tpu.concatenate %slice3A_1020, %slice3A_1021 in 1 : vector<32x126xf32>, vector<32x2xf32> -> vector<32x128xf32>
    %slice3A_1023 = vector.extract_strided_slice %select_n3A_1012 {offsets = [0, 126], sizes = [32, 2], strides = [1, 1]} : vector<32x128xf32> to vector<32x2xf32>
    %slice3A_1024 = vector.extract_strided_slice %select_n3A_1012 {offsets = [0, 0], sizes = [32, 126], strides = [1, 1]} : vector<32x128xf32> to vector<32x126xf32>
    %concatenate3A_1025 = tpu.concatenate %slice3A_1023, %slice3A_1024 in 1 : vector<32x2xf32>, vector<32x126xf32> -> vector<32x128xf32>
    %select_n3A_1026 = arith.select %eq3A_1019, %concatenate3A_1022, %concatenate3A_1025 : vector<32x128xi1>, vector<32x128xf32>
    %slice3A_1027 = vector.extract_strided_slice %select_n3A_1013 {offsets = [0, 2], sizes = [32, 126], strides = [1, 1]} : vector<32x128xi32> to vector<32x126xi32>
    %slice3A_1028 = vector.extract_strided_slice %select_n3A_1013 {offsets = [0, 0], sizes = [32, 2], strides = [1, 1]} : vector<32x128xi32> to vector<32x2xi32>
    %concatenate3A_1029 = tpu.concatenate %slice3A_1027, %slice3A_1028 in 1 : vector<32x126xi32>, vector<32x2xi32> -> vector<32x128xi32>
    %slice3A_1030 = vector.extract_strided_slice %select_n3A_1013 {offsets = [0, 126], sizes = [32, 2], strides = [1, 1]} : vector<32x128xi32> to vector<32x2xi32>
    %slice3A_1031 = vector.extract_strided_slice %select_n3A_1013 {offsets = [0, 0], sizes = [32, 126], strides = [1, 1]} : vector<32x128xi32> to vector<32x126xi32>
    %concatenate3A_1032 = tpu.concatenate %slice3A_1030, %slice3A_1031 in 1 : vector<32x2xi32>, vector<32x126xi32> -> vector<32x128xi32>
    %select_n3A_1033 = arith.select %eq3A_1019, %concatenate3A_1029, %concatenate3A_1032 : vector<32x128xi1>, vector<32x128xi32>
    %lt3A_1034 = arith.cmpf olt, %select_n3A_1012, %select_n3A_1026 : vector<32x128xf32>
    %eq3A_1035 = arith.cmpf oeq, %select_n3A_1012, %select_n3A_1026 : vector<32x128xf32>
    %lt3A_1036 = arith.cmpi slt, %select_n3A_1013, %select_n3A_1033 : vector<32x128xi32>
    %and3A_1037 = arith.andi %eq3A_1035, %lt3A_1036 : vector<32x128xi1>
    %or3A_1038 = arith.ori %lt3A_1034, %and3A_1037 : vector<32x128xi1>
    %and3A_1039 = arith.constant 128 : i32
    %and3A_1040 = vector.broadcast %and3A_1039 : i32 to vector<32x128xi32>
    %and3A_1041 = arith.andi %add3A, %and3A_1040 : vector<32x128xi32>
    %eq3A_1042 = arith.constant 0 : i32
    %eq3A_1043 = vector.broadcast %eq3A_1042 : i32 to vector<32x128xi32>
    %eq3A_1044 = arith.cmpi eq, %and3A_1041, %eq3A_1043 : vector<32x128xi32>
    %eq3A_1045 = arith.xori %eq3A_1019, %eq3A_1044 : vector<32x128xi1>
    %eq3A_1046 = arith.constant dense<true> : vector<32x128xi1>
    %eq3A_1047 = arith.xori %eq3A_1045, %eq3A_1046 : vector<32x128xi1>
    %eq3A_1048 = arith.xori %or3A_1038, %eq3A_1047 : vector<32x128xi1>
    %eq3A_1049 = arith.constant dense<true> : vector<32x128xi1>
    %eq3A_1050 = arith.xori %eq3A_1048, %eq3A_1049 : vector<32x128xi1>
    %select_n3A_1051 = arith.select %eq3A_1050, %select_n3A_1012, %select_n3A_1026 : vector<32x128xi1>, vector<32x128xf32>
    %select_n3A_1052 = arith.select %eq3A_1050, %select_n3A_1013, %select_n3A_1033 : vector<32x128xi1>, vector<32x128xi32>
    %and3A_1053 = arith.constant 1 : i32
    %and3A_1054 = vector.broadcast %and3A_1053 : i32 to vector<32x128xi32>
    %and3A_1055 = arith.andi %add3A, %and3A_1054 : vector<32x128xi32>
    %eq3A_1056 = arith.constant 0 : i32
    %eq3A_1057 = vector.broadcast %eq3A_1056 : i32 to vector<32x128xi32>
    %eq3A_1058 = arith.cmpi eq, %and3A_1055, %eq3A_1057 : vector<32x128xi32>
    %slice3A_1059 = vector.extract_strided_slice %select_n3A_1051 {offsets = [0, 1], sizes = [32, 127], strides = [1, 1]} : vector<32x128xf32> to vector<32x127xf32>
    %slice3A_1060 = vector.extract_strided_slice %select_n3A_1051 {offsets = [0, 0], sizes = [32, 1], strides = [1, 1]} : vector<32x128xf32> to vector<32x1xf32>
    %concatenate3A_1061 = tpu.concatenate %slice3A_1059, %slice3A_1060 in 1 : vector<32x127xf32>, vector<32x1xf32> -> vector<32x128xf32>
    %slice3A_1062 = vector.extract_strided_slice %select_n3A_1051 {offsets = [0, 127], sizes = [32, 1], strides = [1, 1]} : vector<32x128xf32> to vector<32x1xf32>
    %slice3A_1063 = vector.extract_strided_slice %select_n3A_1051 {offsets = [0, 0], sizes = [32, 127], strides = [1, 1]} : vector<32x128xf32> to vector<32x127xf32>
    %concatenate3A_1064 = tpu.concatenate %slice3A_1062, %slice3A_1063 in 1 : vector<32x1xf32>, vector<32x127xf32> -> vector<32x128xf32>
    %select_n3A_1065 = arith.select %eq3A_1058, %concatenate3A_1061, %concatenate3A_1064 : vector<32x128xi1>, vector<32x128xf32>
    %slice3A_1066 = vector.extract_strided_slice %select_n3A_1052 {offsets = [0, 1], sizes = [32, 127], strides = [1, 1]} : vector<32x128xi32> to vector<32x127xi32>
    %slice3A_1067 = vector.extract_strided_slice %select_n3A_1052 {offsets = [0, 0], sizes = [32, 1], strides = [1, 1]} : vector<32x128xi32> to vector<32x1xi32>
    %concatenate3A_1068 = tpu.concatenate %slice3A_1066, %slice3A_1067 in 1 : vector<32x127xi32>, vector<32x1xi32> -> vector<32x128xi32>
    %slice3A_1069 = vector.extract_strided_slice %select_n3A_1052 {offsets = [0, 127], sizes = [32, 1], strides = [1, 1]} : vector<32x128xi32> to vector<32x1xi32>
    %slice3A_1070 = vector.extract_strided_slice %select_n3A_1052 {offsets = [0, 0], sizes = [32, 127], strides = [1, 1]} : vector<32x128xi32> to vector<32x127xi32>
    %concatenate3A_1071 = tpu.concatenate %slice3A_1069, %slice3A_1070 in 1 : vector<32x1xi32>, vector<32x127xi32> -> vector<32x128xi32>
    %select_n3A_1072 = arith.select %eq3A_1058, %concatenate3A_1068, %concatenate3A_1071 : vector<32x128xi1>, vector<32x128xi32>
    %lt3A_1073 = arith.cmpf olt, %select_n3A_1051, %select_n3A_1065 : vector<32x128xf32>
    %eq3A_1074 = arith.cmpf oeq, %select_n3A_1051, %select_n3A_1065 : vector<32x128xf32>
    %lt3A_1075 = arith.cmpi slt, %select_n3A_1052, %select_n3A_1072 : vector<32x128xi32>
    %and3A_1076 = arith.andi %eq3A_1074, %lt3A_1075 : vector<32x128xi1>
    %or3A_1077 = arith.ori %lt3A_1073, %and3A_1076 : vector<32x128xi1>
    %and3A_1078 = arith.constant 128 : i32
    %and3A_1079 = vector.broadcast %and3A_1078 : i32 to vector<32x128xi32>
    %and3A_1080 = arith.andi %add3A, %and3A_1079 : vector<32x128xi32>
    %eq3A_1081 = arith.constant 0 : i32
    %eq3A_1082 = vector.broadcast %eq3A_1081 : i32 to vector<32x128xi32>
    %eq3A_1083 = arith.cmpi eq, %and3A_1080, %eq3A_1082 : vector<32x128xi32>
    %eq3A_1084 = arith.xori %eq3A_1058, %eq3A_1083 : vector<32x128xi1>
    %eq3A_1085 = arith.constant dense<true> : vector<32x128xi1>
    %eq3A_1086 = arith.xori %eq3A_1084, %eq3A_1085 : vector<32x128xi1>
    %eq3A_1087 = arith.xori %or3A_1077, %eq3A_1086 : vector<32x128xi1>
    %eq3A_1088 = arith.constant dense<true> : vector<32x128xi1>
    %eq3A_1089 = arith.xori %eq3A_1087, %eq3A_1088 : vector<32x128xi1>
    %select_n3A_1090 = arith.select %eq3A_1089, %select_n3A_1051, %select_n3A_1065 : vector<32x128xi1>, vector<32x128xf32>
    %select_n3A_1091 = arith.select %eq3A_1089, %select_n3A_1052, %select_n3A_1072 : vector<32x128xi1>, vector<32x128xi32>
    %and3A_1092 = arith.constant 128 : i32
    %and3A_1093 = vector.broadcast %and3A_1092 : i32 to vector<32x128xi32>
    %and3A_1094 = arith.andi %add3A, %and3A_1093 : vector<32x128xi32>
    %eq3A_1095 = arith.constant 0 : i32
    %eq3A_1096 = vector.broadcast %eq3A_1095 : i32 to vector<32x128xi32>
    %eq3A_1097 = arith.cmpi eq, %and3A_1094, %eq3A_1096 : vector<32x128xi32>
    %slice3A_1098 = vector.extract_strided_slice %select_n3A_1090 {offsets = [1, 0], sizes = [31, 128], strides = [1, 1]} : vector<32x128xf32> to vector<31x128xf32>
    %slice3A_1099 = vector.extract_strided_slice %select_n3A_1090 {offsets = [0, 0], sizes = [1, 128], strides = [1, 1]} : vector<32x128xf32> to vector<1x128xf32>
    %concatenate3A_1100 = tpu.concatenate %slice3A_1098, %slice3A_1099 in 0 : vector<31x128xf32>, vector<1x128xf32> -> vector<32x128xf32>
    %slice3A_1101 = vector.extract_strided_slice %select_n3A_1090 {offsets = [31, 0], sizes = [1, 128], strides = [1, 1]} : vector<32x128xf32> to vector<1x128xf32>
    %slice3A_1102 = vector.extract_strided_slice %select_n3A_1090 {offsets = [0, 0], sizes = [31, 128], strides = [1, 1]} : vector<32x128xf32> to vector<31x128xf32>
    %concatenate3A_1103 = tpu.concatenate %slice3A_1101, %slice3A_1102 in 0 : vector<1x128xf32>, vector<31x128xf32> -> vector<32x128xf32>
    %select_n3A_1104 = arith.select %eq3A_1097, %concatenate3A_1100, %concatenate3A_1103 : vector<32x128xi1>, vector<32x128xf32>
    %slice3A_1105 = vector.extract_strided_slice %select_n3A_1091 {offsets = [1, 0], sizes = [31, 128], strides = [1, 1]} : vector<32x128xi32> to vector<31x128xi32>
    %slice3A_1106 = vector.extract_strided_slice %select_n3A_1091 {offsets = [0, 0], sizes = [1, 128], strides = [1, 1]} : vector<32x128xi32> to vector<1x128xi32>
    %concatenate3A_1107 = tpu.concatenate %slice3A_1105, %slice3A_1106 in 0 : vector<31x128xi32>, vector<1x128xi32> -> vector<32x128xi32>
    %slice3A_1108 = vector.extract_strided_slice %select_n3A_1091 {offsets = [31, 0], sizes = [1, 128], strides = [1, 1]} : vector<32x128xi32> to vector<1x128xi32>
    %slice3A_1109 = vector.extract_strided_slice %select_n3A_1091 {offsets = [0, 0], sizes = [31, 128], strides = [1, 1]} : vector<32x128xi32> to vector<31x128xi32>
    %concatenate3A_1110 = tpu.concatenate %slice3A_1108, %slice3A_1109 in 0 : vector<1x128xi32>, vector<31x128xi32> -> vector<32x128xi32>
    %select_n3A_1111 = arith.select %eq3A_1097, %concatenate3A_1107, %concatenate3A_1110 : vector<32x128xi1>, vector<32x128xi32>
    %lt3A_1112 = arith.cmpf olt, %select_n3A_1090, %select_n3A_1104 : vector<32x128xf32>
    %eq3A_1113 = arith.cmpf oeq, %select_n3A_1090, %select_n3A_1104 : vector<32x128xf32>
    %lt3A_1114 = arith.cmpi slt, %select_n3A_1091, %select_n3A_1111 : vector<32x128xi32>
    %and3A_1115 = arith.andi %eq3A_1113, %lt3A_1114 : vector<32x128xi1>
    %or3A_1116 = arith.ori %lt3A_1112, %and3A_1115 : vector<32x128xi1>
    %and3A_1117 = arith.constant 256 : i32
    %and3A_1118 = vector.broadcast %and3A_1117 : i32 to vector<32x128xi32>
    %and3A_1119 = arith.andi %add3A, %and3A_1118 : vector<32x128xi32>
    %eq3A_1120 = arith.constant 0 : i32
    %eq3A_1121 = vector.broadcast %eq3A_1120 : i32 to vector<32x128xi32>
    %eq3A_1122 = arith.cmpi eq, %and3A_1119, %eq3A_1121 : vector<32x128xi32>
    %eq3A_1123 = arith.xori %eq3A_1097, %eq3A_1122 : vector<32x128xi1>
    %eq3A_1124 = arith.constant dense<true> : vector<32x128xi1>
    %eq3A_1125 = arith.xori %eq3A_1123, %eq3A_1124 : vector<32x128xi1>
    %eq3A_1126 = arith.xori %or3A_1116, %eq3A_1125 : vector<32x128xi1>
    %eq3A_1127 = arith.constant dense<true> : vector<32x128xi1>
    %eq3A_1128 = arith.xori %eq3A_1126, %eq3A_1127 : vector<32x128xi1>
    %select_n3A_1129 = arith.select %eq3A_1128, %select_n3A_1090, %select_n3A_1104 : vector<32x128xi1>, vector<32x128xf32>
    %select_n3A_1130 = arith.select %eq3A_1128, %select_n3A_1091, %select_n3A_1111 : vector<32x128xi1>, vector<32x128xi32>
    %and3A_1131 = arith.constant 64 : i32
    %and3A_1132 = vector.broadcast %and3A_1131 : i32 to vector<32x128xi32>
    %and3A_1133 = arith.andi %add3A, %and3A_1132 : vector<32x128xi32>
    %eq3A_1134 = arith.constant 0 : i32
    %eq3A_1135 = vector.broadcast %eq3A_1134 : i32 to vector<32x128xi32>
    %eq3A_1136 = arith.cmpi eq, %and3A_1133, %eq3A_1135 : vector<32x128xi32>
    %slice3A_1137 = vector.extract_strided_slice %select_n3A_1129 {offsets = [0, 64], sizes = [32, 64], strides = [1, 1]} : vector<32x128xf32> to vector<32x64xf32>
    %slice3A_1138 = vector.extract_strided_slice %select_n3A_1129 {offsets = [0, 0], sizes = [32, 64], strides = [1, 1]} : vector<32x128xf32> to vector<32x64xf32>
    %concatenate3A_1139 = tpu.concatenate %slice3A_1137, %slice3A_1138 in 1 : vector<32x64xf32>, vector<32x64xf32> -> vector<32x128xf32>
    %slice3A_1140 = vector.extract_strided_slice %select_n3A_1129 {offsets = [0, 64], sizes = [32, 64], strides = [1, 1]} : vector<32x128xf32> to vector<32x64xf32>
    %slice3A_1141 = vector.extract_strided_slice %select_n3A_1129 {offsets = [0, 0], sizes = [32, 64], strides = [1, 1]} : vector<32x128xf32> to vector<32x64xf32>
    %concatenate3A_1142 = tpu.concatenate %slice3A_1140, %slice3A_1141 in 1 : vector<32x64xf32>, vector<32x64xf32> -> vector<32x128xf32>
    %select_n3A_1143 = arith.select %eq3A_1136, %concatenate3A_1139, %concatenate3A_1142 : vector<32x128xi1>, vector<32x128xf32>
    %slice3A_1144 = vector.extract_strided_slice %select_n3A_1130 {offsets = [0, 64], sizes = [32, 64], strides = [1, 1]} : vector<32x128xi32> to vector<32x64xi32>
    %slice3A_1145 = vector.extract_strided_slice %select_n3A_1130 {offsets = [0, 0], sizes = [32, 64], strides = [1, 1]} : vector<32x128xi32> to vector<32x64xi32>
    %concatenate3A_1146 = tpu.concatenate %slice3A_1144, %slice3A_1145 in 1 : vector<32x64xi32>, vector<32x64xi32> -> vector<32x128xi32>
    %slice3A_1147 = vector.extract_strided_slice %select_n3A_1130 {offsets = [0, 64], sizes = [32, 64], strides = [1, 1]} : vector<32x128xi32> to vector<32x64xi32>
    %slice3A_1148 = vector.extract_strided_slice %select_n3A_1130 {offsets = [0, 0], sizes = [32, 64], strides = [1, 1]} : vector<32x128xi32> to vector<32x64xi32>
    %concatenate3A_1149 = tpu.concatenate %slice3A_1147, %slice3A_1148 in 1 : vector<32x64xi32>, vector<32x64xi32> -> vector<32x128xi32>
    %select_n3A_1150 = arith.select %eq3A_1136, %concatenate3A_1146, %concatenate3A_1149 : vector<32x128xi1>, vector<32x128xi32>
    %lt3A_1151 = arith.cmpf olt, %select_n3A_1129, %select_n3A_1143 : vector<32x128xf32>
    %eq3A_1152 = arith.cmpf oeq, %select_n3A_1129, %select_n3A_1143 : vector<32x128xf32>
    %lt3A_1153 = arith.cmpi slt, %select_n3A_1130, %select_n3A_1150 : vector<32x128xi32>
    %and3A_1154 = arith.andi %eq3A_1152, %lt3A_1153 : vector<32x128xi1>
    %or3A_1155 = arith.ori %lt3A_1151, %and3A_1154 : vector<32x128xi1>
    %and3A_1156 = arith.constant 256 : i32
    %and3A_1157 = vector.broadcast %and3A_1156 : i32 to vector<32x128xi32>
    %and3A_1158 = arith.andi %add3A, %and3A_1157 : vector<32x128xi32>
    %eq3A_1159 = arith.constant 0 : i32
    %eq3A_1160 = vector.broadcast %eq3A_1159 : i32 to vector<32x128xi32>
    %eq3A_1161 = arith.cmpi eq, %and3A_1158, %eq3A_1160 : vector<32x128xi32>
    %eq3A_1162 = arith.xori %eq3A_1136, %eq3A_1161 : vector<32x128xi1>
    %eq3A_1163 = arith.constant dense<true> : vector<32x128xi1>
    %eq3A_1164 = arith.xori %eq3A_1162, %eq3A_1163 : vector<32x128xi1>
    %eq3A_1165 = arith.xori %or3A_1155, %eq3A_1164 : vector<32x128xi1>
    %eq3A_1166 = arith.constant dense<true> : vector<32x128xi1>
    %eq3A_1167 = arith.xori %eq3A_1165, %eq3A_1166 : vector<32x128xi1>
    %select_n3A_1168 = arith.select %eq3A_1167, %select_n3A_1129, %select_n3A_1143 : vector<32x128xi1>, vector<32x128xf32>
    %select_n3A_1169 = arith.select %eq3A_1167, %select_n3A_1130, %select_n3A_1150 : vector<32x128xi1>, vector<32x128xi32>
    %and3A_1170 = arith.constant 32 : i32
    %and3A_1171 = vector.broadcast %and3A_1170 : i32 to vector<32x128xi32>
    %and3A_1172 = arith.andi %add3A, %and3A_1171 : vector<32x128xi32>
    %eq3A_1173 = arith.constant 0 : i32
    %eq3A_1174 = vector.broadcast %eq3A_1173 : i32 to vector<32x128xi32>
    %eq3A_1175 = arith.cmpi eq, %and3A_1172, %eq3A_1174 : vector<32x128xi32>
    %slice3A_1176 = vector.extract_strided_slice %select_n3A_1168 {offsets = [0, 32], sizes = [32, 96], strides = [1, 1]} : vector<32x128xf32> to vector<32x96xf32>
    %slice3A_1177 = vector.extract_strided_slice %select_n3A_1168 {offsets = [0, 0], sizes = [32, 32], strides = [1, 1]} : vector<32x128xf32> to vector<32x32xf32>
    %concatenate3A_1178 = tpu.concatenate %slice3A_1176, %slice3A_1177 in 1 : vector<32x96xf32>, vector<32x32xf32> -> vector<32x128xf32>
    %slice3A_1179 = vector.extract_strided_slice %select_n3A_1168 {offsets = [0, 96], sizes = [32, 32], strides = [1, 1]} : vector<32x128xf32> to vector<32x32xf32>
    %slice3A_1180 = vector.extract_strided_slice %select_n3A_1168 {offsets = [0, 0], sizes = [32, 96], strides = [1, 1]} : vector<32x128xf32> to vector<32x96xf32>
    %concatenate3A_1181 = tpu.concatenate %slice3A_1179, %slice3A_1180 in 1 : vector<32x32xf32>, vector<32x96xf32> -> vector<32x128xf32>
    %select_n3A_1182 = arith.select %eq3A_1175, %concatenate3A_1178, %concatenate3A_1181 : vector<32x128xi1>, vector<32x128xf32>
    %slice3A_1183 = vector.extract_strided_slice %select_n3A_1169 {offsets = [0, 32], sizes = [32, 96], strides = [1, 1]} : vector<32x128xi32> to vector<32x96xi32>
    %slice3A_1184 = vector.extract_strided_slice %select_n3A_1169 {offsets = [0, 0], sizes = [32, 32], strides = [1, 1]} : vector<32x128xi32> to vector<32x32xi32>
    %concatenate3A_1185 = tpu.concatenate %slice3A_1183, %slice3A_1184 in 1 : vector<32x96xi32>, vector<32x32xi32> -> vector<32x128xi32>
    %slice3A_1186 = vector.extract_strided_slice %select_n3A_1169 {offsets = [0, 96], sizes = [32, 32], strides = [1, 1]} : vector<32x128xi32> to vector<32x32xi32>
    %slice3A_1187 = vector.extract_strided_slice %select_n3A_1169 {offsets = [0, 0], sizes = [32, 96], strides = [1, 1]} : vector<32x128xi32> to vector<32x96xi32>
    %concatenate3A_1188 = tpu.concatenate %slice3A_1186, %slice3A_1187 in 1 : vector<32x32xi32>, vector<32x96xi32> -> vector<32x128xi32>
    %select_n3A_1189 = arith.select %eq3A_1175, %concatenate3A_1185, %concatenate3A_1188 : vector<32x128xi1>, vector<32x128xi32>
    %lt3A_1190 = arith.cmpf olt, %select_n3A_1168, %select_n3A_1182 : vector<32x128xf32>
    %eq3A_1191 = arith.cmpf oeq, %select_n3A_1168, %select_n3A_1182 : vector<32x128xf32>
    %lt3A_1192 = arith.cmpi slt, %select_n3A_1169, %select_n3A_1189 : vector<32x128xi32>
    %and3A_1193 = arith.andi %eq3A_1191, %lt3A_1192 : vector<32x128xi1>
    %or3A_1194 = arith.ori %lt3A_1190, %and3A_1193 : vector<32x128xi1>
    %and3A_1195 = arith.constant 256 : i32
    %and3A_1196 = vector.broadcast %and3A_1195 : i32 to vector<32x128xi32>
    %and3A_1197 = arith.andi %add3A, %and3A_1196 : vector<32x128xi32>
    %eq3A_1198 = arith.constant 0 : i32
    %eq3A_1199 = vector.broadcast %eq3A_1198 : i32 to vector<32x128xi32>
    %eq3A_1200 = arith.cmpi eq, %and3A_1197, %eq3A_1199 : vector<32x128xi32>
    %eq3A_1201 = arith.xori %eq3A_1175, %eq3A_1200 : vector<32x128xi1>
    %eq3A_1202 = arith.constant dense<true> : vector<32x128xi1>
    %eq3A_1203 = arith.xori %eq3A_1201, %eq3A_1202 : vector<32x128xi1>
    %eq3A_1204 = arith.xori %or3A_1194, %eq3A_1203 : vector<32x128xi1>
    %eq3A_1205 = arith.constant dense<true> : vector<32x128xi1>
    %eq3A_1206 = arith.xori %eq3A_1204, %eq3A_1205 : vector<32x128xi1>
    %select_n3A_1207 = arith.select %eq3A_1206, %select_n3A_1168, %select_n3A_1182 : vector<32x128xi1>, vector<32x128xf32>
    %select_n3A_1208 = arith.select %eq3A_1206, %select_n3A_1169, %select_n3A_1189 : vector<32x128xi1>, vector<32x128xi32>
    %and3A_1209 = arith.constant 16 : i32
    %and3A_1210 = vector.broadcast %and3A_1209 : i32 to vector<32x128xi32>
    %and3A_1211 = arith.andi %add3A, %and3A_1210 : vector<32x128xi32>
    %eq3A_1212 = arith.constant 0 : i32
    %eq3A_1213 = vector.broadcast %eq3A_1212 : i32 to vector<32x128xi32>
    %eq3A_1214 = arith.cmpi eq, %and3A_1211, %eq3A_1213 : vector<32x128xi32>
    %slice3A_1215 = vector.extract_strided_slice %select_n3A_1207 {offsets = [0, 16], sizes = [32, 112], strides = [1, 1]} : vector<32x128xf32> to vector<32x112xf32>
    %slice3A_1216 = vector.extract_strided_slice %select_n3A_1207 {offsets = [0, 0], sizes = [32, 16], strides = [1, 1]} : vector<32x128xf32> to vector<32x16xf32>
    %concatenate3A_1217 = tpu.concatenate %slice3A_1215, %slice3A_1216 in 1 : vector<32x112xf32>, vector<32x16xf32> -> vector<32x128xf32>
    %slice3A_1218 = vector.extract_strided_slice %select_n3A_1207 {offsets = [0, 112], sizes = [32, 16], strides = [1, 1]} : vector<32x128xf32> to vector<32x16xf32>
    %slice3A_1219 = vector.extract_strided_slice %select_n3A_1207 {offsets = [0, 0], sizes = [32, 112], strides = [1, 1]} : vector<32x128xf32> to vector<32x112xf32>
    %concatenate3A_1220 = tpu.concatenate %slice3A_1218, %slice3A_1219 in 1 : vector<32x16xf32>, vector<32x112xf32> -> vector<32x128xf32>
    %select_n3A_1221 = arith.select %eq3A_1214, %concatenate3A_1217, %concatenate3A_1220 : vector<32x128xi1>, vector<32x128xf32>
    %slice3A_1222 = vector.extract_strided_slice %select_n3A_1208 {offsets = [0, 16], sizes = [32, 112], strides = [1, 1]} : vector<32x128xi32> to vector<32x112xi32>
    %slice3A_1223 = vector.extract_strided_slice %select_n3A_1208 {offsets = [0, 0], sizes = [32, 16], strides = [1, 1]} : vector<32x128xi32> to vector<32x16xi32>
    %concatenate3A_1224 = tpu.concatenate %slice3A_1222, %slice3A_1223 in 1 : vector<32x112xi32>, vector<32x16xi32> -> vector<32x128xi32>
    %slice3A_1225 = vector.extract_strided_slice %select_n3A_1208 {offsets = [0, 112], sizes = [32, 16], strides = [1, 1]} : vector<32x128xi32> to vector<32x16xi32>
    %slice3A_1226 = vector.extract_strided_slice %select_n3A_1208 {offsets = [0, 0], sizes = [32, 112], strides = [1, 1]} : vector<32x128xi32> to vector<32x112xi32>
    %concatenate3A_1227 = tpu.concatenate %slice3A_1225, %slice3A_1226 in 1 : vector<32x16xi32>, vector<32x112xi32> -> vector<32x128xi32>
    %select_n3A_1228 = arith.select %eq3A_1214, %concatenate3A_1224, %concatenate3A_1227 : vector<32x128xi1>, vector<32x128xi32>
    %lt3A_1229 = arith.cmpf olt, %select_n3A_1207, %select_n3A_1221 : vector<32x128xf32>
    %eq3A_1230 = arith.cmpf oeq, %select_n3A_1207, %select_n3A_1221 : vector<32x128xf32>
    %lt3A_1231 = arith.cmpi slt, %select_n3A_1208, %select_n3A_1228 : vector<32x128xi32>
    %and3A_1232 = arith.andi %eq3A_1230, %lt3A_1231 : vector<32x128xi1>
    %or3A_1233 = arith.ori %lt3A_1229, %and3A_1232 : vector<32x128xi1>
    %and3A_1234 = arith.constant 256 : i32
    %and3A_1235 = vector.broadcast %and3A_1234 : i32 to vector<32x128xi32>
    %and3A_1236 = arith.andi %add3A, %and3A_1235 : vector<32x128xi32>
    %eq3A_1237 = arith.constant 0 : i32
    %eq3A_1238 = vector.broadcast %eq3A_1237 : i32 to vector<32x128xi32>
    %eq3A_1239 = arith.cmpi eq, %and3A_1236, %eq3A_1238 : vector<32x128xi32>
    %eq3A_1240 = arith.xori %eq3A_1214, %eq3A_1239 : vector<32x128xi1>
    %eq3A_1241 = arith.constant dense<true> : vector<32x128xi1>
    %eq3A_1242 = arith.xori %eq3A_1240, %eq3A_1241 : vector<32x128xi1>
    %eq3A_1243 = arith.xori %or3A_1233, %eq3A_1242 : vector<32x128xi1>
    %eq3A_1244 = arith.constant dense<true> : vector<32x128xi1>
    %eq3A_1245 = arith.xori %eq3A_1243, %eq3A_1244 : vector<32x128xi1>
    %select_n3A_1246 = arith.select %eq3A_1245, %select_n3A_1207, %select_n3A_1221 : vector<32x128xi1>, vector<32x128xf32>
    %select_n3A_1247 = arith.select %eq3A_1245, %select_n3A_1208, %select_n3A_1228 : vector<32x128xi1>, vector<32x128xi32>
    %and3A_1248 = arith.constant 8 : i32
    %and3A_1249 = vector.broadcast %and3A_1248 : i32 to vector<32x128xi32>
    %and3A_1250 = arith.andi %add3A, %and3A_1249 : vector<32x128xi32>
    %eq3A_1251 = arith.constant 0 : i32
    %eq3A_1252 = vector.broadcast %eq3A_1251 : i32 to vector<32x128xi32>
    %eq3A_1253 = arith.cmpi eq, %and3A_1250, %eq3A_1252 : vector<32x128xi32>
    %slice3A_1254 = vector.extract_strided_slice %select_n3A_1246 {offsets = [0, 8], sizes = [32, 120], strides = [1, 1]} : vector<32x128xf32> to vector<32x120xf32>
    %slice3A_1255 = vector.extract_strided_slice %select_n3A_1246 {offsets = [0, 0], sizes = [32, 8], strides = [1, 1]} : vector<32x128xf32> to vector<32x8xf32>
    %concatenate3A_1256 = tpu.concatenate %slice3A_1254, %slice3A_1255 in 1 : vector<32x120xf32>, vector<32x8xf32> -> vector<32x128xf32>
    %slice3A_1257 = vector.extract_strided_slice %select_n3A_1246 {offsets = [0, 120], sizes = [32, 8], strides = [1, 1]} : vector<32x128xf32> to vector<32x8xf32>
    %slice3A_1258 = vector.extract_strided_slice %select_n3A_1246 {offsets = [0, 0], sizes = [32, 120], strides = [1, 1]} : vector<32x128xf32> to vector<32x120xf32>
    %concatenate3A_1259 = tpu.concatenate %slice3A_1257, %slice3A_1258 in 1 : vector<32x8xf32>, vector<32x120xf32> -> vector<32x128xf32>
    %select_n3A_1260 = arith.select %eq3A_1253, %concatenate3A_1256, %concatenate3A_1259 : vector<32x128xi1>, vector<32x128xf32>
    %slice3A_1261 = vector.extract_strided_slice %select_n3A_1247 {offsets = [0, 8], sizes = [32, 120], strides = [1, 1]} : vector<32x128xi32> to vector<32x120xi32>
    %slice3A_1262 = vector.extract_strided_slice %select_n3A_1247 {offsets = [0, 0], sizes = [32, 8], strides = [1, 1]} : vector<32x128xi32> to vector<32x8xi32>
    %concatenate3A_1263 = tpu.concatenate %slice3A_1261, %slice3A_1262 in 1 : vector<32x120xi32>, vector<32x8xi32> -> vector<32x128xi32>
    %slice3A_1264 = vector.extract_strided_slice %select_n3A_1247 {offsets = [0, 120], sizes = [32, 8], strides = [1, 1]} : vector<32x128xi32> to vector<32x8xi32>
    %slice3A_1265 = vector.extract_strided_slice %select_n3A_1247 {offsets = [0, 0], sizes = [32, 120], strides = [1, 1]} : vector<32x128xi32> to vector<32x120xi32>
    %concatenate3A_1266 = tpu.concatenate %slice3A_1264, %slice3A_1265 in 1 : vector<32x8xi32>, vector<32x120xi32> -> vector<32x128xi32>
    %select_n3A_1267 = arith.select %eq3A_1253, %concatenate3A_1263, %concatenate3A_1266 : vector<32x128xi1>, vector<32x128xi32>
    %lt3A_1268 = arith.cmpf olt, %select_n3A_1246, %select_n3A_1260 : vector<32x128xf32>
    %eq3A_1269 = arith.cmpf oeq, %select_n3A_1246, %select_n3A_1260 : vector<32x128xf32>
    %lt3A_1270 = arith.cmpi slt, %select_n3A_1247, %select_n3A_1267 : vector<32x128xi32>
    %and3A_1271 = arith.andi %eq3A_1269, %lt3A_1270 : vector<32x128xi1>
    %or3A_1272 = arith.ori %lt3A_1268, %and3A_1271 : vector<32x128xi1>
    %and3A_1273 = arith.constant 256 : i32
    %and3A_1274 = vector.broadcast %and3A_1273 : i32 to vector<32x128xi32>
    %and3A_1275 = arith.andi %add3A, %and3A_1274 : vector<32x128xi32>
    %eq3A_1276 = arith.constant 0 : i32
    %eq3A_1277 = vector.broadcast %eq3A_1276 : i32 to vector<32x128xi32>
    %eq3A_1278 = arith.cmpi eq, %and3A_1275, %eq3A_1277 : vector<32x128xi32>
    %eq3A_1279 = arith.xori %eq3A_1253, %eq3A_1278 : vector<32x128xi1>
    %eq3A_1280 = arith.constant dense<true> : vector<32x128xi1>
    %eq3A_1281 = arith.xori %eq3A_1279, %eq3A_1280 : vector<32x128xi1>
    %eq3A_1282 = arith.xori %or3A_1272, %eq3A_1281 : vector<32x128xi1>
    %eq3A_1283 = arith.constant dense<true> : vector<32x128xi1>
    %eq3A_1284 = arith.xori %eq3A_1282, %eq3A_1283 : vector<32x128xi1>
    %select_n3A_1285 = arith.select %eq3A_1284, %select_n3A_1246, %select_n3A_1260 : vector<32x128xi1>, vector<32x128xf32>
    %select_n3A_1286 = arith.select %eq3A_1284, %select_n3A_1247, %select_n3A_1267 : vector<32x128xi1>, vector<32x128xi32>
    %and3A_1287 = arith.constant 4 : i32
    %and3A_1288 = vector.broadcast %and3A_1287 : i32 to vector<32x128xi32>
    %and3A_1289 = arith.andi %add3A, %and3A_1288 : vector<32x128xi32>
    %eq3A_1290 = arith.constant 0 : i32
    %eq3A_1291 = vector.broadcast %eq3A_1290 : i32 to vector<32x128xi32>
    %eq3A_1292 = arith.cmpi eq, %and3A_1289, %eq3A_1291 : vector<32x128xi32>
    %slice3A_1293 = vector.extract_strided_slice %select_n3A_1285 {offsets = [0, 4], sizes = [32, 124], strides = [1, 1]} : vector<32x128xf32> to vector<32x124xf32>
    %slice3A_1294 = vector.extract_strided_slice %select_n3A_1285 {offsets = [0, 0], sizes = [32, 4], strides = [1, 1]} : vector<32x128xf32> to vector<32x4xf32>
    %concatenate3A_1295 = tpu.concatenate %slice3A_1293, %slice3A_1294 in 1 : vector<32x124xf32>, vector<32x4xf32> -> vector<32x128xf32>
    %slice3A_1296 = vector.extract_strided_slice %select_n3A_1285 {offsets = [0, 124], sizes = [32, 4], strides = [1, 1]} : vector<32x128xf32> to vector<32x4xf32>
    %slice3A_1297 = vector.extract_strided_slice %select_n3A_1285 {offsets = [0, 0], sizes = [32, 124], strides = [1, 1]} : vector<32x128xf32> to vector<32x124xf32>
    %concatenate3A_1298 = tpu.concatenate %slice3A_1296, %slice3A_1297 in 1 : vector<32x4xf32>, vector<32x124xf32> -> vector<32x128xf32>
    %select_n3A_1299 = arith.select %eq3A_1292, %concatenate3A_1295, %concatenate3A_1298 : vector<32x128xi1>, vector<32x128xf32>
    %slice3A_1300 = vector.extract_strided_slice %select_n3A_1286 {offsets = [0, 4], sizes = [32, 124], strides = [1, 1]} : vector<32x128xi32> to vector<32x124xi32>
    %slice3A_1301 = vector.extract_strided_slice %select_n3A_1286 {offsets = [0, 0], sizes = [32, 4], strides = [1, 1]} : vector<32x128xi32> to vector<32x4xi32>
    %concatenate3A_1302 = tpu.concatenate %slice3A_1300, %slice3A_1301 in 1 : vector<32x124xi32>, vector<32x4xi32> -> vector<32x128xi32>
    %slice3A_1303 = vector.extract_strided_slice %select_n3A_1286 {offsets = [0, 124], sizes = [32, 4], strides = [1, 1]} : vector<32x128xi32> to vector<32x4xi32>
    %slice3A_1304 = vector.extract_strided_slice %select_n3A_1286 {offsets = [0, 0], sizes = [32, 124], strides = [1, 1]} : vector<32x128xi32> to vector<32x124xi32>
    %concatenate3A_1305 = tpu.concatenate %slice3A_1303, %slice3A_1304 in 1 : vector<32x4xi32>, vector<32x124xi32> -> vector<32x128xi32>
    %select_n3A_1306 = arith.select %eq3A_1292, %concatenate3A_1302, %concatenate3A_1305 : vector<32x128xi1>, vector<32x128xi32>
    %lt3A_1307 = arith.cmpf olt, %select_n3A_1285, %select_n3A_1299 : vector<32x128xf32>
    %eq3A_1308 = arith.cmpf oeq, %select_n3A_1285, %select_n3A_1299 : vector<32x128xf32>
    %lt3A_1309 = arith.cmpi slt, %select_n3A_1286, %select_n3A_1306 : vector<32x128xi32>
    %and3A_1310 = arith.andi %eq3A_1308, %lt3A_1309 : vector<32x128xi1>
    %or3A_1311 = arith.ori %lt3A_1307, %and3A_1310 : vector<32x128xi1>
    %and3A_1312 = arith.constant 256 : i32
    %and3A_1313 = vector.broadcast %and3A_1312 : i32 to vector<32x128xi32>
    %and3A_1314 = arith.andi %add3A, %and3A_1313 : vector<32x128xi32>
    %eq3A_1315 = arith.constant 0 : i32
    %eq3A_1316 = vector.broadcast %eq3A_1315 : i32 to vector<32x128xi32>
    %eq3A_1317 = arith.cmpi eq, %and3A_1314, %eq3A_1316 : vector<32x128xi32>
    %eq3A_1318 = arith.xori %eq3A_1292, %eq3A_1317 : vector<32x128xi1>
    %eq3A_1319 = arith.constant dense<true> : vector<32x128xi1>
    %eq3A_1320 = arith.xori %eq3A_1318, %eq3A_1319 : vector<32x128xi1>
    %eq3A_1321 = arith.xori %or3A_1311, %eq3A_1320 : vector<32x128xi1>
    %eq3A_1322 = arith.constant dense<true> : vector<32x128xi1>
    %eq3A_1323 = arith.xori %eq3A_1321, %eq3A_1322 : vector<32x128xi1>
    %select_n3A_1324 = arith.select %eq3A_1323, %select_n3A_1285, %select_n3A_1299 : vector<32x128xi1>, vector<32x128xf32>
    %select_n3A_1325 = arith.select %eq3A_1323, %select_n3A_1286, %select_n3A_1306 : vector<32x128xi1>, vector<32x128xi32>
    %and3A_1326 = arith.constant 2 : i32
    %and3A_1327 = vector.broadcast %and3A_1326 : i32 to vector<32x128xi32>
    %and3A_1328 = arith.andi %add3A, %and3A_1327 : vector<32x128xi32>
    %eq3A_1329 = arith.constant 0 : i32
    %eq3A_1330 = vector.broadcast %eq3A_1329 : i32 to vector<32x128xi32>
    %eq3A_1331 = arith.cmpi eq, %and3A_1328, %eq3A_1330 : vector<32x128xi32>
    %slice3A_1332 = vector.extract_strided_slice %select_n3A_1324 {offsets = [0, 2], sizes = [32, 126], strides = [1, 1]} : vector<32x128xf32> to vector<32x126xf32>
    %slice3A_1333 = vector.extract_strided_slice %select_n3A_1324 {offsets = [0, 0], sizes = [32, 2], strides = [1, 1]} : vector<32x128xf32> to vector<32x2xf32>
    %concatenate3A_1334 = tpu.concatenate %slice3A_1332, %slice3A_1333 in 1 : vector<32x126xf32>, vector<32x2xf32> -> vector<32x128xf32>
    %slice3A_1335 = vector.extract_strided_slice %select_n3A_1324 {offsets = [0, 126], sizes = [32, 2], strides = [1, 1]} : vector<32x128xf32> to vector<32x2xf32>
    %slice3A_1336 = vector.extract_strided_slice %select_n3A_1324 {offsets = [0, 0], sizes = [32, 126], strides = [1, 1]} : vector<32x128xf32> to vector<32x126xf32>
    %concatenate3A_1337 = tpu.concatenate %slice3A_1335, %slice3A_1336 in 1 : vector<32x2xf32>, vector<32x126xf32> -> vector<32x128xf32>
    %select_n3A_1338 = arith.select %eq3A_1331, %concatenate3A_1334, %concatenate3A_1337 : vector<32x128xi1>, vector<32x128xf32>
    %slice3A_1339 = vector.extract_strided_slice %select_n3A_1325 {offsets = [0, 2], sizes = [32, 126], strides = [1, 1]} : vector<32x128xi32> to vector<32x126xi32>
    %slice3A_1340 = vector.extract_strided_slice %select_n3A_1325 {offsets = [0, 0], sizes = [32, 2], strides = [1, 1]} : vector<32x128xi32> to vector<32x2xi32>
    %concatenate3A_1341 = tpu.concatenate %slice3A_1339, %slice3A_1340 in 1 : vector<32x126xi32>, vector<32x2xi32> -> vector<32x128xi32>
    %slice3A_1342 = vector.extract_strided_slice %select_n3A_1325 {offsets = [0, 126], sizes = [32, 2], strides = [1, 1]} : vector<32x128xi32> to vector<32x2xi32>
    %slice3A_1343 = vector.extract_strided_slice %select_n3A_1325 {offsets = [0, 0], sizes = [32, 126], strides = [1, 1]} : vector<32x128xi32> to vector<32x126xi32>
    %concatenate3A_1344 = tpu.concatenate %slice3A_1342, %slice3A_1343 in 1 : vector<32x2xi32>, vector<32x126xi32> -> vector<32x128xi32>
    %select_n3A_1345 = arith.select %eq3A_1331, %concatenate3A_1341, %concatenate3A_1344 : vector<32x128xi1>, vector<32x128xi32>
    %lt3A_1346 = arith.cmpf olt, %select_n3A_1324, %select_n3A_1338 : vector<32x128xf32>
    %eq3A_1347 = arith.cmpf oeq, %select_n3A_1324, %select_n3A_1338 : vector<32x128xf32>
    %lt3A_1348 = arith.cmpi slt, %select_n3A_1325, %select_n3A_1345 : vector<32x128xi32>
    %and3A_1349 = arith.andi %eq3A_1347, %lt3A_1348 : vector<32x128xi1>
    %or3A_1350 = arith.ori %lt3A_1346, %and3A_1349 : vector<32x128xi1>
    %and3A_1351 = arith.constant 256 : i32
    %and3A_1352 = vector.broadcast %and3A_1351 : i32 to vector<32x128xi32>
    %and3A_1353 = arith.andi %add3A, %and3A_1352 : vector<32x128xi32>
    %eq3A_1354 = arith.constant 0 : i32
    %eq3A_1355 = vector.broadcast %eq3A_1354 : i32 to vector<32x128xi32>
    %eq3A_1356 = arith.cmpi eq, %and3A_1353, %eq3A_1355 : vector<32x128xi32>
    %eq3A_1357 = arith.xori %eq3A_1331, %eq3A_1356 : vector<32x128xi1>
    %eq3A_1358 = arith.constant dense<true> : vector<32x128xi1>
    %eq3A_1359 = arith.xori %eq3A_1357, %eq3A_1358 : vector<32x128xi1>
    %eq3A_1360 = arith.xori %or3A_1350, %eq3A_1359 : vector<32x128xi1>
    %eq3A_1361 = arith.constant dense<true> : vector<32x128xi1>
    %eq3A_1362 = arith.xori %eq3A_1360, %eq3A_1361 : vector<32x128xi1>
    %select_n3A_1363 = arith.select %eq3A_1362, %select_n3A_1324, %select_n3A_1338 : vector<32x128xi1>, vector<32x128xf32>
    %select_n3A_1364 = arith.select %eq3A_1362, %select_n3A_1325, %select_n3A_1345 : vector<32x128xi1>, vector<32x128xi32>
    %and3A_1365 = arith.constant 1 : i32
    %and3A_1366 = vector.broadcast %and3A_1365 : i32 to vector<32x128xi32>
    %and3A_1367 = arith.andi %add3A, %and3A_1366 : vector<32x128xi32>
    %eq3A_1368 = arith.constant 0 : i32
    %eq3A_1369 = vector.broadcast %eq3A_1368 : i32 to vector<32x128xi32>
    %eq3A_1370 = arith.cmpi eq, %and3A_1367, %eq3A_1369 : vector<32x128xi32>
    %slice3A_1371 = vector.extract_strided_slice %select_n3A_1363 {offsets = [0, 1], sizes = [32, 127], strides = [1, 1]} : vector<32x128xf32> to vector<32x127xf32>
    %slice3A_1372 = vector.extract_strided_slice %select_n3A_1363 {offsets = [0, 0], sizes = [32, 1], strides = [1, 1]} : vector<32x128xf32> to vector<32x1xf32>
    %concatenate3A_1373 = tpu.concatenate %slice3A_1371, %slice3A_1372 in 1 : vector<32x127xf32>, vector<32x1xf32> -> vector<32x128xf32>
    %slice3A_1374 = vector.extract_strided_slice %select_n3A_1363 {offsets = [0, 127], sizes = [32, 1], strides = [1, 1]} : vector<32x128xf32> to vector<32x1xf32>
    %slice3A_1375 = vector.extract_strided_slice %select_n3A_1363 {offsets = [0, 0], sizes = [32, 127], strides = [1, 1]} : vector<32x128xf32> to vector<32x127xf32>
    %concatenate3A_1376 = tpu.concatenate %slice3A_1374, %slice3A_1375 in 1 : vector<32x1xf32>, vector<32x127xf32> -> vector<32x128xf32>
    %select_n3A_1377 = arith.select %eq3A_1370, %concatenate3A_1373, %concatenate3A_1376 : vector<32x128xi1>, vector<32x128xf32>
    %slice3A_1378 = vector.extract_strided_slice %select_n3A_1364 {offsets = [0, 1], sizes = [32, 127], strides = [1, 1]} : vector<32x128xi32> to vector<32x127xi32>
    %slice3A_1379 = vector.extract_strided_slice %select_n3A_1364 {offsets = [0, 0], sizes = [32, 1], strides = [1, 1]} : vector<32x128xi32> to vector<32x1xi32>
    %concatenate3A_1380 = tpu.concatenate %slice3A_1378, %slice3A_1379 in 1 : vector<32x127xi32>, vector<32x1xi32> -> vector<32x128xi32>
    %slice3A_1381 = vector.extract_strided_slice %select_n3A_1364 {offsets = [0, 127], sizes = [32, 1], strides = [1, 1]} : vector<32x128xi32> to vector<32x1xi32>
    %slice3A_1382 = vector.extract_strided_slice %select_n3A_1364 {offsets = [0, 0], sizes = [32, 127], strides = [1, 1]} : vector<32x128xi32> to vector<32x127xi32>
    %concatenate3A_1383 = tpu.concatenate %slice3A_1381, %slice3A_1382 in 1 : vector<32x1xi32>, vector<32x127xi32> -> vector<32x128xi32>
    %select_n3A_1384 = arith.select %eq3A_1370, %concatenate3A_1380, %concatenate3A_1383 : vector<32x128xi1>, vector<32x128xi32>
    %lt3A_1385 = arith.cmpf olt, %select_n3A_1363, %select_n3A_1377 : vector<32x128xf32>
    %eq3A_1386 = arith.cmpf oeq, %select_n3A_1363, %select_n3A_1377 : vector<32x128xf32>
    %lt3A_1387 = arith.cmpi slt, %select_n3A_1364, %select_n3A_1384 : vector<32x128xi32>
    %and3A_1388 = arith.andi %eq3A_1386, %lt3A_1387 : vector<32x128xi1>
    %or3A_1389 = arith.ori %lt3A_1385, %and3A_1388 : vector<32x128xi1>
    %and3A_1390 = arith.constant 256 : i32
    %and3A_1391 = vector.broadcast %and3A_1390 : i32 to vector<32x128xi32>
    %and3A_1392 = arith.andi %add3A, %and3A_1391 : vector<32x128xi32>
    %eq3A_1393 = arith.constant 0 : i32
    %eq3A_1394 = vector.broadcast %eq3A_1393 : i32 to vector<32x128xi32>
    %eq3A_1395 = arith.cmpi eq, %and3A_1392, %eq3A_1394 : vector<32x128xi32>
    %eq3A_1396 = arith.xori %eq3A_1370, %eq3A_1395 : vector<32x128xi1>
    %eq3A_1397 = arith.constant dense<true> : vector<32x128xi1>
    %eq3A_1398 = arith.xori %eq3A_1396, %eq3A_1397 : vector<32x128xi1>
    %eq3A_1399 = arith.xori %or3A_1389, %eq3A_1398 : vector<32x128xi1>
    %eq3A_1400 = arith.constant dense<true> : vector<32x128xi1>
    %eq3A_1401 = arith.xori %eq3A_1399, %eq3A_1400 : vector<32x128xi1>
    %select_n3A_1402 = arith.select %eq3A_1401, %select_n3A_1363, %select_n3A_1377 : vector<32x128xi1>, vector<32x128xf32>
    %select_n3A_1403 = arith.select %eq3A_1401, %select_n3A_1364, %select_n3A_1384 : vector<32x128xi1>, vector<32x128xi32>
    %and3A_1404 = arith.constant 256 : i32
    %and3A_1405 = vector.broadcast %and3A_1404 : i32 to vector<32x128xi32>
    %and3A_1406 = arith.andi %add3A, %and3A_1405 : vector<32x128xi32>
    %eq3A_1407 = arith.constant 0 : i32
    %eq3A_1408 = vector.broadcast %eq3A_1407 : i32 to vector<32x128xi32>
    %eq3A_1409 = arith.cmpi eq, %and3A_1406, %eq3A_1408 : vector<32x128xi32>
    %slice3A_1410 = vector.extract_strided_slice %select_n3A_1402 {offsets = [2, 0], sizes = [30, 128], strides = [1, 1]} : vector<32x128xf32> to vector<30x128xf32>
    %slice3A_1411 = vector.extract_strided_slice %select_n3A_1402 {offsets = [0, 0], sizes = [2, 128], strides = [1, 1]} : vector<32x128xf32> to vector<2x128xf32>
    %concatenate3A_1412 = tpu.concatenate %slice3A_1410, %slice3A_1411 in 0 : vector<30x128xf32>, vector<2x128xf32> -> vector<32x128xf32>
    %slice3A_1413 = vector.extract_strided_slice %select_n3A_1402 {offsets = [30, 0], sizes = [2, 128], strides = [1, 1]} : vector<32x128xf32> to vector<2x128xf32>
    %slice3A_1414 = vector.extract_strided_slice %select_n3A_1402 {offsets = [0, 0], sizes = [30, 128], strides = [1, 1]} : vector<32x128xf32> to vector<30x128xf32>
    %concatenate3A_1415 = tpu.concatenate %slice3A_1413, %slice3A_1414 in 0 : vector<2x128xf32>, vector<30x128xf32> -> vector<32x128xf32>
    %select_n3A_1416 = arith.select %eq3A_1409, %concatenate3A_1412, %concatenate3A_1415 : vector<32x128xi1>, vector<32x128xf32>
    %slice3A_1417 = vector.extract_strided_slice %select_n3A_1403 {offsets = [2, 0], sizes = [30, 128], strides = [1, 1]} : vector<32x128xi32> to vector<30x128xi32>
    %slice3A_1418 = vector.extract_strided_slice %select_n3A_1403 {offsets = [0, 0], sizes = [2, 128], strides = [1, 1]} : vector<32x128xi32> to vector<2x128xi32>
    %concatenate3A_1419 = tpu.concatenate %slice3A_1417, %slice3A_1418 in 0 : vector<30x128xi32>, vector<2x128xi32> -> vector<32x128xi32>
    %slice3A_1420 = vector.extract_strided_slice %select_n3A_1403 {offsets = [30, 0], sizes = [2, 128], strides = [1, 1]} : vector<32x128xi32> to vector<2x128xi32>
    %slice3A_1421 = vector.extract_strided_slice %select_n3A_1403 {offsets = [0, 0], sizes = [30, 128], strides = [1, 1]} : vector<32x128xi32> to vector<30x128xi32>
    %concatenate3A_1422 = tpu.concatenate %slice3A_1420, %slice3A_1421 in 0 : vector<2x128xi32>, vector<30x128xi32> -> vector<32x128xi32>
    %select_n3A_1423 = arith.select %eq3A_1409, %concatenate3A_1419, %concatenate3A_1422 : vector<32x128xi1>, vector<32x128xi32>
    %lt3A_1424 = arith.cmpf olt, %select_n3A_1402, %select_n3A_1416 : vector<32x128xf32>
    %eq3A_1425 = arith.cmpf oeq, %select_n3A_1402, %select_n3A_1416 : vector<32x128xf32>
    %lt3A_1426 = arith.cmpi slt, %select_n3A_1403, %select_n3A_1423 : vector<32x128xi32>
    %and3A_1427 = arith.andi %eq3A_1425, %lt3A_1426 : vector<32x128xi1>
    %or3A_1428 = arith.ori %lt3A_1424, %and3A_1427 : vector<32x128xi1>
    %and3A_1429 = arith.constant 512 : i32
    %and3A_1430 = vector.broadcast %and3A_1429 : i32 to vector<32x128xi32>
    %and3A_1431 = arith.andi %add3A, %and3A_1430 : vector<32x128xi32>
    %eq3A_1432 = arith.constant 0 : i32
    %eq3A_1433 = vector.broadcast %eq3A_1432 : i32 to vector<32x128xi32>
    %eq3A_1434 = arith.cmpi eq, %and3A_1431, %eq3A_1433 : vector<32x128xi32>
    %eq3A_1435 = arith.xori %eq3A_1409, %eq3A_1434 : vector<32x128xi1>
    %eq3A_1436 = arith.constant dense<true> : vector<32x128xi1>
    %eq3A_1437 = arith.xori %eq3A_1435, %eq3A_1436 : vector<32x128xi1>
    %eq3A_1438 = arith.xori %or3A_1428, %eq3A_1437 : vector<32x128xi1>
    %eq3A_1439 = arith.constant dense<true> : vector<32x128xi1>
    %eq3A_1440 = arith.xori %eq3A_1438, %eq3A_1439 : vector<32x128xi1>
    %select_n3A_1441 = arith.select %eq3A_1440, %select_n3A_1402, %select_n3A_1416 : vector<32x128xi1>, vector<32x128xf32>
    %select_n3A_1442 = arith.select %eq3A_1440, %select_n3A_1403, %select_n3A_1423 : vector<32x128xi1>, vector<32x128xi32>
    %and3A_1443 = arith.constant 128 : i32
    %and3A_1444 = vector.broadcast %and3A_1443 : i32 to vector<32x128xi32>
    %and3A_1445 = arith.andi %add3A, %and3A_1444 : vector<32x128xi32>
    %eq3A_1446 = arith.constant 0 : i32
    %eq3A_1447 = vector.broadcast %eq3A_1446 : i32 to vector<32x128xi32>
    %eq3A_1448 = arith.cmpi eq, %and3A_1445, %eq3A_1447 : vector<32x128xi32>
    %slice3A_1449 = vector.extract_strided_slice %select_n3A_1441 {offsets = [1, 0], sizes = [31, 128], strides = [1, 1]} : vector<32x128xf32> to vector<31x128xf32>
    %slice3A_1450 = vector.extract_strided_slice %select_n3A_1441 {offsets = [0, 0], sizes = [1, 128], strides = [1, 1]} : vector<32x128xf32> to vector<1x128xf32>
    %concatenate3A_1451 = tpu.concatenate %slice3A_1449, %slice3A_1450 in 0 : vector<31x128xf32>, vector<1x128xf32> -> vector<32x128xf32>
    %slice3A_1452 = vector.extract_strided_slice %select_n3A_1441 {offsets = [31, 0], sizes = [1, 128], strides = [1, 1]} : vector<32x128xf32> to vector<1x128xf32>
    %slice3A_1453 = vector.extract_strided_slice %select_n3A_1441 {offsets = [0, 0], sizes = [31, 128], strides = [1, 1]} : vector<32x128xf32> to vector<31x128xf32>
    %concatenate3A_1454 = tpu.concatenate %slice3A_1452, %slice3A_1453 in 0 : vector<1x128xf32>, vector<31x128xf32> -> vector<32x128xf32>
    %select_n3A_1455 = arith.select %eq3A_1448, %concatenate3A_1451, %concatenate3A_1454 : vector<32x128xi1>, vector<32x128xf32>
    %slice3A_1456 = vector.extract_strided_slice %select_n3A_1442 {offsets = [1, 0], sizes = [31, 128], strides = [1, 1]} : vector<32x128xi32> to vector<31x128xi32>
    %slice3A_1457 = vector.extract_strided_slice %select_n3A_1442 {offsets = [0, 0], sizes = [1, 128], strides = [1, 1]} : vector<32x128xi32> to vector<1x128xi32>
    %concatenate3A_1458 = tpu.concatenate %slice3A_1456, %slice3A_1457 in 0 : vector<31x128xi32>, vector<1x128xi32> -> vector<32x128xi32>
    %slice3A_1459 = vector.extract_strided_slice %select_n3A_1442 {offsets = [31, 0], sizes = [1, 128], strides = [1, 1]} : vector<32x128xi32> to vector<1x128xi32>
    %slice3A_1460 = vector.extract_strided_slice %select_n3A_1442 {offsets = [0, 0], sizes = [31, 128], strides = [1, 1]} : vector<32x128xi32> to vector<31x128xi32>
    %concatenate3A_1461 = tpu.concatenate %slice3A_1459, %slice3A_1460 in 0 : vector<1x128xi32>, vector<31x128xi32> -> vector<32x128xi32>
    %select_n3A_1462 = arith.select %eq3A_1448, %concatenate3A_1458, %concatenate3A_1461 : vector<32x128xi1>, vector<32x128xi32>
    %lt3A_1463 = arith.cmpf olt, %select_n3A_1441, %select_n3A_1455 : vector<32x128xf32>
    %eq3A_1464 = arith.cmpf oeq, %select_n3A_1441, %select_n3A_1455 : vector<32x128xf32>
    %lt3A_1465 = arith.cmpi slt, %select_n3A_1442, %select_n3A_1462 : vector<32x128xi32>
    %and3A_1466 = arith.andi %eq3A_1464, %lt3A_1465 : vector<32x128xi1>
    %or3A_1467 = arith.ori %lt3A_1463, %and3A_1466 : vector<32x128xi1>
    %and3A_1468 = arith.constant 512 : i32
    %and3A_1469 = vector.broadcast %and3A_1468 : i32 to vector<32x128xi32>
    %and3A_1470 = arith.andi %add3A, %and3A_1469 : vector<32x128xi32>
    %eq3A_1471 = arith.constant 0 : i32
    %eq3A_1472 = vector.broadcast %eq3A_1471 : i32 to vector<32x128xi32>
    %eq3A_1473 = arith.cmpi eq, %and3A_1470, %eq3A_1472 : vector<32x128xi32>
    %eq3A_1474 = arith.xori %eq3A_1448, %eq3A_1473 : vector<32x128xi1>
    %eq3A_1475 = arith.constant dense<true> : vector<32x128xi1>
    %eq3A_1476 = arith.xori %eq3A_1474, %eq3A_1475 : vector<32x128xi1>
    %eq3A_1477 = arith.xori %or3A_1467, %eq3A_1476 : vector<32x128xi1>
    %eq3A_1478 = arith.constant dense<true> : vector<32x128xi1>
    %eq3A_1479 = arith.xori %eq3A_1477, %eq3A_1478 : vector<32x128xi1>
    %select_n3A_1480 = arith.select %eq3A_1479, %select_n3A_1441, %select_n3A_1455 : vector<32x128xi1>, vector<32x128xf32>
    %select_n3A_1481 = arith.select %eq3A_1479, %select_n3A_1442, %select_n3A_1462 : vector<32x128xi1>, vector<32x128xi32>
    %and3A_1482 = arith.constant 64 : i32
    %and3A_1483 = vector.broadcast %and3A_1482 : i32 to vector<32x128xi32>
    %and3A_1484 = arith.andi %add3A, %and3A_1483 : vector<32x128xi32>
    %eq3A_1485 = arith.constant 0 : i32
    %eq3A_1486 = vector.broadcast %eq3A_1485 : i32 to vector<32x128xi32>
    %eq3A_1487 = arith.cmpi eq, %and3A_1484, %eq3A_1486 : vector<32x128xi32>
    %slice3A_1488 = vector.extract_strided_slice %select_n3A_1480 {offsets = [0, 64], sizes = [32, 64], strides = [1, 1]} : vector<32x128xf32> to vector<32x64xf32>
    %slice3A_1489 = vector.extract_strided_slice %select_n3A_1480 {offsets = [0, 0], sizes = [32, 64], strides = [1, 1]} : vector<32x128xf32> to vector<32x64xf32>
    %concatenate3A_1490 = tpu.concatenate %slice3A_1488, %slice3A_1489 in 1 : vector<32x64xf32>, vector<32x64xf32> -> vector<32x128xf32>
    %slice3A_1491 = vector.extract_strided_slice %select_n3A_1480 {offsets = [0, 64], sizes = [32, 64], strides = [1, 1]} : vector<32x128xf32> to vector<32x64xf32>
    %slice3A_1492 = vector.extract_strided_slice %select_n3A_1480 {offsets = [0, 0], sizes = [32, 64], strides = [1, 1]} : vector<32x128xf32> to vector<32x64xf32>
    %concatenate3A_1493 = tpu.concatenate %slice3A_1491, %slice3A_1492 in 1 : vector<32x64xf32>, vector<32x64xf32> -> vector<32x128xf32>
    %select_n3A_1494 = arith.select %eq3A_1487, %concatenate3A_1490, %concatenate3A_1493 : vector<32x128xi1>, vector<32x128xf32>
    %slice3A_1495 = vector.extract_strided_slice %select_n3A_1481 {offsets = [0, 64], sizes = [32, 64], strides = [1, 1]} : vector<32x128xi32> to vector<32x64xi32>
    %slice3A_1496 = vector.extract_strided_slice %select_n3A_1481 {offsets = [0, 0], sizes = [32, 64], strides = [1, 1]} : vector<32x128xi32> to vector<32x64xi32>
    %concatenate3A_1497 = tpu.concatenate %slice3A_1495, %slice3A_1496 in 1 : vector<32x64xi32>, vector<32x64xi32> -> vector<32x128xi32>
    %slice3A_1498 = vector.extract_strided_slice %select_n3A_1481 {offsets = [0, 64], sizes = [32, 64], strides = [1, 1]} : vector<32x128xi32> to vector<32x64xi32>
    %slice3A_1499 = vector.extract_strided_slice %select_n3A_1481 {offsets = [0, 0], sizes = [32, 64], strides = [1, 1]} : vector<32x128xi32> to vector<32x64xi32>
    %concatenate3A_1500 = tpu.concatenate %slice3A_1498, %slice3A_1499 in 1 : vector<32x64xi32>, vector<32x64xi32> -> vector<32x128xi32>
    %select_n3A_1501 = arith.select %eq3A_1487, %concatenate3A_1497, %concatenate3A_1500 : vector<32x128xi1>, vector<32x128xi32>
    %lt3A_1502 = arith.cmpf olt, %select_n3A_1480, %select_n3A_1494 : vector<32x128xf32>
    %eq3A_1503 = arith.cmpf oeq, %select_n3A_1480, %select_n3A_1494 : vector<32x128xf32>
    %lt3A_1504 = arith.cmpi slt, %select_n3A_1481, %select_n3A_1501 : vector<32x128xi32>
    %and3A_1505 = arith.andi %eq3A_1503, %lt3A_1504 : vector<32x128xi1>
    %or3A_1506 = arith.ori %lt3A_1502, %and3A_1505 : vector<32x128xi1>
    %and3A_1507 = arith.constant 512 : i32
    %and3A_1508 = vector.broadcast %and3A_1507 : i32 to vector<32x128xi32>
    %and3A_1509 = arith.andi %add3A, %and3A_1508 : vector<32x128xi32>
    %eq3A_1510 = arith.constant 0 : i32
    %eq3A_1511 = vector.broadcast %eq3A_1510 : i32 to vector<32x128xi32>
    %eq3A_1512 = arith.cmpi eq, %and3A_1509, %eq3A_1511 : vector<32x128xi32>
    %eq3A_1513 = arith.xori %eq3A_1487, %eq3A_1512 : vector<32x128xi1>
    %eq3A_1514 = arith.constant dense<true> : vector<32x128xi1>
    %eq3A_1515 = arith.xori %eq3A_1513, %eq3A_1514 : vector<32x128xi1>
    %eq3A_1516 = arith.xori %or3A_1506, %eq3A_1515 : vector<32x128xi1>
    %eq3A_1517 = arith.constant dense<true> : vector<32x128xi1>
    %eq3A_1518 = arith.xori %eq3A_1516, %eq3A_1517 : vector<32x128xi1>
    %select_n3A_1519 = arith.select %eq3A_1518, %select_n3A_1480, %select_n3A_1494 : vector<32x128xi1>, vector<32x128xf32>
    %select_n3A_1520 = arith.select %eq3A_1518, %select_n3A_1481, %select_n3A_1501 : vector<32x128xi1>, vector<32x128xi32>
    %and3A_1521 = arith.constant 32 : i32
    %and3A_1522 = vector.broadcast %and3A_1521 : i32 to vector<32x128xi32>
    %and3A_1523 = arith.andi %add3A, %and3A_1522 : vector<32x128xi32>
    %eq3A_1524 = arith.constant 0 : i32
    %eq3A_1525 = vector.broadcast %eq3A_1524 : i32 to vector<32x128xi32>
    %eq3A_1526 = arith.cmpi eq, %and3A_1523, %eq3A_1525 : vector<32x128xi32>
    %slice3A_1527 = vector.extract_strided_slice %select_n3A_1519 {offsets = [0, 32], sizes = [32, 96], strides = [1, 1]} : vector<32x128xf32> to vector<32x96xf32>
    %slice3A_1528 = vector.extract_strided_slice %select_n3A_1519 {offsets = [0, 0], sizes = [32, 32], strides = [1, 1]} : vector<32x128xf32> to vector<32x32xf32>
    %concatenate3A_1529 = tpu.concatenate %slice3A_1527, %slice3A_1528 in 1 : vector<32x96xf32>, vector<32x32xf32> -> vector<32x128xf32>
    %slice3A_1530 = vector.extract_strided_slice %select_n3A_1519 {offsets = [0, 96], sizes = [32, 32], strides = [1, 1]} : vector<32x128xf32> to vector<32x32xf32>
    %slice3A_1531 = vector.extract_strided_slice %select_n3A_1519 {offsets = [0, 0], sizes = [32, 96], strides = [1, 1]} : vector<32x128xf32> to vector<32x96xf32>
    %concatenate3A_1532 = tpu.concatenate %slice3A_1530, %slice3A_1531 in 1 : vector<32x32xf32>, vector<32x96xf32> -> vector<32x128xf32>
    %select_n3A_1533 = arith.select %eq3A_1526, %concatenate3A_1529, %concatenate3A_1532 : vector<32x128xi1>, vector<32x128xf32>
    %slice3A_1534 = vector.extract_strided_slice %select_n3A_1520 {offsets = [0, 32], sizes = [32, 96], strides = [1, 1]} : vector<32x128xi32> to vector<32x96xi32>
    %slice3A_1535 = vector.extract_strided_slice %select_n3A_1520 {offsets = [0, 0], sizes = [32, 32], strides = [1, 1]} : vector<32x128xi32> to vector<32x32xi32>
    %concatenate3A_1536 = tpu.concatenate %slice3A_1534, %slice3A_1535 in 1 : vector<32x96xi32>, vector<32x32xi32> -> vector<32x128xi32>
    %slice3A_1537 = vector.extract_strided_slice %select_n3A_1520 {offsets = [0, 96], sizes = [32, 32], strides = [1, 1]} : vector<32x128xi32> to vector<32x32xi32>
    %slice3A_1538 = vector.extract_strided_slice %select_n3A_1520 {offsets = [0, 0], sizes = [32, 96], strides = [1, 1]} : vector<32x128xi32> to vector<32x96xi32>
    %concatenate3A_1539 = tpu.concatenate %slice3A_1537, %slice3A_1538 in 1 : vector<32x32xi32>, vector<32x96xi32> -> vector<32x128xi32>
    %select_n3A_1540 = arith.select %eq3A_1526, %concatenate3A_1536, %concatenate3A_1539 : vector<32x128xi1>, vector<32x128xi32>
    %lt3A_1541 = arith.cmpf olt, %select_n3A_1519, %select_n3A_1533 : vector<32x128xf32>
    %eq3A_1542 = arith.cmpf oeq, %select_n3A_1519, %select_n3A_1533 : vector<32x128xf32>
    %lt3A_1543 = arith.cmpi slt, %select_n3A_1520, %select_n3A_1540 : vector<32x128xi32>
    %and3A_1544 = arith.andi %eq3A_1542, %lt3A_1543 : vector<32x128xi1>
    %or3A_1545 = arith.ori %lt3A_1541, %and3A_1544 : vector<32x128xi1>
    %and3A_1546 = arith.constant 512 : i32
    %and3A_1547 = vector.broadcast %and3A_1546 : i32 to vector<32x128xi32>
    %and3A_1548 = arith.andi %add3A, %and3A_1547 : vector<32x128xi32>
    %eq3A_1549 = arith.constant 0 : i32
    %eq3A_1550 = vector.broadcast %eq3A_1549 : i32 to vector<32x128xi32>
    %eq3A_1551 = arith.cmpi eq, %and3A_1548, %eq3A_1550 : vector<32x128xi32>
    %eq3A_1552 = arith.xori %eq3A_1526, %eq3A_1551 : vector<32x128xi1>
    %eq3A_1553 = arith.constant dense<true> : vector<32x128xi1>
    %eq3A_1554 = arith.xori %eq3A_1552, %eq3A_1553 : vector<32x128xi1>
    %eq3A_1555 = arith.xori %or3A_1545, %eq3A_1554 : vector<32x128xi1>
    %eq3A_1556 = arith.constant dense<true> : vector<32x128xi1>
    %eq3A_1557 = arith.xori %eq3A_1555, %eq3A_1556 : vector<32x128xi1>
    %select_n3A_1558 = arith.select %eq3A_1557, %select_n3A_1519, %select_n3A_1533 : vector<32x128xi1>, vector<32x128xf32>
    %select_n3A_1559 = arith.select %eq3A_1557, %select_n3A_1520, %select_n3A_1540 : vector<32x128xi1>, vector<32x128xi32>
    %and3A_1560 = arith.constant 16 : i32
    %and3A_1561 = vector.broadcast %and3A_1560 : i32 to vector<32x128xi32>
    %and3A_1562 = arith.andi %add3A, %and3A_1561 : vector<32x128xi32>
    %eq3A_1563 = arith.constant 0 : i32
    %eq3A_1564 = vector.broadcast %eq3A_1563 : i32 to vector<32x128xi32>
    %eq3A_1565 = arith.cmpi eq, %and3A_1562, %eq3A_1564 : vector<32x128xi32>
    %slice3A_1566 = vector.extract_strided_slice %select_n3A_1558 {offsets = [0, 16], sizes = [32, 112], strides = [1, 1]} : vector<32x128xf32> to vector<32x112xf32>
    %slice3A_1567 = vector.extract_strided_slice %select_n3A_1558 {offsets = [0, 0], sizes = [32, 16], strides = [1, 1]} : vector<32x128xf32> to vector<32x16xf32>
    %concatenate3A_1568 = tpu.concatenate %slice3A_1566, %slice3A_1567 in 1 : vector<32x112xf32>, vector<32x16xf32> -> vector<32x128xf32>
    %slice3A_1569 = vector.extract_strided_slice %select_n3A_1558 {offsets = [0, 112], sizes = [32, 16], strides = [1, 1]} : vector<32x128xf32> to vector<32x16xf32>
    %slice3A_1570 = vector.extract_strided_slice %select_n3A_1558 {offsets = [0, 0], sizes = [32, 112], strides = [1, 1]} : vector<32x128xf32> to vector<32x112xf32>
    %concatenate3A_1571 = tpu.concatenate %slice3A_1569, %slice3A_1570 in 1 : vector<32x16xf32>, vector<32x112xf32> -> vector<32x128xf32>
    %select_n3A_1572 = arith.select %eq3A_1565, %concatenate3A_1568, %concatenate3A_1571 : vector<32x128xi1>, vector<32x128xf32>
    %slice3A_1573 = vector.extract_strided_slice %select_n3A_1559 {offsets = [0, 16], sizes = [32, 112], strides = [1, 1]} : vector<32x128xi32> to vector<32x112xi32>
    %slice3A_1574 = vector.extract_strided_slice %select_n3A_1559 {offsets = [0, 0], sizes = [32, 16], strides = [1, 1]} : vector<32x128xi32> to vector<32x16xi32>
    %concatenate3A_1575 = tpu.concatenate %slice3A_1573, %slice3A_1574 in 1 : vector<32x112xi32>, vector<32x16xi32> -> vector<32x128xi32>
    %slice3A_1576 = vector.extract_strided_slice %select_n3A_1559 {offsets = [0, 112], sizes = [32, 16], strides = [1, 1]} : vector<32x128xi32> to vector<32x16xi32>
    %slice3A_1577 = vector.extract_strided_slice %select_n3A_1559 {offsets = [0, 0], sizes = [32, 112], strides = [1, 1]} : vector<32x128xi32> to vector<32x112xi32>
    %concatenate3A_1578 = tpu.concatenate %slice3A_1576, %slice3A_1577 in 1 : vector<32x16xi32>, vector<32x112xi32> -> vector<32x128xi32>
    %select_n3A_1579 = arith.select %eq3A_1565, %concatenate3A_1575, %concatenate3A_1578 : vector<32x128xi1>, vector<32x128xi32>
    %lt3A_1580 = arith.cmpf olt, %select_n3A_1558, %select_n3A_1572 : vector<32x128xf32>
    %eq3A_1581 = arith.cmpf oeq, %select_n3A_1558, %select_n3A_1572 : vector<32x128xf32>
    %lt3A_1582 = arith.cmpi slt, %select_n3A_1559, %select_n3A_1579 : vector<32x128xi32>
    %and3A_1583 = arith.andi %eq3A_1581, %lt3A_1582 : vector<32x128xi1>
    %or3A_1584 = arith.ori %lt3A_1580, %and3A_1583 : vector<32x128xi1>
    %and3A_1585 = arith.constant 512 : i32
    %and3A_1586 = vector.broadcast %and3A_1585 : i32 to vector<32x128xi32>
    %and3A_1587 = arith.andi %add3A, %and3A_1586 : vector<32x128xi32>
    %eq3A_1588 = arith.constant 0 : i32
    %eq3A_1589 = vector.broadcast %eq3A_1588 : i32 to vector<32x128xi32>
    %eq3A_1590 = arith.cmpi eq, %and3A_1587, %eq3A_1589 : vector<32x128xi32>
    %eq3A_1591 = arith.xori %eq3A_1565, %eq3A_1590 : vector<32x128xi1>
    %eq3A_1592 = arith.constant dense<true> : vector<32x128xi1>
    %eq3A_1593 = arith.xori %eq3A_1591, %eq3A_1592 : vector<32x128xi1>
    %eq3A_1594 = arith.xori %or3A_1584, %eq3A_1593 : vector<32x128xi1>
    %eq3A_1595 = arith.constant dense<true> : vector<32x128xi1>
    %eq3A_1596 = arith.xori %eq3A_1594, %eq3A_1595 : vector<32x128xi1>
    %select_n3A_1597 = arith.select %eq3A_1596, %select_n3A_1558, %select_n3A_1572 : vector<32x128xi1>, vector<32x128xf32>
    %select_n3A_1598 = arith.select %eq3A_1596, %select_n3A_1559, %select_n3A_1579 : vector<32x128xi1>, vector<32x128xi32>
    %and3A_1599 = arith.constant 8 : i32
    %and3A_1600 = vector.broadcast %and3A_1599 : i32 to vector<32x128xi32>
    %and3A_1601 = arith.andi %add3A, %and3A_1600 : vector<32x128xi32>
    %eq3A_1602 = arith.constant 0 : i32
    %eq3A_1603 = vector.broadcast %eq3A_1602 : i32 to vector<32x128xi32>
    %eq3A_1604 = arith.cmpi eq, %and3A_1601, %eq3A_1603 : vector<32x128xi32>
    %slice3A_1605 = vector.extract_strided_slice %select_n3A_1597 {offsets = [0, 8], sizes = [32, 120], strides = [1, 1]} : vector<32x128xf32> to vector<32x120xf32>
    %slice3A_1606 = vector.extract_strided_slice %select_n3A_1597 {offsets = [0, 0], sizes = [32, 8], strides = [1, 1]} : vector<32x128xf32> to vector<32x8xf32>
    %concatenate3A_1607 = tpu.concatenate %slice3A_1605, %slice3A_1606 in 1 : vector<32x120xf32>, vector<32x8xf32> -> vector<32x128xf32>
    %slice3A_1608 = vector.extract_strided_slice %select_n3A_1597 {offsets = [0, 120], sizes = [32, 8], strides = [1, 1]} : vector<32x128xf32> to vector<32x8xf32>
    %slice3A_1609 = vector.extract_strided_slice %select_n3A_1597 {offsets = [0, 0], sizes = [32, 120], strides = [1, 1]} : vector<32x128xf32> to vector<32x120xf32>
    %concatenate3A_1610 = tpu.concatenate %slice3A_1608, %slice3A_1609 in 1 : vector<32x8xf32>, vector<32x120xf32> -> vector<32x128xf32>
    %select_n3A_1611 = arith.select %eq3A_1604, %concatenate3A_1607, %concatenate3A_1610 : vector<32x128xi1>, vector<32x128xf32>
    %slice3A_1612 = vector.extract_strided_slice %select_n3A_1598 {offsets = [0, 8], sizes = [32, 120], strides = [1, 1]} : vector<32x128xi32> to vector<32x120xi32>
    %slice3A_1613 = vector.extract_strided_slice %select_n3A_1598 {offsets = [0, 0], sizes = [32, 8], strides = [1, 1]} : vector<32x128xi32> to vector<32x8xi32>
    %concatenate3A_1614 = tpu.concatenate %slice3A_1612, %slice3A_1613 in 1 : vector<32x120xi32>, vector<32x8xi32> -> vector<32x128xi32>
    %slice3A_1615 = vector.extract_strided_slice %select_n3A_1598 {offsets = [0, 120], sizes = [32, 8], strides = [1, 1]} : vector<32x128xi32> to vector<32x8xi32>
    %slice3A_1616 = vector.extract_strided_slice %select_n3A_1598 {offsets = [0, 0], sizes = [32, 120], strides = [1, 1]} : vector<32x128xi32> to vector<32x120xi32>
    %concatenate3A_1617 = tpu.concatenate %slice3A_1615, %slice3A_1616 in 1 : vector<32x8xi32>, vector<32x120xi32> -> vector<32x128xi32>
    %select_n3A_1618 = arith.select %eq3A_1604, %concatenate3A_1614, %concatenate3A_1617 : vector<32x128xi1>, vector<32x128xi32>
    %lt3A_1619 = arith.cmpf olt, %select_n3A_1597, %select_n3A_1611 : vector<32x128xf32>
    %eq3A_1620 = arith.cmpf oeq, %select_n3A_1597, %select_n3A_1611 : vector<32x128xf32>
    %lt3A_1621 = arith.cmpi slt, %select_n3A_1598, %select_n3A_1618 : vector<32x128xi32>
    %and3A_1622 = arith.andi %eq3A_1620, %lt3A_1621 : vector<32x128xi1>
    %or3A_1623 = arith.ori %lt3A_1619, %and3A_1622 : vector<32x128xi1>
    %and3A_1624 = arith.constant 512 : i32
    %and3A_1625 = vector.broadcast %and3A_1624 : i32 to vector<32x128xi32>
    %and3A_1626 = arith.andi %add3A, %and3A_1625 : vector<32x128xi32>
    %eq3A_1627 = arith.constant 0 : i32
    %eq3A_1628 = vector.broadcast %eq3A_1627 : i32 to vector<32x128xi32>
    %eq3A_1629 = arith.cmpi eq, %and3A_1626, %eq3A_1628 : vector<32x128xi32>
    %eq3A_1630 = arith.xori %eq3A_1604, %eq3A_1629 : vector<32x128xi1>
    %eq3A_1631 = arith.constant dense<true> : vector<32x128xi1>
    %eq3A_1632 = arith.xori %eq3A_1630, %eq3A_1631 : vector<32x128xi1>
    %eq3A_1633 = arith.xori %or3A_1623, %eq3A_1632 : vector<32x128xi1>
    %eq3A_1634 = arith.constant dense<true> : vector<32x128xi1>
    %eq3A_1635 = arith.xori %eq3A_1633, %eq3A_1634 : vector<32x128xi1>
    %select_n3A_1636 = arith.select %eq3A_1635, %select_n3A_1597, %select_n3A_1611 : vector<32x128xi1>, vector<32x128xf32>
    %select_n3A_1637 = arith.select %eq3A_1635, %select_n3A_1598, %select_n3A_1618 : vector<32x128xi1>, vector<32x128xi32>
    %and3A_1638 = arith.constant 4 : i32
    %and3A_1639 = vector.broadcast %and3A_1638 : i32 to vector<32x128xi32>
    %and3A_1640 = arith.andi %add3A, %and3A_1639 : vector<32x128xi32>
    %eq3A_1641 = arith.constant 0 : i32
    %eq3A_1642 = vector.broadcast %eq3A_1641 : i32 to vector<32x128xi32>
    %eq3A_1643 = arith.cmpi eq, %and3A_1640, %eq3A_1642 : vector<32x128xi32>
    %slice3A_1644 = vector.extract_strided_slice %select_n3A_1636 {offsets = [0, 4], sizes = [32, 124], strides = [1, 1]} : vector<32x128xf32> to vector<32x124xf32>
    %slice3A_1645 = vector.extract_strided_slice %select_n3A_1636 {offsets = [0, 0], sizes = [32, 4], strides = [1, 1]} : vector<32x128xf32> to vector<32x4xf32>
    %concatenate3A_1646 = tpu.concatenate %slice3A_1644, %slice3A_1645 in 1 : vector<32x124xf32>, vector<32x4xf32> -> vector<32x128xf32>
    %slice3A_1647 = vector.extract_strided_slice %select_n3A_1636 {offsets = [0, 124], sizes = [32, 4], strides = [1, 1]} : vector<32x128xf32> to vector<32x4xf32>
    %slice3A_1648 = vector.extract_strided_slice %select_n3A_1636 {offsets = [0, 0], sizes = [32, 124], strides = [1, 1]} : vector<32x128xf32> to vector<32x124xf32>
    %concatenate3A_1649 = tpu.concatenate %slice3A_1647, %slice3A_1648 in 1 : vector<32x4xf32>, vector<32x124xf32> -> vector<32x128xf32>
    %select_n3A_1650 = arith.select %eq3A_1643, %concatenate3A_1646, %concatenate3A_1649 : vector<32x128xi1>, vector<32x128xf32>
    %slice3A_1651 = vector.extract_strided_slice %select_n3A_1637 {offsets = [0, 4], sizes = [32, 124], strides = [1, 1]} : vector<32x128xi32> to vector<32x124xi32>
    %slice3A_1652 = vector.extract_strided_slice %select_n3A_1637 {offsets = [0, 0], sizes = [32, 4], strides = [1, 1]} : vector<32x128xi32> to vector<32x4xi32>
    %concatenate3A_1653 = tpu.concatenate %slice3A_1651, %slice3A_1652 in 1 : vector<32x124xi32>, vector<32x4xi32> -> vector<32x128xi32>
    %slice3A_1654 = vector.extract_strided_slice %select_n3A_1637 {offsets = [0, 124], sizes = [32, 4], strides = [1, 1]} : vector<32x128xi32> to vector<32x4xi32>
    %slice3A_1655 = vector.extract_strided_slice %select_n3A_1637 {offsets = [0, 0], sizes = [32, 124], strides = [1, 1]} : vector<32x128xi32> to vector<32x124xi32>
    %concatenate3A_1656 = tpu.concatenate %slice3A_1654, %slice3A_1655 in 1 : vector<32x4xi32>, vector<32x124xi32> -> vector<32x128xi32>
    %select_n3A_1657 = arith.select %eq3A_1643, %concatenate3A_1653, %concatenate3A_1656 : vector<32x128xi1>, vector<32x128xi32>
    %lt3A_1658 = arith.cmpf olt, %select_n3A_1636, %select_n3A_1650 : vector<32x128xf32>
    %eq3A_1659 = arith.cmpf oeq, %select_n3A_1636, %select_n3A_1650 : vector<32x128xf32>
    %lt3A_1660 = arith.cmpi slt, %select_n3A_1637, %select_n3A_1657 : vector<32x128xi32>
    %and3A_1661 = arith.andi %eq3A_1659, %lt3A_1660 : vector<32x128xi1>
    %or3A_1662 = arith.ori %lt3A_1658, %and3A_1661 : vector<32x128xi1>
    %and3A_1663 = arith.constant 512 : i32
    %and3A_1664 = vector.broadcast %and3A_1663 : i32 to vector<32x128xi32>
    %and3A_1665 = arith.andi %add3A, %and3A_1664 : vector<32x128xi32>
    %eq3A_1666 = arith.constant 0 : i32
    %eq3A_1667 = vector.broadcast %eq3A_1666 : i32 to vector<32x128xi32>
    %eq3A_1668 = arith.cmpi eq, %and3A_1665, %eq3A_1667 : vector<32x128xi32>
    %eq3A_1669 = arith.xori %eq3A_1643, %eq3A_1668 : vector<32x128xi1>
    %eq3A_1670 = arith.constant dense<true> : vector<32x128xi1>
    %eq3A_1671 = arith.xori %eq3A_1669, %eq3A_1670 : vector<32x128xi1>
    %eq3A_1672 = arith.xori %or3A_1662, %eq3A_1671 : vector<32x128xi1>
    %eq3A_1673 = arith.constant dense<true> : vector<32x128xi1>
    %eq3A_1674 = arith.xori %eq3A_1672, %eq3A_1673 : vector<32x128xi1>
    %select_n3A_1675 = arith.select %eq3A_1674, %select_n3A_1636, %select_n3A_1650 : vector<32x128xi1>, vector<32x128xf32>
    %select_n3A_1676 = arith.select %eq3A_1674, %select_n3A_1637, %select_n3A_1657 : vector<32x128xi1>, vector<32x128xi32>
    %and3A_1677 = arith.constant 2 : i32
    %and3A_1678 = vector.broadcast %and3A_1677 : i32 to vector<32x128xi32>
    %and3A_1679 = arith.andi %add3A, %and3A_1678 : vector<32x128xi32>
    %eq3A_1680 = arith.constant 0 : i32
    %eq3A_1681 = vector.broadcast %eq3A_1680 : i32 to vector<32x128xi32>
    %eq3A_1682 = arith.cmpi eq, %and3A_1679, %eq3A_1681 : vector<32x128xi32>
    %slice3A_1683 = vector.extract_strided_slice %select_n3A_1675 {offsets = [0, 2], sizes = [32, 126], strides = [1, 1]} : vector<32x128xf32> to vector<32x126xf32>
    %slice3A_1684 = vector.extract_strided_slice %select_n3A_1675 {offsets = [0, 0], sizes = [32, 2], strides = [1, 1]} : vector<32x128xf32> to vector<32x2xf32>
    %concatenate3A_1685 = tpu.concatenate %slice3A_1683, %slice3A_1684 in 1 : vector<32x126xf32>, vector<32x2xf32> -> vector<32x128xf32>
    %slice3A_1686 = vector.extract_strided_slice %select_n3A_1675 {offsets = [0, 126], sizes = [32, 2], strides = [1, 1]} : vector<32x128xf32> to vector<32x2xf32>
    %slice3A_1687 = vector.extract_strided_slice %select_n3A_1675 {offsets = [0, 0], sizes = [32, 126], strides = [1, 1]} : vector<32x128xf32> to vector<32x126xf32>
    %concatenate3A_1688 = tpu.concatenate %slice3A_1686, %slice3A_1687 in 1 : vector<32x2xf32>, vector<32x126xf32> -> vector<32x128xf32>
    %select_n3A_1689 = arith.select %eq3A_1682, %concatenate3A_1685, %concatenate3A_1688 : vector<32x128xi1>, vector<32x128xf32>
    %slice3A_1690 = vector.extract_strided_slice %select_n3A_1676 {offsets = [0, 2], sizes = [32, 126], strides = [1, 1]} : vector<32x128xi32> to vector<32x126xi32>
    %slice3A_1691 = vector.extract_strided_slice %select_n3A_1676 {offsets = [0, 0], sizes = [32, 2], strides = [1, 1]} : vector<32x128xi32> to vector<32x2xi32>
    %concatenate3A_1692 = tpu.concatenate %slice3A_1690, %slice3A_1691 in 1 : vector<32x126xi32>, vector<32x2xi32> -> vector<32x128xi32>
    %slice3A_1693 = vector.extract_strided_slice %select_n3A_1676 {offsets = [0, 126], sizes = [32, 2], strides = [1, 1]} : vector<32x128xi32> to vector<32x2xi32>
    %slice3A_1694 = vector.extract_strided_slice %select_n3A_1676 {offsets = [0, 0], sizes = [32, 126], strides = [1, 1]} : vector<32x128xi32> to vector<32x126xi32>
    %concatenate3A_1695 = tpu.concatenate %slice3A_1693, %slice3A_1694 in 1 : vector<32x2xi32>, vector<32x126xi32> -> vector<32x128xi32>
    %select_n3A_1696 = arith.select %eq3A_1682, %concatenate3A_1692, %concatenate3A_1695 : vector<32x128xi1>, vector<32x128xi32>
    %lt3A_1697 = arith.cmpf olt, %select_n3A_1675, %select_n3A_1689 : vector<32x128xf32>
    %eq3A_1698 = arith.cmpf oeq, %select_n3A_1675, %select_n3A_1689 : vector<32x128xf32>
    %lt3A_1699 = arith.cmpi slt, %select_n3A_1676, %select_n3A_1696 : vector<32x128xi32>
    %and3A_1700 = arith.andi %eq3A_1698, %lt3A_1699 : vector<32x128xi1>
    %or3A_1701 = arith.ori %lt3A_1697, %and3A_1700 : vector<32x128xi1>
    %and3A_1702 = arith.constant 512 : i32
    %and3A_1703 = vector.broadcast %and3A_1702 : i32 to vector<32x128xi32>
    %and3A_1704 = arith.andi %add3A, %and3A_1703 : vector<32x128xi32>
    %eq3A_1705 = arith.constant 0 : i32
    %eq3A_1706 = vector.broadcast %eq3A_1705 : i32 to vector<32x128xi32>
    %eq3A_1707 = arith.cmpi eq, %and3A_1704, %eq3A_1706 : vector<32x128xi32>
    %eq3A_1708 = arith.xori %eq3A_1682, %eq3A_1707 : vector<32x128xi1>
    %eq3A_1709 = arith.constant dense<true> : vector<32x128xi1>
    %eq3A_1710 = arith.xori %eq3A_1708, %eq3A_1709 : vector<32x128xi1>
    %eq3A_1711 = arith.xori %or3A_1701, %eq3A_1710 : vector<32x128xi1>
    %eq3A_1712 = arith.constant dense<true> : vector<32x128xi1>
    %eq3A_1713 = arith.xori %eq3A_1711, %eq3A_1712 : vector<32x128xi1>
    %select_n3A_1714 = arith.select %eq3A_1713, %select_n3A_1675, %select_n3A_1689 : vector<32x128xi1>, vector<32x128xf32>
    %select_n3A_1715 = arith.select %eq3A_1713, %select_n3A_1676, %select_n3A_1696 : vector<32x128xi1>, vector<32x128xi32>
    %and3A_1716 = arith.constant 1 : i32
    %and3A_1717 = vector.broadcast %and3A_1716 : i32 to vector<32x128xi32>
    %and3A_1718 = arith.andi %add3A, %and3A_1717 : vector<32x128xi32>
    %eq3A_1719 = arith.constant 0 : i32
    %eq3A_1720 = vector.broadcast %eq3A_1719 : i32 to vector<32x128xi32>
    %eq3A_1721 = arith.cmpi eq, %and3A_1718, %eq3A_1720 : vector<32x128xi32>
    %slice3A_1722 = vector.extract_strided_slice %select_n3A_1714 {offsets = [0, 1], sizes = [32, 127], strides = [1, 1]} : vector<32x128xf32> to vector<32x127xf32>
    %slice3A_1723 = vector.extract_strided_slice %select_n3A_1714 {offsets = [0, 0], sizes = [32, 1], strides = [1, 1]} : vector<32x128xf32> to vector<32x1xf32>
    %concatenate3A_1724 = tpu.concatenate %slice3A_1722, %slice3A_1723 in 1 : vector<32x127xf32>, vector<32x1xf32> -> vector<32x128xf32>
    %slice3A_1725 = vector.extract_strided_slice %select_n3A_1714 {offsets = [0, 127], sizes = [32, 1], strides = [1, 1]} : vector<32x128xf32> to vector<32x1xf32>
    %slice3A_1726 = vector.extract_strided_slice %select_n3A_1714 {offsets = [0, 0], sizes = [32, 127], strides = [1, 1]} : vector<32x128xf32> to vector<32x127xf32>
    %concatenate3A_1727 = tpu.concatenate %slice3A_1725, %slice3A_1726 in 1 : vector<32x1xf32>, vector<32x127xf32> -> vector<32x128xf32>
    %select_n3A_1728 = arith.select %eq3A_1721, %concatenate3A_1724, %concatenate3A_1727 : vector<32x128xi1>, vector<32x128xf32>
    %slice3A_1729 = vector.extract_strided_slice %select_n3A_1715 {offsets = [0, 1], sizes = [32, 127], strides = [1, 1]} : vector<32x128xi32> to vector<32x127xi32>
    %slice3A_1730 = vector.extract_strided_slice %select_n3A_1715 {offsets = [0, 0], sizes = [32, 1], strides = [1, 1]} : vector<32x128xi32> to vector<32x1xi32>
    %concatenate3A_1731 = tpu.concatenate %slice3A_1729, %slice3A_1730 in 1 : vector<32x127xi32>, vector<32x1xi32> -> vector<32x128xi32>
    %slice3A_1732 = vector.extract_strided_slice %select_n3A_1715 {offsets = [0, 127], sizes = [32, 1], strides = [1, 1]} : vector<32x128xi32> to vector<32x1xi32>
    %slice3A_1733 = vector.extract_strided_slice %select_n3A_1715 {offsets = [0, 0], sizes = [32, 127], strides = [1, 1]} : vector<32x128xi32> to vector<32x127xi32>
    %concatenate3A_1734 = tpu.concatenate %slice3A_1732, %slice3A_1733 in 1 : vector<32x1xi32>, vector<32x127xi32> -> vector<32x128xi32>
    %select_n3A_1735 = arith.select %eq3A_1721, %concatenate3A_1731, %concatenate3A_1734 : vector<32x128xi1>, vector<32x128xi32>
    %lt3A_1736 = arith.cmpf olt, %select_n3A_1714, %select_n3A_1728 : vector<32x128xf32>
    %eq3A_1737 = arith.cmpf oeq, %select_n3A_1714, %select_n3A_1728 : vector<32x128xf32>
    %lt3A_1738 = arith.cmpi slt, %select_n3A_1715, %select_n3A_1735 : vector<32x128xi32>
    %and3A_1739 = arith.andi %eq3A_1737, %lt3A_1738 : vector<32x128xi1>
    %or3A_1740 = arith.ori %lt3A_1736, %and3A_1739 : vector<32x128xi1>
    %and3A_1741 = arith.constant 512 : i32
    %and3A_1742 = vector.broadcast %and3A_1741 : i32 to vector<32x128xi32>
    %and3A_1743 = arith.andi %add3A, %and3A_1742 : vector<32x128xi32>
    %eq3A_1744 = arith.constant 0 : i32
    %eq3A_1745 = vector.broadcast %eq3A_1744 : i32 to vector<32x128xi32>
    %eq3A_1746 = arith.cmpi eq, %and3A_1743, %eq3A_1745 : vector<32x128xi32>
    %eq3A_1747 = arith.xori %eq3A_1721, %eq3A_1746 : vector<32x128xi1>
    %eq3A_1748 = arith.constant dense<true> : vector<32x128xi1>
    %eq3A_1749 = arith.xori %eq3A_1747, %eq3A_1748 : vector<32x128xi1>
    %eq3A_1750 = arith.xori %or3A_1740, %eq3A_1749 : vector<32x128xi1>
    %eq3A_1751 = arith.constant dense<true> : vector<32x128xi1>
    %eq3A_1752 = arith.xori %eq3A_1750, %eq3A_1751 : vector<32x128xi1>
    %select_n3A_1753 = arith.select %eq3A_1752, %select_n3A_1714, %select_n3A_1728 : vector<32x128xi1>, vector<32x128xf32>
    %select_n3A_1754 = arith.select %eq3A_1752, %select_n3A_1715, %select_n3A_1735 : vector<32x128xi1>, vector<32x128xi32>
    %and3A_1755 = arith.constant 512 : i32
    %and3A_1756 = vector.broadcast %and3A_1755 : i32 to vector<32x128xi32>
    %and3A_1757 = arith.andi %add3A, %and3A_1756 : vector<32x128xi32>
    %eq3A_1758 = arith.constant 0 : i32
    %eq3A_1759 = vector.broadcast %eq3A_1758 : i32 to vector<32x128xi32>
    %eq3A_1760 = arith.cmpi eq, %and3A_1757, %eq3A_1759 : vector<32x128xi32>
    %slice3A_1761 = vector.extract_strided_slice %select_n3A_1753 {offsets = [4, 0], sizes = [28, 128], strides = [1, 1]} : vector<32x128xf32> to vector<28x128xf32>
    %slice3A_1762 = vector.extract_strided_slice %select_n3A_1753 {offsets = [0, 0], sizes = [4, 128], strides = [1, 1]} : vector<32x128xf32> to vector<4x128xf32>
    %concatenate3A_1763 = tpu.concatenate %slice3A_1761, %slice3A_1762 in 0 : vector<28x128xf32>, vector<4x128xf32> -> vector<32x128xf32>
    %slice3A_1764 = vector.extract_strided_slice %select_n3A_1753 {offsets = [28, 0], sizes = [4, 128], strides = [1, 1]} : vector<32x128xf32> to vector<4x128xf32>
    %slice3A_1765 = vector.extract_strided_slice %select_n3A_1753 {offsets = [0, 0], sizes = [28, 128], strides = [1, 1]} : vector<32x128xf32> to vector<28x128xf32>
    %concatenate3A_1766 = tpu.concatenate %slice3A_1764, %slice3A_1765 in 0 : vector<4x128xf32>, vector<28x128xf32> -> vector<32x128xf32>
    %select_n3A_1767 = arith.select %eq3A_1760, %concatenate3A_1763, %concatenate3A_1766 : vector<32x128xi1>, vector<32x128xf32>
    %slice3A_1768 = vector.extract_strided_slice %select_n3A_1754 {offsets = [4, 0], sizes = [28, 128], strides = [1, 1]} : vector<32x128xi32> to vector<28x128xi32>
    %slice3A_1769 = vector.extract_strided_slice %select_n3A_1754 {offsets = [0, 0], sizes = [4, 128], strides = [1, 1]} : vector<32x128xi32> to vector<4x128xi32>
    %concatenate3A_1770 = tpu.concatenate %slice3A_1768, %slice3A_1769 in 0 : vector<28x128xi32>, vector<4x128xi32> -> vector<32x128xi32>
    %slice3A_1771 = vector.extract_strided_slice %select_n3A_1754 {offsets = [28, 0], sizes = [4, 128], strides = [1, 1]} : vector<32x128xi32> to vector<4x128xi32>
    %slice3A_1772 = vector.extract_strided_slice %select_n3A_1754 {offsets = [0, 0], sizes = [28, 128], strides = [1, 1]} : vector<32x128xi32> to vector<28x128xi32>
    %concatenate3A_1773 = tpu.concatenate %slice3A_1771, %slice3A_1772 in 0 : vector<4x128xi32>, vector<28x128xi32> -> vector<32x128xi32>
    %select_n3A_1774 = arith.select %eq3A_1760, %concatenate3A_1770, %concatenate3A_1773 : vector<32x128xi1>, vector<32x128xi32>
    %lt3A_1775 = arith.cmpf olt, %select_n3A_1753, %select_n3A_1767 : vector<32x128xf32>
    %eq3A_1776 = arith.cmpf oeq, %select_n3A_1753, %select_n3A_1767 : vector<32x128xf32>
    %lt3A_1777 = arith.cmpi slt, %select_n3A_1754, %select_n3A_1774 : vector<32x128xi32>
    %and3A_1778 = arith.andi %eq3A_1776, %lt3A_1777 : vector<32x128xi1>
    %or3A_1779 = arith.ori %lt3A_1775, %and3A_1778 : vector<32x128xi1>
    %and3A_1780 = arith.constant 1024 : i32
    %and3A_1781 = vector.broadcast %and3A_1780 : i32 to vector<32x128xi32>
    %and3A_1782 = arith.andi %add3A, %and3A_1781 : vector<32x128xi32>
    %eq3A_1783 = arith.constant 0 : i32
    %eq3A_1784 = vector.broadcast %eq3A_1783 : i32 to vector<32x128xi32>
    %eq3A_1785 = arith.cmpi eq, %and3A_1782, %eq3A_1784 : vector<32x128xi32>
    %eq3A_1786 = arith.xori %eq3A_1760, %eq3A_1785 : vector<32x128xi1>
    %eq3A_1787 = arith.constant dense<true> : vector<32x128xi1>
    %eq3A_1788 = arith.xori %eq3A_1786, %eq3A_1787 : vector<32x128xi1>
    %eq3A_1789 = arith.xori %or3A_1779, %eq3A_1788 : vector<32x128xi1>
    %eq3A_1790 = arith.constant dense<true> : vector<32x128xi1>
    %eq3A_1791 = arith.xori %eq3A_1789, %eq3A_1790 : vector<32x128xi1>
    %select_n3A_1792 = arith.select %eq3A_1791, %select_n3A_1753, %select_n3A_1767 : vector<32x128xi1>, vector<32x128xf32>
    %select_n3A_1793 = arith.select %eq3A_1791, %select_n3A_1754, %select_n3A_1774 : vector<32x128xi1>, vector<32x128xi32>
    %and3A_1794 = arith.constant 256 : i32
    %and3A_1795 = vector.broadcast %and3A_1794 : i32 to vector<32x128xi32>
    %and3A_1796 = arith.andi %add3A, %and3A_1795 : vector<32x128xi32>
    %eq3A_1797 = arith.constant 0 : i32
    %eq3A_1798 = vector.broadcast %eq3A_1797 : i32 to vector<32x128xi32>
    %eq3A_1799 = arith.cmpi eq, %and3A_1796, %eq3A_1798 : vector<32x128xi32>
    %slice3A_1800 = vector.extract_strided_slice %select_n3A_1792 {offsets = [2, 0], sizes = [30, 128], strides = [1, 1]} : vector<32x128xf32> to vector<30x128xf32>
    %slice3A_1801 = vector.extract_strided_slice %select_n3A_1792 {offsets = [0, 0], sizes = [2, 128], strides = [1, 1]} : vector<32x128xf32> to vector<2x128xf32>
    %concatenate3A_1802 = tpu.concatenate %slice3A_1800, %slice3A_1801 in 0 : vector<30x128xf32>, vector<2x128xf32> -> vector<32x128xf32>
    %slice3A_1803 = vector.extract_strided_slice %select_n3A_1792 {offsets = [30, 0], sizes = [2, 128], strides = [1, 1]} : vector<32x128xf32> to vector<2x128xf32>
    %slice3A_1804 = vector.extract_strided_slice %select_n3A_1792 {offsets = [0, 0], sizes = [30, 128], strides = [1, 1]} : vector<32x128xf32> to vector<30x128xf32>
    %concatenate3A_1805 = tpu.concatenate %slice3A_1803, %slice3A_1804 in 0 : vector<2x128xf32>, vector<30x128xf32> -> vector<32x128xf32>
    %select_n3A_1806 = arith.select %eq3A_1799, %concatenate3A_1802, %concatenate3A_1805 : vector<32x128xi1>, vector<32x128xf32>
    %slice3A_1807 = vector.extract_strided_slice %select_n3A_1793 {offsets = [2, 0], sizes = [30, 128], strides = [1, 1]} : vector<32x128xi32> to vector<30x128xi32>
    %slice3A_1808 = vector.extract_strided_slice %select_n3A_1793 {offsets = [0, 0], sizes = [2, 128], strides = [1, 1]} : vector<32x128xi32> to vector<2x128xi32>
    %concatenate3A_1809 = tpu.concatenate %slice3A_1807, %slice3A_1808 in 0 : vector<30x128xi32>, vector<2x128xi32> -> vector<32x128xi32>
    %slice3A_1810 = vector.extract_strided_slice %select_n3A_1793 {offsets = [30, 0], sizes = [2, 128], strides = [1, 1]} : vector<32x128xi32> to vector<2x128xi32>
    %slice3A_1811 = vector.extract_strided_slice %select_n3A_1793 {offsets = [0, 0], sizes = [30, 128], strides = [1, 1]} : vector<32x128xi32> to vector<30x128xi32>
    %concatenate3A_1812 = tpu.concatenate %slice3A_1810, %slice3A_1811 in 0 : vector<2x128xi32>, vector<30x128xi32> -> vector<32x128xi32>
    %select_n3A_1813 = arith.select %eq3A_1799, %concatenate3A_1809, %concatenate3A_1812 : vector<32x128xi1>, vector<32x128xi32>
    %lt3A_1814 = arith.cmpf olt, %select_n3A_1792, %select_n3A_1806 : vector<32x128xf32>
    %eq3A_1815 = arith.cmpf oeq, %select_n3A_1792, %select_n3A_1806 : vector<32x128xf32>
    %lt3A_1816 = arith.cmpi slt, %select_n3A_1793, %select_n3A_1813 : vector<32x128xi32>
    %and3A_1817 = arith.andi %eq3A_1815, %lt3A_1816 : vector<32x128xi1>
    %or3A_1818 = arith.ori %lt3A_1814, %and3A_1817 : vector<32x128xi1>
    %and3A_1819 = arith.constant 1024 : i32
    %and3A_1820 = vector.broadcast %and3A_1819 : i32 to vector<32x128xi32>
    %and3A_1821 = arith.andi %add3A, %and3A_1820 : vector<32x128xi32>
    %eq3A_1822 = arith.constant 0 : i32
    %eq3A_1823 = vector.broadcast %eq3A_1822 : i32 to vector<32x128xi32>
    %eq3A_1824 = arith.cmpi eq, %and3A_1821, %eq3A_1823 : vector<32x128xi32>
    %eq3A_1825 = arith.xori %eq3A_1799, %eq3A_1824 : vector<32x128xi1>
    %eq3A_1826 = arith.constant dense<true> : vector<32x128xi1>
    %eq3A_1827 = arith.xori %eq3A_1825, %eq3A_1826 : vector<32x128xi1>
    %eq3A_1828 = arith.xori %or3A_1818, %eq3A_1827 : vector<32x128xi1>
    %eq3A_1829 = arith.constant dense<true> : vector<32x128xi1>
    %eq3A_1830 = arith.xori %eq3A_1828, %eq3A_1829 : vector<32x128xi1>
    %select_n3A_1831 = arith.select %eq3A_1830, %select_n3A_1792, %select_n3A_1806 : vector<32x128xi1>, vector<32x128xf32>
    %select_n3A_1832 = arith.select %eq3A_1830, %select_n3A_1793, %select_n3A_1813 : vector<32x128xi1>, vector<32x128xi32>
    %and3A_1833 = arith.constant 128 : i32
    %and3A_1834 = vector.broadcast %and3A_1833 : i32 to vector<32x128xi32>
    %and3A_1835 = arith.andi %add3A, %and3A_1834 : vector<32x128xi32>
    %eq3A_1836 = arith.constant 0 : i32
    %eq3A_1837 = vector.broadcast %eq3A_1836 : i32 to vector<32x128xi32>
    %eq3A_1838 = arith.cmpi eq, %and3A_1835, %eq3A_1837 : vector<32x128xi32>
    %slice3A_1839 = vector.extract_strided_slice %select_n3A_1831 {offsets = [1, 0], sizes = [31, 128], strides = [1, 1]} : vector<32x128xf32> to vector<31x128xf32>
    %slice3A_1840 = vector.extract_strided_slice %select_n3A_1831 {offsets = [0, 0], sizes = [1, 128], strides = [1, 1]} : vector<32x128xf32> to vector<1x128xf32>
    %concatenate3A_1841 = tpu.concatenate %slice3A_1839, %slice3A_1840 in 0 : vector<31x128xf32>, vector<1x128xf32> -> vector<32x128xf32>
    %slice3A_1842 = vector.extract_strided_slice %select_n3A_1831 {offsets = [31, 0], sizes = [1, 128], strides = [1, 1]} : vector<32x128xf32> to vector<1x128xf32>
    %slice3A_1843 = vector.extract_strided_slice %select_n3A_1831 {offsets = [0, 0], sizes = [31, 128], strides = [1, 1]} : vector<32x128xf32> to vector<31x128xf32>
    %concatenate3A_1844 = tpu.concatenate %slice3A_1842, %slice3A_1843 in 0 : vector<1x128xf32>, vector<31x128xf32> -> vector<32x128xf32>
    %select_n3A_1845 = arith.select %eq3A_1838, %concatenate3A_1841, %concatenate3A_1844 : vector<32x128xi1>, vector<32x128xf32>
    %slice3A_1846 = vector.extract_strided_slice %select_n3A_1832 {offsets = [1, 0], sizes = [31, 128], strides = [1, 1]} : vector<32x128xi32> to vector<31x128xi32>
    %slice3A_1847 = vector.extract_strided_slice %select_n3A_1832 {offsets = [0, 0], sizes = [1, 128], strides = [1, 1]} : vector<32x128xi32> to vector<1x128xi32>
    %concatenate3A_1848 = tpu.concatenate %slice3A_1846, %slice3A_1847 in 0 : vector<31x128xi32>, vector<1x128xi32> -> vector<32x128xi32>
    %slice3A_1849 = vector.extract_strided_slice %select_n3A_1832 {offsets = [31, 0], sizes = [1, 128], strides = [1, 1]} : vector<32x128xi32> to vector<1x128xi32>
    %slice3A_1850 = vector.extract_strided_slice %select_n3A_1832 {offsets = [0, 0], sizes = [31, 128], strides = [1, 1]} : vector<32x128xi32> to vector<31x128xi32>
    %concatenate3A_1851 = tpu.concatenate %slice3A_1849, %slice3A_1850 in 0 : vector<1x128xi32>, vector<31x128xi32> -> vector<32x128xi32>
    %select_n3A_1852 = arith.select %eq3A_1838, %concatenate3A_1848, %concatenate3A_1851 : vector<32x128xi1>, vector<32x128xi32>
    %lt3A_1853 = arith.cmpf olt, %select_n3A_1831, %select_n3A_1845 : vector<32x128xf32>
    %eq3A_1854 = arith.cmpf oeq, %select_n3A_1831, %select_n3A_1845 : vector<32x128xf32>
    %lt3A_1855 = arith.cmpi slt, %select_n3A_1832, %select_n3A_1852 : vector<32x128xi32>
    %and3A_1856 = arith.andi %eq3A_1854, %lt3A_1855 : vector<32x128xi1>
    %or3A_1857 = arith.ori %lt3A_1853, %and3A_1856 : vector<32x128xi1>
    %and3A_1858 = arith.constant 1024 : i32
    %and3A_1859 = vector.broadcast %and3A_1858 : i32 to vector<32x128xi32>
    %and3A_1860 = arith.andi %add3A, %and3A_1859 : vector<32x128xi32>
    %eq3A_1861 = arith.constant 0 : i32
    %eq3A_1862 = vector.broadcast %eq3A_1861 : i32 to vector<32x128xi32>
    %eq3A_1863 = arith.cmpi eq, %and3A_1860, %eq3A_1862 : vector<32x128xi32>
    %eq3A_1864 = arith.xori %eq3A_1838, %eq3A_1863 : vector<32x128xi1>
    %eq3A_1865 = arith.constant dense<true> : vector<32x128xi1>
    %eq3A_1866 = arith.xori %eq3A_1864, %eq3A_1865 : vector<32x128xi1>
    %eq3A_1867 = arith.xori %or3A_1857, %eq3A_1866 : vector<32x128xi1>
    %eq3A_1868 = arith.constant dense<true> : vector<32x128xi1>
    %eq3A_1869 = arith.xori %eq3A_1867, %eq3A_1868 : vector<32x128xi1>
    %select_n3A_1870 = arith.select %eq3A_1869, %select_n3A_1831, %select_n3A_1845 : vector<32x128xi1>, vector<32x128xf32>
    %select_n3A_1871 = arith.select %eq3A_1869, %select_n3A_1832, %select_n3A_1852 : vector<32x128xi1>, vector<32x128xi32>
    %and3A_1872 = arith.constant 64 : i32
    %and3A_1873 = vector.broadcast %and3A_1872 : i32 to vector<32x128xi32>
    %and3A_1874 = arith.andi %add3A, %and3A_1873 : vector<32x128xi32>
    %eq3A_1875 = arith.constant 0 : i32
    %eq3A_1876 = vector.broadcast %eq3A_1875 : i32 to vector<32x128xi32>
    %eq3A_1877 = arith.cmpi eq, %and3A_1874, %eq3A_1876 : vector<32x128xi32>
    %slice3A_1878 = vector.extract_strided_slice %select_n3A_1870 {offsets = [0, 64], sizes = [32, 64], strides = [1, 1]} : vector<32x128xf32> to vector<32x64xf32>
    %slice3A_1879 = vector.extract_strided_slice %select_n3A_1870 {offsets = [0, 0], sizes = [32, 64], strides = [1, 1]} : vector<32x128xf32> to vector<32x64xf32>
    %concatenate3A_1880 = tpu.concatenate %slice3A_1878, %slice3A_1879 in 1 : vector<32x64xf32>, vector<32x64xf32> -> vector<32x128xf32>
    %slice3A_1881 = vector.extract_strided_slice %select_n3A_1870 {offsets = [0, 64], sizes = [32, 64], strides = [1, 1]} : vector<32x128xf32> to vector<32x64xf32>
    %slice3A_1882 = vector.extract_strided_slice %select_n3A_1870 {offsets = [0, 0], sizes = [32, 64], strides = [1, 1]} : vector<32x128xf32> to vector<32x64xf32>
    %concatenate3A_1883 = tpu.concatenate %slice3A_1881, %slice3A_1882 in 1 : vector<32x64xf32>, vector<32x64xf32> -> vector<32x128xf32>
    %select_n3A_1884 = arith.select %eq3A_1877, %concatenate3A_1880, %concatenate3A_1883 : vector<32x128xi1>, vector<32x128xf32>
    %slice3A_1885 = vector.extract_strided_slice %select_n3A_1871 {offsets = [0, 64], sizes = [32, 64], strides = [1, 1]} : vector<32x128xi32> to vector<32x64xi32>
    %slice3A_1886 = vector.extract_strided_slice %select_n3A_1871 {offsets = [0, 0], sizes = [32, 64], strides = [1, 1]} : vector<32x128xi32> to vector<32x64xi32>
    %concatenate3A_1887 = tpu.concatenate %slice3A_1885, %slice3A_1886 in 1 : vector<32x64xi32>, vector<32x64xi32> -> vector<32x128xi32>
    %slice3A_1888 = vector.extract_strided_slice %select_n3A_1871 {offsets = [0, 64], sizes = [32, 64], strides = [1, 1]} : vector<32x128xi32> to vector<32x64xi32>
    %slice3A_1889 = vector.extract_strided_slice %select_n3A_1871 {offsets = [0, 0], sizes = [32, 64], strides = [1, 1]} : vector<32x128xi32> to vector<32x64xi32>
    %concatenate3A_1890 = tpu.concatenate %slice3A_1888, %slice3A_1889 in 1 : vector<32x64xi32>, vector<32x64xi32> -> vector<32x128xi32>
    %select_n3A_1891 = arith.select %eq3A_1877, %concatenate3A_1887, %concatenate3A_1890 : vector<32x128xi1>, vector<32x128xi32>
    %lt3A_1892 = arith.cmpf olt, %select_n3A_1870, %select_n3A_1884 : vector<32x128xf32>
    %eq3A_1893 = arith.cmpf oeq, %select_n3A_1870, %select_n3A_1884 : vector<32x128xf32>
    %lt3A_1894 = arith.cmpi slt, %select_n3A_1871, %select_n3A_1891 : vector<32x128xi32>
    %and3A_1895 = arith.andi %eq3A_1893, %lt3A_1894 : vector<32x128xi1>
    %or3A_1896 = arith.ori %lt3A_1892, %and3A_1895 : vector<32x128xi1>
    %and3A_1897 = arith.constant 1024 : i32
    %and3A_1898 = vector.broadcast %and3A_1897 : i32 to vector<32x128xi32>
    %and3A_1899 = arith.andi %add3A, %and3A_1898 : vector<32x128xi32>
    %eq3A_1900 = arith.constant 0 : i32
    %eq3A_1901 = vector.broadcast %eq3A_1900 : i32 to vector<32x128xi32>
    %eq3A_1902 = arith.cmpi eq, %and3A_1899, %eq3A_1901 : vector<32x128xi32>
    %eq3A_1903 = arith.xori %eq3A_1877, %eq3A_1902 : vector<32x128xi1>
    %eq3A_1904 = arith.constant dense<true> : vector<32x128xi1>
    %eq3A_1905 = arith.xori %eq3A_1903, %eq3A_1904 : vector<32x128xi1>
    %eq3A_1906 = arith.xori %or3A_1896, %eq3A_1905 : vector<32x128xi1>
    %eq3A_1907 = arith.constant dense<true> : vector<32x128xi1>
    %eq3A_1908 = arith.xori %eq3A_1906, %eq3A_1907 : vector<32x128xi1>
    %select_n3A_1909 = arith.select %eq3A_1908, %select_n3A_1870, %select_n3A_1884 : vector<32x128xi1>, vector<32x128xf32>
    %select_n3A_1910 = arith.select %eq3A_1908, %select_n3A_1871, %select_n3A_1891 : vector<32x128xi1>, vector<32x128xi32>
    %and3A_1911 = arith.constant 32 : i32
    %and3A_1912 = vector.broadcast %and3A_1911 : i32 to vector<32x128xi32>
    %and3A_1913 = arith.andi %add3A, %and3A_1912 : vector<32x128xi32>
    %eq3A_1914 = arith.constant 0 : i32
    %eq3A_1915 = vector.broadcast %eq3A_1914 : i32 to vector<32x128xi32>
    %eq3A_1916 = arith.cmpi eq, %and3A_1913, %eq3A_1915 : vector<32x128xi32>
    %slice3A_1917 = vector.extract_strided_slice %select_n3A_1909 {offsets = [0, 32], sizes = [32, 96], strides = [1, 1]} : vector<32x128xf32> to vector<32x96xf32>
    %slice3A_1918 = vector.extract_strided_slice %select_n3A_1909 {offsets = [0, 0], sizes = [32, 32], strides = [1, 1]} : vector<32x128xf32> to vector<32x32xf32>
    %concatenate3A_1919 = tpu.concatenate %slice3A_1917, %slice3A_1918 in 1 : vector<32x96xf32>, vector<32x32xf32> -> vector<32x128xf32>
    %slice3A_1920 = vector.extract_strided_slice %select_n3A_1909 {offsets = [0, 96], sizes = [32, 32], strides = [1, 1]} : vector<32x128xf32> to vector<32x32xf32>
    %slice3A_1921 = vector.extract_strided_slice %select_n3A_1909 {offsets = [0, 0], sizes = [32, 96], strides = [1, 1]} : vector<32x128xf32> to vector<32x96xf32>
    %concatenate3A_1922 = tpu.concatenate %slice3A_1920, %slice3A_1921 in 1 : vector<32x32xf32>, vector<32x96xf32> -> vector<32x128xf32>
    %select_n3A_1923 = arith.select %eq3A_1916, %concatenate3A_1919, %concatenate3A_1922 : vector<32x128xi1>, vector<32x128xf32>
    %slice3A_1924 = vector.extract_strided_slice %select_n3A_1910 {offsets = [0, 32], sizes = [32, 96], strides = [1, 1]} : vector<32x128xi32> to vector<32x96xi32>
    %slice3A_1925 = vector.extract_strided_slice %select_n3A_1910 {offsets = [0, 0], sizes = [32, 32], strides = [1, 1]} : vector<32x128xi32> to vector<32x32xi32>
    %concatenate3A_1926 = tpu.concatenate %slice3A_1924, %slice3A_1925 in 1 : vector<32x96xi32>, vector<32x32xi32> -> vector<32x128xi32>
    %slice3A_1927 = vector.extract_strided_slice %select_n3A_1910 {offsets = [0, 96], sizes = [32, 32], strides = [1, 1]} : vector<32x128xi32> to vector<32x32xi32>
    %slice3A_1928 = vector.extract_strided_slice %select_n3A_1910 {offsets = [0, 0], sizes = [32, 96], strides = [1, 1]} : vector<32x128xi32> to vector<32x96xi32>
    %concatenate3A_1929 = tpu.concatenate %slice3A_1927, %slice3A_1928 in 1 : vector<32x32xi32>, vector<32x96xi32> -> vector<32x128xi32>
    %select_n3A_1930 = arith.select %eq3A_1916, %concatenate3A_1926, %concatenate3A_1929 : vector<32x128xi1>, vector<32x128xi32>
    %lt3A_1931 = arith.cmpf olt, %select_n3A_1909, %select_n3A_1923 : vector<32x128xf32>
    %eq3A_1932 = arith.cmpf oeq, %select_n3A_1909, %select_n3A_1923 : vector<32x128xf32>
    %lt3A_1933 = arith.cmpi slt, %select_n3A_1910, %select_n3A_1930 : vector<32x128xi32>
    %and3A_1934 = arith.andi %eq3A_1932, %lt3A_1933 : vector<32x128xi1>
    %or3A_1935 = arith.ori %lt3A_1931, %and3A_1934 : vector<32x128xi1>
    %and3A_1936 = arith.constant 1024 : i32
    %and3A_1937 = vector.broadcast %and3A_1936 : i32 to vector<32x128xi32>
    %and3A_1938 = arith.andi %add3A, %and3A_1937 : vector<32x128xi32>
    %eq3A_1939 = arith.constant 0 : i32
    %eq3A_1940 = vector.broadcast %eq3A_1939 : i32 to vector<32x128xi32>
    %eq3A_1941 = arith.cmpi eq, %and3A_1938, %eq3A_1940 : vector<32x128xi32>
    %eq3A_1942 = arith.xori %eq3A_1916, %eq3A_1941 : vector<32x128xi1>
    %eq3A_1943 = arith.constant dense<true> : vector<32x128xi1>
    %eq3A_1944 = arith.xori %eq3A_1942, %eq3A_1943 : vector<32x128xi1>
    %eq3A_1945 = arith.xori %or3A_1935, %eq3A_1944 : vector<32x128xi1>
    %eq3A_1946 = arith.constant dense<true> : vector<32x128xi1>
    %eq3A_1947 = arith.xori %eq3A_1945, %eq3A_1946 : vector<32x128xi1>
    %select_n3A_1948 = arith.select %eq3A_1947, %select_n3A_1909, %select_n3A_1923 : vector<32x128xi1>, vector<32x128xf32>
    %select_n3A_1949 = arith.select %eq3A_1947, %select_n3A_1910, %select_n3A_1930 : vector<32x128xi1>, vector<32x128xi32>
    %and3A_1950 = arith.constant 16 : i32
    %and3A_1951 = vector.broadcast %and3A_1950 : i32 to vector<32x128xi32>
    %and3A_1952 = arith.andi %add3A, %and3A_1951 : vector<32x128xi32>
    %eq3A_1953 = arith.constant 0 : i32
    %eq3A_1954 = vector.broadcast %eq3A_1953 : i32 to vector<32x128xi32>
    %eq3A_1955 = arith.cmpi eq, %and3A_1952, %eq3A_1954 : vector<32x128xi32>
    %slice3A_1956 = vector.extract_strided_slice %select_n3A_1948 {offsets = [0, 16], sizes = [32, 112], strides = [1, 1]} : vector<32x128xf32> to vector<32x112xf32>
    %slice3A_1957 = vector.extract_strided_slice %select_n3A_1948 {offsets = [0, 0], sizes = [32, 16], strides = [1, 1]} : vector<32x128xf32> to vector<32x16xf32>
    %concatenate3A_1958 = tpu.concatenate %slice3A_1956, %slice3A_1957 in 1 : vector<32x112xf32>, vector<32x16xf32> -> vector<32x128xf32>
    %slice3A_1959 = vector.extract_strided_slice %select_n3A_1948 {offsets = [0, 112], sizes = [32, 16], strides = [1, 1]} : vector<32x128xf32> to vector<32x16xf32>
    %slice3A_1960 = vector.extract_strided_slice %select_n3A_1948 {offsets = [0, 0], sizes = [32, 112], strides = [1, 1]} : vector<32x128xf32> to vector<32x112xf32>
    %concatenate3A_1961 = tpu.concatenate %slice3A_1959, %slice3A_1960 in 1 : vector<32x16xf32>, vector<32x112xf32> -> vector<32x128xf32>
    %select_n3A_1962 = arith.select %eq3A_1955, %concatenate3A_1958, %concatenate3A_1961 : vector<32x128xi1>, vector<32x128xf32>
    %slice3A_1963 = vector.extract_strided_slice %select_n3A_1949 {offsets = [0, 16], sizes = [32, 112], strides = [1, 1]} : vector<32x128xi32> to vector<32x112xi32>
    %slice3A_1964 = vector.extract_strided_slice %select_n3A_1949 {offsets = [0, 0], sizes = [32, 16], strides = [1, 1]} : vector<32x128xi32> to vector<32x16xi32>
    %concatenate3A_1965 = tpu.concatenate %slice3A_1963, %slice3A_1964 in 1 : vector<32x112xi32>, vector<32x16xi32> -> vector<32x128xi32>
    %slice3A_1966 = vector.extract_strided_slice %select_n3A_1949 {offsets = [0, 112], sizes = [32, 16], strides = [1, 1]} : vector<32x128xi32> to vector<32x16xi32>
    %slice3A_1967 = vector.extract_strided_slice %select_n3A_1949 {offsets = [0, 0], sizes = [32, 112], strides = [1, 1]} : vector<32x128xi32> to vector<32x112xi32>
    %concatenate3A_1968 = tpu.concatenate %slice3A_1966, %slice3A_1967 in 1 : vector<32x16xi32>, vector<32x112xi32> -> vector<32x128xi32>
    %select_n3A_1969 = arith.select %eq3A_1955, %concatenate3A_1965, %concatenate3A_1968 : vector<32x128xi1>, vector<32x128xi32>
    %lt3A_1970 = arith.cmpf olt, %select_n3A_1948, %select_n3A_1962 : vector<32x128xf32>
    %eq3A_1971 = arith.cmpf oeq, %select_n3A_1948, %select_n3A_1962 : vector<32x128xf32>
    %lt3A_1972 = arith.cmpi slt, %select_n3A_1949, %select_n3A_1969 : vector<32x128xi32>
    %and3A_1973 = arith.andi %eq3A_1971, %lt3A_1972 : vector<32x128xi1>
    %or3A_1974 = arith.ori %lt3A_1970, %and3A_1973 : vector<32x128xi1>
    %and3A_1975 = arith.constant 1024 : i32
    %and3A_1976 = vector.broadcast %and3A_1975 : i32 to vector<32x128xi32>
    %and3A_1977 = arith.andi %add3A, %and3A_1976 : vector<32x128xi32>
    %eq3A_1978 = arith.constant 0 : i32
    %eq3A_1979 = vector.broadcast %eq3A_1978 : i32 to vector<32x128xi32>
    %eq3A_1980 = arith.cmpi eq, %and3A_1977, %eq3A_1979 : vector<32x128xi32>
    %eq3A_1981 = arith.xori %eq3A_1955, %eq3A_1980 : vector<32x128xi1>
    %eq3A_1982 = arith.constant dense<true> : vector<32x128xi1>
    %eq3A_1983 = arith.xori %eq3A_1981, %eq3A_1982 : vector<32x128xi1>
    %eq3A_1984 = arith.xori %or3A_1974, %eq3A_1983 : vector<32x128xi1>
    %eq3A_1985 = arith.constant dense<true> : vector<32x128xi1>
    %eq3A_1986 = arith.xori %eq3A_1984, %eq3A_1985 : vector<32x128xi1>
    %select_n3A_1987 = arith.select %eq3A_1986, %select_n3A_1948, %select_n3A_1962 : vector<32x128xi1>, vector<32x128xf32>
    %select_n3A_1988 = arith.select %eq3A_1986, %select_n3A_1949, %select_n3A_1969 : vector<32x128xi1>, vector<32x128xi32>
    %and3A_1989 = arith.constant 8 : i32
    %and3A_1990 = vector.broadcast %and3A_1989 : i32 to vector<32x128xi32>
    %and3A_1991 = arith.andi %add3A, %and3A_1990 : vector<32x128xi32>
    %eq3A_1992 = arith.constant 0 : i32
    %eq3A_1993 = vector.broadcast %eq3A_1992 : i32 to vector<32x128xi32>
    %eq3A_1994 = arith.cmpi eq, %and3A_1991, %eq3A_1993 : vector<32x128xi32>
    %slice3A_1995 = vector.extract_strided_slice %select_n3A_1987 {offsets = [0, 8], sizes = [32, 120], strides = [1, 1]} : vector<32x128xf32> to vector<32x120xf32>
    %slice3A_1996 = vector.extract_strided_slice %select_n3A_1987 {offsets = [0, 0], sizes = [32, 8], strides = [1, 1]} : vector<32x128xf32> to vector<32x8xf32>
    %concatenate3A_1997 = tpu.concatenate %slice3A_1995, %slice3A_1996 in 1 : vector<32x120xf32>, vector<32x8xf32> -> vector<32x128xf32>
    %slice3A_1998 = vector.extract_strided_slice %select_n3A_1987 {offsets = [0, 120], sizes = [32, 8], strides = [1, 1]} : vector<32x128xf32> to vector<32x8xf32>
    %slice3A_1999 = vector.extract_strided_slice %select_n3A_1987 {offsets = [0, 0], sizes = [32, 120], strides = [1, 1]} : vector<32x128xf32> to vector<32x120xf32>
    %concatenate3A_2000 = tpu.concatenate %slice3A_1998, %slice3A_1999 in 1 : vector<32x8xf32>, vector<32x120xf32> -> vector<32x128xf32>
    %select_n3A_2001 = arith.select %eq3A_1994, %concatenate3A_1997, %concatenate3A_2000 : vector<32x128xi1>, vector<32x128xf32>
    %slice3A_2002 = vector.extract_strided_slice %select_n3A_1988 {offsets = [0, 8], sizes = [32, 120], strides = [1, 1]} : vector<32x128xi32> to vector<32x120xi32>
    %slice3A_2003 = vector.extract_strided_slice %select_n3A_1988 {offsets = [0, 0], sizes = [32, 8], strides = [1, 1]} : vector<32x128xi32> to vector<32x8xi32>
    %concatenate3A_2004 = tpu.concatenate %slice3A_2002, %slice3A_2003 in 1 : vector<32x120xi32>, vector<32x8xi32> -> vector<32x128xi32>
    %slice3A_2005 = vector.extract_strided_slice %select_n3A_1988 {offsets = [0, 120], sizes = [32, 8], strides = [1, 1]} : vector<32x128xi32> to vector<32x8xi32>
    %slice3A_2006 = vector.extract_strided_slice %select_n3A_1988 {offsets = [0, 0], sizes = [32, 120], strides = [1, 1]} : vector<32x128xi32> to vector<32x120xi32>
    %concatenate3A_2007 = tpu.concatenate %slice3A_2005, %slice3A_2006 in 1 : vector<32x8xi32>, vector<32x120xi32> -> vector<32x128xi32>
    %select_n3A_2008 = arith.select %eq3A_1994, %concatenate3A_2004, %concatenate3A_2007 : vector<32x128xi1>, vector<32x128xi32>
    %lt3A_2009 = arith.cmpf olt, %select_n3A_1987, %select_n3A_2001 : vector<32x128xf32>
    %eq3A_2010 = arith.cmpf oeq, %select_n3A_1987, %select_n3A_2001 : vector<32x128xf32>
    %lt3A_2011 = arith.cmpi slt, %select_n3A_1988, %select_n3A_2008 : vector<32x128xi32>
    %and3A_2012 = arith.andi %eq3A_2010, %lt3A_2011 : vector<32x128xi1>
    %or3A_2013 = arith.ori %lt3A_2009, %and3A_2012 : vector<32x128xi1>
    %and3A_2014 = arith.constant 1024 : i32
    %and3A_2015 = vector.broadcast %and3A_2014 : i32 to vector<32x128xi32>
    %and3A_2016 = arith.andi %add3A, %and3A_2015 : vector<32x128xi32>
    %eq3A_2017 = arith.constant 0 : i32
    %eq3A_2018 = vector.broadcast %eq3A_2017 : i32 to vector<32x128xi32>
    %eq3A_2019 = arith.cmpi eq, %and3A_2016, %eq3A_2018 : vector<32x128xi32>
    %eq3A_2020 = arith.xori %eq3A_1994, %eq3A_2019 : vector<32x128xi1>
    %eq3A_2021 = arith.constant dense<true> : vector<32x128xi1>
    %eq3A_2022 = arith.xori %eq3A_2020, %eq3A_2021 : vector<32x128xi1>
    %eq3A_2023 = arith.xori %or3A_2013, %eq3A_2022 : vector<32x128xi1>
    %eq3A_2024 = arith.constant dense<true> : vector<32x128xi1>
    %eq3A_2025 = arith.xori %eq3A_2023, %eq3A_2024 : vector<32x128xi1>
    %select_n3A_2026 = arith.select %eq3A_2025, %select_n3A_1987, %select_n3A_2001 : vector<32x128xi1>, vector<32x128xf32>
    %select_n3A_2027 = arith.select %eq3A_2025, %select_n3A_1988, %select_n3A_2008 : vector<32x128xi1>, vector<32x128xi32>
    %and3A_2028 = arith.constant 4 : i32
    %and3A_2029 = vector.broadcast %and3A_2028 : i32 to vector<32x128xi32>
    %and3A_2030 = arith.andi %add3A, %and3A_2029 : vector<32x128xi32>
    %eq3A_2031 = arith.constant 0 : i32
    %eq3A_2032 = vector.broadcast %eq3A_2031 : i32 to vector<32x128xi32>
    %eq3A_2033 = arith.cmpi eq, %and3A_2030, %eq3A_2032 : vector<32x128xi32>
    %slice3A_2034 = vector.extract_strided_slice %select_n3A_2026 {offsets = [0, 4], sizes = [32, 124], strides = [1, 1]} : vector<32x128xf32> to vector<32x124xf32>
    %slice3A_2035 = vector.extract_strided_slice %select_n3A_2026 {offsets = [0, 0], sizes = [32, 4], strides = [1, 1]} : vector<32x128xf32> to vector<32x4xf32>
    %concatenate3A_2036 = tpu.concatenate %slice3A_2034, %slice3A_2035 in 1 : vector<32x124xf32>, vector<32x4xf32> -> vector<32x128xf32>
    %slice3A_2037 = vector.extract_strided_slice %select_n3A_2026 {offsets = [0, 124], sizes = [32, 4], strides = [1, 1]} : vector<32x128xf32> to vector<32x4xf32>
    %slice3A_2038 = vector.extract_strided_slice %select_n3A_2026 {offsets = [0, 0], sizes = [32, 124], strides = [1, 1]} : vector<32x128xf32> to vector<32x124xf32>
    %concatenate3A_2039 = tpu.concatenate %slice3A_2037, %slice3A_2038 in 1 : vector<32x4xf32>, vector<32x124xf32> -> vector<32x128xf32>
    %select_n3A_2040 = arith.select %eq3A_2033, %concatenate3A_2036, %concatenate3A_2039 : vector<32x128xi1>, vector<32x128xf32>
    %slice3A_2041 = vector.extract_strided_slice %select_n3A_2027 {offsets = [0, 4], sizes = [32, 124], strides = [1, 1]} : vector<32x128xi32> to vector<32x124xi32>
    %slice3A_2042 = vector.extract_strided_slice %select_n3A_2027 {offsets = [0, 0], sizes = [32, 4], strides = [1, 1]} : vector<32x128xi32> to vector<32x4xi32>
    %concatenate3A_2043 = tpu.concatenate %slice3A_2041, %slice3A_2042 in 1 : vector<32x124xi32>, vector<32x4xi32> -> vector<32x128xi32>
    %slice3A_2044 = vector.extract_strided_slice %select_n3A_2027 {offsets = [0, 124], sizes = [32, 4], strides = [1, 1]} : vector<32x128xi32> to vector<32x4xi32>
    %slice3A_2045 = vector.extract_strided_slice %select_n3A_2027 {offsets = [0, 0], sizes = [32, 124], strides = [1, 1]} : vector<32x128xi32> to vector<32x124xi32>
    %concatenate3A_2046 = tpu.concatenate %slice3A_2044, %slice3A_2045 in 1 : vector<32x4xi32>, vector<32x124xi32> -> vector<32x128xi32>
    %select_n3A_2047 = arith.select %eq3A_2033, %concatenate3A_2043, %concatenate3A_2046 : vector<32x128xi1>, vector<32x128xi32>
    %lt3A_2048 = arith.cmpf olt, %select_n3A_2026, %select_n3A_2040 : vector<32x128xf32>
    %eq3A_2049 = arith.cmpf oeq, %select_n3A_2026, %select_n3A_2040 : vector<32x128xf32>
    %lt3A_2050 = arith.cmpi slt, %select_n3A_2027, %select_n3A_2047 : vector<32x128xi32>
    %and3A_2051 = arith.andi %eq3A_2049, %lt3A_2050 : vector<32x128xi1>
    %or3A_2052 = arith.ori %lt3A_2048, %and3A_2051 : vector<32x128xi1>
    %and3A_2053 = arith.constant 1024 : i32
    %and3A_2054 = vector.broadcast %and3A_2053 : i32 to vector<32x128xi32>
    %and3A_2055 = arith.andi %add3A, %and3A_2054 : vector<32x128xi32>
    %eq3A_2056 = arith.constant 0 : i32
    %eq3A_2057 = vector.broadcast %eq3A_2056 : i32 to vector<32x128xi32>
    %eq3A_2058 = arith.cmpi eq, %and3A_2055, %eq3A_2057 : vector<32x128xi32>
    %eq3A_2059 = arith.xori %eq3A_2033, %eq3A_2058 : vector<32x128xi1>
    %eq3A_2060 = arith.constant dense<true> : vector<32x128xi1>
    %eq3A_2061 = arith.xori %eq3A_2059, %eq3A_2060 : vector<32x128xi1>
    %eq3A_2062 = arith.xori %or3A_2052, %eq3A_2061 : vector<32x128xi1>
    %eq3A_2063 = arith.constant dense<true> : vector<32x128xi1>
    %eq3A_2064 = arith.xori %eq3A_2062, %eq3A_2063 : vector<32x128xi1>
    %select_n3A_2065 = arith.select %eq3A_2064, %select_n3A_2026, %select_n3A_2040 : vector<32x128xi1>, vector<32x128xf32>
    %select_n3A_2066 = arith.select %eq3A_2064, %select_n3A_2027, %select_n3A_2047 : vector<32x128xi1>, vector<32x128xi32>
    %and3A_2067 = arith.constant 2 : i32
    %and3A_2068 = vector.broadcast %and3A_2067 : i32 to vector<32x128xi32>
    %and3A_2069 = arith.andi %add3A, %and3A_2068 : vector<32x128xi32>
    %eq3A_2070 = arith.constant 0 : i32
    %eq3A_2071 = vector.broadcast %eq3A_2070 : i32 to vector<32x128xi32>
    %eq3A_2072 = arith.cmpi eq, %and3A_2069, %eq3A_2071 : vector<32x128xi32>
    %slice3A_2073 = vector.extract_strided_slice %select_n3A_2065 {offsets = [0, 2], sizes = [32, 126], strides = [1, 1]} : vector<32x128xf32> to vector<32x126xf32>
    %slice3A_2074 = vector.extract_strided_slice %select_n3A_2065 {offsets = [0, 0], sizes = [32, 2], strides = [1, 1]} : vector<32x128xf32> to vector<32x2xf32>
    %concatenate3A_2075 = tpu.concatenate %slice3A_2073, %slice3A_2074 in 1 : vector<32x126xf32>, vector<32x2xf32> -> vector<32x128xf32>
    %slice3A_2076 = vector.extract_strided_slice %select_n3A_2065 {offsets = [0, 126], sizes = [32, 2], strides = [1, 1]} : vector<32x128xf32> to vector<32x2xf32>
    %slice3A_2077 = vector.extract_strided_slice %select_n3A_2065 {offsets = [0, 0], sizes = [32, 126], strides = [1, 1]} : vector<32x128xf32> to vector<32x126xf32>
    %concatenate3A_2078 = tpu.concatenate %slice3A_2076, %slice3A_2077 in 1 : vector<32x2xf32>, vector<32x126xf32> -> vector<32x128xf32>
    %select_n3A_2079 = arith.select %eq3A_2072, %concatenate3A_2075, %concatenate3A_2078 : vector<32x128xi1>, vector<32x128xf32>
    %slice3A_2080 = vector.extract_strided_slice %select_n3A_2066 {offsets = [0, 2], sizes = [32, 126], strides = [1, 1]} : vector<32x128xi32> to vector<32x126xi32>
    %slice3A_2081 = vector.extract_strided_slice %select_n3A_2066 {offsets = [0, 0], sizes = [32, 2], strides = [1, 1]} : vector<32x128xi32> to vector<32x2xi32>
    %concatenate3A_2082 = tpu.concatenate %slice3A_2080, %slice3A_2081 in 1 : vector<32x126xi32>, vector<32x2xi32> -> vector<32x128xi32>
    %slice3A_2083 = vector.extract_strided_slice %select_n3A_2066 {offsets = [0, 126], sizes = [32, 2], strides = [1, 1]} : vector<32x128xi32> to vector<32x2xi32>
    %slice3A_2084 = vector.extract_strided_slice %select_n3A_2066 {offsets = [0, 0], sizes = [32, 126], strides = [1, 1]} : vector<32x128xi32> to vector<32x126xi32>
    %concatenate3A_2085 = tpu.concatenate %slice3A_2083, %slice3A_2084 in 1 : vector<32x2xi32>, vector<32x126xi32> -> vector<32x128xi32>
    %select_n3A_2086 = arith.select %eq3A_2072, %concatenate3A_2082, %concatenate3A_2085 : vector<32x128xi1>, vector<32x128xi32>
    %lt3A_2087 = arith.cmpf olt, %select_n3A_2065, %select_n3A_2079 : vector<32x128xf32>
    %eq3A_2088 = arith.cmpf oeq, %select_n3A_2065, %select_n3A_2079 : vector<32x128xf32>
    %lt3A_2089 = arith.cmpi slt, %select_n3A_2066, %select_n3A_2086 : vector<32x128xi32>
    %and3A_2090 = arith.andi %eq3A_2088, %lt3A_2089 : vector<32x128xi1>
    %or3A_2091 = arith.ori %lt3A_2087, %and3A_2090 : vector<32x128xi1>
    %and3A_2092 = arith.constant 1024 : i32
    %and3A_2093 = vector.broadcast %and3A_2092 : i32 to vector<32x128xi32>
    %and3A_2094 = arith.andi %add3A, %and3A_2093 : vector<32x128xi32>
    %eq3A_2095 = arith.constant 0 : i32
    %eq3A_2096 = vector.broadcast %eq3A_2095 : i32 to vector<32x128xi32>
    %eq3A_2097 = arith.cmpi eq, %and3A_2094, %eq3A_2096 : vector<32x128xi32>
    %eq3A_2098 = arith.xori %eq3A_2072, %eq3A_2097 : vector<32x128xi1>
    %eq3A_2099 = arith.constant dense<true> : vector<32x128xi1>
    %eq3A_2100 = arith.xori %eq3A_2098, %eq3A_2099 : vector<32x128xi1>
    %eq3A_2101 = arith.xori %or3A_2091, %eq3A_2100 : vector<32x128xi1>
    %eq3A_2102 = arith.constant dense<true> : vector<32x128xi1>
    %eq3A_2103 = arith.xori %eq3A_2101, %eq3A_2102 : vector<32x128xi1>
    %select_n3A_2104 = arith.select %eq3A_2103, %select_n3A_2065, %select_n3A_2079 : vector<32x128xi1>, vector<32x128xf32>
    %select_n3A_2105 = arith.select %eq3A_2103, %select_n3A_2066, %select_n3A_2086 : vector<32x128xi1>, vector<32x128xi32>
    %and3A_2106 = arith.constant 1 : i32
    %and3A_2107 = vector.broadcast %and3A_2106 : i32 to vector<32x128xi32>
    %and3A_2108 = arith.andi %add3A, %and3A_2107 : vector<32x128xi32>
    %eq3A_2109 = arith.constant 0 : i32
    %eq3A_2110 = vector.broadcast %eq3A_2109 : i32 to vector<32x128xi32>
    %eq3A_2111 = arith.cmpi eq, %and3A_2108, %eq3A_2110 : vector<32x128xi32>
    %slice3A_2112 = vector.extract_strided_slice %select_n3A_2104 {offsets = [0, 1], sizes = [32, 127], strides = [1, 1]} : vector<32x128xf32> to vector<32x127xf32>
    %slice3A_2113 = vector.extract_strided_slice %select_n3A_2104 {offsets = [0, 0], sizes = [32, 1], strides = [1, 1]} : vector<32x128xf32> to vector<32x1xf32>
    %concatenate3A_2114 = tpu.concatenate %slice3A_2112, %slice3A_2113 in 1 : vector<32x127xf32>, vector<32x1xf32> -> vector<32x128xf32>
    %slice3A_2115 = vector.extract_strided_slice %select_n3A_2104 {offsets = [0, 127], sizes = [32, 1], strides = [1, 1]} : vector<32x128xf32> to vector<32x1xf32>
    %slice3A_2116 = vector.extract_strided_slice %select_n3A_2104 {offsets = [0, 0], sizes = [32, 127], strides = [1, 1]} : vector<32x128xf32> to vector<32x127xf32>
    %concatenate3A_2117 = tpu.concatenate %slice3A_2115, %slice3A_2116 in 1 : vector<32x1xf32>, vector<32x127xf32> -> vector<32x128xf32>
    %select_n3A_2118 = arith.select %eq3A_2111, %concatenate3A_2114, %concatenate3A_2117 : vector<32x128xi1>, vector<32x128xf32>
    %slice3A_2119 = vector.extract_strided_slice %select_n3A_2105 {offsets = [0, 1], sizes = [32, 127], strides = [1, 1]} : vector<32x128xi32> to vector<32x127xi32>
    %slice3A_2120 = vector.extract_strided_slice %select_n3A_2105 {offsets = [0, 0], sizes = [32, 1], strides = [1, 1]} : vector<32x128xi32> to vector<32x1xi32>
    %concatenate3A_2121 = tpu.concatenate %slice3A_2119, %slice3A_2120 in 1 : vector<32x127xi32>, vector<32x1xi32> -> vector<32x128xi32>
    %slice3A_2122 = vector.extract_strided_slice %select_n3A_2105 {offsets = [0, 127], sizes = [32, 1], strides = [1, 1]} : vector<32x128xi32> to vector<32x1xi32>
    %slice3A_2123 = vector.extract_strided_slice %select_n3A_2105 {offsets = [0, 0], sizes = [32, 127], strides = [1, 1]} : vector<32x128xi32> to vector<32x127xi32>
    %concatenate3A_2124 = tpu.concatenate %slice3A_2122, %slice3A_2123 in 1 : vector<32x1xi32>, vector<32x127xi32> -> vector<32x128xi32>
    %select_n3A_2125 = arith.select %eq3A_2111, %concatenate3A_2121, %concatenate3A_2124 : vector<32x128xi1>, vector<32x128xi32>
    %lt3A_2126 = arith.cmpf olt, %select_n3A_2104, %select_n3A_2118 : vector<32x128xf32>
    %eq3A_2127 = arith.cmpf oeq, %select_n3A_2104, %select_n3A_2118 : vector<32x128xf32>
    %lt3A_2128 = arith.cmpi slt, %select_n3A_2105, %select_n3A_2125 : vector<32x128xi32>
    %and3A_2129 = arith.andi %eq3A_2127, %lt3A_2128 : vector<32x128xi1>
    %or3A_2130 = arith.ori %lt3A_2126, %and3A_2129 : vector<32x128xi1>
    %and3A_2131 = arith.constant 1024 : i32
    %and3A_2132 = vector.broadcast %and3A_2131 : i32 to vector<32x128xi32>
    %and3A_2133 = arith.andi %add3A, %and3A_2132 : vector<32x128xi32>
    %eq3A_2134 = arith.constant 0 : i32
    %eq3A_2135 = vector.broadcast %eq3A_2134 : i32 to vector<32x128xi32>
    %eq3A_2136 = arith.cmpi eq, %and3A_2133, %eq3A_2135 : vector<32x128xi32>
    %eq3A_2137 = arith.xori %eq3A_2111, %eq3A_2136 : vector<32x128xi1>
    %eq3A_2138 = arith.constant dense<true> : vector<32x128xi1>
    %eq3A_2139 = arith.xori %eq3A_2137, %eq3A_2138 : vector<32x128xi1>
    %eq3A_2140 = arith.xori %or3A_2130, %eq3A_2139 : vector<32x128xi1>
    %eq3A_2141 = arith.constant dense<true> : vector<32x128xi1>
    %eq3A_2142 = arith.xori %eq3A_2140, %eq3A_2141 : vector<32x128xi1>
    %select_n3A_2143 = arith.select %eq3A_2142, %select_n3A_2104, %select_n3A_2118 : vector<32x128xi1>, vector<32x128xf32>
    %select_n3A_2144 = arith.select %eq3A_2142, %select_n3A_2105, %select_n3A_2125 : vector<32x128xi1>, vector<32x128xi32>
    %and3A_2145 = arith.constant 1024 : i32
    %and3A_2146 = vector.broadcast %and3A_2145 : i32 to vector<32x128xi32>
    %and3A_2147 = arith.andi %add3A, %and3A_2146 : vector<32x128xi32>
    %eq3A_2148 = arith.constant 0 : i32
    %eq3A_2149 = vector.broadcast %eq3A_2148 : i32 to vector<32x128xi32>
    %eq3A_2150 = arith.cmpi eq, %and3A_2147, %eq3A_2149 : vector<32x128xi32>
    %slice3A_2151 = vector.extract_strided_slice %select_n3A_2143 {offsets = [8, 0], sizes = [24, 128], strides = [1, 1]} : vector<32x128xf32> to vector<24x128xf32>
    %slice3A_2152 = vector.extract_strided_slice %select_n3A_2143 {offsets = [0, 0], sizes = [8, 128], strides = [1, 1]} : vector<32x128xf32> to vector<8x128xf32>
    %concatenate3A_2153 = tpu.concatenate %slice3A_2151, %slice3A_2152 in 0 : vector<24x128xf32>, vector<8x128xf32> -> vector<32x128xf32>
    %slice3A_2154 = vector.extract_strided_slice %select_n3A_2143 {offsets = [24, 0], sizes = [8, 128], strides = [1, 1]} : vector<32x128xf32> to vector<8x128xf32>
    %slice3A_2155 = vector.extract_strided_slice %select_n3A_2143 {offsets = [0, 0], sizes = [24, 128], strides = [1, 1]} : vector<32x128xf32> to vector<24x128xf32>
    %concatenate3A_2156 = tpu.concatenate %slice3A_2154, %slice3A_2155 in 0 : vector<8x128xf32>, vector<24x128xf32> -> vector<32x128xf32>
    %select_n3A_2157 = arith.select %eq3A_2150, %concatenate3A_2153, %concatenate3A_2156 : vector<32x128xi1>, vector<32x128xf32>
    %slice3A_2158 = vector.extract_strided_slice %select_n3A_2144 {offsets = [8, 0], sizes = [24, 128], strides = [1, 1]} : vector<32x128xi32> to vector<24x128xi32>
    %slice3A_2159 = vector.extract_strided_slice %select_n3A_2144 {offsets = [0, 0], sizes = [8, 128], strides = [1, 1]} : vector<32x128xi32> to vector<8x128xi32>
    %concatenate3A_2160 = tpu.concatenate %slice3A_2158, %slice3A_2159 in 0 : vector<24x128xi32>, vector<8x128xi32> -> vector<32x128xi32>
    %slice3A_2161 = vector.extract_strided_slice %select_n3A_2144 {offsets = [24, 0], sizes = [8, 128], strides = [1, 1]} : vector<32x128xi32> to vector<8x128xi32>
    %slice3A_2162 = vector.extract_strided_slice %select_n3A_2144 {offsets = [0, 0], sizes = [24, 128], strides = [1, 1]} : vector<32x128xi32> to vector<24x128xi32>
    %concatenate3A_2163 = tpu.concatenate %slice3A_2161, %slice3A_2162 in 0 : vector<8x128xi32>, vector<24x128xi32> -> vector<32x128xi32>
    %select_n3A_2164 = arith.select %eq3A_2150, %concatenate3A_2160, %concatenate3A_2163 : vector<32x128xi1>, vector<32x128xi32>
    %lt3A_2165 = arith.cmpf olt, %select_n3A_2143, %select_n3A_2157 : vector<32x128xf32>
    %eq3A_2166 = arith.cmpf oeq, %select_n3A_2143, %select_n3A_2157 : vector<32x128xf32>
    %lt3A_2167 = arith.cmpi slt, %select_n3A_2144, %select_n3A_2164 : vector<32x128xi32>
    %and3A_2168 = arith.andi %eq3A_2166, %lt3A_2167 : vector<32x128xi1>
    %or3A_2169 = arith.ori %lt3A_2165, %and3A_2168 : vector<32x128xi1>
    %and3A_2170 = arith.constant 2048 : i32
    %and3A_2171 = vector.broadcast %and3A_2170 : i32 to vector<32x128xi32>
    %and3A_2172 = arith.andi %add3A, %and3A_2171 : vector<32x128xi32>
    %eq3A_2173 = arith.constant 0 : i32
    %eq3A_2174 = vector.broadcast %eq3A_2173 : i32 to vector<32x128xi32>
    %eq3A_2175 = arith.cmpi eq, %and3A_2172, %eq3A_2174 : vector<32x128xi32>
    %eq3A_2176 = arith.xori %eq3A_2150, %eq3A_2175 : vector<32x128xi1>
    %eq3A_2177 = arith.constant dense<true> : vector<32x128xi1>
    %eq3A_2178 = arith.xori %eq3A_2176, %eq3A_2177 : vector<32x128xi1>
    %eq3A_2179 = arith.xori %or3A_2169, %eq3A_2178 : vector<32x128xi1>
    %eq3A_2180 = arith.constant dense<true> : vector<32x128xi1>
    %eq3A_2181 = arith.xori %eq3A_2179, %eq3A_2180 : vector<32x128xi1>
    %select_n3A_2182 = arith.select %eq3A_2181, %select_n3A_2143, %select_n3A_2157 : vector<32x128xi1>, vector<32x128xf32>
    %select_n3A_2183 = arith.select %eq3A_2181, %select_n3A_2144, %select_n3A_2164 : vector<32x128xi1>, vector<32x128xi32>
    %and3A_2184 = arith.constant 512 : i32
    %and3A_2185 = vector.broadcast %and3A_2184 : i32 to vector<32x128xi32>
    %and3A_2186 = arith.andi %add3A, %and3A_2185 : vector<32x128xi32>
    %eq3A_2187 = arith.constant 0 : i32
    %eq3A_2188 = vector.broadcast %eq3A_2187 : i32 to vector<32x128xi32>
    %eq3A_2189 = arith.cmpi eq, %and3A_2186, %eq3A_2188 : vector<32x128xi32>
    %slice3A_2190 = vector.extract_strided_slice %select_n3A_2182 {offsets = [4, 0], sizes = [28, 128], strides = [1, 1]} : vector<32x128xf32> to vector<28x128xf32>
    %slice3A_2191 = vector.extract_strided_slice %select_n3A_2182 {offsets = [0, 0], sizes = [4, 128], strides = [1, 1]} : vector<32x128xf32> to vector<4x128xf32>
    %concatenate3A_2192 = tpu.concatenate %slice3A_2190, %slice3A_2191 in 0 : vector<28x128xf32>, vector<4x128xf32> -> vector<32x128xf32>
    %slice3A_2193 = vector.extract_strided_slice %select_n3A_2182 {offsets = [28, 0], sizes = [4, 128], strides = [1, 1]} : vector<32x128xf32> to vector<4x128xf32>
    %slice3A_2194 = vector.extract_strided_slice %select_n3A_2182 {offsets = [0, 0], sizes = [28, 128], strides = [1, 1]} : vector<32x128xf32> to vector<28x128xf32>
    %concatenate3A_2195 = tpu.concatenate %slice3A_2193, %slice3A_2194 in 0 : vector<4x128xf32>, vector<28x128xf32> -> vector<32x128xf32>
    %select_n3A_2196 = arith.select %eq3A_2189, %concatenate3A_2192, %concatenate3A_2195 : vector<32x128xi1>, vector<32x128xf32>
    %slice3A_2197 = vector.extract_strided_slice %select_n3A_2183 {offsets = [4, 0], sizes = [28, 128], strides = [1, 1]} : vector<32x128xi32> to vector<28x128xi32>
    %slice3A_2198 = vector.extract_strided_slice %select_n3A_2183 {offsets = [0, 0], sizes = [4, 128], strides = [1, 1]} : vector<32x128xi32> to vector<4x128xi32>
    %concatenate3A_2199 = tpu.concatenate %slice3A_2197, %slice3A_2198 in 0 : vector<28x128xi32>, vector<4x128xi32> -> vector<32x128xi32>
    %slice3A_2200 = vector.extract_strided_slice %select_n3A_2183 {offsets = [28, 0], sizes = [4, 128], strides = [1, 1]} : vector<32x128xi32> to vector<4x128xi32>
    %slice3A_2201 = vector.extract_strided_slice %select_n3A_2183 {offsets = [0, 0], sizes = [28, 128], strides = [1, 1]} : vector<32x128xi32> to vector<28x128xi32>
    %concatenate3A_2202 = tpu.concatenate %slice3A_2200, %slice3A_2201 in 0 : vector<4x128xi32>, vector<28x128xi32> -> vector<32x128xi32>
    %select_n3A_2203 = arith.select %eq3A_2189, %concatenate3A_2199, %concatenate3A_2202 : vector<32x128xi1>, vector<32x128xi32>
    %lt3A_2204 = arith.cmpf olt, %select_n3A_2182, %select_n3A_2196 : vector<32x128xf32>
    %eq3A_2205 = arith.cmpf oeq, %select_n3A_2182, %select_n3A_2196 : vector<32x128xf32>
    %lt3A_2206 = arith.cmpi slt, %select_n3A_2183, %select_n3A_2203 : vector<32x128xi32>
    %and3A_2207 = arith.andi %eq3A_2205, %lt3A_2206 : vector<32x128xi1>
    %or3A_2208 = arith.ori %lt3A_2204, %and3A_2207 : vector<32x128xi1>
    %and3A_2209 = arith.constant 2048 : i32
    %and3A_2210 = vector.broadcast %and3A_2209 : i32 to vector<32x128xi32>
    %and3A_2211 = arith.andi %add3A, %and3A_2210 : vector<32x128xi32>
    %eq3A_2212 = arith.constant 0 : i32
    %eq3A_2213 = vector.broadcast %eq3A_2212 : i32 to vector<32x128xi32>
    %eq3A_2214 = arith.cmpi eq, %and3A_2211, %eq3A_2213 : vector<32x128xi32>
    %eq3A_2215 = arith.xori %eq3A_2189, %eq3A_2214 : vector<32x128xi1>
    %eq3A_2216 = arith.constant dense<true> : vector<32x128xi1>
    %eq3A_2217 = arith.xori %eq3A_2215, %eq3A_2216 : vector<32x128xi1>
    %eq3A_2218 = arith.xori %or3A_2208, %eq3A_2217 : vector<32x128xi1>
    %eq3A_2219 = arith.constant dense<true> : vector<32x128xi1>
    %eq3A_2220 = arith.xori %eq3A_2218, %eq3A_2219 : vector<32x128xi1>
    %select_n3A_2221 = arith.select %eq3A_2220, %select_n3A_2182, %select_n3A_2196 : vector<32x128xi1>, vector<32x128xf32>
    %select_n3A_2222 = arith.select %eq3A_2220, %select_n3A_2183, %select_n3A_2203 : vector<32x128xi1>, vector<32x128xi32>
    %and3A_2223 = arith.constant 256 : i32
    %and3A_2224 = vector.broadcast %and3A_2223 : i32 to vector<32x128xi32>
    %and3A_2225 = arith.andi %add3A, %and3A_2224 : vector<32x128xi32>
    %eq3A_2226 = arith.constant 0 : i32
    %eq3A_2227 = vector.broadcast %eq3A_2226 : i32 to vector<32x128xi32>
    %eq3A_2228 = arith.cmpi eq, %and3A_2225, %eq3A_2227 : vector<32x128xi32>
    %slice3A_2229 = vector.extract_strided_slice %select_n3A_2221 {offsets = [2, 0], sizes = [30, 128], strides = [1, 1]} : vector<32x128xf32> to vector<30x128xf32>
    %slice3A_2230 = vector.extract_strided_slice %select_n3A_2221 {offsets = [0, 0], sizes = [2, 128], strides = [1, 1]} : vector<32x128xf32> to vector<2x128xf32>
    %concatenate3A_2231 = tpu.concatenate %slice3A_2229, %slice3A_2230 in 0 : vector<30x128xf32>, vector<2x128xf32> -> vector<32x128xf32>
    %slice3A_2232 = vector.extract_strided_slice %select_n3A_2221 {offsets = [30, 0], sizes = [2, 128], strides = [1, 1]} : vector<32x128xf32> to vector<2x128xf32>
    %slice3A_2233 = vector.extract_strided_slice %select_n3A_2221 {offsets = [0, 0], sizes = [30, 128], strides = [1, 1]} : vector<32x128xf32> to vector<30x128xf32>
    %concatenate3A_2234 = tpu.concatenate %slice3A_2232, %slice3A_2233 in 0 : vector<2x128xf32>, vector<30x128xf32> -> vector<32x128xf32>
    %select_n3A_2235 = arith.select %eq3A_2228, %concatenate3A_2231, %concatenate3A_2234 : vector<32x128xi1>, vector<32x128xf32>
    %slice3A_2236 = vector.extract_strided_slice %select_n3A_2222 {offsets = [2, 0], sizes = [30, 128], strides = [1, 1]} : vector<32x128xi32> to vector<30x128xi32>
    %slice3A_2237 = vector.extract_strided_slice %select_n3A_2222 {offsets = [0, 0], sizes = [2, 128], strides = [1, 1]} : vector<32x128xi32> to vector<2x128xi32>
    %concatenate3A_2238 = tpu.concatenate %slice3A_2236, %slice3A_2237 in 0 : vector<30x128xi32>, vector<2x128xi32> -> vector<32x128xi32>
    %slice3A_2239 = vector.extract_strided_slice %select_n3A_2222 {offsets = [30, 0], sizes = [2, 128], strides = [1, 1]} : vector<32x128xi32> to vector<2x128xi32>
    %slice3A_2240 = vector.extract_strided_slice %select_n3A_2222 {offsets = [0, 0], sizes = [30, 128], strides = [1, 1]} : vector<32x128xi32> to vector<30x128xi32>
    %concatenate3A_2241 = tpu.concatenate %slice3A_2239, %slice3A_2240 in 0 : vector<2x128xi32>, vector<30x128xi32> -> vector<32x128xi32>
    %select_n3A_2242 = arith.select %eq3A_2228, %concatenate3A_2238, %concatenate3A_2241 : vector<32x128xi1>, vector<32x128xi32>
    %lt3A_2243 = arith.cmpf olt, %select_n3A_2221, %select_n3A_2235 : vector<32x128xf32>
    %eq3A_2244 = arith.cmpf oeq, %select_n3A_2221, %select_n3A_2235 : vector<32x128xf32>
    %lt3A_2245 = arith.cmpi slt, %select_n3A_2222, %select_n3A_2242 : vector<32x128xi32>
    %and3A_2246 = arith.andi %eq3A_2244, %lt3A_2245 : vector<32x128xi1>
    %or3A_2247 = arith.ori %lt3A_2243, %and3A_2246 : vector<32x128xi1>
    %and3A_2248 = arith.constant 2048 : i32
    %and3A_2249 = vector.broadcast %and3A_2248 : i32 to vector<32x128xi32>
    %and3A_2250 = arith.andi %add3A, %and3A_2249 : vector<32x128xi32>
    %eq3A_2251 = arith.constant 0 : i32
    %eq3A_2252 = vector.broadcast %eq3A_2251 : i32 to vector<32x128xi32>
    %eq3A_2253 = arith.cmpi eq, %and3A_2250, %eq3A_2252 : vector<32x128xi32>
    %eq3A_2254 = arith.xori %eq3A_2228, %eq3A_2253 : vector<32x128xi1>
    %eq3A_2255 = arith.constant dense<true> : vector<32x128xi1>
    %eq3A_2256 = arith.xori %eq3A_2254, %eq3A_2255 : vector<32x128xi1>
    %eq3A_2257 = arith.xori %or3A_2247, %eq3A_2256 : vector<32x128xi1>
    %eq3A_2258 = arith.constant dense<true> : vector<32x128xi1>
    %eq3A_2259 = arith.xori %eq3A_2257, %eq3A_2258 : vector<32x128xi1>
    %select_n3A_2260 = arith.select %eq3A_2259, %select_n3A_2221, %select_n3A_2235 : vector<32x128xi1>, vector<32x128xf32>
    %select_n3A_2261 = arith.select %eq3A_2259, %select_n3A_2222, %select_n3A_2242 : vector<32x128xi1>, vector<32x128xi32>
    %and3A_2262 = arith.constant 128 : i32
    %and3A_2263 = vector.broadcast %and3A_2262 : i32 to vector<32x128xi32>
    %and3A_2264 = arith.andi %add3A, %and3A_2263 : vector<32x128xi32>
    %eq3A_2265 = arith.constant 0 : i32
    %eq3A_2266 = vector.broadcast %eq3A_2265 : i32 to vector<32x128xi32>
    %eq3A_2267 = arith.cmpi eq, %and3A_2264, %eq3A_2266 : vector<32x128xi32>
    %slice3A_2268 = vector.extract_strided_slice %select_n3A_2260 {offsets = [1, 0], sizes = [31, 128], strides = [1, 1]} : vector<32x128xf32> to vector<31x128xf32>
    %slice3A_2269 = vector.extract_strided_slice %select_n3A_2260 {offsets = [0, 0], sizes = [1, 128], strides = [1, 1]} : vector<32x128xf32> to vector<1x128xf32>
    %concatenate3A_2270 = tpu.concatenate %slice3A_2268, %slice3A_2269 in 0 : vector<31x128xf32>, vector<1x128xf32> -> vector<32x128xf32>
    %slice3A_2271 = vector.extract_strided_slice %select_n3A_2260 {offsets = [31, 0], sizes = [1, 128], strides = [1, 1]} : vector<32x128xf32> to vector<1x128xf32>
    %slice3A_2272 = vector.extract_strided_slice %select_n3A_2260 {offsets = [0, 0], sizes = [31, 128], strides = [1, 1]} : vector<32x128xf32> to vector<31x128xf32>
    %concatenate3A_2273 = tpu.concatenate %slice3A_2271, %slice3A_2272 in 0 : vector<1x128xf32>, vector<31x128xf32> -> vector<32x128xf32>
    %select_n3A_2274 = arith.select %eq3A_2267, %concatenate3A_2270, %concatenate3A_2273 : vector<32x128xi1>, vector<32x128xf32>
    %slice3A_2275 = vector.extract_strided_slice %select_n3A_2261 {offsets = [1, 0], sizes = [31, 128], strides = [1, 1]} : vector<32x128xi32> to vector<31x128xi32>
    %slice3A_2276 = vector.extract_strided_slice %select_n3A_2261 {offsets = [0, 0], sizes = [1, 128], strides = [1, 1]} : vector<32x128xi32> to vector<1x128xi32>
    %concatenate3A_2277 = tpu.concatenate %slice3A_2275, %slice3A_2276 in 0 : vector<31x128xi32>, vector<1x128xi32> -> vector<32x128xi32>
    %slice3A_2278 = vector.extract_strided_slice %select_n3A_2261 {offsets = [31, 0], sizes = [1, 128], strides = [1, 1]} : vector<32x128xi32> to vector<1x128xi32>
    %slice3A_2279 = vector.extract_strided_slice %select_n3A_2261 {offsets = [0, 0], sizes = [31, 128], strides = [1, 1]} : vector<32x128xi32> to vector<31x128xi32>
    %concatenate3A_2280 = tpu.concatenate %slice3A_2278, %slice3A_2279 in 0 : vector<1x128xi32>, vector<31x128xi32> -> vector<32x128xi32>
    %select_n3A_2281 = arith.select %eq3A_2267, %concatenate3A_2277, %concatenate3A_2280 : vector<32x128xi1>, vector<32x128xi32>
    %lt3A_2282 = arith.cmpf olt, %select_n3A_2260, %select_n3A_2274 : vector<32x128xf32>
    %eq3A_2283 = arith.cmpf oeq, %select_n3A_2260, %select_n3A_2274 : vector<32x128xf32>
    %lt3A_2284 = arith.cmpi slt, %select_n3A_2261, %select_n3A_2281 : vector<32x128xi32>
    %and3A_2285 = arith.andi %eq3A_2283, %lt3A_2284 : vector<32x128xi1>
    %or3A_2286 = arith.ori %lt3A_2282, %and3A_2285 : vector<32x128xi1>
    %and3A_2287 = arith.constant 2048 : i32
    %and3A_2288 = vector.broadcast %and3A_2287 : i32 to vector<32x128xi32>
    %and3A_2289 = arith.andi %add3A, %and3A_2288 : vector<32x128xi32>
    %eq3A_2290 = arith.constant 0 : i32
    %eq3A_2291 = vector.broadcast %eq3A_2290 : i32 to vector<32x128xi32>
    %eq3A_2292 = arith.cmpi eq, %and3A_2289, %eq3A_2291 : vector<32x128xi32>
    %eq3A_2293 = arith.xori %eq3A_2267, %eq3A_2292 : vector<32x128xi1>
    %eq3A_2294 = arith.constant dense<true> : vector<32x128xi1>
    %eq3A_2295 = arith.xori %eq3A_2293, %eq3A_2294 : vector<32x128xi1>
    %eq3A_2296 = arith.xori %or3A_2286, %eq3A_2295 : vector<32x128xi1>
    %eq3A_2297 = arith.constant dense<true> : vector<32x128xi1>
    %eq3A_2298 = arith.xori %eq3A_2296, %eq3A_2297 : vector<32x128xi1>
    %select_n3A_2299 = arith.select %eq3A_2298, %select_n3A_2260, %select_n3A_2274 : vector<32x128xi1>, vector<32x128xf32>
    %select_n3A_2300 = arith.select %eq3A_2298, %select_n3A_2261, %select_n3A_2281 : vector<32x128xi1>, vector<32x128xi32>
    %and3A_2301 = arith.constant 64 : i32
    %and3A_2302 = vector.broadcast %and3A_2301 : i32 to vector<32x128xi32>
    %and3A_2303 = arith.andi %add3A, %and3A_2302 : vector<32x128xi32>
    %eq3A_2304 = arith.constant 0 : i32
    %eq3A_2305 = vector.broadcast %eq3A_2304 : i32 to vector<32x128xi32>
    %eq3A_2306 = arith.cmpi eq, %and3A_2303, %eq3A_2305 : vector<32x128xi32>
    %slice3A_2307 = vector.extract_strided_slice %select_n3A_2299 {offsets = [0, 64], sizes = [32, 64], strides = [1, 1]} : vector<32x128xf32> to vector<32x64xf32>
    %slice3A_2308 = vector.extract_strided_slice %select_n3A_2299 {offsets = [0, 0], sizes = [32, 64], strides = [1, 1]} : vector<32x128xf32> to vector<32x64xf32>
    %concatenate3A_2309 = tpu.concatenate %slice3A_2307, %slice3A_2308 in 1 : vector<32x64xf32>, vector<32x64xf32> -> vector<32x128xf32>
    %slice3A_2310 = vector.extract_strided_slice %select_n3A_2299 {offsets = [0, 64], sizes = [32, 64], strides = [1, 1]} : vector<32x128xf32> to vector<32x64xf32>
    %slice3A_2311 = vector.extract_strided_slice %select_n3A_2299 {offsets = [0, 0], sizes = [32, 64], strides = [1, 1]} : vector<32x128xf32> to vector<32x64xf32>
    %concatenate3A_2312 = tpu.concatenate %slice3A_2310, %slice3A_2311 in 1 : vector<32x64xf32>, vector<32x64xf32> -> vector<32x128xf32>
    %select_n3A_2313 = arith.select %eq3A_2306, %concatenate3A_2309, %concatenate3A_2312 : vector<32x128xi1>, vector<32x128xf32>
    %slice3A_2314 = vector.extract_strided_slice %select_n3A_2300 {offsets = [0, 64], sizes = [32, 64], strides = [1, 1]} : vector<32x128xi32> to vector<32x64xi32>
    %slice3A_2315 = vector.extract_strided_slice %select_n3A_2300 {offsets = [0, 0], sizes = [32, 64], strides = [1, 1]} : vector<32x128xi32> to vector<32x64xi32>
    %concatenate3A_2316 = tpu.concatenate %slice3A_2314, %slice3A_2315 in 1 : vector<32x64xi32>, vector<32x64xi32> -> vector<32x128xi32>
    %slice3A_2317 = vector.extract_strided_slice %select_n3A_2300 {offsets = [0, 64], sizes = [32, 64], strides = [1, 1]} : vector<32x128xi32> to vector<32x64xi32>
    %slice3A_2318 = vector.extract_strided_slice %select_n3A_2300 {offsets = [0, 0], sizes = [32, 64], strides = [1, 1]} : vector<32x128xi32> to vector<32x64xi32>
    %concatenate3A_2319 = tpu.concatenate %slice3A_2317, %slice3A_2318 in 1 : vector<32x64xi32>, vector<32x64xi32> -> vector<32x128xi32>
    %select_n3A_2320 = arith.select %eq3A_2306, %concatenate3A_2316, %concatenate3A_2319 : vector<32x128xi1>, vector<32x128xi32>
    %lt3A_2321 = arith.cmpf olt, %select_n3A_2299, %select_n3A_2313 : vector<32x128xf32>
    %eq3A_2322 = arith.cmpf oeq, %select_n3A_2299, %select_n3A_2313 : vector<32x128xf32>
    %lt3A_2323 = arith.cmpi slt, %select_n3A_2300, %select_n3A_2320 : vector<32x128xi32>
    %and3A_2324 = arith.andi %eq3A_2322, %lt3A_2323 : vector<32x128xi1>
    %or3A_2325 = arith.ori %lt3A_2321, %and3A_2324 : vector<32x128xi1>
    %and3A_2326 = arith.constant 2048 : i32
    %and3A_2327 = vector.broadcast %and3A_2326 : i32 to vector<32x128xi32>
    %and3A_2328 = arith.andi %add3A, %and3A_2327 : vector<32x128xi32>
    %eq3A_2329 = arith.constant 0 : i32
    %eq3A_2330 = vector.broadcast %eq3A_2329 : i32 to vector<32x128xi32>
    %eq3A_2331 = arith.cmpi eq, %and3A_2328, %eq3A_2330 : vector<32x128xi32>
    %eq3A_2332 = arith.xori %eq3A_2306, %eq3A_2331 : vector<32x128xi1>
    %eq3A_2333 = arith.constant dense<true> : vector<32x128xi1>
    %eq3A_2334 = arith.xori %eq3A_2332, %eq3A_2333 : vector<32x128xi1>
    %eq3A_2335 = arith.xori %or3A_2325, %eq3A_2334 : vector<32x128xi1>
    %eq3A_2336 = arith.constant dense<true> : vector<32x128xi1>
    %eq3A_2337 = arith.xori %eq3A_2335, %eq3A_2336 : vector<32x128xi1>
    %select_n3A_2338 = arith.select %eq3A_2337, %select_n3A_2299, %select_n3A_2313 : vector<32x128xi1>, vector<32x128xf32>
    %select_n3A_2339 = arith.select %eq3A_2337, %select_n3A_2300, %select_n3A_2320 : vector<32x128xi1>, vector<32x128xi32>
    %and3A_2340 = arith.constant 32 : i32
    %and3A_2341 = vector.broadcast %and3A_2340 : i32 to vector<32x128xi32>
    %and3A_2342 = arith.andi %add3A, %and3A_2341 : vector<32x128xi32>
    %eq3A_2343 = arith.constant 0 : i32
    %eq3A_2344 = vector.broadcast %eq3A_2343 : i32 to vector<32x128xi32>
    %eq3A_2345 = arith.cmpi eq, %and3A_2342, %eq3A_2344 : vector<32x128xi32>
    %slice3A_2346 = vector.extract_strided_slice %select_n3A_2338 {offsets = [0, 32], sizes = [32, 96], strides = [1, 1]} : vector<32x128xf32> to vector<32x96xf32>
    %slice3A_2347 = vector.extract_strided_slice %select_n3A_2338 {offsets = [0, 0], sizes = [32, 32], strides = [1, 1]} : vector<32x128xf32> to vector<32x32xf32>
    %concatenate3A_2348 = tpu.concatenate %slice3A_2346, %slice3A_2347 in 1 : vector<32x96xf32>, vector<32x32xf32> -> vector<32x128xf32>
    %slice3A_2349 = vector.extract_strided_slice %select_n3A_2338 {offsets = [0, 96], sizes = [32, 32], strides = [1, 1]} : vector<32x128xf32> to vector<32x32xf32>
    %slice3A_2350 = vector.extract_strided_slice %select_n3A_2338 {offsets = [0, 0], sizes = [32, 96], strides = [1, 1]} : vector<32x128xf32> to vector<32x96xf32>
    %concatenate3A_2351 = tpu.concatenate %slice3A_2349, %slice3A_2350 in 1 : vector<32x32xf32>, vector<32x96xf32> -> vector<32x128xf32>
    %select_n3A_2352 = arith.select %eq3A_2345, %concatenate3A_2348, %concatenate3A_2351 : vector<32x128xi1>, vector<32x128xf32>
    %slice3A_2353 = vector.extract_strided_slice %select_n3A_2339 {offsets = [0, 32], sizes = [32, 96], strides = [1, 1]} : vector<32x128xi32> to vector<32x96xi32>
    %slice3A_2354 = vector.extract_strided_slice %select_n3A_2339 {offsets = [0, 0], sizes = [32, 32], strides = [1, 1]} : vector<32x128xi32> to vector<32x32xi32>
    %concatenate3A_2355 = tpu.concatenate %slice3A_2353, %slice3A_2354 in 1 : vector<32x96xi32>, vector<32x32xi32> -> vector<32x128xi32>
    %slice3A_2356 = vector.extract_strided_slice %select_n3A_2339 {offsets = [0, 96], sizes = [32, 32], strides = [1, 1]} : vector<32x128xi32> to vector<32x32xi32>
    %slice3A_2357 = vector.extract_strided_slice %select_n3A_2339 {offsets = [0, 0], sizes = [32, 96], strides = [1, 1]} : vector<32x128xi32> to vector<32x96xi32>
    %concatenate3A_2358 = tpu.concatenate %slice3A_2356, %slice3A_2357 in 1 : vector<32x32xi32>, vector<32x96xi32> -> vector<32x128xi32>
    %select_n3A_2359 = arith.select %eq3A_2345, %concatenate3A_2355, %concatenate3A_2358 : vector<32x128xi1>, vector<32x128xi32>
    %lt3A_2360 = arith.cmpf olt, %select_n3A_2338, %select_n3A_2352 : vector<32x128xf32>
    %eq3A_2361 = arith.cmpf oeq, %select_n3A_2338, %select_n3A_2352 : vector<32x128xf32>
    %lt3A_2362 = arith.cmpi slt, %select_n3A_2339, %select_n3A_2359 : vector<32x128xi32>
    %and3A_2363 = arith.andi %eq3A_2361, %lt3A_2362 : vector<32x128xi1>
    %or3A_2364 = arith.ori %lt3A_2360, %and3A_2363 : vector<32x128xi1>
    %and3A_2365 = arith.constant 2048 : i32
    %and3A_2366 = vector.broadcast %and3A_2365 : i32 to vector<32x128xi32>
    %and3A_2367 = arith.andi %add3A, %and3A_2366 : vector<32x128xi32>
    %eq3A_2368 = arith.constant 0 : i32
    %eq3A_2369 = vector.broadcast %eq3A_2368 : i32 to vector<32x128xi32>
    %eq3A_2370 = arith.cmpi eq, %and3A_2367, %eq3A_2369 : vector<32x128xi32>
    %eq3A_2371 = arith.xori %eq3A_2345, %eq3A_2370 : vector<32x128xi1>
    %eq3A_2372 = arith.constant dense<true> : vector<32x128xi1>
    %eq3A_2373 = arith.xori %eq3A_2371, %eq3A_2372 : vector<32x128xi1>
    %eq3A_2374 = arith.xori %or3A_2364, %eq3A_2373 : vector<32x128xi1>
    %eq3A_2375 = arith.constant dense<true> : vector<32x128xi1>
    %eq3A_2376 = arith.xori %eq3A_2374, %eq3A_2375 : vector<32x128xi1>
    %select_n3A_2377 = arith.select %eq3A_2376, %select_n3A_2338, %select_n3A_2352 : vector<32x128xi1>, vector<32x128xf32>
    %select_n3A_2378 = arith.select %eq3A_2376, %select_n3A_2339, %select_n3A_2359 : vector<32x128xi1>, vector<32x128xi32>
    %and3A_2379 = arith.constant 16 : i32
    %and3A_2380 = vector.broadcast %and3A_2379 : i32 to vector<32x128xi32>
    %and3A_2381 = arith.andi %add3A, %and3A_2380 : vector<32x128xi32>
    %eq3A_2382 = arith.constant 0 : i32
    %eq3A_2383 = vector.broadcast %eq3A_2382 : i32 to vector<32x128xi32>
    %eq3A_2384 = arith.cmpi eq, %and3A_2381, %eq3A_2383 : vector<32x128xi32>
    %slice3A_2385 = vector.extract_strided_slice %select_n3A_2377 {offsets = [0, 16], sizes = [32, 112], strides = [1, 1]} : vector<32x128xf32> to vector<32x112xf32>
    %slice3A_2386 = vector.extract_strided_slice %select_n3A_2377 {offsets = [0, 0], sizes = [32, 16], strides = [1, 1]} : vector<32x128xf32> to vector<32x16xf32>
    %concatenate3A_2387 = tpu.concatenate %slice3A_2385, %slice3A_2386 in 1 : vector<32x112xf32>, vector<32x16xf32> -> vector<32x128xf32>
    %slice3A_2388 = vector.extract_strided_slice %select_n3A_2377 {offsets = [0, 112], sizes = [32, 16], strides = [1, 1]} : vector<32x128xf32> to vector<32x16xf32>
    %slice3A_2389 = vector.extract_strided_slice %select_n3A_2377 {offsets = [0, 0], sizes = [32, 112], strides = [1, 1]} : vector<32x128xf32> to vector<32x112xf32>
    %concatenate3A_2390 = tpu.concatenate %slice3A_2388, %slice3A_2389 in 1 : vector<32x16xf32>, vector<32x112xf32> -> vector<32x128xf32>
    %select_n3A_2391 = arith.select %eq3A_2384, %concatenate3A_2387, %concatenate3A_2390 : vector<32x128xi1>, vector<32x128xf32>
    %slice3A_2392 = vector.extract_strided_slice %select_n3A_2378 {offsets = [0, 16], sizes = [32, 112], strides = [1, 1]} : vector<32x128xi32> to vector<32x112xi32>
    %slice3A_2393 = vector.extract_strided_slice %select_n3A_2378 {offsets = [0, 0], sizes = [32, 16], strides = [1, 1]} : vector<32x128xi32> to vector<32x16xi32>
    %concatenate3A_2394 = tpu.concatenate %slice3A_2392, %slice3A_2393 in 1 : vector<32x112xi32>, vector<32x16xi32> -> vector<32x128xi32>
    %slice3A_2395 = vector.extract_strided_slice %select_n3A_2378 {offsets = [0, 112], sizes = [32, 16], strides = [1, 1]} : vector<32x128xi32> to vector<32x16xi32>
    %slice3A_2396 = vector.extract_strided_slice %select_n3A_2378 {offsets = [0, 0], sizes = [32, 112], strides = [1, 1]} : vector<32x128xi32> to vector<32x112xi32>
    %concatenate3A_2397 = tpu.concatenate %slice3A_2395, %slice3A_2396 in 1 : vector<32x16xi32>, vector<32x112xi32> -> vector<32x128xi32>
    %select_n3A_2398 = arith.select %eq3A_2384, %concatenate3A_2394, %concatenate3A_2397 : vector<32x128xi1>, vector<32x128xi32>
    %lt3A_2399 = arith.cmpf olt, %select_n3A_2377, %select_n3A_2391 : vector<32x128xf32>
    %eq3A_2400 = arith.cmpf oeq, %select_n3A_2377, %select_n3A_2391 : vector<32x128xf32>
    %lt3A_2401 = arith.cmpi slt, %select_n3A_2378, %select_n3A_2398 : vector<32x128xi32>
    %and3A_2402 = arith.andi %eq3A_2400, %lt3A_2401 : vector<32x128xi1>
    %or3A_2403 = arith.ori %lt3A_2399, %and3A_2402 : vector<32x128xi1>
    %and3A_2404 = arith.constant 2048 : i32
    %and3A_2405 = vector.broadcast %and3A_2404 : i32 to vector<32x128xi32>
    %and3A_2406 = arith.andi %add3A, %and3A_2405 : vector<32x128xi32>
    %eq3A_2407 = arith.constant 0 : i32
    %eq3A_2408 = vector.broadcast %eq3A_2407 : i32 to vector<32x128xi32>
    %eq3A_2409 = arith.cmpi eq, %and3A_2406, %eq3A_2408 : vector<32x128xi32>
    %eq3A_2410 = arith.xori %eq3A_2384, %eq3A_2409 : vector<32x128xi1>
    %eq3A_2411 = arith.constant dense<true> : vector<32x128xi1>
    %eq3A_2412 = arith.xori %eq3A_2410, %eq3A_2411 : vector<32x128xi1>
    %eq3A_2413 = arith.xori %or3A_2403, %eq3A_2412 : vector<32x128xi1>
    %eq3A_2414 = arith.constant dense<true> : vector<32x128xi1>
    %eq3A_2415 = arith.xori %eq3A_2413, %eq3A_2414 : vector<32x128xi1>
    %select_n3A_2416 = arith.select %eq3A_2415, %select_n3A_2377, %select_n3A_2391 : vector<32x128xi1>, vector<32x128xf32>
    %select_n3A_2417 = arith.select %eq3A_2415, %select_n3A_2378, %select_n3A_2398 : vector<32x128xi1>, vector<32x128xi32>
    %and3A_2418 = arith.constant 8 : i32
    %and3A_2419 = vector.broadcast %and3A_2418 : i32 to vector<32x128xi32>
    %and3A_2420 = arith.andi %add3A, %and3A_2419 : vector<32x128xi32>
    %eq3A_2421 = arith.constant 0 : i32
    %eq3A_2422 = vector.broadcast %eq3A_2421 : i32 to vector<32x128xi32>
    %eq3A_2423 = arith.cmpi eq, %and3A_2420, %eq3A_2422 : vector<32x128xi32>
    %slice3A_2424 = vector.extract_strided_slice %select_n3A_2416 {offsets = [0, 8], sizes = [32, 120], strides = [1, 1]} : vector<32x128xf32> to vector<32x120xf32>
    %slice3A_2425 = vector.extract_strided_slice %select_n3A_2416 {offsets = [0, 0], sizes = [32, 8], strides = [1, 1]} : vector<32x128xf32> to vector<32x8xf32>
    %concatenate3A_2426 = tpu.concatenate %slice3A_2424, %slice3A_2425 in 1 : vector<32x120xf32>, vector<32x8xf32> -> vector<32x128xf32>
    %slice3A_2427 = vector.extract_strided_slice %select_n3A_2416 {offsets = [0, 120], sizes = [32, 8], strides = [1, 1]} : vector<32x128xf32> to vector<32x8xf32>
    %slice3A_2428 = vector.extract_strided_slice %select_n3A_2416 {offsets = [0, 0], sizes = [32, 120], strides = [1, 1]} : vector<32x128xf32> to vector<32x120xf32>
    %concatenate3A_2429 = tpu.concatenate %slice3A_2427, %slice3A_2428 in 1 : vector<32x8xf32>, vector<32x120xf32> -> vector<32x128xf32>
    %select_n3A_2430 = arith.select %eq3A_2423, %concatenate3A_2426, %concatenate3A_2429 : vector<32x128xi1>, vector<32x128xf32>
    %slice3A_2431 = vector.extract_strided_slice %select_n3A_2417 {offsets = [0, 8], sizes = [32, 120], strides = [1, 1]} : vector<32x128xi32> to vector<32x120xi32>
    %slice3A_2432 = vector.extract_strided_slice %select_n3A_2417 {offsets = [0, 0], sizes = [32, 8], strides = [1, 1]} : vector<32x128xi32> to vector<32x8xi32>
    %concatenate3A_2433 = tpu.concatenate %slice3A_2431, %slice3A_2432 in 1 : vector<32x120xi32>, vector<32x8xi32> -> vector<32x128xi32>
    %slice3A_2434 = vector.extract_strided_slice %select_n3A_2417 {offsets = [0, 120], sizes = [32, 8], strides = [1, 1]} : vector<32x128xi32> to vector<32x8xi32>
    %slice3A_2435 = vector.extract_strided_slice %select_n3A_2417 {offsets = [0, 0], sizes = [32, 120], strides = [1, 1]} : vector<32x128xi32> to vector<32x120xi32>
    %concatenate3A_2436 = tpu.concatenate %slice3A_2434, %slice3A_2435 in 1 : vector<32x8xi32>, vector<32x120xi32> -> vector<32x128xi32>
    %select_n3A_2437 = arith.select %eq3A_2423, %concatenate3A_2433, %concatenate3A_2436 : vector<32x128xi1>, vector<32x128xi32>
    %lt3A_2438 = arith.cmpf olt, %select_n3A_2416, %select_n3A_2430 : vector<32x128xf32>
    %eq3A_2439 = arith.cmpf oeq, %select_n3A_2416, %select_n3A_2430 : vector<32x128xf32>
    %lt3A_2440 = arith.cmpi slt, %select_n3A_2417, %select_n3A_2437 : vector<32x128xi32>
    %and3A_2441 = arith.andi %eq3A_2439, %lt3A_2440 : vector<32x128xi1>
    %or3A_2442 = arith.ori %lt3A_2438, %and3A_2441 : vector<32x128xi1>
    %and3A_2443 = arith.constant 2048 : i32
    %and3A_2444 = vector.broadcast %and3A_2443 : i32 to vector<32x128xi32>
    %and3A_2445 = arith.andi %add3A, %and3A_2444 : vector<32x128xi32>
    %eq3A_2446 = arith.constant 0 : i32
    %eq3A_2447 = vector.broadcast %eq3A_2446 : i32 to vector<32x128xi32>
    %eq3A_2448 = arith.cmpi eq, %and3A_2445, %eq3A_2447 : vector<32x128xi32>
    %eq3A_2449 = arith.xori %eq3A_2423, %eq3A_2448 : vector<32x128xi1>
    %eq3A_2450 = arith.constant dense<true> : vector<32x128xi1>
    %eq3A_2451 = arith.xori %eq3A_2449, %eq3A_2450 : vector<32x128xi1>
    %eq3A_2452 = arith.xori %or3A_2442, %eq3A_2451 : vector<32x128xi1>
    %eq3A_2453 = arith.constant dense<true> : vector<32x128xi1>
    %eq3A_2454 = arith.xori %eq3A_2452, %eq3A_2453 : vector<32x128xi1>
    %select_n3A_2455 = arith.select %eq3A_2454, %select_n3A_2416, %select_n3A_2430 : vector<32x128xi1>, vector<32x128xf32>
    %select_n3A_2456 = arith.select %eq3A_2454, %select_n3A_2417, %select_n3A_2437 : vector<32x128xi1>, vector<32x128xi32>
    %and3A_2457 = arith.constant 4 : i32
    %and3A_2458 = vector.broadcast %and3A_2457 : i32 to vector<32x128xi32>
    %and3A_2459 = arith.andi %add3A, %and3A_2458 : vector<32x128xi32>
    %eq3A_2460 = arith.constant 0 : i32
    %eq3A_2461 = vector.broadcast %eq3A_2460 : i32 to vector<32x128xi32>
    %eq3A_2462 = arith.cmpi eq, %and3A_2459, %eq3A_2461 : vector<32x128xi32>
    %slice3A_2463 = vector.extract_strided_slice %select_n3A_2455 {offsets = [0, 4], sizes = [32, 124], strides = [1, 1]} : vector<32x128xf32> to vector<32x124xf32>
    %slice3A_2464 = vector.extract_strided_slice %select_n3A_2455 {offsets = [0, 0], sizes = [32, 4], strides = [1, 1]} : vector<32x128xf32> to vector<32x4xf32>
    %concatenate3A_2465 = tpu.concatenate %slice3A_2463, %slice3A_2464 in 1 : vector<32x124xf32>, vector<32x4xf32> -> vector<32x128xf32>
    %slice3A_2466 = vector.extract_strided_slice %select_n3A_2455 {offsets = [0, 124], sizes = [32, 4], strides = [1, 1]} : vector<32x128xf32> to vector<32x4xf32>
    %slice3A_2467 = vector.extract_strided_slice %select_n3A_2455 {offsets = [0, 0], sizes = [32, 124], strides = [1, 1]} : vector<32x128xf32> to vector<32x124xf32>
    %concatenate3A_2468 = tpu.concatenate %slice3A_2466, %slice3A_2467 in 1 : vector<32x4xf32>, vector<32x124xf32> -> vector<32x128xf32>
    %select_n3A_2469 = arith.select %eq3A_2462, %concatenate3A_2465, %concatenate3A_2468 : vector<32x128xi1>, vector<32x128xf32>
    %slice3A_2470 = vector.extract_strided_slice %select_n3A_2456 {offsets = [0, 4], sizes = [32, 124], strides = [1, 1]} : vector<32x128xi32> to vector<32x124xi32>
    %slice3A_2471 = vector.extract_strided_slice %select_n3A_2456 {offsets = [0, 0], sizes = [32, 4], strides = [1, 1]} : vector<32x128xi32> to vector<32x4xi32>
    %concatenate3A_2472 = tpu.concatenate %slice3A_2470, %slice3A_2471 in 1 : vector<32x124xi32>, vector<32x4xi32> -> vector<32x128xi32>
    %slice3A_2473 = vector.extract_strided_slice %select_n3A_2456 {offsets = [0, 124], sizes = [32, 4], strides = [1, 1]} : vector<32x128xi32> to vector<32x4xi32>
    %slice3A_2474 = vector.extract_strided_slice %select_n3A_2456 {offsets = [0, 0], sizes = [32, 124], strides = [1, 1]} : vector<32x128xi32> to vector<32x124xi32>
    %concatenate3A_2475 = tpu.concatenate %slice3A_2473, %slice3A_2474 in 1 : vector<32x4xi32>, vector<32x124xi32> -> vector<32x128xi32>
    %select_n3A_2476 = arith.select %eq3A_2462, %concatenate3A_2472, %concatenate3A_2475 : vector<32x128xi1>, vector<32x128xi32>
    %lt3A_2477 = arith.cmpf olt, %select_n3A_2455, %select_n3A_2469 : vector<32x128xf32>
    %eq3A_2478 = arith.cmpf oeq, %select_n3A_2455, %select_n3A_2469 : vector<32x128xf32>
    %lt3A_2479 = arith.cmpi slt, %select_n3A_2456, %select_n3A_2476 : vector<32x128xi32>
    %and3A_2480 = arith.andi %eq3A_2478, %lt3A_2479 : vector<32x128xi1>
    %or3A_2481 = arith.ori %lt3A_2477, %and3A_2480 : vector<32x128xi1>
    %and3A_2482 = arith.constant 2048 : i32
    %and3A_2483 = vector.broadcast %and3A_2482 : i32 to vector<32x128xi32>
    %and3A_2484 = arith.andi %add3A, %and3A_2483 : vector<32x128xi32>
    %eq3A_2485 = arith.constant 0 : i32
    %eq3A_2486 = vector.broadcast %eq3A_2485 : i32 to vector<32x128xi32>
    %eq3A_2487 = arith.cmpi eq, %and3A_2484, %eq3A_2486 : vector<32x128xi32>
    %eq3A_2488 = arith.xori %eq3A_2462, %eq3A_2487 : vector<32x128xi1>
    %eq3A_2489 = arith.constant dense<true> : vector<32x128xi1>
    %eq3A_2490 = arith.xori %eq3A_2488, %eq3A_2489 : vector<32x128xi1>
    %eq3A_2491 = arith.xori %or3A_2481, %eq3A_2490 : vector<32x128xi1>
    %eq3A_2492 = arith.constant dense<true> : vector<32x128xi1>
    %eq3A_2493 = arith.xori %eq3A_2491, %eq3A_2492 : vector<32x128xi1>
    %select_n3A_2494 = arith.select %eq3A_2493, %select_n3A_2455, %select_n3A_2469 : vector<32x128xi1>, vector<32x128xf32>
    %select_n3A_2495 = arith.select %eq3A_2493, %select_n3A_2456, %select_n3A_2476 : vector<32x128xi1>, vector<32x128xi32>
    %and3A_2496 = arith.constant 2 : i32
    %and3A_2497 = vector.broadcast %and3A_2496 : i32 to vector<32x128xi32>
    %and3A_2498 = arith.andi %add3A, %and3A_2497 : vector<32x128xi32>
    %eq3A_2499 = arith.constant 0 : i32
    %eq3A_2500 = vector.broadcast %eq3A_2499 : i32 to vector<32x128xi32>
    %eq3A_2501 = arith.cmpi eq, %and3A_2498, %eq3A_2500 : vector<32x128xi32>
    %slice3A_2502 = vector.extract_strided_slice %select_n3A_2494 {offsets = [0, 2], sizes = [32, 126], strides = [1, 1]} : vector<32x128xf32> to vector<32x126xf32>
    %slice3A_2503 = vector.extract_strided_slice %select_n3A_2494 {offsets = [0, 0], sizes = [32, 2], strides = [1, 1]} : vector<32x128xf32> to vector<32x2xf32>
    %concatenate3A_2504 = tpu.concatenate %slice3A_2502, %slice3A_2503 in 1 : vector<32x126xf32>, vector<32x2xf32> -> vector<32x128xf32>
    %slice3A_2505 = vector.extract_strided_slice %select_n3A_2494 {offsets = [0, 126], sizes = [32, 2], strides = [1, 1]} : vector<32x128xf32> to vector<32x2xf32>
    %slice3A_2506 = vector.extract_strided_slice %select_n3A_2494 {offsets = [0, 0], sizes = [32, 126], strides = [1, 1]} : vector<32x128xf32> to vector<32x126xf32>
    %concatenate3A_2507 = tpu.concatenate %slice3A_2505, %slice3A_2506 in 1 : vector<32x2xf32>, vector<32x126xf32> -> vector<32x128xf32>
    %select_n3A_2508 = arith.select %eq3A_2501, %concatenate3A_2504, %concatenate3A_2507 : vector<32x128xi1>, vector<32x128xf32>
    %slice3A_2509 = vector.extract_strided_slice %select_n3A_2495 {offsets = [0, 2], sizes = [32, 126], strides = [1, 1]} : vector<32x128xi32> to vector<32x126xi32>
    %slice3A_2510 = vector.extract_strided_slice %select_n3A_2495 {offsets = [0, 0], sizes = [32, 2], strides = [1, 1]} : vector<32x128xi32> to vector<32x2xi32>
    %concatenate3A_2511 = tpu.concatenate %slice3A_2509, %slice3A_2510 in 1 : vector<32x126xi32>, vector<32x2xi32> -> vector<32x128xi32>
    %slice3A_2512 = vector.extract_strided_slice %select_n3A_2495 {offsets = [0, 126], sizes = [32, 2], strides = [1, 1]} : vector<32x128xi32> to vector<32x2xi32>
    %slice3A_2513 = vector.extract_strided_slice %select_n3A_2495 {offsets = [0, 0], sizes = [32, 126], strides = [1, 1]} : vector<32x128xi32> to vector<32x126xi32>
    %concatenate3A_2514 = tpu.concatenate %slice3A_2512, %slice3A_2513 in 1 : vector<32x2xi32>, vector<32x126xi32> -> vector<32x128xi32>
    %select_n3A_2515 = arith.select %eq3A_2501, %concatenate3A_2511, %concatenate3A_2514 : vector<32x128xi1>, vector<32x128xi32>
    %lt3A_2516 = arith.cmpf olt, %select_n3A_2494, %select_n3A_2508 : vector<32x128xf32>
    %eq3A_2517 = arith.cmpf oeq, %select_n3A_2494, %select_n3A_2508 : vector<32x128xf32>
    %lt3A_2518 = arith.cmpi slt, %select_n3A_2495, %select_n3A_2515 : vector<32x128xi32>
    %and3A_2519 = arith.andi %eq3A_2517, %lt3A_2518 : vector<32x128xi1>
    %or3A_2520 = arith.ori %lt3A_2516, %and3A_2519 : vector<32x128xi1>
    %and3A_2521 = arith.constant 2048 : i32
    %and3A_2522 = vector.broadcast %and3A_2521 : i32 to vector<32x128xi32>
    %and3A_2523 = arith.andi %add3A, %and3A_2522 : vector<32x128xi32>
    %eq3A_2524 = arith.constant 0 : i32
    %eq3A_2525 = vector.broadcast %eq3A_2524 : i32 to vector<32x128xi32>
    %eq3A_2526 = arith.cmpi eq, %and3A_2523, %eq3A_2525 : vector<32x128xi32>
    %eq3A_2527 = arith.xori %eq3A_2501, %eq3A_2526 : vector<32x128xi1>
    %eq3A_2528 = arith.constant dense<true> : vector<32x128xi1>
    %eq3A_2529 = arith.xori %eq3A_2527, %eq3A_2528 : vector<32x128xi1>
    %eq3A_2530 = arith.xori %or3A_2520, %eq3A_2529 : vector<32x128xi1>
    %eq3A_2531 = arith.constant dense<true> : vector<32x128xi1>
    %eq3A_2532 = arith.xori %eq3A_2530, %eq3A_2531 : vector<32x128xi1>
    %select_n3A_2533 = arith.select %eq3A_2532, %select_n3A_2494, %select_n3A_2508 : vector<32x128xi1>, vector<32x128xf32>
    %select_n3A_2534 = arith.select %eq3A_2532, %select_n3A_2495, %select_n3A_2515 : vector<32x128xi1>, vector<32x128xi32>
    %and3A_2535 = arith.constant 1 : i32
    %and3A_2536 = vector.broadcast %and3A_2535 : i32 to vector<32x128xi32>
    %and3A_2537 = arith.andi %add3A, %and3A_2536 : vector<32x128xi32>
    %eq3A_2538 = arith.constant 0 : i32
    %eq3A_2539 = vector.broadcast %eq3A_2538 : i32 to vector<32x128xi32>
    %eq3A_2540 = arith.cmpi eq, %and3A_2537, %eq3A_2539 : vector<32x128xi32>
    %slice3A_2541 = vector.extract_strided_slice %select_n3A_2533 {offsets = [0, 1], sizes = [32, 127], strides = [1, 1]} : vector<32x128xf32> to vector<32x127xf32>
    %slice3A_2542 = vector.extract_strided_slice %select_n3A_2533 {offsets = [0, 0], sizes = [32, 1], strides = [1, 1]} : vector<32x128xf32> to vector<32x1xf32>
    %concatenate3A_2543 = tpu.concatenate %slice3A_2541, %slice3A_2542 in 1 : vector<32x127xf32>, vector<32x1xf32> -> vector<32x128xf32>
    %slice3A_2544 = vector.extract_strided_slice %select_n3A_2533 {offsets = [0, 127], sizes = [32, 1], strides = [1, 1]} : vector<32x128xf32> to vector<32x1xf32>
    %slice3A_2545 = vector.extract_strided_slice %select_n3A_2533 {offsets = [0, 0], sizes = [32, 127], strides = [1, 1]} : vector<32x128xf32> to vector<32x127xf32>
    %concatenate3A_2546 = tpu.concatenate %slice3A_2544, %slice3A_2545 in 1 : vector<32x1xf32>, vector<32x127xf32> -> vector<32x128xf32>
    %select_n3A_2547 = arith.select %eq3A_2540, %concatenate3A_2543, %concatenate3A_2546 : vector<32x128xi1>, vector<32x128xf32>
    %slice3A_2548 = vector.extract_strided_slice %select_n3A_2534 {offsets = [0, 1], sizes = [32, 127], strides = [1, 1]} : vector<32x128xi32> to vector<32x127xi32>
    %slice3A_2549 = vector.extract_strided_slice %select_n3A_2534 {offsets = [0, 0], sizes = [32, 1], strides = [1, 1]} : vector<32x128xi32> to vector<32x1xi32>
    %concatenate3A_2550 = tpu.concatenate %slice3A_2548, %slice3A_2549 in 1 : vector<32x127xi32>, vector<32x1xi32> -> vector<32x128xi32>
    %slice3A_2551 = vector.extract_strided_slice %select_n3A_2534 {offsets = [0, 127], sizes = [32, 1], strides = [1, 1]} : vector<32x128xi32> to vector<32x1xi32>
    %slice3A_2552 = vector.extract_strided_slice %select_n3A_2534 {offsets = [0, 0], sizes = [32, 127], strides = [1, 1]} : vector<32x128xi32> to vector<32x127xi32>
    %concatenate3A_2553 = tpu.concatenate %slice3A_2551, %slice3A_2552 in 1 : vector<32x1xi32>, vector<32x127xi32> -> vector<32x128xi32>
    %select_n3A_2554 = arith.select %eq3A_2540, %concatenate3A_2550, %concatenate3A_2553 : vector<32x128xi1>, vector<32x128xi32>
    %lt3A_2555 = arith.cmpf olt, %select_n3A_2533, %select_n3A_2547 : vector<32x128xf32>
    %eq3A_2556 = arith.cmpf oeq, %select_n3A_2533, %select_n3A_2547 : vector<32x128xf32>
    %lt3A_2557 = arith.cmpi slt, %select_n3A_2534, %select_n3A_2554 : vector<32x128xi32>
    %and3A_2558 = arith.andi %eq3A_2556, %lt3A_2557 : vector<32x128xi1>
    %or3A_2559 = arith.ori %lt3A_2555, %and3A_2558 : vector<32x128xi1>
    %and3A_2560 = arith.constant 2048 : i32
    %and3A_2561 = vector.broadcast %and3A_2560 : i32 to vector<32x128xi32>
    %and3A_2562 = arith.andi %add3A, %and3A_2561 : vector<32x128xi32>
    %eq3A_2563 = arith.constant 0 : i32
    %eq3A_2564 = vector.broadcast %eq3A_2563 : i32 to vector<32x128xi32>
    %eq3A_2565 = arith.cmpi eq, %and3A_2562, %eq3A_2564 : vector<32x128xi32>
    %eq3A_2566 = arith.xori %eq3A_2540, %eq3A_2565 : vector<32x128xi1>
    %eq3A_2567 = arith.constant dense<true> : vector<32x128xi1>
    %eq3A_2568 = arith.xori %eq3A_2566, %eq3A_2567 : vector<32x128xi1>
    %eq3A_2569 = arith.xori %or3A_2559, %eq3A_2568 : vector<32x128xi1>
    %eq3A_2570 = arith.constant dense<true> : vector<32x128xi1>
    %eq3A_2571 = arith.xori %eq3A_2569, %eq3A_2570 : vector<32x128xi1>
    %select_n3A_2572 = arith.select %eq3A_2571, %select_n3A_2533, %select_n3A_2547 : vector<32x128xi1>, vector<32x128xf32>
    %select_n3A_2573 = arith.select %eq3A_2571, %select_n3A_2534, %select_n3A_2554 : vector<32x128xi1>, vector<32x128xi32>
    %and3A_2574 = arith.constant 2048 : i32
    %and3A_2575 = vector.broadcast %and3A_2574 : i32 to vector<32x128xi32>
    %and3A_2576 = arith.andi %add3A, %and3A_2575 : vector<32x128xi32>
    %eq3A_2577 = arith.constant 0 : i32
    %eq3A_2578 = vector.broadcast %eq3A_2577 : i32 to vector<32x128xi32>
    %eq3A_2579 = arith.cmpi eq, %and3A_2576, %eq3A_2578 : vector<32x128xi32>
    %slice3A_2580 = vector.extract_strided_slice %select_n3A_2572 {offsets = [16, 0], sizes = [16, 128], strides = [1, 1]} : vector<32x128xf32> to vector<16x128xf32>
    %slice3A_2581 = vector.extract_strided_slice %select_n3A_2572 {offsets = [0, 0], sizes = [16, 128], strides = [1, 1]} : vector<32x128xf32> to vector<16x128xf32>
    %concatenate3A_2582 = tpu.concatenate %slice3A_2580, %slice3A_2581 in 0 : vector<16x128xf32>, vector<16x128xf32> -> vector<32x128xf32>
    %slice3A_2583 = vector.extract_strided_slice %select_n3A_2572 {offsets = [16, 0], sizes = [16, 128], strides = [1, 1]} : vector<32x128xf32> to vector<16x128xf32>
    %slice3A_2584 = vector.extract_strided_slice %select_n3A_2572 {offsets = [0, 0], sizes = [16, 128], strides = [1, 1]} : vector<32x128xf32> to vector<16x128xf32>
    %concatenate3A_2585 = tpu.concatenate %slice3A_2583, %slice3A_2584 in 0 : vector<16x128xf32>, vector<16x128xf32> -> vector<32x128xf32>
    %select_n3A_2586 = arith.select %eq3A_2579, %concatenate3A_2582, %concatenate3A_2585 : vector<32x128xi1>, vector<32x128xf32>
    %slice3A_2587 = vector.extract_strided_slice %select_n3A_2573 {offsets = [16, 0], sizes = [16, 128], strides = [1, 1]} : vector<32x128xi32> to vector<16x128xi32>
    %slice3A_2588 = vector.extract_strided_slice %select_n3A_2573 {offsets = [0, 0], sizes = [16, 128], strides = [1, 1]} : vector<32x128xi32> to vector<16x128xi32>
    %concatenate3A_2589 = tpu.concatenate %slice3A_2587, %slice3A_2588 in 0 : vector<16x128xi32>, vector<16x128xi32> -> vector<32x128xi32>
    %slice3A_2590 = vector.extract_strided_slice %select_n3A_2573 {offsets = [16, 0], sizes = [16, 128], strides = [1, 1]} : vector<32x128xi32> to vector<16x128xi32>
    %slice3A_2591 = vector.extract_strided_slice %select_n3A_2573 {offsets = [0, 0], sizes = [16, 128], strides = [1, 1]} : vector<32x128xi32> to vector<16x128xi32>
    %concatenate3A_2592 = tpu.concatenate %slice3A_2590, %slice3A_2591 in 0 : vector<16x128xi32>, vector<16x128xi32> -> vector<32x128xi32>
    %select_n3A_2593 = arith.select %eq3A_2579, %concatenate3A_2589, %concatenate3A_2592 : vector<32x128xi1>, vector<32x128xi32>
    %lt3A_2594 = arith.cmpf olt, %select_n3A_2572, %select_n3A_2586 : vector<32x128xf32>
    %eq3A_2595 = arith.cmpf oeq, %select_n3A_2572, %select_n3A_2586 : vector<32x128xf32>
    %lt3A_2596 = arith.cmpi slt, %select_n3A_2573, %select_n3A_2593 : vector<32x128xi32>
    %and3A_2597 = arith.andi %eq3A_2595, %lt3A_2596 : vector<32x128xi1>
    %or3A_2598 = arith.ori %lt3A_2594, %and3A_2597 : vector<32x128xi1>
    %and3A_2599 = arith.constant 4096 : i32
    %and3A_2600 = vector.broadcast %and3A_2599 : i32 to vector<32x128xi32>
    %and3A_2601 = arith.andi %add3A, %and3A_2600 : vector<32x128xi32>
    %eq3A_2602 = arith.constant 0 : i32
    %eq3A_2603 = vector.broadcast %eq3A_2602 : i32 to vector<32x128xi32>
    %eq3A_2604 = arith.cmpi eq, %and3A_2601, %eq3A_2603 : vector<32x128xi32>
    %eq3A_2605 = arith.xori %eq3A_2579, %eq3A_2604 : vector<32x128xi1>
    %eq3A_2606 = arith.constant dense<true> : vector<32x128xi1>
    %eq3A_2607 = arith.xori %eq3A_2605, %eq3A_2606 : vector<32x128xi1>
    %eq3A_2608 = arith.xori %or3A_2598, %eq3A_2607 : vector<32x128xi1>
    %eq3A_2609 = arith.constant dense<true> : vector<32x128xi1>
    %eq3A_2610 = arith.xori %eq3A_2608, %eq3A_2609 : vector<32x128xi1>
    %select_n3A_2611 = arith.select %eq3A_2610, %select_n3A_2572, %select_n3A_2586 : vector<32x128xi1>, vector<32x128xf32>
    %select_n3A_2612 = arith.select %eq3A_2610, %select_n3A_2573, %select_n3A_2593 : vector<32x128xi1>, vector<32x128xi32>
    %and3A_2613 = arith.constant 1024 : i32
    %and3A_2614 = vector.broadcast %and3A_2613 : i32 to vector<32x128xi32>
    %and3A_2615 = arith.andi %add3A, %and3A_2614 : vector<32x128xi32>
    %eq3A_2616 = arith.constant 0 : i32
    %eq3A_2617 = vector.broadcast %eq3A_2616 : i32 to vector<32x128xi32>
    %eq3A_2618 = arith.cmpi eq, %and3A_2615, %eq3A_2617 : vector<32x128xi32>
    %slice3A_2619 = vector.extract_strided_slice %select_n3A_2611 {offsets = [8, 0], sizes = [24, 128], strides = [1, 1]} : vector<32x128xf32> to vector<24x128xf32>
    %slice3A_2620 = vector.extract_strided_slice %select_n3A_2611 {offsets = [0, 0], sizes = [8, 128], strides = [1, 1]} : vector<32x128xf32> to vector<8x128xf32>
    %concatenate3A_2621 = tpu.concatenate %slice3A_2619, %slice3A_2620 in 0 : vector<24x128xf32>, vector<8x128xf32> -> vector<32x128xf32>
    %slice3A_2622 = vector.extract_strided_slice %select_n3A_2611 {offsets = [24, 0], sizes = [8, 128], strides = [1, 1]} : vector<32x128xf32> to vector<8x128xf32>
    %slice3A_2623 = vector.extract_strided_slice %select_n3A_2611 {offsets = [0, 0], sizes = [24, 128], strides = [1, 1]} : vector<32x128xf32> to vector<24x128xf32>
    %concatenate3A_2624 = tpu.concatenate %slice3A_2622, %slice3A_2623 in 0 : vector<8x128xf32>, vector<24x128xf32> -> vector<32x128xf32>
    %select_n3A_2625 = arith.select %eq3A_2618, %concatenate3A_2621, %concatenate3A_2624 : vector<32x128xi1>, vector<32x128xf32>
    %slice3A_2626 = vector.extract_strided_slice %select_n3A_2612 {offsets = [8, 0], sizes = [24, 128], strides = [1, 1]} : vector<32x128xi32> to vector<24x128xi32>
    %slice3A_2627 = vector.extract_strided_slice %select_n3A_2612 {offsets = [0, 0], sizes = [8, 128], strides = [1, 1]} : vector<32x128xi32> to vector<8x128xi32>
    %concatenate3A_2628 = tpu.concatenate %slice3A_2626, %slice3A_2627 in 0 : vector<24x128xi32>, vector<8x128xi32> -> vector<32x128xi32>
    %slice3A_2629 = vector.extract_strided_slice %select_n3A_2612 {offsets = [24, 0], sizes = [8, 128], strides = [1, 1]} : vector<32x128xi32> to vector<8x128xi32>
    %slice3A_2630 = vector.extract_strided_slice %select_n3A_2612 {offsets = [0, 0], sizes = [24, 128], strides = [1, 1]} : vector<32x128xi32> to vector<24x128xi32>
    %concatenate3A_2631 = tpu.concatenate %slice3A_2629, %slice3A_2630 in 0 : vector<8x128xi32>, vector<24x128xi32> -> vector<32x128xi32>
    %select_n3A_2632 = arith.select %eq3A_2618, %concatenate3A_2628, %concatenate3A_2631 : vector<32x128xi1>, vector<32x128xi32>
    %lt3A_2633 = arith.cmpf olt, %select_n3A_2611, %select_n3A_2625 : vector<32x128xf32>
    %eq3A_2634 = arith.cmpf oeq, %select_n3A_2611, %select_n3A_2625 : vector<32x128xf32>
    %lt3A_2635 = arith.cmpi slt, %select_n3A_2612, %select_n3A_2632 : vector<32x128xi32>
    %and3A_2636 = arith.andi %eq3A_2634, %lt3A_2635 : vector<32x128xi1>
    %or3A_2637 = arith.ori %lt3A_2633, %and3A_2636 : vector<32x128xi1>
    %and3A_2638 = arith.constant 4096 : i32
    %and3A_2639 = vector.broadcast %and3A_2638 : i32 to vector<32x128xi32>
    %and3A_2640 = arith.andi %add3A, %and3A_2639 : vector<32x128xi32>
    %eq3A_2641 = arith.constant 0 : i32
    %eq3A_2642 = vector.broadcast %eq3A_2641 : i32 to vector<32x128xi32>
    %eq3A_2643 = arith.cmpi eq, %and3A_2640, %eq3A_2642 : vector<32x128xi32>
    %eq3A_2644 = arith.xori %eq3A_2618, %eq3A_2643 : vector<32x128xi1>
    %eq3A_2645 = arith.constant dense<true> : vector<32x128xi1>
    %eq3A_2646 = arith.xori %eq3A_2644, %eq3A_2645 : vector<32x128xi1>
    %eq3A_2647 = arith.xori %or3A_2637, %eq3A_2646 : vector<32x128xi1>
    %eq3A_2648 = arith.constant dense<true> : vector<32x128xi1>
    %eq3A_2649 = arith.xori %eq3A_2647, %eq3A_2648 : vector<32x128xi1>
    %select_n3A_2650 = arith.select %eq3A_2649, %select_n3A_2611, %select_n3A_2625 : vector<32x128xi1>, vector<32x128xf32>
    %select_n3A_2651 = arith.select %eq3A_2649, %select_n3A_2612, %select_n3A_2632 : vector<32x128xi1>, vector<32x128xi32>
    %and3A_2652 = arith.constant 512 : i32
    %and3A_2653 = vector.broadcast %and3A_2652 : i32 to vector<32x128xi32>
    %and3A_2654 = arith.andi %add3A, %and3A_2653 : vector<32x128xi32>
    %eq3A_2655 = arith.constant 0 : i32
    %eq3A_2656 = vector.broadcast %eq3A_2655 : i32 to vector<32x128xi32>
    %eq3A_2657 = arith.cmpi eq, %and3A_2654, %eq3A_2656 : vector<32x128xi32>
    %slice3A_2658 = vector.extract_strided_slice %select_n3A_2650 {offsets = [4, 0], sizes = [28, 128], strides = [1, 1]} : vector<32x128xf32> to vector<28x128xf32>
    %slice3A_2659 = vector.extract_strided_slice %select_n3A_2650 {offsets = [0, 0], sizes = [4, 128], strides = [1, 1]} : vector<32x128xf32> to vector<4x128xf32>
    %concatenate3A_2660 = tpu.concatenate %slice3A_2658, %slice3A_2659 in 0 : vector<28x128xf32>, vector<4x128xf32> -> vector<32x128xf32>
    %slice3A_2661 = vector.extract_strided_slice %select_n3A_2650 {offsets = [28, 0], sizes = [4, 128], strides = [1, 1]} : vector<32x128xf32> to vector<4x128xf32>
    %slice3A_2662 = vector.extract_strided_slice %select_n3A_2650 {offsets = [0, 0], sizes = [28, 128], strides = [1, 1]} : vector<32x128xf32> to vector<28x128xf32>
    %concatenate3A_2663 = tpu.concatenate %slice3A_2661, %slice3A_2662 in 0 : vector<4x128xf32>, vector<28x128xf32> -> vector<32x128xf32>
    %select_n3A_2664 = arith.select %eq3A_2657, %concatenate3A_2660, %concatenate3A_2663 : vector<32x128xi1>, vector<32x128xf32>
    %slice3A_2665 = vector.extract_strided_slice %select_n3A_2651 {offsets = [4, 0], sizes = [28, 128], strides = [1, 1]} : vector<32x128xi32> to vector<28x128xi32>
    %slice3A_2666 = vector.extract_strided_slice %select_n3A_2651 {offsets = [0, 0], sizes = [4, 128], strides = [1, 1]} : vector<32x128xi32> to vector<4x128xi32>
    %concatenate3A_2667 = tpu.concatenate %slice3A_2665, %slice3A_2666 in 0 : vector<28x128xi32>, vector<4x128xi32> -> vector<32x128xi32>
    %slice3A_2668 = vector.extract_strided_slice %select_n3A_2651 {offsets = [28, 0], sizes = [4, 128], strides = [1, 1]} : vector<32x128xi32> to vector<4x128xi32>
    %slice3A_2669 = vector.extract_strided_slice %select_n3A_2651 {offsets = [0, 0], sizes = [28, 128], strides = [1, 1]} : vector<32x128xi32> to vector<28x128xi32>
    %concatenate3A_2670 = tpu.concatenate %slice3A_2668, %slice3A_2669 in 0 : vector<4x128xi32>, vector<28x128xi32> -> vector<32x128xi32>
    %select_n3A_2671 = arith.select %eq3A_2657, %concatenate3A_2667, %concatenate3A_2670 : vector<32x128xi1>, vector<32x128xi32>
    %lt3A_2672 = arith.cmpf olt, %select_n3A_2650, %select_n3A_2664 : vector<32x128xf32>
    %eq3A_2673 = arith.cmpf oeq, %select_n3A_2650, %select_n3A_2664 : vector<32x128xf32>
    %lt3A_2674 = arith.cmpi slt, %select_n3A_2651, %select_n3A_2671 : vector<32x128xi32>
    %and3A_2675 = arith.andi %eq3A_2673, %lt3A_2674 : vector<32x128xi1>
    %or3A_2676 = arith.ori %lt3A_2672, %and3A_2675 : vector<32x128xi1>
    %and3A_2677 = arith.constant 4096 : i32
    %and3A_2678 = vector.broadcast %and3A_2677 : i32 to vector<32x128xi32>
    %and3A_2679 = arith.andi %add3A, %and3A_2678 : vector<32x128xi32>
    %eq3A_2680 = arith.constant 0 : i32
    %eq3A_2681 = vector.broadcast %eq3A_2680 : i32 to vector<32x128xi32>
    %eq3A_2682 = arith.cmpi eq, %and3A_2679, %eq3A_2681 : vector<32x128xi32>
    %eq3A_2683 = arith.xori %eq3A_2657, %eq3A_2682 : vector<32x128xi1>
    %eq3A_2684 = arith.constant dense<true> : vector<32x128xi1>
    %eq3A_2685 = arith.xori %eq3A_2683, %eq3A_2684 : vector<32x128xi1>
    %eq3A_2686 = arith.xori %or3A_2676, %eq3A_2685 : vector<32x128xi1>
    %eq3A_2687 = arith.constant dense<true> : vector<32x128xi1>
    %eq3A_2688 = arith.xori %eq3A_2686, %eq3A_2687 : vector<32x128xi1>
    %select_n3A_2689 = arith.select %eq3A_2688, %select_n3A_2650, %select_n3A_2664 : vector<32x128xi1>, vector<32x128xf32>
    %select_n3A_2690 = arith.select %eq3A_2688, %select_n3A_2651, %select_n3A_2671 : vector<32x128xi1>, vector<32x128xi32>
    %and3A_2691 = arith.constant 256 : i32
    %and3A_2692 = vector.broadcast %and3A_2691 : i32 to vector<32x128xi32>
    %and3A_2693 = arith.andi %add3A, %and3A_2692 : vector<32x128xi32>
    %eq3A_2694 = arith.constant 0 : i32
    %eq3A_2695 = vector.broadcast %eq3A_2694 : i32 to vector<32x128xi32>
    %eq3A_2696 = arith.cmpi eq, %and3A_2693, %eq3A_2695 : vector<32x128xi32>
    %slice3A_2697 = vector.extract_strided_slice %select_n3A_2689 {offsets = [2, 0], sizes = [30, 128], strides = [1, 1]} : vector<32x128xf32> to vector<30x128xf32>
    %slice3A_2698 = vector.extract_strided_slice %select_n3A_2689 {offsets = [0, 0], sizes = [2, 128], strides = [1, 1]} : vector<32x128xf32> to vector<2x128xf32>
    %concatenate3A_2699 = tpu.concatenate %slice3A_2697, %slice3A_2698 in 0 : vector<30x128xf32>, vector<2x128xf32> -> vector<32x128xf32>
    %slice3A_2700 = vector.extract_strided_slice %select_n3A_2689 {offsets = [30, 0], sizes = [2, 128], strides = [1, 1]} : vector<32x128xf32> to vector<2x128xf32>
    %slice3A_2701 = vector.extract_strided_slice %select_n3A_2689 {offsets = [0, 0], sizes = [30, 128], strides = [1, 1]} : vector<32x128xf32> to vector<30x128xf32>
    %concatenate3A_2702 = tpu.concatenate %slice3A_2700, %slice3A_2701 in 0 : vector<2x128xf32>, vector<30x128xf32> -> vector<32x128xf32>
    %select_n3A_2703 = arith.select %eq3A_2696, %concatenate3A_2699, %concatenate3A_2702 : vector<32x128xi1>, vector<32x128xf32>
    %slice3A_2704 = vector.extract_strided_slice %select_n3A_2690 {offsets = [2, 0], sizes = [30, 128], strides = [1, 1]} : vector<32x128xi32> to vector<30x128xi32>
    %slice3A_2705 = vector.extract_strided_slice %select_n3A_2690 {offsets = [0, 0], sizes = [2, 128], strides = [1, 1]} : vector<32x128xi32> to vector<2x128xi32>
    %concatenate3A_2706 = tpu.concatenate %slice3A_2704, %slice3A_2705 in 0 : vector<30x128xi32>, vector<2x128xi32> -> vector<32x128xi32>
    %slice3A_2707 = vector.extract_strided_slice %select_n3A_2690 {offsets = [30, 0], sizes = [2, 128], strides = [1, 1]} : vector<32x128xi32> to vector<2x128xi32>
    %slice3A_2708 = vector.extract_strided_slice %select_n3A_2690 {offsets = [0, 0], sizes = [30, 128], strides = [1, 1]} : vector<32x128xi32> to vector<30x128xi32>
    %concatenate3A_2709 = tpu.concatenate %slice3A_2707, %slice3A_2708 in 0 : vector<2x128xi32>, vector<30x128xi32> -> vector<32x128xi32>
    %select_n3A_2710 = arith.select %eq3A_2696, %concatenate3A_2706, %concatenate3A_2709 : vector<32x128xi1>, vector<32x128xi32>
    %lt3A_2711 = arith.cmpf olt, %select_n3A_2689, %select_n3A_2703 : vector<32x128xf32>
    %eq3A_2712 = arith.cmpf oeq, %select_n3A_2689, %select_n3A_2703 : vector<32x128xf32>
    %lt3A_2713 = arith.cmpi slt, %select_n3A_2690, %select_n3A_2710 : vector<32x128xi32>
    %and3A_2714 = arith.andi %eq3A_2712, %lt3A_2713 : vector<32x128xi1>
    %or3A_2715 = arith.ori %lt3A_2711, %and3A_2714 : vector<32x128xi1>
    %and3A_2716 = arith.constant 4096 : i32
    %and3A_2717 = vector.broadcast %and3A_2716 : i32 to vector<32x128xi32>
    %and3A_2718 = arith.andi %add3A, %and3A_2717 : vector<32x128xi32>
    %eq3A_2719 = arith.constant 0 : i32
    %eq3A_2720 = vector.broadcast %eq3A_2719 : i32 to vector<32x128xi32>
    %eq3A_2721 = arith.cmpi eq, %and3A_2718, %eq3A_2720 : vector<32x128xi32>
    %eq3A_2722 = arith.xori %eq3A_2696, %eq3A_2721 : vector<32x128xi1>
    %eq3A_2723 = arith.constant dense<true> : vector<32x128xi1>
    %eq3A_2724 = arith.xori %eq3A_2722, %eq3A_2723 : vector<32x128xi1>
    %eq3A_2725 = arith.xori %or3A_2715, %eq3A_2724 : vector<32x128xi1>
    %eq3A_2726 = arith.constant dense<true> : vector<32x128xi1>
    %eq3A_2727 = arith.xori %eq3A_2725, %eq3A_2726 : vector<32x128xi1>
    %select_n3A_2728 = arith.select %eq3A_2727, %select_n3A_2689, %select_n3A_2703 : vector<32x128xi1>, vector<32x128xf32>
    %select_n3A_2729 = arith.select %eq3A_2727, %select_n3A_2690, %select_n3A_2710 : vector<32x128xi1>, vector<32x128xi32>
    %and3A_2730 = arith.constant 128 : i32
    %and3A_2731 = vector.broadcast %and3A_2730 : i32 to vector<32x128xi32>
    %and3A_2732 = arith.andi %add3A, %and3A_2731 : vector<32x128xi32>
    %eq3A_2733 = arith.constant 0 : i32
    %eq3A_2734 = vector.broadcast %eq3A_2733 : i32 to vector<32x128xi32>
    %eq3A_2735 = arith.cmpi eq, %and3A_2732, %eq3A_2734 : vector<32x128xi32>
    %slice3A_2736 = vector.extract_strided_slice %select_n3A_2728 {offsets = [1, 0], sizes = [31, 128], strides = [1, 1]} : vector<32x128xf32> to vector<31x128xf32>
    %slice3A_2737 = vector.extract_strided_slice %select_n3A_2728 {offsets = [0, 0], sizes = [1, 128], strides = [1, 1]} : vector<32x128xf32> to vector<1x128xf32>
    %concatenate3A_2738 = tpu.concatenate %slice3A_2736, %slice3A_2737 in 0 : vector<31x128xf32>, vector<1x128xf32> -> vector<32x128xf32>
    %slice3A_2739 = vector.extract_strided_slice %select_n3A_2728 {offsets = [31, 0], sizes = [1, 128], strides = [1, 1]} : vector<32x128xf32> to vector<1x128xf32>
    %slice3A_2740 = vector.extract_strided_slice %select_n3A_2728 {offsets = [0, 0], sizes = [31, 128], strides = [1, 1]} : vector<32x128xf32> to vector<31x128xf32>
    %concatenate3A_2741 = tpu.concatenate %slice3A_2739, %slice3A_2740 in 0 : vector<1x128xf32>, vector<31x128xf32> -> vector<32x128xf32>
    %select_n3A_2742 = arith.select %eq3A_2735, %concatenate3A_2738, %concatenate3A_2741 : vector<32x128xi1>, vector<32x128xf32>
    %slice3A_2743 = vector.extract_strided_slice %select_n3A_2729 {offsets = [1, 0], sizes = [31, 128], strides = [1, 1]} : vector<32x128xi32> to vector<31x128xi32>
    %slice3A_2744 = vector.extract_strided_slice %select_n3A_2729 {offsets = [0, 0], sizes = [1, 128], strides = [1, 1]} : vector<32x128xi32> to vector<1x128xi32>
    %concatenate3A_2745 = tpu.concatenate %slice3A_2743, %slice3A_2744 in 0 : vector<31x128xi32>, vector<1x128xi32> -> vector<32x128xi32>
    %slice3A_2746 = vector.extract_strided_slice %select_n3A_2729 {offsets = [31, 0], sizes = [1, 128], strides = [1, 1]} : vector<32x128xi32> to vector<1x128xi32>
    %slice3A_2747 = vector.extract_strided_slice %select_n3A_2729 {offsets = [0, 0], sizes = [31, 128], strides = [1, 1]} : vector<32x128xi32> to vector<31x128xi32>
    %concatenate3A_2748 = tpu.concatenate %slice3A_2746, %slice3A_2747 in 0 : vector<1x128xi32>, vector<31x128xi32> -> vector<32x128xi32>
    %select_n3A_2749 = arith.select %eq3A_2735, %concatenate3A_2745, %concatenate3A_2748 : vector<32x128xi1>, vector<32x128xi32>
    %lt3A_2750 = arith.cmpf olt, %select_n3A_2728, %select_n3A_2742 : vector<32x128xf32>
    %eq3A_2751 = arith.cmpf oeq, %select_n3A_2728, %select_n3A_2742 : vector<32x128xf32>
    %lt3A_2752 = arith.cmpi slt, %select_n3A_2729, %select_n3A_2749 : vector<32x128xi32>
    %and3A_2753 = arith.andi %eq3A_2751, %lt3A_2752 : vector<32x128xi1>
    %or3A_2754 = arith.ori %lt3A_2750, %and3A_2753 : vector<32x128xi1>
    %and3A_2755 = arith.constant 4096 : i32
    %and3A_2756 = vector.broadcast %and3A_2755 : i32 to vector<32x128xi32>
    %and3A_2757 = arith.andi %add3A, %and3A_2756 : vector<32x128xi32>
    %eq3A_2758 = arith.constant 0 : i32
    %eq3A_2759 = vector.broadcast %eq3A_2758 : i32 to vector<32x128xi32>
    %eq3A_2760 = arith.cmpi eq, %and3A_2757, %eq3A_2759 : vector<32x128xi32>
    %eq3A_2761 = arith.xori %eq3A_2735, %eq3A_2760 : vector<32x128xi1>
    %eq3A_2762 = arith.constant dense<true> : vector<32x128xi1>
    %eq3A_2763 = arith.xori %eq3A_2761, %eq3A_2762 : vector<32x128xi1>
    %eq3A_2764 = arith.xori %or3A_2754, %eq3A_2763 : vector<32x128xi1>
    %eq3A_2765 = arith.constant dense<true> : vector<32x128xi1>
    %eq3A_2766 = arith.xori %eq3A_2764, %eq3A_2765 : vector<32x128xi1>
    %select_n3A_2767 = arith.select %eq3A_2766, %select_n3A_2728, %select_n3A_2742 : vector<32x128xi1>, vector<32x128xf32>
    %select_n3A_2768 = arith.select %eq3A_2766, %select_n3A_2729, %select_n3A_2749 : vector<32x128xi1>, vector<32x128xi32>
    %and3A_2769 = arith.constant 64 : i32
    %and3A_2770 = vector.broadcast %and3A_2769 : i32 to vector<32x128xi32>
    %and3A_2771 = arith.andi %add3A, %and3A_2770 : vector<32x128xi32>
    %eq3A_2772 = arith.constant 0 : i32
    %eq3A_2773 = vector.broadcast %eq3A_2772 : i32 to vector<32x128xi32>
    %eq3A_2774 = arith.cmpi eq, %and3A_2771, %eq3A_2773 : vector<32x128xi32>
    %slice3A_2775 = vector.extract_strided_slice %select_n3A_2767 {offsets = [0, 64], sizes = [32, 64], strides = [1, 1]} : vector<32x128xf32> to vector<32x64xf32>
    %slice3A_2776 = vector.extract_strided_slice %select_n3A_2767 {offsets = [0, 0], sizes = [32, 64], strides = [1, 1]} : vector<32x128xf32> to vector<32x64xf32>
    %concatenate3A_2777 = tpu.concatenate %slice3A_2775, %slice3A_2776 in 1 : vector<32x64xf32>, vector<32x64xf32> -> vector<32x128xf32>
    %slice3A_2778 = vector.extract_strided_slice %select_n3A_2767 {offsets = [0, 64], sizes = [32, 64], strides = [1, 1]} : vector<32x128xf32> to vector<32x64xf32>
    %slice3A_2779 = vector.extract_strided_slice %select_n3A_2767 {offsets = [0, 0], sizes = [32, 64], strides = [1, 1]} : vector<32x128xf32> to vector<32x64xf32>
    %concatenate3A_2780 = tpu.concatenate %slice3A_2778, %slice3A_2779 in 1 : vector<32x64xf32>, vector<32x64xf32> -> vector<32x128xf32>
    %select_n3A_2781 = arith.select %eq3A_2774, %concatenate3A_2777, %concatenate3A_2780 : vector<32x128xi1>, vector<32x128xf32>
    %slice3A_2782 = vector.extract_strided_slice %select_n3A_2768 {offsets = [0, 64], sizes = [32, 64], strides = [1, 1]} : vector<32x128xi32> to vector<32x64xi32>
    %slice3A_2783 = vector.extract_strided_slice %select_n3A_2768 {offsets = [0, 0], sizes = [32, 64], strides = [1, 1]} : vector<32x128xi32> to vector<32x64xi32>
    %concatenate3A_2784 = tpu.concatenate %slice3A_2782, %slice3A_2783 in 1 : vector<32x64xi32>, vector<32x64xi32> -> vector<32x128xi32>
    %slice3A_2785 = vector.extract_strided_slice %select_n3A_2768 {offsets = [0, 64], sizes = [32, 64], strides = [1, 1]} : vector<32x128xi32> to vector<32x64xi32>
    %slice3A_2786 = vector.extract_strided_slice %select_n3A_2768 {offsets = [0, 0], sizes = [32, 64], strides = [1, 1]} : vector<32x128xi32> to vector<32x64xi32>
    %concatenate3A_2787 = tpu.concatenate %slice3A_2785, %slice3A_2786 in 1 : vector<32x64xi32>, vector<32x64xi32> -> vector<32x128xi32>
    %select_n3A_2788 = arith.select %eq3A_2774, %concatenate3A_2784, %concatenate3A_2787 : vector<32x128xi1>, vector<32x128xi32>
    %lt3A_2789 = arith.cmpf olt, %select_n3A_2767, %select_n3A_2781 : vector<32x128xf32>
    %eq3A_2790 = arith.cmpf oeq, %select_n3A_2767, %select_n3A_2781 : vector<32x128xf32>
    %lt3A_2791 = arith.cmpi slt, %select_n3A_2768, %select_n3A_2788 : vector<32x128xi32>
    %and3A_2792 = arith.andi %eq3A_2790, %lt3A_2791 : vector<32x128xi1>
    %or3A_2793 = arith.ori %lt3A_2789, %and3A_2792 : vector<32x128xi1>
    %and3A_2794 = arith.constant 4096 : i32
    %and3A_2795 = vector.broadcast %and3A_2794 : i32 to vector<32x128xi32>
    %and3A_2796 = arith.andi %add3A, %and3A_2795 : vector<32x128xi32>
    %eq3A_2797 = arith.constant 0 : i32
    %eq3A_2798 = vector.broadcast %eq3A_2797 : i32 to vector<32x128xi32>
    %eq3A_2799 = arith.cmpi eq, %and3A_2796, %eq3A_2798 : vector<32x128xi32>
    %eq3A_2800 = arith.xori %eq3A_2774, %eq3A_2799 : vector<32x128xi1>
    %eq3A_2801 = arith.constant dense<true> : vector<32x128xi1>
    %eq3A_2802 = arith.xori %eq3A_2800, %eq3A_2801 : vector<32x128xi1>
    %eq3A_2803 = arith.xori %or3A_2793, %eq3A_2802 : vector<32x128xi1>
    %eq3A_2804 = arith.constant dense<true> : vector<32x128xi1>
    %eq3A_2805 = arith.xori %eq3A_2803, %eq3A_2804 : vector<32x128xi1>
    %select_n3A_2806 = arith.select %eq3A_2805, %select_n3A_2767, %select_n3A_2781 : vector<32x128xi1>, vector<32x128xf32>
    %select_n3A_2807 = arith.select %eq3A_2805, %select_n3A_2768, %select_n3A_2788 : vector<32x128xi1>, vector<32x128xi32>
    %and3A_2808 = arith.constant 32 : i32
    %and3A_2809 = vector.broadcast %and3A_2808 : i32 to vector<32x128xi32>
    %and3A_2810 = arith.andi %add3A, %and3A_2809 : vector<32x128xi32>
    %eq3A_2811 = arith.constant 0 : i32
    %eq3A_2812 = vector.broadcast %eq3A_2811 : i32 to vector<32x128xi32>
    %eq3A_2813 = arith.cmpi eq, %and3A_2810, %eq3A_2812 : vector<32x128xi32>
    %slice3A_2814 = vector.extract_strided_slice %select_n3A_2806 {offsets = [0, 32], sizes = [32, 96], strides = [1, 1]} : vector<32x128xf32> to vector<32x96xf32>
    %slice3A_2815 = vector.extract_strided_slice %select_n3A_2806 {offsets = [0, 0], sizes = [32, 32], strides = [1, 1]} : vector<32x128xf32> to vector<32x32xf32>
    %concatenate3A_2816 = tpu.concatenate %slice3A_2814, %slice3A_2815 in 1 : vector<32x96xf32>, vector<32x32xf32> -> vector<32x128xf32>
    %slice3A_2817 = vector.extract_strided_slice %select_n3A_2806 {offsets = [0, 96], sizes = [32, 32], strides = [1, 1]} : vector<32x128xf32> to vector<32x32xf32>
    %slice3A_2818 = vector.extract_strided_slice %select_n3A_2806 {offsets = [0, 0], sizes = [32, 96], strides = [1, 1]} : vector<32x128xf32> to vector<32x96xf32>
    %concatenate3A_2819 = tpu.concatenate %slice3A_2817, %slice3A_2818 in 1 : vector<32x32xf32>, vector<32x96xf32> -> vector<32x128xf32>
    %select_n3A_2820 = arith.select %eq3A_2813, %concatenate3A_2816, %concatenate3A_2819 : vector<32x128xi1>, vector<32x128xf32>
    %slice3A_2821 = vector.extract_strided_slice %select_n3A_2807 {offsets = [0, 32], sizes = [32, 96], strides = [1, 1]} : vector<32x128xi32> to vector<32x96xi32>
    %slice3A_2822 = vector.extract_strided_slice %select_n3A_2807 {offsets = [0, 0], sizes = [32, 32], strides = [1, 1]} : vector<32x128xi32> to vector<32x32xi32>
    %concatenate3A_2823 = tpu.concatenate %slice3A_2821, %slice3A_2822 in 1 : vector<32x96xi32>, vector<32x32xi32> -> vector<32x128xi32>
    %slice3A_2824 = vector.extract_strided_slice %select_n3A_2807 {offsets = [0, 96], sizes = [32, 32], strides = [1, 1]} : vector<32x128xi32> to vector<32x32xi32>
    %slice3A_2825 = vector.extract_strided_slice %select_n3A_2807 {offsets = [0, 0], sizes = [32, 96], strides = [1, 1]} : vector<32x128xi32> to vector<32x96xi32>
    %concatenate3A_2826 = tpu.concatenate %slice3A_2824, %slice3A_2825 in 1 : vector<32x32xi32>, vector<32x96xi32> -> vector<32x128xi32>
    %select_n3A_2827 = arith.select %eq3A_2813, %concatenate3A_2823, %concatenate3A_2826 : vector<32x128xi1>, vector<32x128xi32>
    %lt3A_2828 = arith.cmpf olt, %select_n3A_2806, %select_n3A_2820 : vector<32x128xf32>
    %eq3A_2829 = arith.cmpf oeq, %select_n3A_2806, %select_n3A_2820 : vector<32x128xf32>
    %lt3A_2830 = arith.cmpi slt, %select_n3A_2807, %select_n3A_2827 : vector<32x128xi32>
    %and3A_2831 = arith.andi %eq3A_2829, %lt3A_2830 : vector<32x128xi1>
    %or3A_2832 = arith.ori %lt3A_2828, %and3A_2831 : vector<32x128xi1>
    %and3A_2833 = arith.constant 4096 : i32
    %and3A_2834 = vector.broadcast %and3A_2833 : i32 to vector<32x128xi32>
    %and3A_2835 = arith.andi %add3A, %and3A_2834 : vector<32x128xi32>
    %eq3A_2836 = arith.constant 0 : i32
    %eq3A_2837 = vector.broadcast %eq3A_2836 : i32 to vector<32x128xi32>
    %eq3A_2838 = arith.cmpi eq, %and3A_2835, %eq3A_2837 : vector<32x128xi32>
    %eq3A_2839 = arith.xori %eq3A_2813, %eq3A_2838 : vector<32x128xi1>
    %eq3A_2840 = arith.constant dense<true> : vector<32x128xi1>
    %eq3A_2841 = arith.xori %eq3A_2839, %eq3A_2840 : vector<32x128xi1>
    %eq3A_2842 = arith.xori %or3A_2832, %eq3A_2841 : vector<32x128xi1>
    %eq3A_2843 = arith.constant dense<true> : vector<32x128xi1>
    %eq3A_2844 = arith.xori %eq3A_2842, %eq3A_2843 : vector<32x128xi1>
    %select_n3A_2845 = arith.select %eq3A_2844, %select_n3A_2806, %select_n3A_2820 : vector<32x128xi1>, vector<32x128xf32>
    %select_n3A_2846 = arith.select %eq3A_2844, %select_n3A_2807, %select_n3A_2827 : vector<32x128xi1>, vector<32x128xi32>
    %and3A_2847 = arith.constant 16 : i32
    %and3A_2848 = vector.broadcast %and3A_2847 : i32 to vector<32x128xi32>
    %and3A_2849 = arith.andi %add3A, %and3A_2848 : vector<32x128xi32>
    %eq3A_2850 = arith.constant 0 : i32
    %eq3A_2851 = vector.broadcast %eq3A_2850 : i32 to vector<32x128xi32>
    %eq3A_2852 = arith.cmpi eq, %and3A_2849, %eq3A_2851 : vector<32x128xi32>
    %slice3A_2853 = vector.extract_strided_slice %select_n3A_2845 {offsets = [0, 16], sizes = [32, 112], strides = [1, 1]} : vector<32x128xf32> to vector<32x112xf32>
    %slice3A_2854 = vector.extract_strided_slice %select_n3A_2845 {offsets = [0, 0], sizes = [32, 16], strides = [1, 1]} : vector<32x128xf32> to vector<32x16xf32>
    %concatenate3A_2855 = tpu.concatenate %slice3A_2853, %slice3A_2854 in 1 : vector<32x112xf32>, vector<32x16xf32> -> vector<32x128xf32>
    %slice3A_2856 = vector.extract_strided_slice %select_n3A_2845 {offsets = [0, 112], sizes = [32, 16], strides = [1, 1]} : vector<32x128xf32> to vector<32x16xf32>
    %slice3A_2857 = vector.extract_strided_slice %select_n3A_2845 {offsets = [0, 0], sizes = [32, 112], strides = [1, 1]} : vector<32x128xf32> to vector<32x112xf32>
    %concatenate3A_2858 = tpu.concatenate %slice3A_2856, %slice3A_2857 in 1 : vector<32x16xf32>, vector<32x112xf32> -> vector<32x128xf32>
    %select_n3A_2859 = arith.select %eq3A_2852, %concatenate3A_2855, %concatenate3A_2858 : vector<32x128xi1>, vector<32x128xf32>
    %slice3A_2860 = vector.extract_strided_slice %select_n3A_2846 {offsets = [0, 16], sizes = [32, 112], strides = [1, 1]} : vector<32x128xi32> to vector<32x112xi32>
    %slice3A_2861 = vector.extract_strided_slice %select_n3A_2846 {offsets = [0, 0], sizes = [32, 16], strides = [1, 1]} : vector<32x128xi32> to vector<32x16xi32>
    %concatenate3A_2862 = tpu.concatenate %slice3A_2860, %slice3A_2861 in 1 : vector<32x112xi32>, vector<32x16xi32> -> vector<32x128xi32>
    %slice3A_2863 = vector.extract_strided_slice %select_n3A_2846 {offsets = [0, 112], sizes = [32, 16], strides = [1, 1]} : vector<32x128xi32> to vector<32x16xi32>
    %slice3A_2864 = vector.extract_strided_slice %select_n3A_2846 {offsets = [0, 0], sizes = [32, 112], strides = [1, 1]} : vector<32x128xi32> to vector<32x112xi32>
    %concatenate3A_2865 = tpu.concatenate %slice3A_2863, %slice3A_2864 in 1 : vector<32x16xi32>, vector<32x112xi32> -> vector<32x128xi32>
    %select_n3A_2866 = arith.select %eq3A_2852, %concatenate3A_2862, %concatenate3A_2865 : vector<32x128xi1>, vector<32x128xi32>
    %lt3A_2867 = arith.cmpf olt, %select_n3A_2845, %select_n3A_2859 : vector<32x128xf32>
    %eq3A_2868 = arith.cmpf oeq, %select_n3A_2845, %select_n3A_2859 : vector<32x128xf32>
    %lt3A_2869 = arith.cmpi slt, %select_n3A_2846, %select_n3A_2866 : vector<32x128xi32>
    %and3A_2870 = arith.andi %eq3A_2868, %lt3A_2869 : vector<32x128xi1>
    %or3A_2871 = arith.ori %lt3A_2867, %and3A_2870 : vector<32x128xi1>
    %and3A_2872 = arith.constant 4096 : i32
    %and3A_2873 = vector.broadcast %and3A_2872 : i32 to vector<32x128xi32>
    %and3A_2874 = arith.andi %add3A, %and3A_2873 : vector<32x128xi32>
    %eq3A_2875 = arith.constant 0 : i32
    %eq3A_2876 = vector.broadcast %eq3A_2875 : i32 to vector<32x128xi32>
    %eq3A_2877 = arith.cmpi eq, %and3A_2874, %eq3A_2876 : vector<32x128xi32>
    %eq3A_2878 = arith.xori %eq3A_2852, %eq3A_2877 : vector<32x128xi1>
    %eq3A_2879 = arith.constant dense<true> : vector<32x128xi1>
    %eq3A_2880 = arith.xori %eq3A_2878, %eq3A_2879 : vector<32x128xi1>
    %eq3A_2881 = arith.xori %or3A_2871, %eq3A_2880 : vector<32x128xi1>
    %eq3A_2882 = arith.constant dense<true> : vector<32x128xi1>
    %eq3A_2883 = arith.xori %eq3A_2881, %eq3A_2882 : vector<32x128xi1>
    %select_n3A_2884 = arith.select %eq3A_2883, %select_n3A_2845, %select_n3A_2859 : vector<32x128xi1>, vector<32x128xf32>
    %select_n3A_2885 = arith.select %eq3A_2883, %select_n3A_2846, %select_n3A_2866 : vector<32x128xi1>, vector<32x128xi32>
    %and3A_2886 = arith.constant 8 : i32
    %and3A_2887 = vector.broadcast %and3A_2886 : i32 to vector<32x128xi32>
    %and3A_2888 = arith.andi %add3A, %and3A_2887 : vector<32x128xi32>
    %eq3A_2889 = arith.constant 0 : i32
    %eq3A_2890 = vector.broadcast %eq3A_2889 : i32 to vector<32x128xi32>
    %eq3A_2891 = arith.cmpi eq, %and3A_2888, %eq3A_2890 : vector<32x128xi32>
    %slice3A_2892 = vector.extract_strided_slice %select_n3A_2884 {offsets = [0, 8], sizes = [32, 120], strides = [1, 1]} : vector<32x128xf32> to vector<32x120xf32>
    %slice3A_2893 = vector.extract_strided_slice %select_n3A_2884 {offsets = [0, 0], sizes = [32, 8], strides = [1, 1]} : vector<32x128xf32> to vector<32x8xf32>
    %concatenate3A_2894 = tpu.concatenate %slice3A_2892, %slice3A_2893 in 1 : vector<32x120xf32>, vector<32x8xf32> -> vector<32x128xf32>
    %slice3A_2895 = vector.extract_strided_slice %select_n3A_2884 {offsets = [0, 120], sizes = [32, 8], strides = [1, 1]} : vector<32x128xf32> to vector<32x8xf32>
    %slice3A_2896 = vector.extract_strided_slice %select_n3A_2884 {offsets = [0, 0], sizes = [32, 120], strides = [1, 1]} : vector<32x128xf32> to vector<32x120xf32>
    %concatenate3A_2897 = tpu.concatenate %slice3A_2895, %slice3A_2896 in 1 : vector<32x8xf32>, vector<32x120xf32> -> vector<32x128xf32>
    %select_n3A_2898 = arith.select %eq3A_2891, %concatenate3A_2894, %concatenate3A_2897 : vector<32x128xi1>, vector<32x128xf32>
    %slice3A_2899 = vector.extract_strided_slice %select_n3A_2885 {offsets = [0, 8], sizes = [32, 120], strides = [1, 1]} : vector<32x128xi32> to vector<32x120xi32>
    %slice3A_2900 = vector.extract_strided_slice %select_n3A_2885 {offsets = [0, 0], sizes = [32, 8], strides = [1, 1]} : vector<32x128xi32> to vector<32x8xi32>
    %concatenate3A_2901 = tpu.concatenate %slice3A_2899, %slice3A_2900 in 1 : vector<32x120xi32>, vector<32x8xi32> -> vector<32x128xi32>
    %slice3A_2902 = vector.extract_strided_slice %select_n3A_2885 {offsets = [0, 120], sizes = [32, 8], strides = [1, 1]} : vector<32x128xi32> to vector<32x8xi32>
    %slice3A_2903 = vector.extract_strided_slice %select_n3A_2885 {offsets = [0, 0], sizes = [32, 120], strides = [1, 1]} : vector<32x128xi32> to vector<32x120xi32>
    %concatenate3A_2904 = tpu.concatenate %slice3A_2902, %slice3A_2903 in 1 : vector<32x8xi32>, vector<32x120xi32> -> vector<32x128xi32>
    %select_n3A_2905 = arith.select %eq3A_2891, %concatenate3A_2901, %concatenate3A_2904 : vector<32x128xi1>, vector<32x128xi32>
    %lt3A_2906 = arith.cmpf olt, %select_n3A_2884, %select_n3A_2898 : vector<32x128xf32>
    %eq3A_2907 = arith.cmpf oeq, %select_n3A_2884, %select_n3A_2898 : vector<32x128xf32>
    %lt3A_2908 = arith.cmpi slt, %select_n3A_2885, %select_n3A_2905 : vector<32x128xi32>
    %and3A_2909 = arith.andi %eq3A_2907, %lt3A_2908 : vector<32x128xi1>
    %or3A_2910 = arith.ori %lt3A_2906, %and3A_2909 : vector<32x128xi1>
    %and3A_2911 = arith.constant 4096 : i32
    %and3A_2912 = vector.broadcast %and3A_2911 : i32 to vector<32x128xi32>
    %and3A_2913 = arith.andi %add3A, %and3A_2912 : vector<32x128xi32>
    %eq3A_2914 = arith.constant 0 : i32
    %eq3A_2915 = vector.broadcast %eq3A_2914 : i32 to vector<32x128xi32>
    %eq3A_2916 = arith.cmpi eq, %and3A_2913, %eq3A_2915 : vector<32x128xi32>
    %eq3A_2917 = arith.xori %eq3A_2891, %eq3A_2916 : vector<32x128xi1>
    %eq3A_2918 = arith.constant dense<true> : vector<32x128xi1>
    %eq3A_2919 = arith.xori %eq3A_2917, %eq3A_2918 : vector<32x128xi1>
    %eq3A_2920 = arith.xori %or3A_2910, %eq3A_2919 : vector<32x128xi1>
    %eq3A_2921 = arith.constant dense<true> : vector<32x128xi1>
    %eq3A_2922 = arith.xori %eq3A_2920, %eq3A_2921 : vector<32x128xi1>
    %select_n3A_2923 = arith.select %eq3A_2922, %select_n3A_2884, %select_n3A_2898 : vector<32x128xi1>, vector<32x128xf32>
    %select_n3A_2924 = arith.select %eq3A_2922, %select_n3A_2885, %select_n3A_2905 : vector<32x128xi1>, vector<32x128xi32>
    %and3A_2925 = arith.constant 4 : i32
    %and3A_2926 = vector.broadcast %and3A_2925 : i32 to vector<32x128xi32>
    %and3A_2927 = arith.andi %add3A, %and3A_2926 : vector<32x128xi32>
    %eq3A_2928 = arith.constant 0 : i32
    %eq3A_2929 = vector.broadcast %eq3A_2928 : i32 to vector<32x128xi32>
    %eq3A_2930 = arith.cmpi eq, %and3A_2927, %eq3A_2929 : vector<32x128xi32>
    %slice3A_2931 = vector.extract_strided_slice %select_n3A_2923 {offsets = [0, 4], sizes = [32, 124], strides = [1, 1]} : vector<32x128xf32> to vector<32x124xf32>
    %slice3A_2932 = vector.extract_strided_slice %select_n3A_2923 {offsets = [0, 0], sizes = [32, 4], strides = [1, 1]} : vector<32x128xf32> to vector<32x4xf32>
    %concatenate3A_2933 = tpu.concatenate %slice3A_2931, %slice3A_2932 in 1 : vector<32x124xf32>, vector<32x4xf32> -> vector<32x128xf32>
    %slice3A_2934 = vector.extract_strided_slice %select_n3A_2923 {offsets = [0, 124], sizes = [32, 4], strides = [1, 1]} : vector<32x128xf32> to vector<32x4xf32>
    %slice3A_2935 = vector.extract_strided_slice %select_n3A_2923 {offsets = [0, 0], sizes = [32, 124], strides = [1, 1]} : vector<32x128xf32> to vector<32x124xf32>
    %concatenate3A_2936 = tpu.concatenate %slice3A_2934, %slice3A_2935 in 1 : vector<32x4xf32>, vector<32x124xf32> -> vector<32x128xf32>
    %select_n3A_2937 = arith.select %eq3A_2930, %concatenate3A_2933, %concatenate3A_2936 : vector<32x128xi1>, vector<32x128xf32>
    %slice3A_2938 = vector.extract_strided_slice %select_n3A_2924 {offsets = [0, 4], sizes = [32, 124], strides = [1, 1]} : vector<32x128xi32> to vector<32x124xi32>
    %slice3A_2939 = vector.extract_strided_slice %select_n3A_2924 {offsets = [0, 0], sizes = [32, 4], strides = [1, 1]} : vector<32x128xi32> to vector<32x4xi32>
    %concatenate3A_2940 = tpu.concatenate %slice3A_2938, %slice3A_2939 in 1 : vector<32x124xi32>, vector<32x4xi32> -> vector<32x128xi32>
    %slice3A_2941 = vector.extract_strided_slice %select_n3A_2924 {offsets = [0, 124], sizes = [32, 4], strides = [1, 1]} : vector<32x128xi32> to vector<32x4xi32>
    %slice3A_2942 = vector.extract_strided_slice %select_n3A_2924 {offsets = [0, 0], sizes = [32, 124], strides = [1, 1]} : vector<32x128xi32> to vector<32x124xi32>
    %concatenate3A_2943 = tpu.concatenate %slice3A_2941, %slice3A_2942 in 1 : vector<32x4xi32>, vector<32x124xi32> -> vector<32x128xi32>
    %select_n3A_2944 = arith.select %eq3A_2930, %concatenate3A_2940, %concatenate3A_2943 : vector<32x128xi1>, vector<32x128xi32>
    %lt3A_2945 = arith.cmpf olt, %select_n3A_2923, %select_n3A_2937 : vector<32x128xf32>
    %eq3A_2946 = arith.cmpf oeq, %select_n3A_2923, %select_n3A_2937 : vector<32x128xf32>
    %lt3A_2947 = arith.cmpi slt, %select_n3A_2924, %select_n3A_2944 : vector<32x128xi32>
    %and3A_2948 = arith.andi %eq3A_2946, %lt3A_2947 : vector<32x128xi1>
    %or3A_2949 = arith.ori %lt3A_2945, %and3A_2948 : vector<32x128xi1>
    %and3A_2950 = arith.constant 4096 : i32
    %and3A_2951 = vector.broadcast %and3A_2950 : i32 to vector<32x128xi32>
    %and3A_2952 = arith.andi %add3A, %and3A_2951 : vector<32x128xi32>
    %eq3A_2953 = arith.constant 0 : i32
    %eq3A_2954 = vector.broadcast %eq3A_2953 : i32 to vector<32x128xi32>
    %eq3A_2955 = arith.cmpi eq, %and3A_2952, %eq3A_2954 : vector<32x128xi32>
    %eq3A_2956 = arith.xori %eq3A_2930, %eq3A_2955 : vector<32x128xi1>
    %eq3A_2957 = arith.constant dense<true> : vector<32x128xi1>
    %eq3A_2958 = arith.xori %eq3A_2956, %eq3A_2957 : vector<32x128xi1>
    %eq3A_2959 = arith.xori %or3A_2949, %eq3A_2958 : vector<32x128xi1>
    %eq3A_2960 = arith.constant dense<true> : vector<32x128xi1>
    %eq3A_2961 = arith.xori %eq3A_2959, %eq3A_2960 : vector<32x128xi1>
    %select_n3A_2962 = arith.select %eq3A_2961, %select_n3A_2923, %select_n3A_2937 : vector<32x128xi1>, vector<32x128xf32>
    %select_n3A_2963 = arith.select %eq3A_2961, %select_n3A_2924, %select_n3A_2944 : vector<32x128xi1>, vector<32x128xi32>
    %and3A_2964 = arith.constant 2 : i32
    %and3A_2965 = vector.broadcast %and3A_2964 : i32 to vector<32x128xi32>
    %and3A_2966 = arith.andi %add3A, %and3A_2965 : vector<32x128xi32>
    %eq3A_2967 = arith.constant 0 : i32
    %eq3A_2968 = vector.broadcast %eq3A_2967 : i32 to vector<32x128xi32>
    %eq3A_2969 = arith.cmpi eq, %and3A_2966, %eq3A_2968 : vector<32x128xi32>
    %slice3A_2970 = vector.extract_strided_slice %select_n3A_2962 {offsets = [0, 2], sizes = [32, 126], strides = [1, 1]} : vector<32x128xf32> to vector<32x126xf32>
    %slice3A_2971 = vector.extract_strided_slice %select_n3A_2962 {offsets = [0, 0], sizes = [32, 2], strides = [1, 1]} : vector<32x128xf32> to vector<32x2xf32>
    %concatenate3A_2972 = tpu.concatenate %slice3A_2970, %slice3A_2971 in 1 : vector<32x126xf32>, vector<32x2xf32> -> vector<32x128xf32>
    %slice3A_2973 = vector.extract_strided_slice %select_n3A_2962 {offsets = [0, 126], sizes = [32, 2], strides = [1, 1]} : vector<32x128xf32> to vector<32x2xf32>
    %slice3A_2974 = vector.extract_strided_slice %select_n3A_2962 {offsets = [0, 0], sizes = [32, 126], strides = [1, 1]} : vector<32x128xf32> to vector<32x126xf32>
    %concatenate3A_2975 = tpu.concatenate %slice3A_2973, %slice3A_2974 in 1 : vector<32x2xf32>, vector<32x126xf32> -> vector<32x128xf32>
    %select_n3A_2976 = arith.select %eq3A_2969, %concatenate3A_2972, %concatenate3A_2975 : vector<32x128xi1>, vector<32x128xf32>
    %slice3A_2977 = vector.extract_strided_slice %select_n3A_2963 {offsets = [0, 2], sizes = [32, 126], strides = [1, 1]} : vector<32x128xi32> to vector<32x126xi32>
    %slice3A_2978 = vector.extract_strided_slice %select_n3A_2963 {offsets = [0, 0], sizes = [32, 2], strides = [1, 1]} : vector<32x128xi32> to vector<32x2xi32>
    %concatenate3A_2979 = tpu.concatenate %slice3A_2977, %slice3A_2978 in 1 : vector<32x126xi32>, vector<32x2xi32> -> vector<32x128xi32>
    %slice3A_2980 = vector.extract_strided_slice %select_n3A_2963 {offsets = [0, 126], sizes = [32, 2], strides = [1, 1]} : vector<32x128xi32> to vector<32x2xi32>
    %slice3A_2981 = vector.extract_strided_slice %select_n3A_2963 {offsets = [0, 0], sizes = [32, 126], strides = [1, 1]} : vector<32x128xi32> to vector<32x126xi32>
    %concatenate3A_2982 = tpu.concatenate %slice3A_2980, %slice3A_2981 in 1 : vector<32x2xi32>, vector<32x126xi32> -> vector<32x128xi32>
    %select_n3A_2983 = arith.select %eq3A_2969, %concatenate3A_2979, %concatenate3A_2982 : vector<32x128xi1>, vector<32x128xi32>
    %lt3A_2984 = arith.cmpf olt, %select_n3A_2962, %select_n3A_2976 : vector<32x128xf32>
    %eq3A_2985 = arith.cmpf oeq, %select_n3A_2962, %select_n3A_2976 : vector<32x128xf32>
    %lt3A_2986 = arith.cmpi slt, %select_n3A_2963, %select_n3A_2983 : vector<32x128xi32>
    %and3A_2987 = arith.andi %eq3A_2985, %lt3A_2986 : vector<32x128xi1>
    %or3A_2988 = arith.ori %lt3A_2984, %and3A_2987 : vector<32x128xi1>
    %and3A_2989 = arith.constant 4096 : i32
    %and3A_2990 = vector.broadcast %and3A_2989 : i32 to vector<32x128xi32>
    %and3A_2991 = arith.andi %add3A, %and3A_2990 : vector<32x128xi32>
    %eq3A_2992 = arith.constant 0 : i32
    %eq3A_2993 = vector.broadcast %eq3A_2992 : i32 to vector<32x128xi32>
    %eq3A_2994 = arith.cmpi eq, %and3A_2991, %eq3A_2993 : vector<32x128xi32>
    %eq3A_2995 = arith.xori %eq3A_2969, %eq3A_2994 : vector<32x128xi1>
    %eq3A_2996 = arith.constant dense<true> : vector<32x128xi1>
    %eq3A_2997 = arith.xori %eq3A_2995, %eq3A_2996 : vector<32x128xi1>
    %eq3A_2998 = arith.xori %or3A_2988, %eq3A_2997 : vector<32x128xi1>
    %eq3A_2999 = arith.constant dense<true> : vector<32x128xi1>
    %eq3A_3000 = arith.xori %eq3A_2998, %eq3A_2999 : vector<32x128xi1>
    %select_n3A_3001 = arith.select %eq3A_3000, %select_n3A_2962, %select_n3A_2976 : vector<32x128xi1>, vector<32x128xf32>
    %select_n3A_3002 = arith.select %eq3A_3000, %select_n3A_2963, %select_n3A_2983 : vector<32x128xi1>, vector<32x128xi32>
    %and3A_3003 = arith.constant 1 : i32
    %and3A_3004 = vector.broadcast %and3A_3003 : i32 to vector<32x128xi32>
    %and3A_3005 = arith.andi %add3A, %and3A_3004 : vector<32x128xi32>
    %eq3A_3006 = arith.constant 0 : i32
    %eq3A_3007 = vector.broadcast %eq3A_3006 : i32 to vector<32x128xi32>
    %eq3A_3008 = arith.cmpi eq, %and3A_3005, %eq3A_3007 : vector<32x128xi32>
    %slice3A_3009 = vector.extract_strided_slice %select_n3A_3001 {offsets = [0, 1], sizes = [32, 127], strides = [1, 1]} : vector<32x128xf32> to vector<32x127xf32>
    %slice3A_3010 = vector.extract_strided_slice %select_n3A_3001 {offsets = [0, 0], sizes = [32, 1], strides = [1, 1]} : vector<32x128xf32> to vector<32x1xf32>
    %concatenate3A_3011 = tpu.concatenate %slice3A_3009, %slice3A_3010 in 1 : vector<32x127xf32>, vector<32x1xf32> -> vector<32x128xf32>
    %slice3A_3012 = vector.extract_strided_slice %select_n3A_3001 {offsets = [0, 127], sizes = [32, 1], strides = [1, 1]} : vector<32x128xf32> to vector<32x1xf32>
    %slice3A_3013 = vector.extract_strided_slice %select_n3A_3001 {offsets = [0, 0], sizes = [32, 127], strides = [1, 1]} : vector<32x128xf32> to vector<32x127xf32>
    %concatenate3A_3014 = tpu.concatenate %slice3A_3012, %slice3A_3013 in 1 : vector<32x1xf32>, vector<32x127xf32> -> vector<32x128xf32>
    %select_n3A_3015 = arith.select %eq3A_3008, %concatenate3A_3011, %concatenate3A_3014 : vector<32x128xi1>, vector<32x128xf32>
    %slice3A_3016 = vector.extract_strided_slice %select_n3A_3002 {offsets = [0, 1], sizes = [32, 127], strides = [1, 1]} : vector<32x128xi32> to vector<32x127xi32>
    %slice3A_3017 = vector.extract_strided_slice %select_n3A_3002 {offsets = [0, 0], sizes = [32, 1], strides = [1, 1]} : vector<32x128xi32> to vector<32x1xi32>
    %concatenate3A_3018 = tpu.concatenate %slice3A_3016, %slice3A_3017 in 1 : vector<32x127xi32>, vector<32x1xi32> -> vector<32x128xi32>
    %slice3A_3019 = vector.extract_strided_slice %select_n3A_3002 {offsets = [0, 127], sizes = [32, 1], strides = [1, 1]} : vector<32x128xi32> to vector<32x1xi32>
    %slice3A_3020 = vector.extract_strided_slice %select_n3A_3002 {offsets = [0, 0], sizes = [32, 127], strides = [1, 1]} : vector<32x128xi32> to vector<32x127xi32>
    %concatenate3A_3021 = tpu.concatenate %slice3A_3019, %slice3A_3020 in 1 : vector<32x1xi32>, vector<32x127xi32> -> vector<32x128xi32>
    %select_n3A_3022 = arith.select %eq3A_3008, %concatenate3A_3018, %concatenate3A_3021 : vector<32x128xi1>, vector<32x128xi32>
    %lt3A_3023 = arith.cmpf olt, %select_n3A_3001, %select_n3A_3015 : vector<32x128xf32>
    %eq3A_3024 = arith.cmpf oeq, %select_n3A_3001, %select_n3A_3015 : vector<32x128xf32>
    %lt3A_3025 = arith.cmpi slt, %select_n3A_3002, %select_n3A_3022 : vector<32x128xi32>
    %and3A_3026 = arith.andi %eq3A_3024, %lt3A_3025 : vector<32x128xi1>
    %or3A_3027 = arith.ori %lt3A_3023, %and3A_3026 : vector<32x128xi1>
    %and3A_3028 = arith.constant 4096 : i32
    %and3A_3029 = vector.broadcast %and3A_3028 : i32 to vector<32x128xi32>
    %and3A_3030 = arith.andi %add3A, %and3A_3029 : vector<32x128xi32>
    %eq3A_3031 = arith.constant 0 : i32
    %eq3A_3032 = vector.broadcast %eq3A_3031 : i32 to vector<32x128xi32>
    %eq3A_3033 = arith.cmpi eq, %and3A_3030, %eq3A_3032 : vector<32x128xi32>
    %eq3A_3034 = arith.xori %eq3A_3008, %eq3A_3033 : vector<32x128xi1>
    %eq3A_3035 = arith.constant dense<true> : vector<32x128xi1>
    %eq3A_3036 = arith.xori %eq3A_3034, %eq3A_3035 : vector<32x128xi1>
    %eq3A_3037 = arith.xori %or3A_3027, %eq3A_3036 : vector<32x128xi1>
    %eq3A_3038 = arith.constant dense<true> : vector<32x128xi1>
    %eq3A_3039 = arith.xori %eq3A_3037, %eq3A_3038 : vector<32x128xi1>
    %select_n3A_3040 = arith.select %eq3A_3039, %select_n3A_3002, %select_n3A_3022 : vector<32x128xi1>, vector<32x128xi32>
    %slice3A_3041 = vector.extract_strided_slice %select_n3A_3040 {offsets = [0, 0], sizes = [8, 128], strides = [1, 1]} : vector<32x128xi32> to vector<8x128xi32>
    %add3A_3042 = arith.constant 1 : i32
    %add3A_3043 = vector.broadcast %add3A_3042 : i32 to vector<8x128xi32>
    %add3A_3044 = arith.addi %slice3A_3041, %add3A_3043 : vector<8x128xi32>
    %swap3A = arith.constant 0 : index
    %swap3A_3045 = arith.constant 0 : index
    %swap3A_3046 = arith.constant 0 : index
    %swap3A_3047 = vector.load %arg2[%swap3A, %swap3A_3045, %swap3A_3046] : memref<1x8x128xi32, #tpu.memory_space<vmem>>, vector<1x8x128xi32>
    %swap3A_3048 = vector.shape_cast %swap3A_3047 : vector<1x8x128xi32> to vector<8x128xi32>
    %swap3A_3049 = vector.shape_cast %add3A_3044 : vector<8x128xi32> to vector<1x8x128xi32>
    tpu.vector_store %arg2[%swap3A, %swap3A_3045, %swap3A_3046], %swap3A_3049 {strides = array<i32>} : memref<1x8x128xi32, #tpu.memory_space<vmem>>, vector<1x8x128xi32>,
    return
  }
  func.func @transform_0(%arg0: i32) -> (i32, i32, i32) {
    %c0_i32 = arith.constant 0 : i32
    %c0_i32_0 = arith.constant 0 : i32
    %c0_i32_1 = arith.constant 0 : i32
    return %arg0, %c0_i32, %c0_i32_0 : i32, i32, i32
  }
  func.func @transform_1(%arg0: i32) -> (i32, i32, i32) {
    %c0_i32 = arith.constant 0 : i32
    %c0_i32_0 = arith.constant 0 : i32
    %c0_i32_1 = arith.constant 0 : i32
    return %arg0, %c0_i32, %c0_i32_0 : i32, i32, i32
  }
}

</mosaic_0001>

<sc_bundles>
// kernel: kernel.5.cloned.1.call-start
scs
__scs_entry_jumppad:
0x0: {  	(pc) =	sbr.rel $0x88, $3  }
0x1: {  	(tag) =	ssettag $0x0;
	lr =	simm.s32 $0x1  }
0x2: {  	[smem:$0x3F99] =	sst lr;
	_ =	strace $0xD0000000  }
0x3: {  	_ = 	snop  }
0x4: {  	_ = 	snop  }
0x5: {  	_ = 	snop  }
0x6: {  	_ = 	snop  }
0x7: {  	_ = 	snop  }
__scs_overlays_trampoline_lowered:
0x8: {  	[smem:$0x3FA8] =	sst s0  }
0x9: {  	[smem:$0x3FA9] =	sst s1  }
0xa: {  	[smem:$0x3FAA] =	sst s2  }
0xb: {  	[smem:$0x3FAB] =	sst s3  }
0xc: {  	[smem:$0x3FAC] =	sst s4  }
0xd: {  	[smem:$0x3FAD] =	sst s5  }
0xe: {  	[smem:$0x3FAE] =	sst s6  }
0xf: {  	[smem:$0x3FAF] =	sst s7  }
0x10: {  	[smem:$0x3FB0] =	sst s8  }
0x11: {  	[smem:$0x3FB1] =	sst s9;
	s0 =	simm.s32 @!p0 $0x0  }
0x12: {  	s1 =	sld [smem:$0x3F97];
	s0 =	simm.s32 @p0 $0x1  }
0x13: {  	[smem:$0x3FB2] =	sst s0;
	s0 =	simm.s32 @!p1 $0x0  }
0x14: {  	s2 =	sld [smem:$0x3F96];
	s0 =	simm.s32 @p1 $0x1  }
0x15: {  	[smem:$0x3FB3] =	sst s0;
	s0 =	simm.s32 @!p2 $0x0  }
0x16: {  	s3 =	sld [smem:$0x3FDB];
	s0 =	simm.s32 @p2 $0x1  }
0x17: {  	s4 =	simm.s32 $0x1BF5;
	[smem:$0x3FB5] =	sst s0  }
0x18: {  	s0 =	sld [smem:$0x3F98];
	_ =	swait.ge [sflag:s4], $0x0  }
0x19: {  	s7 =	sld [smem:$0x3F99]  }
0x1a: {  	s8 =	sadd.s32 $0xFFFFE003, lr  }
0x1b: {  	s9 =	sadd.s32 $0xFFFFFEF7, lr;
	s5 =	simm.s32 $0xFFFFFFFF;
	p2 =	slt.u32 s8, $0xFFFFF086  }
0x1c: {  	p1 =	slt.u32 s9, $0xF7A;
	s5 =	simm.s32 @!p2 $0x0  }
0x1d: {  	s5 =	simm.s32 @p1 $0x1;
	p0 =	seq.s32 s7, s2  }
0x1e: {  	s7 =	smul.u32 @!p0 $0xF7A, s2;
	p2 =	seq.s32 @!p0 s5, $0x0  }
0x1f: {  	s9 =	smul.u32 $0xF7A, s1;
	s8 =	simm.s32 @!p0 $0x1BF5;
	p2 =	por !p2, p0  }
0x20: {  	[sflag:s8] =	ssyncset.s32 @!p0 $0xFFFFF086;
	s6 =	sadd.s32 @!p0 s3, s7;
	s7 =	simm.s32 @!p0 $0x108  }
0x21: {  	s3 =	sadd.s32 s3, s9;
	s6 =	sadd.s32 @!p0 $0x88, s6;
	s7 =	simm.s32 @p2 $0x1082  }
0x22: {  	[simem:s7], [sflag:s8] =	dma.local @!p0 [hbm:s6], $0xF7A  }
0x23: {  	s9 =	sor.u32 $0xD0000000, s2;
	s6 =	simm.s32 $0x108;
	_ =	swait.ge @!p0 [sflag:s8], $0x0  }
0x24: {  	s3 =	sadd.s32 $0x88, s3;
	s6 =	simm.s32 @!p1 $0x1082;
	[sflag:s4] =	ssyncset.s32 $0xFFFFF086  }
0x25: {  	[simem:s6], [sflag:s4] =	dma.local [hbm:s3], $0xF7A  }
0x26: {  	[smem:$0x3F99] =	sst s1;
	(tag) =	ssettag s2;
	_ =	strace s9  }
0x27: {  	s1 =	sld [smem:$0x3FA9]  }
0x28: {  	s2 =	sld [smem:$0x3FAA]  }
0x29: {  	s4 =	sld [smem:$0x3FAC]  }
0x2a: {  	p0 =	seq.s32 s5, $0x0;
	s5 =	sld [smem:$0x3FAD]  }
0x2b: {  	s6 =	sld [smem:$0x3FAE]  }
0x2c: {  	s7 =	sld [smem:$0x3FAF]  }
0x2d: {  	s3 =	simm.s32 $0x108;
	s8 =	sld [smem:$0x3FB0]  }
0x2e: {  	s3 =	simm.s32 @!p0 $0x1082;
	s9 =	sld [smem:$0x3FB1]  }
0x2f: {  	lr =	sadd.s32 s0, s3;
	s0 =	sld [smem:$0x3FA8]  }
0x30: {  	s3 =	sld [smem:$0x3FAB]  }
0x31: {  	[smem:$0x3FB4] =	sst s10  }
0x32: {  	s10 =	sld [smem:$0x3FB2];
	_ =	sdelay $0x3  }
0x33: {  	p0 =	seq.s32 s10, $0x1;
	s10 =	sld [smem:$0x3FB4];
	_ =	sdelay $0x3  }
0x34: {  	[smem:$0x3FB4] =	sst s10  }
0x35: {  	s10 =	sld [smem:$0x3FB3];
	_ =	sdelay $0x3  }
0x36: {  	p1 =	seq.s32 s10, $0x1;
	s10 =	sld [smem:$0x3FB4];
	_ =	sdelay $0x3  }
0x37: {  	[smem:$0x3FB4] =	sst s10  }
0x38: {  	s10 =	sld [smem:$0x3FB5]  }
0x39: {  	_ = 	snop;
	(pc) =	sbr.ind lr, $3  }
0x3a: {  	_ = 	snop  }
0x3b: {  	_ = 	snop  }
0x3c: {  	p2 =	seq.s32 s10, $0x1;
	s10 =	sld [smem:$0x3FB4]  }
0x3d: {  	_ =	shalt  }
0x3e: {  	_ =	shalt  }
0x3f: {  	_ =	shalt  }
0x40: {  	_ =	shalt  }
0x41: {  	_ =	shalt  }
0x42: {  	_ =	shalt  }
0x43: {  	_ =	shalt  }
0x44: {  	_ =	shalt  }
0x45: {  	_ =	shalt  }
0x46: {  	_ =	shalt  }
0x47: {  	_ =	shalt  }
0x48: {  	_ =	shalt  }
0x49: {  	_ =	shalt  }
0x4a: {  	_ =	shalt  }
0x4b: {  	_ =	shalt  }
0x4c: {  	_ =	shalt  }
0x4d: {  	_ =	shalt  }
0x4e: {  	_ =	shalt  }
0x4f: {  	_ =	shalt  }
0x50: {  	_ =	shalt  }
0x51: {  	_ =	shalt  }
0x52: {  	_ =	shalt  }
0x53: {  	_ =	shalt  }
0x54: {  	_ =	shalt  }
0x55: {  	_ =	shalt  }
0x56: {  	_ =	shalt  }
0x57: {  	_ =	shalt  }
0x58: {  	_ =	shalt  }
0x59: {  	_ =	shalt  }
0x5a: {  	_ =	shalt  }
0x5b: {  	_ =	shalt  }
0x5c: {  	_ =	shalt  }
0x5d: {  	_ =	shalt  }
0x5e: {  	_ =	shalt  }
0x5f: {  	_ =	shalt  }
0x60: {  	_ =	shalt  }
0x61: {  	_ =	shalt  }
0x62: {  	_ =	shalt  }
0x63: {  	_ =	shalt  }
0x64: {  	_ =	shalt  }
0x65: {  	_ =	shalt  }
0x66: {  	_ =	shalt  }
0x67: {  	_ =	shalt  }
0x68: {  	_ =	shalt  }
0x69: {  	_ =	shalt  }
0x6a: {  	_ =	shalt  }
0x6b: {  	_ =	shalt  }
0x6c: {  	_ =	shalt  }
0x6d: {  	_ =	shalt  }
0x6e: {  	_ =	shalt  }
0x6f: {  	_ =	shalt  }
0x70: {  	_ =	shalt  }
0x71: {  	_ =	shalt  }
0x72: {  	_ =	shalt  }
0x73: {  	_ =	shalt  }
0x74: {  	_ =	shalt  }
0x75: {  	_ =	shalt  }
0x76: {  	_ =	shalt  }
0x77: {  	_ =	shalt  }
0x78: {  	_ =	shalt  }
0x79: {  	_ =	shalt  }
0x7a: {  	_ =	shalt  }
0x7b: {  	_ =	shalt  }
0x7c: {  	_ =	shalt  }
0x7d: {  	_ =	shalt  }
0x7e: {  	_ =	shalt  }
0x7f: {  	_ =	shalt  }
0x80: {  	_ =	shalt  }
0x81: {  	_ =	shalt  }
0x82: {  	_ =	shalt  }
0x83: {  	_ =	shalt  }
0x84: {  	_ =	shalt  }
0x85: {  	_ =	shalt  }
0x86: {  	_ =	shalt  }
0x87: {  	_ =	shalt  }
.Lfunc_end0:
.L_simem_size_0:
called_computation_lowered:
.L_overlay_start_0:
0x88: {  	s2 =	sld [smem:$0x3FD9]  }
0x89: {  	s3 =	sld [smem:$0x3FFE];
	_ =	sdelay $0x1  }
0x8a: {  	s1 =	srdreg.scid  }
0x8b: {  	s0 =	sand.u32 $0x1, s1  }
0x8c: {  	s14 =	sshll.u32 s0, $0xA;
	s2 =	sadd.s32 s3, s2  }
0x8d: {  	s2 =	sadd.s32 s2, s14  }
0x8e: {  	[smem:$0x3FC0] =	sst s2  }
0x8f: {  	_ = 	snop  }
0x90: {  	s2 =	sld [smem:$0x3FD0];
	_ =	sdelay $0x2  }
0x91: {  	s4 =	simm.s32 $0xA;
	s5 =	simm.s32 $0x10;
	s15 =	sld [smem:$0x3FC9]  }
0x92: {  	[smem:s5], [sflag:s4] =	dma.local [hbm:s2], $0x1  }
0x93: {  	_ =	swait.eq [sflag:s4], $0x1  }
0x94: {  	s16 =	sld [smem:$0x10]  }
0x95: {  	s17 =	sld [smem:$0x11];
	[sflag:s4] =	ssyncset.done $0x0  }
0x96: {  	s6 =	sld [smem:$0x12];
	[sflag:s4] =	ssyncadd.s32 $0xFFFFFFFF  }
0x97: {  	s18 =	sld [smem:$0x14];
	(tm) =	ssettm $0x1  }
0x98: {  	s7 =	sld [smem:$0x3FFB];
	_ =	sdelay $0x3  }
0x99: {  	_ =	strace s7  }
0x9a: {  	s7 =	sld [smem:$0x3FFC];
	_ =	sdelay $0x3  }
0x9b: {  	_ =	strace s7  }
0x9c: {  	s7 =	sld [smem:$0x3FFD];
	_ =	sdelay $0x3  }
0x9d: {  	_ =	strace s7  }
0x9e: {  	_ =	strace $0x8FFFFFFF  }
0x9f: {  	s19 =	sld [smem:$0x3FDB];
	_ =	sdelay $0x1  }
0xa0: {  	s8 =	simm.s32 $_scs_section_size  }
0xa1: {  	s9 =	simm.s32 $_size__tile_overlayer_lowered;
	s10 =	simm.s32 $_tile_overlayer_lowered  }
0xa2: {  	s22 =	simm.s32 $0x1BFF;
	s21 =	sshll.u32 s10, $0x1;
	s7 =	sadd.s32 s8, s19  }
0xa3: {  	s11 =	simm.s32 $0x0;
	s20 =	sshll.u32 s9, $0x1;
	s9 =	sadd.s32 s21, s7  }
0xa4: {  	[timem:s11], [sflag:s22] =	dma.local [hbm:s9], s20  }
0xa5: {  	_ =	swait.ge [sflag:s22], s20  }
0xa6: {  	s8 =	ssub.s32 $0x0, s20;
	[sflag:s22] =	ssyncset.done $0x0  }
0xa7: {  	[sflag:s22] =	ssyncadd.s32 s8;
	_ =	sdelay $0x1  }
0xa8: {  	s23 =	simm.s32 $0x1B8B  }
0xa9: {  	_ =	swait.ge [sflag:s23], $0x1  }
0xaa: {  	[sflag:s23] =	ssyncset.done $0x0  }
0xab: {  	s25 =	simm.s32 $0x1B8E;
	s24 =	sld [smem:$0x3FFE];
	[sflag:s23] =	ssyncadd.s32 $0xFFFFFFFF  }
0xac: {  	s26 =	simm.s32 $execute0_lowered;
	[smem:$0x3FD2] =	sst s25  }
0xad: {  	s9 =	sshll.u32 s26, $0x1;
	_ =	strace $0x80000046;
	[dreg:$0x1] =	wrdreg $0xFFFFFFFF  }
0xae: {  	s28 =	simm.s32 $_size_execute0_lowered;
	s7 =	sadd.s32 s7, s9;
	[dreg:$0x0] =	wrdreg $0x0  }
0xaf: {  	s9 =	sshll.u32 s28, $0x1;
	[dreg:$0x2] =	wrdreg s7  }
0xb0: {  	[dreg:$0x3] =	wrdreg s9  }
0xb1: {  	[dreg:$0x4] =	wrdreg $0xC0  }
0xb2: {  	_ =	task [dreg:s11], $0x5FFFF  }
0xb3: {  	[dreg:$0x1] =	wrdreg $0xFFFFFFFF  }
0xb4: {  	[dreg:$0x0] =	wrdreg $0x60  }
0xb5: {  	[dreg:$0x2] =	wrdreg s15  }
0xb6: {  	[dreg:$0x3] =	wrdreg s24  }
0xb7: {  	[dreg:$0x4] =	wrdreg s6  }
0xb8: {  	[dreg:$0x5] =	wrdreg s18  }
0xb9: {  	[dreg:$0x6] =	wrdreg s17  }
0xba: {  	[dreg:$0x7] =	wrdreg s16  }
0xbb: {  	[dreg:$0x8] =	wrdreg $0x9  }
0xbc: {  	_ =	task.clear_ibuf [dreg:s11], $0x9FFFF;
	_ =	strace $0x90000046  }
0xbd: {  	s29 =	simm.s32 $0x9;
	_ =	strace $0x80000048  }
0xbe: {  	_ =	swait.ge [sflag:s29], $0x1  }
0xbf: {  	[sflag:s29] =	ssyncadd.s32 $0xFFFFFFFF  }
0xc0: {  	_ =	strace $0x90000048  }
0xc1: {  	_ =	sfence  }
0xc2: {  	s30 =	sld [smem:$0x0];
	_ =	sdelay $0x2  }
0xc3: {  	s31 =	sshll.u32 s1, $0xD;
	s1 =	sshrl.u32 s1, $0x2  }
0xc4: {  	s3 =	sand.u32 $0x4000, s31;
	s1 =	sadd.s32 s1, s30  }
0xc5: {  	s0 =	sor.u32 s3, s0;
	s1 =	sshll.u32 s1, $0x11  }
0xc6: {  	s0 =	sor.u32 s1, s0  }
0xc7: {  	s0 =	sadd.s32 $0x8F2B, s0  }
0xc8: {  	[sflag:s0] =	ssyncadd.remote.s32 $0x1  }
0xc9: {  	_ =	sfence.sel $0xFFFF  }
0xca: {  	[dreg:$0x0] =	wrdreg $0xFFFFFFFF;
	(pc) =	sbr.abs _section_cstart, $3  }
0xcb: {  	[dreg:$0x1] =	wrdreg $0xFFFFFFFF  }
0xcc: {  	_ =	task.clear_ibuf [dreg:s11], $0x2FFFF;
	_ =	strace $0x9FFFFFFF  }
0xcd: {  	(tm) =	ssettm $0x7FFFFFFF  }
tec
execute0_lowered:
.L_overlay_start_1:
0x0: {  	(tag) =	ssettag $0x1  }
0x1: {  	s1 =	rddreg [dreg:$0x0]  }
0x2: {  	s2 =	rddreg [dreg:$0x1]  }
0x3: {  	s4 =	rddreg [dreg:$0x2];
	s10 =	stileid.u32  }
0x4: {  	s5 =	rddreg [dreg:$0x3];
	s7 =	sshrl.u32 s10, $0x1  }
0x5: {  	s0 =	rddreg [dreg:$0x4];
	s9 =	smul.u32 $0x20100, s7  }
0x6: {  	s6 =	rddreg [dreg:$0x5];
	s3 =	simm.s32 $0x0;
	s11 =	smul.u32 $0x10100, s7  }
0x7: {  	s8 =	srdreg.scid;
	s29 =	simm.s32 $0x1;
	s31 =	smul.u32 $0x480, s7  }
0x8: {  	s8 =	sand.u32 $0x1, s8;
	s10 =	sshll.u32 s10, $0x1;
	s18 =	smul.u32 $0x40800, s7  }
0x9: {  	[smem:$0x7FF] =	sst s3;
	s13 =	sadd.s32 $0x184200, s2;
	s24 =	smul.u32 $0x280, s7  }
0xa: {  	s14 =	sadd.s32 $0x1C4A00, s2;
	s10 =	sor.u32 s8, s10;
	s7 =	smul.u32 $0x20800, s7  }
0xb: {  	_ =	strace $0x80000047;
	s8 =	ssub.s32 $0x2, s8;
	s12 =	smul.u32 $0x300, s10  }
0xc: {  	s15 =	smul.u32 $0x6000, s10;
	s16 =	sshrl.u32 s8, $0x1;
	s9 =	sadd.s32 s9, s2  }
0xd: {  	s11 =	sadd.s32 s11, s2;
	s8 =	ssub.s32 s8, s16;
	s25 =	sshrl.u32 s18, $0x3  }
0xe: {  	s26 =	sshrl.u32 s12, $0x3;
	s12 =	sadd.s32 $0x180, s12;
	s28 =	sadd.s32 s6, s15  }
0xf: {  	s8 =	smax.u32 s8, $0x1;
	s2 =	sadd.s32 s4, s26;
	[dreg:$0x8] =	wrdreg s28  }
0x10: {  	s30 =	sshrl.u32 s12, $0x3;
	s15 =	sshll.u32 s12, $0x5;
	[dreg:$0x7] =	wrdreg s2  }
0x11: {  	s4 =	sadd.s32 s4, s30;
	s2 =	sand.u32 $0x3, s10;
	s6 =	sadd.s32 s6, s15  }
0x12: {  	[dreg:$0x9] =	wrdreg s4;
	s17 =	sshll.u32 s2, $0x8;
	s20 =	sshll.u32 s2, $0x10  }
0x13: {  	[dreg:$0xa] =	wrdreg s6;
	s4 =	sshrl.u32 s31, $0x3;
	s26 =	sshll.u32 s2, $0x7  }
0x14: {  	s28 =	sshll.u32 s2, $0xF;
	s19 =	sadd.s32 s31, s17;
	s22 =	sadd.s32 s18, s20  }
0x15: {  	p0 =	sne.s32 s2, $0x3;
	s21 =	sshrl.u32 s19, $0x3;
	s10 =	sshrl.u32 s22, $0x3  }
0x16: {  	s4 =	sadd.s32 s5, s4;
	s6 =	sadd.s32 s5, s21;
	s23 =	sadd.s32 s13, s10  }
0x17: {  	s5 =	sadd.s32 $0x80, s4;
	s4 =	sadd.s32 $0x3200, s9;
	[dreg:$0xb] =	wrdreg s6  }
0x18: {  	s9 =	sadd.s32 s24, s26;
	s10 =	sadd.s32 s7, s28;
	[dreg:$0xc] =	wrdreg s23  }
0x19: {  	s7 =	sshrl.u32 s7, $0x3;
	[dreg:$0xd] =	wrdreg s5;
	s5 =	sadd.s32 s13, s25  }
0x1a: {  	s9 =	sshrl.u32 s9, $0x3;
	s10 =	sshrl.u32 s10, $0x3;
	s5 =	sadd.s32 $0x8000, s5  }
0x1b: {  	s6 =	sshrl.u32 s24, $0x3;
	s9 =	sadd.s32 s0, s9;
	[dreg:$0x11] =	wrdreg s5  }
0x1c: {  	s30 =	sadd.s32 s14, s10;
	s0 =	sadd.s32 s0, s6;
	[dreg:$0xe] =	wrdreg s9  }
0x1d: {  	v2 =	vlaneseq.u32;
	vm0 =	vmmov $0xffff;
	s31 =	sadd.s32 s14, s7;
	[dreg:$0xf] =	wrdreg s30;
	s0 =	sadd.s32 $0x40, s0  }
0x1e: {  	v1 =	vshrl.u32 v2, $0x3;
	v0 =	vand.u32 $0x7, v2;
	v2 =	vor.u32 $0x8, v2;
	p1 =	sne.s32 s2, $0x2;
	[dreg:$0x10] =	wrdreg s0;
	s0 =	sadd.s32 $0x4000, s31  }
0x1f: {  	v1 =	vmul.u32 $0x8, v1;
	vm1 =	vmmov @!p0 $0xffff;
	vm2 =	vmmov @!p1 $0xffff;
	s6 =	sadd.s32 $0x103A00, s11;
	s9 =	simm.s32 $0x2;
	[dreg:$0x12] =	wrdreg s0  }
.LBB2_1:
0x20: {  	s30 =	rddreg [dreg:$0x7]  }
0x21: {  	[tilespmem:s3], [sflag:$0x2] =	stream.linear.gather [hbm4b:s30+s3], $0x180, $0x38;
	[tilespmem:$0x19200] =	vst v63  }
0x22: {  	_ =	swait.ge [sflag:s9], $0x180  }
0x23: {  	[sflag:s9] =	ssyncset.done $0x0  }
0x24: {  	[sflag:s9] =	ssyncadd.s32 $0xFFFFFE80  }
0x25: {  	v3 =	vld [tilespmem:$0x0];
	_ =	sdelay $0x4  }
0x26: {  	v4 =	vshll.u32 v3, $0x1  }
0x27: {  	v3 =	vand.u32 $0x7, v3;
	v4 =	vand.u32 $0xFFFFFFF0, v4  }
0x28: {  	v3 =	vor.u32 v3, v4  }
0x29: {  	v4 =	vperm.xlane v3, v0;
	_ =	sdelay $0x1  }
0x2a: {  	v3 =	vperm.xlane v3, v2;
	v4 =	vadd.s32 v1, v4;
	_ =	sdelay $0x1  }
0x2b: {  	v3 =	vadd.s32 v1, v3;
	_ =	sdelay $0x1  }
0x2c: {  	s5 =	simm.s32 $0x200  }
0x2d: {  	[tilespmem:s5], [sflag:$0x1] =	stream.indirect_vreg.gather [hbm4b:s1+s3], $0x80, v4, vm0, $0xb8;
	[tilespmem:$0x19200] =	vst v63  }
0x2e: {  	s0 =	simm.s32 $0xA00  }
0x2f: {  	[tilespmem:s0], [sflag:$0x1] =	stream.indirect_vreg.gather [hbm4b:s1+s3], $0x80, v3, vm0, $0xb8;
	[tilespmem:$0x19200] =	vst v63  }
0x30: {  	v3 =	vld [tilespmem:$0x10];
	_ =	sdelay $0x4  }
0x31: {  	v49 =	vshll.u32 v3, $0x1  }
0x32: {  	v3 =	vand.u32 $0x7, v3;
	v4 =	vand.u32 $0xFFFFFFF0, v49  }
0x33: {  	v3 =	vor.u32 v3, v4  }
0x34: {  	v4 =	vperm.xlane v3, v0;
	_ =	sdelay $0x1  }
0x35: {  	v3 =	vperm.xlane v3, v2;
	v4 =	vadd.s32 v1, v4;
	_ =	sdelay $0x1  }
0x36: {  	v3 =	vadd.s32 v1, v3;
	_ =	sdelay $0x1  }
0x37: {  	s10 =	simm.s32 $0x1200  }
0x38: {  	[tilespmem:s10], [sflag:$0x1] =	stream.indirect_vreg.gather [hbm4b:s1+s3], $0x80, v4, vm0, $0xb8;
	[tilespmem:$0x19200] =	vst v63  }
0x39: {  	s11 =	simm.s32 $0x1A00  }
0x3a: {  	[tilespmem:s11], [sflag:$0x1] =	stream.indirect_vreg.gather [hbm4b:s1+s3], $0x80, v3, vm0, $0xb8;
	[tilespmem:$0x19200] =	vst v63  }
0x3b: {  	v3 =	vld [tilespmem:$0x20];
	_ =	sdelay $0x4  }
0x3c: {  	v50 =	vshll.u32 v3, $0x1  }
0x3d: {  	v3 =	vand.u32 $0x7, v3;
	v4 =	vand.u32 $0xFFFFFFF0, v50  }
0x3e: {  	v3 =	vor.u32 v3, v4  }
0x3f: {  	v4 =	vperm.xlane v3, v0;
	_ =	sdelay $0x1  }
0x40: {  	v3 =	vperm.xlane v3, v2;
	v4 =	vadd.s32 v1, v4;
	_ =	sdelay $0x1  }
0x41: {  	v3 =	vadd.s32 v1, v3;
	_ =	sdelay $0x1  }
0x42: {  	s12 =	simm.s32 $0x2200  }
0x43: {  	[tilespmem:s12], [sflag:$0x1] =	stream.indirect_vreg.gather [hbm4b:s1+s3], $0x80, v4, vm0, $0xb8;
	[tilespmem:$0x19200] =	vst v63  }
0x44: {  	s13 =	simm.s32 $0x2A00  }
0x45: {  	[tilespmem:s13], [sflag:$0x1] =	stream.indirect_vreg.gather [hbm4b:s1+s3], $0x80, v3, vm0, $0xb8;
	[tilespmem:$0x19200] =	vst v63  }
0x46: {  	v3 =	vld [tilespmem:$0x30];
	_ =	sdelay $0x4  }
0x47: {  	v51 =	vshll.u32 v3, $0x1  }
0x48: {  	v3 =	vand.u32 $0x7, v3;
	v4 =	vand.u32 $0xFFFFFFF0, v51  }
0x49: {  	v3 =	vor.u32 v3, v4  }
0x4a: {  	v4 =	vperm.xlane v3, v0;
	_ =	sdelay $0x1  }
0x4b: {  	v3 =	vperm.xlane v3, v2;
	v4 =	vadd.s32 v1, v4;
	_ =	sdelay $0x1  }
0x4c: {  	v3 =	vadd.s32 v1, v3;
	_ =	sdelay $0x1  }
0x4d: {  	s14 =	simm.s32 $0x3200  }
0x4e: {  	[tilespmem:s14], [sflag:$0x1] =	stream.indirect_vreg.gather [hbm4b:s1+s3], $0x80, v4, vm0, $0xb8;
	[tilespmem:$0x19200] =	vst v63  }
0x4f: {  	s15 =	simm.s32 $0x3A00  }
0x50: {  	[tilespmem:s15], [sflag:$0x1] =	stream.indirect_vreg.gather [hbm4b:s1+s3], $0x80, v3, vm0, $0xb8;
	[tilespmem:$0x19200] =	vst v63  }
0x51: {  	v3 =	vld [tilespmem:$0x40];
	_ =	sdelay $0x4  }
0x52: {  	v52 =	vshll.u32 v3, $0x1  }
0x53: {  	v3 =	vand.u32 $0x7, v3;
	v4 =	vand.u32 $0xFFFFFFF0, v52  }
0x54: {  	v3 =	vor.u32 v3, v4  }
0x55: {  	v4 =	vperm.xlane v3, v0;
	_ =	sdelay $0x1  }
0x56: {  	v3 =	vperm.xlane v3, v2;
	v4 =	vadd.s32 v1, v4;
	_ =	sdelay $0x1  }
0x57: {  	v3 =	vadd.s32 v1, v3;
	_ =	sdelay $0x1  }
0x58: {  	s16 =	simm.s32 $0x4200  }
0x59: {  	[tilespmem:s16], [sflag:$0x1] =	stream.indirect_vreg.gather [hbm4b:s1+s3], $0x80, v4, vm0, $0xb8;
	[tilespmem:$0x19200] =	vst v63  }
0x5a: {  	s17 =	simm.s32 $0x4A00  }
0x5b: {  	[tilespmem:s17], [sflag:$0x1] =	stream.indirect_vreg.gather [hbm4b:s1+s3], $0x80, v3, vm0, $0xb8;
	[tilespmem:$0x19200] =	vst v63  }
0x5c: {  	v3 =	vld [tilespmem:$0x50];
	_ =	sdelay $0x4  }
0x5d: {  	v53 =	vshll.u32 v3, $0x1  }
0x5e: {  	v3 =	vand.u32 $0x7, v3;
	v4 =	vand.u32 $0xFFFFFFF0, v53  }
0x5f: {  	v3 =	vor.u32 v3, v4  }
0x60: {  	v4 =	vperm.xlane v3, v0;
	_ =	sdelay $0x1  }
0x61: {  	v3 =	vperm.xlane v3, v2;
	v4 =	vadd.s32 v1, v4;
	_ =	sdelay $0x1  }
0x62: {  	v3 =	vadd.s32 v1, v3;
	_ =	sdelay $0x1  }
0x63: {  	s18 =	simm.s32 $0x5200  }
0x64: {  	[tilespmem:s18], [sflag:$0x1] =	stream.indirect_vreg.gather [hbm4b:s1+s3], $0x80, v4, vm0, $0xb8;
	[tilespmem:$0x19200] =	vst v63  }
0x65: {  	s19 =	simm.s32 $0x5A00  }
0x66: {  	[tilespmem:s19], [sflag:$0x1] =	stream.indirect_vreg.gather [hbm4b:s1+s3], $0x80, v3, vm0, $0xb8;
	[tilespmem:$0x19200] =	vst v63  }
0x67: {  	v3 =	vld [tilespmem:$0x60];
	_ =	sdelay $0x4  }
0x68: {  	v54 =	vshll.u32 v3, $0x1  }
0x69: {  	v3 =	vand.u32 $0x7, v3;
	v4 =	vand.u32 $0xFFFFFFF0, v54  }
0x6a: {  	v3 =	vor.u32 v3, v4  }
0x6b: {  	v4 =	vperm.xlane v3, v0;
	_ =	sdelay $0x1  }
0x6c: {  	v3 =	vperm.xlane v3, v2;
	v4 =	vadd.s32 v1, v4;
	_ =	sdelay $0x1  }
0x6d: {  	v3 =	vadd.s32 v1, v3;
	_ =	sdelay $0x1  }
0x6e: {  	s20 =	simm.s32 $0x6200  }
0x6f: {  	[tilespmem:s20], [sflag:$0x1] =	stream.indirect_vreg.gather [hbm4b:s1+s3], $0x80, v4, vm0, $0xb8;
	[tilespmem:$0x19200] =	vst v63  }
0x70: {  	s21 =	simm.s32 $0x6A00  }
0x71: {  	[tilespmem:s21], [sflag:$0x1] =	stream.indirect_vreg.gather [hbm4b:s1+s3], $0x80, v3, vm0, $0xb8;
	[tilespmem:$0x19200] =	vst v63  }
0x72: {  	v3 =	vld [tilespmem:$0x70];
	_ =	sdelay $0x4  }
0x73: {  	v55 =	vshll.u32 v3, $0x1  }
0x74: {  	v3 =	vand.u32 $0x7, v3;
	v4 =	vand.u32 $0xFFFFFFF0, v55  }
0x75: {  	v3 =	vor.u32 v3, v4  }
0x76: {  	v4 =	vperm.xlane v3, v0;
	_ =	sdelay $0x1  }
0x77: {  	v3 =	vperm.xlane v3, v2;
	v4 =	vadd.s32 v1, v4;
	_ =	sdelay $0x1  }
0x78: {  	v3 =	vadd.s32 v1, v3;
	_ =	sdelay $0x1  }
0x79: {  	s30 =	simm.s32 $0x7200  }
0x7a: {  	[tilespmem:s30], [sflag:$0x1] =	stream.indirect_vreg.gather [hbm4b:s1+s3], $0x80, v4, vm0, $0xb8;
	[tilespmem:$0x19200] =	vst v63  }
0x7b: {  	s31 =	simm.s32 $0x7A00  }
0x7c: {  	[tilespmem:s31], [sflag:$0x1] =	stream.indirect_vreg.gather [hbm4b:s1+s3], $0x80, v3, vm0, $0xb8;
	[tilespmem:$0x19200] =	vst v63  }
0x7d: {  	v3 =	vld [tilespmem:$0x80];
	_ =	sdelay $0x4  }
0x7e: {  	v56 =	vshll.u32 v3, $0x1  }
0x7f: {  	v3 =	vand.u32 $0x7, v3;
	v4 =	vand.u32 $0xFFFFFFF0, v56  }
0x80: {  	v3 =	vor.u32 v3, v4  }
0x81: {  	v4 =	vperm.xlane v3, v0;
	_ =	sdelay $0x1  }
0x82: {  	v3 =	vperm.xlane v3, v2;
	v4 =	vadd.s32 v1, v4;
	_ =	sdelay $0x1  }
0x83: {  	v3 =	vadd.s32 v1, v3;
	_ =	sdelay $0x1  }
0x84: {  	s2 =	simm.s32 $0x8200  }
0x85: {  	[tilespmem:s2], [sflag:$0x1] =	stream.indirect_vreg.gather [hbm4b:s1+s3], $0x80, v4, vm0, $0xb8;
	[tilespmem:$0x19200] =	vst v63  }
0x86: {  	s7 =	simm.s32 $0x8A00  }
0x87: {  	[tilespmem:s7], [sflag:$0x1] =	stream.indirect_vreg.gather [hbm4b:s1+s3], $0x80, v3, vm0, $0xb8;
	[tilespmem:$0x19200] =	vst v63  }
0x88: {  	v3 =	vld [tilespmem:$0x90];
	_ =	sdelay $0x4  }
0x89: {  	v57 =	vshll.u32 v3, $0x1  }
0x8a: {  	v3 =	vand.u32 $0x7, v3;
	v4 =	vand.u32 $0xFFFFFFF0, v57  }
0x8b: {  	v3 =	vor.u32 v3, v4  }
0x8c: {  	v4 =	vperm.xlane v3, v0;
	_ =	sdelay $0x1  }
0x8d: {  	v3 =	vperm.xlane v3, v2;
	v4 =	vadd.s32 v1, v4;
	_ =	sdelay $0x1  }
0x8e: {  	v3 =	vadd.s32 v1, v3;
	_ =	sdelay $0x1  }
0x8f: {  	s10 =	simm.s32 $0x9200  }
0x90: {  	[tilespmem:s10], [sflag:$0x1] =	stream.indirect_vreg.gather [hbm4b:s1+s3], $0x80, v4, vm0, $0xb8;
	[tilespmem:$0x19200] =	vst v63  }
0x91: {  	s11 =	simm.s32 $0x9A00  }
0x92: {  	[tilespmem:s11], [sflag:$0x1] =	stream.indirect_vreg.gather [hbm4b:s1+s3], $0x80, v3, vm0, $0xb8;
	[tilespmem:$0x19200] =	vst v63  }
0x93: {  	v3 =	vld [tilespmem:$0xA0];
	_ =	sdelay $0x4  }
0x94: {  	v58 =	vshll.u32 v3, $0x1  }
0x95: {  	v3 =	vand.u32 $0x7, v3;
	v4 =	vand.u32 $0xFFFFFFF0, v58  }
0x96: {  	v3 =	vor.u32 v3, v4  }
0x97: {  	v4 =	vperm.xlane v3, v0;
	_ =	sdelay $0x1  }
0x98: {  	v3 =	vperm.xlane v3, v2;
	v4 =	vadd.s32 v1, v4;
	_ =	sdelay $0x1  }
0x99: {  	v3 =	vadd.s32 v1, v3;
	_ =	sdelay $0x1  }
0x9a: {  	s12 =	simm.s32 $0xA200  }
0x9b: {  	[tilespmem:s12], [sflag:$0x1] =	stream.indirect_vreg.gather [hbm4b:s1+s3], $0x80, v4, vm0, $0xb8;
	[tilespmem:$0x19200] =	vst v63  }
0x9c: {  	s13 =	simm.s32 $0xAA00  }
0x9d: {  	[tilespmem:s13], [sflag:$0x1] =	stream.indirect_vreg.gather [hbm4b:s1+s3], $0x80, v3, vm0, $0xb8;
	[tilespmem:$0x19200] =	vst v63  }
0x9e: {  	v3 =	vld [tilespmem:$0xB0];
	_ =	sdelay $0x4  }
0x9f: {  	v59 =	vshll.u32 v3, $0x1  }
0xa0: {  	v3 =	vand.u32 $0x7, v3;
	v4 =	vand.u32 $0xFFFFFFF0, v59  }
0xa1: {  	v3 =	vor.u32 v3, v4  }
0xa2: {  	v4 =	vperm.xlane v3, v0;
	_ =	sdelay $0x1  }
0xa3: {  	v3 =	vperm.xlane v3, v2;
	v4 =	vadd.s32 v1, v4;
	_ =	sdelay $0x1  }
0xa4: {  	v3 =	vadd.s32 v1, v3;
	_ =	sdelay $0x1  }
0xa5: {  	s14 =	simm.s32 $0xB200  }
0xa6: {  	[tilespmem:s14], [sflag:$0x1] =	stream.indirect_vreg.gather [hbm4b:s1+s3], $0x80, v4, vm0, $0xb8;
	[tilespmem:$0x19200] =	vst v63  }
0xa7: {  	s15 =	simm.s32 $0xBA00  }
0xa8: {  	[tilespmem:s15], [sflag:$0x1] =	stream.indirect_vreg.gather [hbm4b:s1+s3], $0x80, v3, vm0, $0xb8;
	[tilespmem:$0x19200] =	vst v63  }
0xa9: {  	v3 =	vld [tilespmem:$0xC0];
	_ =	sdelay $0x4  }
0xaa: {  	v60 =	vshll.u32 v3, $0x1  }
0xab: {  	v3 =	vand.u32 $0x7, v3;
	v4 =	vand.u32 $0xFFFFFFF0, v60  }
0xac: {  	v3 =	vor.u32 v3, v4  }
0xad: {  	v4 =	vperm.xlane v3, v0;
	_ =	sdelay $0x1  }
0xae: {  	v3 =	vperm.xlane v3, v2;
	v4 =	vadd.s32 v1, v4;
	_ =	sdelay $0x1  }
0xaf: {  	v3 =	vadd.s32 v1, v3;
	_ =	sdelay $0x1  }
0xb0: {  	s16 =	simm.s32 $0xC200  }
0xb1: {  	[tilespmem:s16], [sflag:$0x1] =	stream.indirect_vreg.gather [hbm4b:s1+s3], $0x80, v4, vm0, $0xb8;
	[tilespmem:$0x19200] =	vst v63  }
0xb2: {  	s17 =	simm.s32 $0xCA00  }
0xb3: {  	[tilespmem:s17], [sflag:$0x1] =	stream.indirect_vreg.gather [hbm4b:s1+s3], $0x80, v3, vm0, $0xb8;
	[tilespmem:$0x19200] =	vst v63  }
0xb4: {  	v3 =	vld [tilespmem:$0xD0];
	_ =	sdelay $0x4  }
0xb5: {  	v61 =	vshll.u32 v3, $0x1  }
0xb6: {  	v3 =	vand.u32 $0x7, v3;
	v4 =	vand.u32 $0xFFFFFFF0, v61  }
0xb7: {  	v3 =	vor.u32 v3, v4  }
0xb8: {  	v4 =	vperm.xlane v3, v0;
	_ =	sdelay $0x1  }
0xb9: {  	v3 =	vperm.xlane v3, v2;
	v4 =	vadd.s32 v1, v4;
	_ =	sdelay $0x1  }
0xba: {  	v3 =	vadd.s32 v1, v3;
	_ =	sdelay $0x1  }
0xbb: {  	s18 =	simm.s32 $0xD200  }
0xbc: {  	[tilespmem:s18], [sflag:$0x1] =	stream.indirect_vreg.gather [hbm4b:s1+s3], $0x80, v4, vm0, $0xb8;
	[tilespmem:$0x19200] =	vst v63  }
0xbd: {  	s19 =	simm.s32 $0xDA00  }
0xbe: {  	[tilespmem:s19], [sflag:$0x1] =	stream.indirect_vreg.gather [hbm4b:s1+s3], $0x80, v3, vm0, $0xb8;
	[tilespmem:$0x19200] =	vst v63  }
0xbf: {  	v3 =	vld [tilespmem:$0xE0];
	_ =	sdelay $0x4  }
0xc0: {  	v62 =	vshll.u32 v3, $0x1  }
0xc1: {  	v3 =	vand.u32 $0x7, v3;
	v4 =	vand.u32 $0xFFFFFFF0, v62  }
0xc2: {  	v3 =	vor.u32 v3, v4  }
0xc3: {  	v4 =	vperm.xlane v3, v0;
	_ =	sdelay $0x1  }
0xc4: {  	v3 =	vperm.xlane v3, v2;
	v4 =	vadd.s32 v1, v4;
	_ =	sdelay $0x1  }
0xc5: {  	v3 =	vadd.s32 v1, v3;
	_ =	sdelay $0x1  }
0xc6: {  	s20 =	simm.s32 $0xE200  }
0xc7: {  	[tilespmem:s20], [sflag:$0x1] =	stream.indirect_vreg.gather [hbm4b:s1+s3], $0x80, v4, vm0, $0xb8;
	[tilespmem:$0x19200] =	vst v63  }
0xc8: {  	s21 =	simm.s32 $0xEA00  }
0xc9: {  	[tilespmem:s21], [sflag:$0x1] =	stream.indirect_vreg.gather [hbm4b:s1+s3], $0x80, v3, vm0, $0xb8;
	[tilespmem:$0x19200] =	vst v63  }
0xca: {  	v3 =	vld [tilespmem:$0xF0];
	_ =	sdelay $0x4  }
0xcb: {  	v63 =	vshll.u32 v3, $0x1  }
0xcc: {  	v3 =	vand.u32 $0x7, v3;
	v4 =	vand.u32 $0xFFFFFFF0, v63  }
0xcd: {  	v3 =	vor.u32 v3, v4  }
0xce: {  	v4 =	vperm.xlane v3, v0;
	_ =	sdelay $0x1  }
0xcf: {  	v3 =	vperm.xlane v3, v2;
	v4 =	vadd.s32 v1, v4;
	_ =	sdelay $0x1  }
0xd0: {  	v3 =	vadd.s32 v1, v3;
	_ =	sdelay $0x1  }
0xd1: {  	s30 =	simm.s32 $0xF200  }
0xd2: {  	[tilespmem:s30], [sflag:$0x1] =	stream.indirect_vreg.gather [hbm4b:s1+s3], $0x80, v4, vm0, $0xb8;
	[tilespmem:$0x19200] =	vst v63  }
0xd3: {  	s31 =	simm.s32 $0xFA00  }
0xd4: {  	[tilespmem:s31], [sflag:$0x1] =	stream.indirect_vreg.gather [hbm4b:s1+s3], $0x80, v3, vm0, $0xb8;
	[tilespmem:$0x19200] =	vst v63  }
0xd5: {  	v3 =	vld [tilespmem:$0x100];
	_ =	sdelay $0x4  }
0xd6: {  	v8 =	vshll.u32 v3, $0x1  }
0xd7: {  	v3 =	vand.u32 $0x7, v3;
	v4 =	vand.u32 $0xFFFFFFF0, v8  }
0xd8: {  	v3 =	vor.u32 v3, v4  }
0xd9: {  	v4 =	vperm.xlane v3, v0;
	_ =	sdelay $0x1  }
0xda: {  	v3 =	vperm.xlane v3, v2;
	v4 =	vadd.s32 v1, v4;
	_ =	sdelay $0x1  }
0xdb: {  	v3 =	vadd.s32 v1, v3;
	_ =	sdelay $0x1  }
0xdc: {  	s0 =	simm.s32 $0x10200  }
0xdd: {  	[tilespmem:s0], [sflag:$0x1] =	stream.indirect_vreg.gather [hbm4b:s1+s3], $0x80, v4, vm0, $0xb8;
	[tilespmem:$0x19200] =	vst v63  }
0xde: {  	s2 =	simm.s32 $0x10A00  }
0xdf: {  	[tilespmem:s2], [sflag:$0x1] =	stream.indirect_vreg.gather [hbm4b:s1+s3], $0x80, v3, vm0, $0xb8;
	[tilespmem:$0x19200] =	vst v63  }
0xe0: {  	v3 =	vld [tilespmem:$0x110];
	_ =	sdelay $0x4  }
0xe1: {  	v9 =	vshll.u32 v3, $0x1  }
0xe2: {  	v3 =	vand.u32 $0x7, v3;
	v4 =	vand.u32 $0xFFFFFFF0, v9  }
0xe3: {  	v3 =	vor.u32 v3, v4  }
0xe4: {  	v4 =	vperm.xlane v3, v0;
	_ =	sdelay $0x1  }
0xe5: {  	v3 =	vperm.xlane v3, v2;
	v4 =	vadd.s32 v1, v4;
	_ =	sdelay $0x1  }
0xe6: {  	v3 =	vadd.s32 v1, v3;
	_ =	sdelay $0x1  }
0xe7: {  	s31 =	simm.s32 $0x11200  }
0xe8: {  	[tilespmem:s31], [sflag:$0x1] =	stream.indirect_vreg.gather [hbm4b:s1+s3], $0x80, v4, vm0, $0xb8;
	[tilespmem:$0x19200] =	vst v63  }
0xe9: {  	s7 =	simm.s32 $0x11A00  }
0xea: {  	[tilespmem:s7], [sflag:$0x1] =	stream.indirect_vreg.gather [hbm4b:s1+s3], $0x80, v3, vm0, $0xb8;
	[tilespmem:$0x19200] =	vst v63  }
0xeb: {  	v3 =	vld [tilespmem:$0x120];
	_ =	sdelay $0x4  }
0xec: {  	v10 =	vshll.u32 v3, $0x1  }
0xed: {  	v3 =	vand.u32 $0x7, v3;
	v4 =	vand.u32 $0xFFFFFFF0, v10  }
0xee: {  	v3 =	vor.u32 v3, v4  }
0xef: {  	v4 =	vperm.xlane v3, v0;
	_ =	sdelay $0x1  }
0xf0: {  	v3 =	vperm.xlane v3, v2;
	v4 =	vadd.s32 v1, v4;
	_ =	sdelay $0x1  }
0xf1: {  	v3 =	vadd.s32 v1, v3;
	_ =	sdelay $0x1  }
0xf2: {  	s10 =	simm.s32 $0x12200  }
0xf3: {  	[tilespmem:s10], [sflag:$0x1] =	stream.indirect_vreg.gather [hbm4b:s1+s3], $0x80, v4, vm0, $0xb8;
	[tilespmem:$0x19200] =	vst v63  }
0xf4: {  	s11 =	simm.s32 $0x12A00  }
0xf5: {  	[tilespmem:s11], [sflag:$0x1] =	stream.indirect_vreg.gather [hbm4b:s1+s3], $0x80, v3, vm0, $0xb8;
	[tilespmem:$0x19200] =	vst v63  }
0xf6: {  	v3 =	vld [tilespmem:$0x130];
	_ =	sdelay $0x4  }
0xf7: {  	v11 =	vshll.u32 v3, $0x1  }
0xf8: {  	v3 =	vand.u32 $0x7, v3;
	v4 =	vand.u32 $0xFFFFFFF0, v11  }
0xf9: {  	v3 =	vor.u32 v3, v4  }
0xfa: {  	v4 =	vperm.xlane v3, v0;
	_ =	sdelay $0x1  }
0xfb: {  	v3 =	vperm.xlane v3, v2;
	v4 =	vadd.s32 v1, v4;
	_ =	sdelay $0x1  }
0xfc: {  	v3 =	vadd.s32 v1, v3;
	_ =	sdelay $0x1  }
0xfd: {  	s12 =	simm.s32 $0x13200  }
0xfe: {  	[tilespmem:s12], [sflag:$0x1] =	stream.indirect_vreg.gather [hbm4b:s1+s3], $0x80, v4, vm0, $0xb8;
	[tilespmem:$0x19200] =	vst v63  }
0xff: {  	s13 =	simm.s32 $0x13A00  }
0x100: {  	[tilespmem:s13], [sflag:$0x1] =	stream.indirect_vreg.gather [hbm4b:s1+s3], $0x80, v3, vm0, $0xb8;
	[tilespmem:$0x19200] =	vst v63  }
0x101: {  	v3 =	vld [tilespmem:$0x140];
	_ =	sdelay $0x4  }
0x102: {  	v12 =	vshll.u32 v3, $0x1  }
0x103: {  	v3 =	vand.u32 $0x7, v3;
	v4 =	vand.u32 $0xFFFFFFF0, v12  }
0x104: {  	v3 =	vor.u32 v3, v4  }
0x105: {  	v4 =	vperm.xlane v3, v0;
	_ =	sdelay $0x1  }
0x106: {  	v3 =	vperm.xlane v3, v2;
	v4 =	vadd.s32 v1, v4;
	_ =	sdelay $0x1  }
0x107: {  	v3 =	vadd.s32 v1, v3;
	_ =	sdelay $0x1  }
0x108: {  	s14 =	simm.s32 $0x14200  }
0x109: {  	[tilespmem:s14], [sflag:$0x1] =	stream.indirect_vreg.gather [hbm4b:s1+s3], $0x80, v4, vm0, $0xb8;
	[tilespmem:$0x19200] =	vst v63  }
0x10a: {  	s15 =	simm.s32 $0x14A00  }
0x10b: {  	[tilespmem:s15], [sflag:$0x1] =	stream.indirect_vreg.gather [hbm4b:s1+s3], $0x80, v3, vm0, $0xb8;
	[tilespmem:$0x19200] =	vst v63  }
0x10c: {  	v3 =	vld [tilespmem:$0x150];
	_ =	sdelay $0x4  }
0x10d: {  	v13 =	vshll.u32 v3, $0x1  }
0x10e: {  	v3 =	vand.u32 $0x7, v3;
	v4 =	vand.u32 $0xFFFFFFF0, v13  }
0x10f: {  	v3 =	vor.u32 v3, v4  }
0x110: {  	v4 =	vperm.xlane v3, v0;
	_ =	sdelay $0x1  }
0x111: {  	v3 =	vperm.xlane v3, v2;
	v4 =	vadd.s32 v1, v4;
	_ =	sdelay $0x1  }
0x112: {  	v3 =	vadd.s32 v1, v3;
	_ =	sdelay $0x1  }
0x113: {  	s16 =	simm.s32 $0x15200  }
0x114: {  	[tilespmem:s16], [sflag:$0x1] =	stream.indirect_vreg.gather [hbm4b:s1+s3], $0x80, v4, vm0, $0xb8;
	[tilespmem:$0x19200] =	vst v63  }
0x115: {  	s17 =	simm.s32 $0x15A00  }
0x116: {  	[tilespmem:s17], [sflag:$0x1] =	stream.indirect_vreg.gather [hbm4b:s1+s3], $0x80, v3, vm0, $0xb8;
	[tilespmem:$0x19200] =	vst v63  }
0x117: {  	v3 =	vld [tilespmem:$0x160];
	_ =	sdelay $0x4  }
0x118: {  	v14 =	vshll.u32 v3, $0x1  }
0x119: {  	v3 =	vand.u32 $0x7, v3;
	v4 =	vand.u32 $0xFFFFFFF0, v14  }
0x11a: {  	v3 =	vor.u32 v3, v4  }
0x11b: {  	v4 =	vperm.xlane v3, v0;
	_ =	sdelay $0x1  }
0x11c: {  	v3 =	vperm.xlane v3, v2;
	v4 =	vadd.s32 v1, v4;
	_ =	sdelay $0x1  }
0x11d: {  	v3 =	vadd.s32 v1, v3;
	_ =	sdelay $0x1  }
0x11e: {  	s18 =	simm.s32 $0x16200  }
0x11f: {  	[tilespmem:s18], [sflag:$0x1] =	stream.indirect_vreg.gather [hbm4b:s1+s3], $0x80, v4, vm0, $0xb8;
	[tilespmem:$0x19200] =	vst v63  }
0x120: {  	s19 =	simm.s32 $0x16A00  }
0x121: {  	[tilespmem:s19], [sflag:$0x1] =	stream.indirect_vreg.gather [hbm4b:s1+s3], $0x80, v3, vm0, $0xb8;
	[tilespmem:$0x19200] =	vst v63  }
0x122: {  	v3 =	vld [tilespmem:$0x170];
	_ =	sdelay $0x4  }
0x123: {  	v15 =	vshll.u32 v3, $0x1  }
0x124: {  	v3 =	vand.u32 $0x7, v3;
	v4 =	vand.u32 $0xFFFFFFF0, v15  }
0x125: {  	v3 =	vor.u32 v3, v4  }
0x126: {  	v4 =	vperm.xlane v3, v0;
	_ =	sdelay $0x1  }
0x127: {  	v3 =	vperm.xlane v3, v2;
	v4 =	vadd.s32 v1, v4;
	_ =	sdelay $0x1  }
0x128: {  	v3 =	vadd.s32 v1, v3;
	_ =	sdelay $0x1  }
0x129: {  	s20 =	simm.s32 $0x17200  }
0x12a: {  	[tilespmem:s20], [sflag:$0x1] =	stream.indirect_vreg.gather [hbm4b:s1+s3], $0x80, v4, vm0, $0xb8;
	[tilespmem:$0x19200] =	vst v63  }
0x12b: {  	s21 =	simm.s32 $0x17A00  }
0x12c: {  	[tilespmem:s21], [sflag:$0x1] =	stream.indirect_vreg.gather [hbm4b:s1+s3], $0x80, v3, vm0, $0xb8;
	[tilespmem:$0x19200] =	vst v63  }
0x12d: {  	_ =	swait.ge [sflag:s29], $0x18000  }
0x12e: {  	[sflag:s29] =	ssyncset.done $0x0  }
0x12f: {  	s30 =	rddreg [dreg:$0x8];
	[sflag:s29] =	ssyncadd.s32 $0xFFFE8000  }
0x130: {  	[hbm4b:s30+s3] =	stream.linear.scatter [tilespmem:s5], [sflag:$0x2], $0x18000, $0x38;
	[tilespmem:$0x19200] =	vst v63  }
0x131: {  	_ =	swait.ge [sflag:s9], $0x18000  }
0x132: {  	[sflag:s9] =	ssyncset.done $0x0  }
0x133: {  	s30 =	rddreg [dreg:$0x9];
	[sflag:s9] =	ssyncadd.s32 $0xFFFE8000  }
0x134: {  	[tilespmem:s3], [sflag:$0x2] =	stream.linear.gather [hbm4b:s30+s3], $0x180, $0x38;
	[tilespmem:$0x19200] =	vst v63  }
0x135: {  	_ =	swait.ge [sflag:s9], $0x180  }
0x136: {  	[sflag:s9] =	ssyncset.done $0x0  }
0x137: {  	[sflag:s9] =	ssyncadd.s32 $0xFFFFFE80  }
0x138: {  	v3 =	vld [tilespmem:$0x0];
	_ =	sdelay $0x4  }
0x139: {  	v16 =	vshll.u32 v3, $0x1  }
0x13a: {  	v3 =	vand.u32 $0x7, v3;
	v4 =	vand.u32 $0xFFFFFFF0, v16  }
0x13b: {  	v3 =	vor.u32 v3, v4  }
0x13c: {  	v4 =	vperm.xlane v3, v0;
	_ =	sdelay $0x1  }
0x13d: {  	v3 =	vperm.xlane v3, v2;
	v4 =	vadd.s32 v1, v4;
	_ =	sdelay $0x1  }
0x13e: {  	v3 =	vadd.s32 v1, v3;
	_ =	sdelay $0x2  }
0x13f: {  	[tilespmem:s5], [sflag:$0x1] =	stream.indirect_vreg.gather [hbm4b:s1+s3], $0x80, v4, vm0, $0xb8;
	[tilespmem:$0x19200] =	vst v63  }
0x140: {  	s22 =	simm.s32 $0xA00  }
0x141: {  	[tilespmem:s22], [sflag:$0x1] =	stream.indirect_vreg.gather [hbm4b:s1+s3], $0x80, v3, vm0, $0xb8;
	[tilespmem:$0x19200] =	vst v63  }
0x142: {  	v3 =	vld [tilespmem:$0x10];
	_ =	sdelay $0x4  }
0x143: {  	v17 =	vshll.u32 v3, $0x1  }
0x144: {  	v3 =	vand.u32 $0x7, v3;
	v4 =	vand.u32 $0xFFFFFFF0, v17  }
0x145: {  	v3 =	vor.u32 v3, v4  }
0x146: {  	v4 =	vperm.xlane v3, v0;
	_ =	sdelay $0x1  }
0x147: {  	v3 =	vperm.xlane v3, v2;
	v4 =	vadd.s32 v1, v4;
	_ =	sdelay $0x1  }
0x148: {  	v3 =	vadd.s32 v1, v3;
	_ =	sdelay $0x1  }
0x149: {  	s22 =	simm.s32 $0x1200  }
0x14a: {  	[tilespmem:s22], [sflag:$0x1] =	stream.indirect_vreg.gather [hbm4b:s1+s3], $0x80, v4, vm0, $0xb8;
	[tilespmem:$0x19200] =	vst v63  }
0x14b: {  	s23 =	simm.s32 $0x1A00  }
0x14c: {  	[tilespmem:s23], [sflag:$0x1] =	stream.indirect_vreg.gather [hbm4b:s1+s3], $0x80, v3, vm0, $0xb8;
	[tilespmem:$0x19200] =	vst v63  }
0x14d: {  	v3 =	vld [tilespmem:$0x20];
	_ =	sdelay $0x4  }
0x14e: {  	v18 =	vshll.u32 v3, $0x1  }
0x14f: {  	v3 =	vand.u32 $0x7, v3;
	v4 =	vand.u32 $0xFFFFFFF0, v18  }
0x150: {  	v3 =	vor.u32 v3, v4  }
0x151: {  	v4 =	vperm.xlane v3, v0;
	_ =	sdelay $0x1  }
0x152: {  	v3 =	vperm.xlane v3, v2;
	v4 =	vadd.s32 v1, v4;
	_ =	sdelay $0x1  }
0x153: {  	v3 =	vadd.s32 v1, v3;
	_ =	sdelay $0x1  }
0x154: {  	s23 =	simm.s32 $0x2200  }
0x155: {  	[tilespmem:s23], [sflag:$0x1] =	stream.indirect_vreg.gather [hbm4b:s1+s3], $0x80, v4, vm0, $0xb8;
	[tilespmem:$0x19200] =	vst v63  }
0x156: {  	s24 =	simm.s32 $0x2A00  }
0x157: {  	[tilespmem:s24], [sflag:$0x1] =	stream.indirect_vreg.gather [hbm4b:s1+s3], $0x80, v3, vm0, $0xb8;
	[tilespmem:$0x19200] =	vst v63  }
0x158: {  	v3 =	vld [tilespmem:$0x30];
	_ =	sdelay $0x4  }
0x159: {  	v19 =	vshll.u32 v3, $0x1  }
0x15a: {  	v3 =	vand.u32 $0x7, v3;
	v4 =	vand.u32 $0xFFFFFFF0, v19  }
0x15b: {  	v3 =	vor.u32 v3, v4  }
0x15c: {  	v4 =	vperm.xlane v3, v0;
	_ =	sdelay $0x1  }
0x15d: {  	v3 =	vperm.xlane v3, v2;
	v4 =	vadd.s32 v1, v4;
	_ =	sdelay $0x1  }
0x15e: {  	v3 =	vadd.s32 v1, v3;
	_ =	sdelay $0x1  }
0x15f: {  	s24 =	simm.s32 $0x3200  }
0x160: {  	[tilespmem:s24], [sflag:$0x1] =	stream.indirect_vreg.gather [hbm4b:s1+s3], $0x80, v4, vm0, $0xb8;
	[tilespmem:$0x19200] =	vst v63  }
0x161: {  	s25 =	simm.s32 $0x3A00  }
0x162: {  	[tilespmem:s25], [sflag:$0x1] =	stream.indirect_vreg.gather [hbm4b:s1+s3], $0x80, v3, vm0, $0xb8;
	[tilespmem:$0x19200] =	vst v63  }
0x163: {  	v3 =	vld [tilespmem:$0x40];
	_ =	sdelay $0x4  }
0x164: {  	v20 =	vshll.u32 v3, $0x1  }
0x165: {  	v3 =	vand.u32 $0x7, v3;
	v4 =	vand.u32 $0xFFFFFFF0, v20  }
0x166: {  	v3 =	vor.u32 v3, v4  }
0x167: {  	v4 =	vperm.xlane v3, v0;
	_ =	sdelay $0x1  }
0x168: {  	v3 =	vperm.xlane v3, v2;
	v4 =	vadd.s32 v1, v4;
	_ =	sdelay $0x1  }
0x169: {  	v3 =	vadd.s32 v1, v3;
	_ =	sdelay $0x1  }
0x16a: {  	s25 =	simm.s32 $0x4200  }
0x16b: {  	[tilespmem:s25], [sflag:$0x1] =	stream.indirect_vreg.gather [hbm4b:s1+s3], $0x80, v4, vm0, $0xb8;
	[tilespmem:$0x19200] =	vst v63  }
0x16c: {  	s26 =	simm.s32 $0x4A00  }
0x16d: {  	[tilespmem:s26], [sflag:$0x1] =	stream.indirect_vreg.gather [hbm4b:s1+s3], $0x80, v3, vm0, $0xb8;
	[tilespmem:$0x19200] =	vst v63  }
0x16e: {  	v3 =	vld [tilespmem:$0x50];
	_ =	sdelay $0x4  }
0x16f: {  	v21 =	vshll.u32 v3, $0x1  }
0x170: {  	v3 =	vand.u32 $0x7, v3;
	v4 =	vand.u32 $0xFFFFFFF0, v21  }
0x171: {  	v3 =	vor.u32 v3, v4  }
0x172: {  	v4 =	vperm.xlane v3, v0;
	_ =	sdelay $0x1  }
0x173: {  	v3 =	vperm.xlane v3, v2;
	v4 =	vadd.s32 v1, v4;
	_ =	sdelay $0x1  }
0x174: {  	v3 =	vadd.s32 v1, v3;
	_ =	sdelay $0x1  }
0x175: {  	s26 =	simm.s32 $0x5200  }
0x176: {  	[tilespmem:s26], [sflag:$0x1] =	stream.indirect_vreg.gather [hbm4b:s1+s3], $0x80, v4, vm0, $0xb8;
	[tilespmem:$0x19200] =	vst v63  }
0x177: {  	s28 =	simm.s32 $0x5A00  }
0x178: {  	[tilespmem:s28], [sflag:$0x1] =	stream.indirect_vreg.gather [hbm4b:s1+s3], $0x80, v3, vm0, $0xb8;
	[tilespmem:$0x19200] =	vst v63  }
0x179: {  	v3 =	vld [tilespmem:$0x60];
	_ =	sdelay $0x4  }
0x17a: {  	v22 =	vshll.u32 v3, $0x1  }
0x17b: {  	v3 =	vand.u32 $0x7, v3;
	v4 =	vand.u32 $0xFFFFFFF0, v22  }
0x17c: {  	v3 =	vor.u32 v3, v4  }
0x17d: {  	v4 =	vperm.xlane v3, v0;
	_ =	sdelay $0x1  }
0x17e: {  	v3 =	vperm.xlane v3, v2;
	v4 =	vadd.s32 v1, v4;
	_ =	sdelay $0x1  }
0x17f: {  	v3 =	vadd.s32 v1, v3;
	_ =	sdelay $0x1  }
0x180: {  	s28 =	simm.s32 $0x6200  }
0x181: {  	[tilespmem:s28], [sflag:$0x1] =	stream.indirect_vreg.gather [hbm4b:s1+s3], $0x80, v4, vm0, $0xb8;
	[tilespmem:$0x19200] =	vst v63  }
0x182: {  	s30 =	simm.s32 $0x6A00  }
0x183: {  	[tilespmem:s30], [sflag:$0x1] =	stream.indirect_vreg.gather [hbm4b:s1+s3], $0x80, v3, vm0, $0xb8;
	[tilespmem:$0x19200] =	vst v63  }
0x184: {  	v3 =	vld [tilespmem:$0x70];
	_ =	sdelay $0x4  }
0x185: {  	v23 =	vshll.u32 v3, $0x1  }
0x186: {  	v3 =	vand.u32 $0x7, v3;
	v4 =	vand.u32 $0xFFFFFFF0, v23  }
0x187: {  	v3 =	vor.u32 v3, v4  }
0x188: {  	v4 =	vperm.xlane v3, v0;
	_ =	sdelay $0x1  }
0x189: {  	v3 =	vperm.xlane v3, v2;
	v4 =	vadd.s32 v1, v4;
	_ =	sdelay $0x1  }
0x18a: {  	v3 =	vadd.s32 v1, v3;
	_ =	sdelay $0x1  }
0x18b: {  	s30 =	simm.s32 $0x7200  }
0x18c: {  	[tilespmem:s30], [sflag:$0x1] =	stream.indirect_vreg.gather [hbm4b:s1+s3], $0x80, v4, vm0, $0xb8;
	[tilespmem:$0x19200] =	vst v63  }
0x18d: {  	s30 =	simm.s32 $0x7A00  }
0x18e: {  	[tilespmem:s30], [sflag:$0x1] =	stream.indirect_vreg.gather [hbm4b:s1+s3], $0x80, v3, vm0, $0xb8;
	[tilespmem:$0x19200] =	vst v63  }
0x18f: {  	v3 =	vld [tilespmem:$0x80];
	_ =	sdelay $0x4  }
0x190: {  	v24 =	vshll.u32 v3, $0x1  }
0x191: {  	v3 =	vand.u32 $0x7, v3;
	v4 =	vand.u32 $0xFFFFFFF0, v24  }
0x192: {  	v3 =	vor.u32 v3, v4  }
0x193: {  	v4 =	vperm.xlane v3, v0;
	_ =	sdelay $0x1  }
0x194: {  	v3 =	vperm.xlane v3, v2;
	v4 =	vadd.s32 v1, v4;
	_ =	sdelay $0x1  }
0x195: {  	v3 =	vadd.s32 v1, v3;
	_ =	sdelay $0x1  }
0x196: {  	s30 =	simm.s32 $0x8200  }
0x197: {  	[tilespmem:s30], [sflag:$0x1] =	stream.indirect_vreg.gather [hbm4b:s1+s3], $0x80, v4, vm0, $0xb8;
	[tilespmem:$0x19200] =	vst v63  }
0x198: {  	s30 =	simm.s32 $0x8A00  }
0x199: {  	[tilespmem:s30], [sflag:$0x1] =	stream.indirect_vreg.gather [hbm4b:s1+s3], $0x80, v3, vm0, $0xb8;
	[tilespmem:$0x19200] =	vst v63  }
0x19a: {  	v3 =	vld [tilespmem:$0x90];
	_ =	sdelay $0x4  }
0x19b: {  	v25 =	vshll.u32 v3, $0x1  }
0x19c: {  	v3 =	vand.u32 $0x7, v3;
	v4 =	vand.u32 $0xFFFFFFF0, v25  }
0x19d: {  	v3 =	vor.u32 v3, v4  }
0x19e: {  	v4 =	vperm.xlane v3, v0;
	_ =	sdelay $0x1  }
0x19f: {  	v3 =	vperm.xlane v3, v2;
	v4 =	vadd.s32 v1, v4;
	_ =	sdelay $0x1  }
0x1a0: {  	v3 =	vadd.s32 v1, v3;
	_ =	sdelay $0x1  }
0x1a1: {  	s30 =	simm.s32 $0x9200  }
0x1a2: {  	[tilespmem:s30], [sflag:$0x1] =	stream.indirect_vreg.gather [hbm4b:s1+s3], $0x80, v4, vm0, $0xb8;
	[tilespmem:$0x19200] =	vst v63  }
0x1a3: {  	s30 =	simm.s32 $0x9A00  }
0x1a4: {  	[tilespmem:s30], [sflag:$0x1] =	stream.indirect_vreg.gather [hbm4b:s1+s3], $0x80, v3, vm0, $0xb8;
	[tilespmem:$0x19200] =	vst v63  }
0x1a5: {  	v3 =	vld [tilespmem:$0xA0];
	_ =	sdelay $0x4  }
0x1a6: {  	v26 =	vshll.u32 v3, $0x1  }
0x1a7: {  	v3 =	vand.u32 $0x7, v3;
	v4 =	vand.u32 $0xFFFFFFF0, v26  }
0x1a8: {  	v3 =	vor.u32 v3, v4  }
0x1a9: {  	v4 =	vperm.xlane v3, v0;
	_ =	sdelay $0x1  }
0x1aa: {  	v3 =	vperm.xlane v3, v2;
	v4 =	vadd.s32 v1, v4;
	_ =	sdelay $0x1  }
0x1ab: {  	v3 =	vadd.s32 v1, v3;
	_ =	sdelay $0x1  }
0x1ac: {  	s30 =	simm.s32 $0xA200  }
0x1ad: {  	[tilespmem:s30], [sflag:$0x1] =	stream.indirect_vreg.gather [hbm4b:s1+s3], $0x80, v4, vm0, $0xb8;
	[tilespmem:$0x19200] =	vst v63  }
0x1ae: {  	s30 =	simm.s32 $0xAA00  }
0x1af: {  	[tilespmem:s30], [sflag:$0x1] =	stream.indirect_vreg.gather [hbm4b:s1+s3], $0x80, v3, vm0, $0xb8;
	[tilespmem:$0x19200] =	vst v63  }
0x1b0: {  	v3 =	vld [tilespmem:$0xB0];
	_ =	sdelay $0x4  }
0x1b1: {  	v27 =	vshll.u32 v3, $0x1  }
0x1b2: {  	v3 =	vand.u32 $0x7, v3;
	v4 =	vand.u32 $0xFFFFFFF0, v27  }
0x1b3: {  	v3 =	vor.u32 v3, v4  }
0x1b4: {  	v4 =	vperm.xlane v3, v0;
	_ =	sdelay $0x1  }
0x1b5: {  	v3 =	vperm.xlane v3, v2;
	v4 =	vadd.s32 v1, v4;
	_ =	sdelay $0x1  }
0x1b6: {  	v3 =	vadd.s32 v1, v3;
	_ =	sdelay $0x1  }
0x1b7: {  	s30 =	simm.s32 $0xB200  }
0x1b8: {  	[tilespmem:s30], [sflag:$0x1] =	stream.indirect_vreg.gather [hbm4b:s1+s3], $0x80, v4, vm0, $0xb8;
	[tilespmem:$0x19200] =	vst v63  }
0x1b9: {  	s30 =	simm.s32 $0xBA00  }
0x1ba: {  	[tilespmem:s30], [sflag:$0x1] =	stream.indirect_vreg.gather [hbm4b:s1+s3], $0x80, v3, vm0, $0xb8;
	[tilespmem:$0x19200] =	vst v63  }
0x1bb: {  	v3 =	vld [tilespmem:$0xC0];
	_ =	sdelay $0x4  }
0x1bc: {  	v28 =	vshll.u32 v3, $0x1  }
0x1bd: {  	v3 =	vand.u32 $0x7, v3;
	v4 =	vand.u32 $0xFFFFFFF0, v28  }
0x1be: {  	v3 =	vor.u32 v3, v4  }
0x1bf: {  	v4 =	vperm.xlane v3, v0;
	_ =	sdelay $0x1  }
0x1c0: {  	v3 =	vperm.xlane v3, v2;
	v4 =	vadd.s32 v1, v4;
	_ =	sdelay $0x1  }
0x1c1: {  	v3 =	vadd.s32 v1, v3;
	_ =	sdelay $0x1  }
0x1c2: {  	s30 =	simm.s32 $0xC200  }
0x1c3: {  	[tilespmem:s30], [sflag:$0x1] =	stream.indirect_vreg.gather [hbm4b:s1+s3], $0x80, v4, vm0, $0xb8;
	[tilespmem:$0x19200] =	vst v63  }
0x1c4: {  	s30 =	simm.s32 $0xCA00  }
0x1c5: {  	[tilespmem:s30], [sflag:$0x1] =	stream.indirect_vreg.gather [hbm4b:s1+s3], $0x80, v3, vm0, $0xb8;
	[tilespmem:$0x19200] =	vst v63  }
0x1c6: {  	v3 =	vld [tilespmem:$0xD0];
	_ =	sdelay $0x4  }
0x1c7: {  	v29 =	vshll.u32 v3, $0x1  }
0x1c8: {  	v3 =	vand.u32 $0x7, v3;
	v4 =	vand.u32 $0xFFFFFFF0, v29  }
0x1c9: {  	v3 =	vor.u32 v3, v4  }
0x1ca: {  	v4 =	vperm.xlane v3, v0;
	_ =	sdelay $0x1  }
0x1cb: {  	v3 =	vperm.xlane v3, v2;
	v4 =	vadd.s32 v1, v4;
	_ =	sdelay $0x1  }
0x1cc: {  	v3 =	vadd.s32 v1, v3;
	_ =	sdelay $0x1  }
0x1cd: {  	s30 =	simm.s32 $0xD200  }
0x1ce: {  	[tilespmem:s30], [sflag:$0x1] =	stream.indirect_vreg.gather [hbm4b:s1+s3], $0x80, v4, vm0, $0xb8;
	[tilespmem:$0x19200] =	vst v63  }
0x1cf: {  	s30 =	simm.s32 $0xDA00  }
0x1d0: {  	[tilespmem:s30], [sflag:$0x1] =	stream.indirect_vreg.gather [hbm4b:s1+s3], $0x80, v3, vm0, $0xb8;
	[tilespmem:$0x19200] =	vst v63  }
0x1d1: {  	v3 =	vld [tilespmem:$0xE0];
	_ =	sdelay $0x4  }
0x1d2: {  	v30 =	vshll.u32 v3, $0x1  }
0x1d3: {  	v3 =	vand.u32 $0x7, v3;
	v4 =	vand.u32 $0xFFFFFFF0, v30  }
0x1d4: {  	v3 =	vor.u32 v3, v4  }
0x1d5: {  	v4 =	vperm.xlane v3, v0;
	_ =	sdelay $0x1  }
0x1d6: {  	v3 =	vperm.xlane v3, v2;
	v4 =	vadd.s32 v1, v4;
	_ =	sdelay $0x1  }
0x1d7: {  	v3 =	vadd.s32 v1, v3;
	_ =	sdelay $0x1  }
0x1d8: {  	s30 =	simm.s32 $0xE200  }
0x1d9: {  	[tilespmem:s30], [sflag:$0x1] =	stream.indirect_vreg.gather [hbm4b:s1+s3], $0x80, v4, vm0, $0xb8;
	[tilespmem:$0x19200] =	vst v63  }
0x1da: {  	s30 =	simm.s32 $0xEA00  }
0x1db: {  	[tilespmem:s30], [sflag:$0x1] =	stream.indirect_vreg.gather [hbm4b:s1+s3], $0x80, v3, vm0, $0xb8;
	[tilespmem:$0x19200] =	vst v63  }
0x1dc: {  	v3 =	vld [tilespmem:$0xF0];
	_ =	sdelay $0x4  }
0x1dd: {  	v31 =	vshll.u32 v3, $0x1  }
0x1de: {  	v3 =	vand.u32 $0x7, v3;
	v4 =	vand.u32 $0xFFFFFFF0, v31  }
0x1df: {  	v3 =	vor.u32 v3, v4  }
0x1e0: {  	v4 =	vperm.xlane v3, v0;
	_ =	sdelay $0x1  }
0x1e1: {  	v3 =	vperm.xlane v3, v2;
	v4 =	vadd.s32 v1, v4;
	_ =	sdelay $0x1  }
0x1e2: {  	v3 =	vadd.s32 v1, v3;
	_ =	sdelay $0x1  }
0x1e3: {  	s30 =	simm.s32 $0xF200  }
0x1e4: {  	[tilespmem:s30], [sflag:$0x1] =	stream.indirect_vreg.gather [hbm4b:s1+s3], $0x80, v4, vm0, $0xb8;
	[tilespmem:$0x19200] =	vst v63  }
0x1e5: {  	s30 =	simm.s32 $0xFA00  }
0x1e6: {  	[tilespmem:s30], [sflag:$0x1] =	stream.indirect_vreg.gather [hbm4b:s1+s3], $0x80, v3, vm0, $0xb8;
	[tilespmem:$0x19200] =	vst v63  }
0x1e7: {  	v3 =	vld [tilespmem:$0x100];
	_ =	sdelay $0x4  }
0x1e8: {  	v32 =	vshll.u32 v3, $0x1  }
0x1e9: {  	v3 =	vand.u32 $0x7, v3;
	v4 =	vand.u32 $0xFFFFFFF0, v32  }
0x1ea: {  	v3 =	vor.u32 v3, v4  }
0x1eb: {  	v4 =	vperm.xlane v3, v0;
	_ =	sdelay $0x1  }
0x1ec: {  	v3 =	vperm.xlane v3, v2;
	v4 =	vadd.s32 v1, v4;
	_ =	sdelay $0x1  }
0x1ed: {  	v3 =	vadd.s32 v1, v3;
	_ =	sdelay $0x2  }
0x1ee: {  	[tilespmem:s0], [sflag:$0x1] =	stream.indirect_vreg.gather [hbm4b:s1+s3], $0x80, v4, vm0, $0xb8;
	[tilespmem:$0x19200] =	vst v63  }
0x1ef: {  	_ = 	snop  }
0x1f0: {  	[tilespmem:s2], [sflag:$0x1] =	stream.indirect_vreg.gather [hbm4b:s1+s3], $0x80, v3, vm0, $0xb8;
	[tilespmem:$0x19200] =	vst v63  }
0x1f1: {  	v3 =	vld [tilespmem:$0x110];
	_ =	sdelay $0x4  }
0x1f2: {  	v33 =	vshll.u32 v3, $0x1  }
0x1f3: {  	v3 =	vand.u32 $0x7, v3;
	v4 =	vand.u32 $0xFFFFFFF0, v33  }
0x1f4: {  	v3 =	vor.u32 v3, v4  }
0x1f5: {  	v4 =	vperm.xlane v3, v0;
	_ =	sdelay $0x1  }
0x1f6: {  	v3 =	vperm.xlane v3, v2;
	v4 =	vadd.s32 v1, v4;
	_ =	sdelay $0x1  }
0x1f7: {  	v3 =	vadd.s32 v1, v3;
	_ =	sdelay $0x2  }
0x1f8: {  	[tilespmem:s31], [sflag:$0x1] =	stream.indirect_vreg.gather [hbm4b:s1+s3], $0x80, v4, vm0, $0xb8;
	[tilespmem:$0x19200] =	vst v63  }
0x1f9: {  	_ = 	snop  }
0x1fa: {  	[tilespmem:s7], [sflag:$0x1] =	stream.indirect_vreg.gather [hbm4b:s1+s3], $0x80, v3, vm0, $0xb8;
	[tilespmem:$0x19200] =	vst v63  }
0x1fb: {  	v3 =	vld [tilespmem:$0x120];
	_ =	sdelay $0x4  }
0x1fc: {  	v34 =	vshll.u32 v3, $0x1  }
0x1fd: {  	v3 =	vand.u32 $0x7, v3;
	v4 =	vand.u32 $0xFFFFFFF0, v34  }
0x1fe: {  	v3 =	vor.u32 v3, v4  }
0x1ff: {  	v4 =	vperm.xlane v3, v0;
	_ =	sdelay $0x1  }
0x200: {  	v3 =	vperm.xlane v3, v2;
	v4 =	vadd.s32 v1, v4;
	_ =	sdelay $0x1  }
0x201: {  	v3 =	vadd.s32 v1, v3;
	_ =	sdelay $0x2  }
0x202: {  	[tilespmem:s10], [sflag:$0x1] =	stream.indirect_vreg.gather [hbm4b:s1+s3], $0x80, v4, vm0, $0xb8;
	[tilespmem:$0x19200] =	vst v63  }
0x203: {  	_ = 	snop  }
0x204: {  	[tilespmem:s11], [sflag:$0x1] =	stream.indirect_vreg.gather [hbm4b:s1+s3], $0x80, v3, vm0, $0xb8;
	[tilespmem:$0x19200] =	vst v63  }
0x205: {  	v3 =	vld [tilespmem:$0x130];
	_ =	sdelay $0x4  }
0x206: {  	v35 =	vshll.u32 v3, $0x1  }
0x207: {  	v3 =	vand.u32 $0x7, v3;
	v4 =	vand.u32 $0xFFFFFFF0, v35  }
0x208: {  	v3 =	vor.u32 v3, v4  }
0x209: {  	v4 =	vperm.xlane v3, v0;
	_ =	sdelay $0x1  }
0x20a: {  	v3 =	vperm.xlane v3, v2;
	v4 =	vadd.s32 v1, v4;
	_ =	sdelay $0x1  }
0x20b: {  	v3 =	vadd.s32 v1, v3;
	_ =	sdelay $0x2  }
0x20c: {  	[tilespmem:s12], [sflag:$0x1] =	stream.indirect_vreg.gather [hbm4b:s1+s3], $0x80, v4, vm0, $0xb8;
	[tilespmem:$0x19200] =	vst v63  }
0x20d: {  	_ = 	snop  }
0x20e: {  	[tilespmem:s13], [sflag:$0x1] =	stream.indirect_vreg.gather [hbm4b:s1+s3], $0x80, v3, vm0, $0xb8;
	[tilespmem:$0x19200] =	vst v63  }
0x20f: {  	v3 =	vld [tilespmem:$0x140];
	_ =	sdelay $0x4  }
0x210: {  	v36 =	vshll.u32 v3, $0x1  }
0x211: {  	v3 =	vand.u32 $0x7, v3;
	v4 =	vand.u32 $0xFFFFFFF0, v36  }
0x212: {  	v3 =	vor.u32 v3, v4  }
0x213: {  	v4 =	vperm.xlane v3, v0;
	_ =	sdelay $0x1  }
0x214: {  	v3 =	vperm.xlane v3, v2;
	v4 =	vadd.s32 v1, v4;
	_ =	sdelay $0x1  }
0x215: {  	v3 =	vadd.s32 v1, v3;
	_ =	sdelay $0x2  }
0x216: {  	[tilespmem:s14], [sflag:$0x1] =	stream.indirect_vreg.gather [hbm4b:s1+s3], $0x80, v4, vm0, $0xb8;
	[tilespmem:$0x19200] =	vst v63  }
0x217: {  	_ = 	snop  }
0x218: {  	[tilespmem:s15], [sflag:$0x1] =	stream.indirect_vreg.gather [hbm4b:s1+s3], $0x80, v3, vm0, $0xb8;
	[tilespmem:$0x19200] =	vst v63  }
0x219: {  	v3 =	vld [tilespmem:$0x150];
	_ =	sdelay $0x4  }
0x21a: {  	v37 =	vshll.u32 v3, $0x1  }
0x21b: {  	v3 =	vand.u32 $0x7, v3;
	v4 =	vand.u32 $0xFFFFFFF0, v37  }
0x21c: {  	v3 =	vor.u32 v3, v4  }
0x21d: {  	v4 =	vperm.xlane v3, v0;
	_ =	sdelay $0x1  }
0x21e: {  	v3 =	vperm.xlane v3, v2;
	v4 =	vadd.s32 v1, v4;
	_ =	sdelay $0x1  }
0x21f: {  	v3 =	vadd.s32 v1, v3;
	_ =	sdelay $0x2  }
0x220: {  	[tilespmem:s16], [sflag:$0x1] =	stream.indirect_vreg.gather [hbm4b:s1+s3], $0x80, v4, vm0, $0xb8;
	[tilespmem:$0x19200] =	vst v63  }
0x221: {  	_ = 	snop  }
0x222: {  	[tilespmem:s17], [sflag:$0x1] =	stream.indirect_vreg.gather [hbm4b:s1+s3], $0x80, v3, vm0, $0xb8;
	[tilespmem:$0x19200] =	vst v63  }
0x223: {  	v3 =	vld [tilespmem:$0x160];
	_ =	sdelay $0x4  }
0x224: {  	v38 =	vshll.u32 v3, $0x1  }
0x225: {  	v3 =	vand.u32 $0x7, v3;
	v4 =	vand.u32 $0xFFFFFFF0, v38  }
0x226: {  	v3 =	vor.u32 v3, v4  }
0x227: {  	v4 =	vperm.xlane v3, v0;
	_ =	sdelay $0x1  }
0x228: {  	v3 =	vperm.xlane v3, v2;
	v4 =	vadd.s32 v1, v4;
	_ =	sdelay $0x1  }
0x229: {  	v3 =	vadd.s32 v1, v3;
	_ =	sdelay $0x2  }
0x22a: {  	[tilespmem:s18], [sflag:$0x1] =	stream.indirect_vreg.gather [hbm4b:s1+s3], $0x80, v4, vm0, $0xb8;
	[tilespmem:$0x19200] =	vst v63  }
0x22b: {  	_ = 	snop  }
0x22c: {  	[tilespmem:s19], [sflag:$0x1] =	stream.indirect_vreg.gather [hbm4b:s1+s3], $0x80, v3, vm0, $0xb8;
	[tilespmem:$0x19200] =	vst v63  }
0x22d: {  	v3 =	vld [tilespmem:$0x170];
	_ =	sdelay $0x4  }
0x22e: {  	v39 =	vshll.u32 v3, $0x1  }
0x22f: {  	v3 =	vand.u32 $0x7, v3;
	v4 =	vand.u32 $0xFFFFFFF0, v39  }
0x230: {  	v3 =	vor.u32 v3, v4  }
0x231: {  	v4 =	vperm.xlane v3, v0;
	_ =	sdelay $0x1  }
0x232: {  	v3 =	vperm.xlane v3, v2;
	v4 =	vadd.s32 v1, v4;
	_ =	sdelay $0x1  }
0x233: {  	v3 =	vadd.s32 v1, v3;
	_ =	sdelay $0x2  }
0x234: {  	[tilespmem:s20], [sflag:$0x1] =	stream.indirect_vreg.gather [hbm4b:s1+s3], $0x80, v4, vm0, $0xb8;
	[tilespmem:$0x19200] =	vst v63  }
0x235: {  	_ = 	snop  }
0x236: {  	[tilespmem:s21], [sflag:$0x1] =	stream.indirect_vreg.gather [hbm4b:s1+s3], $0x80, v3, vm0, $0xb8;
	[tilespmem:$0x19200] =	vst v63  }
0x237: {  	_ =	swait.ge [sflag:s29], $0x18000  }
0x238: {  	[sflag:s29] =	ssyncset.done $0x0  }
0x239: {  	s0 =	rddreg [dreg:$0xa];
	[sflag:s29] =	ssyncadd.s32 $0xFFFE8000  }
0x23a: {  	[hbm4b:s0+s3] =	stream.linear.scatter [tilespmem:s5], [sflag:$0x2], $0x18000, $0x38;
	[tilespmem:$0x19200] =	vst v63  }
0x23b: {  	_ =	swait.ge [sflag:s9], $0x18000  }
0x23c: {  	[sflag:s9] =	ssyncset.done $0x0  }
0x23d: {  	s2 =	rddreg [dreg:$0xb];
	[sflag:s9] =	ssyncadd.s32 $0xFFFE8000  }
0x23e: {  	[tilespmem:s3], [sflag:$0x2] =	stream.linear.gather [hbm4b:s2+s3], $0x100, $0x38;
	[tilespmem:$0x19200] =	vst v63  }
0x23f: {  	_ =	swait.ge [sflag:s9], $0x100  }
0x240: {  	[sflag:s9] =	ssyncset.done $0x0  }
0x241: {  	[sflag:s9] =	ssyncadd.s32 $0xFFFFFF00  }
0x242: {  	v3 =	vld [tilespmem:$0x0];
	_ =	sdelay $0x4  }
0x243: {  	v40 =	vshll.u32 v3, $0x1  }
0x244: {  	v3 =	vand.u32 $0x7, v3;
	v4 =	vand.u32 $0xFFFFFFF0, v40  }
0x245: {  	v3 =	vor.u32 v3, v4  }
0x246: {  	v4 =	vperm.xlane v3, v0;
	_ =	sdelay $0x1  }
0x247: {  	v3 =	vperm.xlane v3, v2;
	v4 =	vadd.s32 v1, v4;
	_ =	sdelay $0x1  }
0x248: {  	v3 =	vadd.s32 v1, v3;
	_ =	sdelay $0x2  }
0x249: {  	[tilespmem:s5], [sflag:$0x1] =	stream.indirect_vreg.gather [hbm4b:s4+s3], $0x80, v4, vm0, $0xb8;
	[tilespmem:$0x19200] =	vst v63  }
0x24a: {  	s7 =	simm.s32 $0xA00  }
0x24b: {  	[tilespmem:s7], [sflag:$0x1] =	stream.indirect_vreg.gather [hbm4b:s4+s3], $0x80, v3, vm0, $0xb8;
	[tilespmem:$0x19200] =	vst v63  }
0x24c: {  	v3 =	vld [tilespmem:$0x10];
	_ =	sdelay $0x4  }
0x24d: {  	v41 =	vshll.u32 v3, $0x1  }
0x24e: {  	v3 =	vand.u32 $0x7, v3;
	v4 =	vand.u32 $0xFFFFFFF0, v41  }
0x24f: {  	v3 =	vor.u32 v3, v4  }
0x250: {  	v4 =	vperm.xlane v3, v0;
	_ =	sdelay $0x1  }
0x251: {  	v3 =	vperm.xlane v3, v2;
	v4 =	vadd.s32 v1, v4;
	_ =	sdelay $0x1  }
0x252: {  	v3 =	vadd.s32 v1, v3;
	_ =	sdelay $0x2  }
0x253: {  	[tilespmem:s22], [sflag:$0x1] =	stream.indirect_vreg.gather [hbm4b:s4+s3], $0x80, v4, vm0, $0xb8;
	[tilespmem:$0x19200] =	vst v63  }
0x254: {  	s10 =	simm.s32 $0x1A00  }
0x255: {  	[tilespmem:s10], [sflag:$0x1] =	stream.indirect_vreg.gather [hbm4b:s4+s3], $0x80, v3, vm0, $0xb8;
	[tilespmem:$0x19200] =	vst v63  }
0x256: {  	v3 =	vld [tilespmem:$0x20];
	_ =	sdelay $0x4  }
0x257: {  	v42 =	vshll.u32 v3, $0x1  }
0x258: {  	v3 =	vand.u32 $0x7, v3;
	v4 =	vand.u32 $0xFFFFFFF0, v42  }
0x259: {  	v3 =	vor.u32 v3, v4  }
0x25a: {  	v4 =	vperm.xlane v3, v0;
	_ =	sdelay $0x1  }
0x25b: {  	v3 =	vperm.xlane v3, v2;
	v4 =	vadd.s32 v1, v4;
	_ =	sdelay $0x1  }
0x25c: {  	v3 =	vadd.s32 v1, v3;
	_ =	sdelay $0x2  }
0x25d: {  	[tilespmem:s23], [sflag:$0x1] =	stream.indirect_vreg.gather [hbm4b:s4+s3], $0x80, v4, vm0, $0xb8;
	[tilespmem:$0x19200] =	vst v63  }
0x25e: {  	s11 =	simm.s32 $0x2A00  }
0x25f: {  	[tilespmem:s11], [sflag:$0x1] =	stream.indirect_vreg.gather [hbm4b:s4+s3], $0x80, v3, vm0, $0xb8;
	[tilespmem:$0x19200] =	vst v63  }
0x260: {  	v3 =	vld [tilespmem:$0x30];
	_ =	sdelay $0x4  }
0x261: {  	v43 =	vshll.u32 v3, $0x1  }
0x262: {  	v3 =	vand.u32 $0x7, v3;
	v4 =	vand.u32 $0xFFFFFFF0, v43  }
0x263: {  	v3 =	vor.u32 v3, v4  }
0x264: {  	v4 =	vperm.xlane v3, v0;
	_ =	sdelay $0x1  }
0x265: {  	v3 =	vperm.xlane v3, v2;
	v4 =	vadd.s32 v1, v4;
	_ =	sdelay $0x1  }
0x266: {  	v3 =	vadd.s32 v1, v3;
	_ =	sdelay $0x2  }
0x267: {  	[tilespmem:s24], [sflag:$0x1] =	stream.indirect_vreg.gather [hbm4b:s4+s3], $0x80, v4, vm0, $0xb8;
	[tilespmem:$0x19200] =	vst v63  }
0x268: {  	s12 =	simm.s32 $0x3A00  }
0x269: {  	[tilespmem:s12], [sflag:$0x1] =	stream.indirect_vreg.gather [hbm4b:s4+s3], $0x80, v3, vm0, $0xb8;
	[tilespmem:$0x19200] =	vst v63  }
0x26a: {  	v3 =	vld [tilespmem:$0x40];
	_ =	sdelay $0x4  }
0x26b: {  	v44 =	vshll.u32 v3, $0x1  }
0x26c: {  	v3 =	vand.u32 $0x7, v3;
	v4 =	vand.u32 $0xFFFFFFF0, v44  }
0x26d: {  	v3 =	vor.u32 v3, v4  }
0x26e: {  	v4 =	vperm.xlane v3, v0;
	_ =	sdelay $0x1  }
0x26f: {  	v3 =	vperm.xlane v3, v2;
	v4 =	vadd.s32 v1, v4;
	_ =	sdelay $0x1  }
0x270: {  	v3 =	vadd.s32 v1, v3;
	_ =	sdelay $0x2  }
0x271: {  	[tilespmem:s25], [sflag:$0x1] =	stream.indirect_vreg.gather [hbm4b:s4+s3], $0x80, v4, vm0, $0xb8;
	[tilespmem:$0x19200] =	vst v63  }
0x272: {  	s13 =	simm.s32 $0x4A00  }
0x273: {  	[tilespmem:s13], [sflag:$0x1] =	stream.indirect_vreg.gather [hbm4b:s4+s3], $0x80, v3, vm0, $0xb8;
	[tilespmem:$0x19200] =	vst v63  }
0x274: {  	v3 =	vld [tilespmem:$0x50];
	_ =	sdelay $0x4  }
0x275: {  	v45 =	vshll.u32 v3, $0x1  }
0x276: {  	v3 =	vand.u32 $0x7, v3;
	v4 =	vand.u32 $0xFFFFFFF0, v45  }
0x277: {  	v3 =	vor.u32 v3, v4  }
0x278: {  	v4 =	vperm.xlane v3, v0;
	_ =	sdelay $0x1  }
0x279: {  	v3 =	vperm.xlane v3, v2;
	v4 =	vadd.s32 v1, v4;
	_ =	sdelay $0x1  }
0x27a: {  	v3 =	vadd.s32 v1, v3;
	_ =	sdelay $0x2  }
0x27b: {  	[tilespmem:s26], [sflag:$0x1] =	stream.indirect_vreg.gather [hbm4b:s4+s3], $0x80, v4, vm0, $0xb8;
	[tilespmem:$0x19200] =	vst v63  }
0x27c: {  	s15 =	simm.s32 $0x5A00  }
0x27d: {  	[tilespmem:s15], [sflag:$0x1] =	stream.indirect_vreg.gather [hbm4b:s4+s3], $0x80, v3, vm0, $0xb8;
	[tilespmem:$0x19200] =	vst v63  }
0x27e: {  	v3 =	vld [tilespmem:$0x60];
	_ =	sdelay $0x4  }
0x27f: {  	v46 =	vshll.u32 v3, $0x1  }
0x280: {  	v3 =	vand.u32 $0x7, v3;
	v4 =	vand.u32 $0xFFFFFFF0, v46  }
0x281: {  	v3 =	vor.u32 v3, v4  }
0x282: {  	v4 =	vperm.xlane v3, v0;
	_ =	sdelay $0x1  }
0x283: {  	v3 =	vperm.xlane v3, v2;
	v4 =	vadd.s32 v1, v4;
	_ =	sdelay $0x1  }
0x284: {  	v3 =	vadd.s32 v1, v3;
	_ =	sdelay $0x2  }
0x285: {  	[tilespmem:s28], [sflag:$0x1] =	stream.indirect_vreg.gather [hbm4b:s4+s3], $0x80, v4, vm0, $0xb8;
	[tilespmem:$0x19200] =	vst v63  }
0x286: {  	s16 =	simm.s32 $0x6A00  }
0x287: {  	[tilespmem:s16], [sflag:$0x1] =	stream.indirect_vreg.gather [hbm4b:s4+s3], $0x80, v3, vm0, $0xb8;
	[tilespmem:$0x19200] =	vst v63  }
0x288: {  	v3 =	vld [tilespmem:$0x70];
	_ =	sdelay $0x4  }
0x289: {  	v47 =	vshll.u32 v3, $0x1  }
0x28a: {  	v3 =	vand.u32 $0x7, v3;
	v4 =	vand.u32 $0xFFFFFFF0, v47  }
0x28b: {  	v3 =	vor.u32 v3, v4  }
0x28c: {  	v4 =	vperm.xlane v3, v0;
	_ =	sdelay $0x1  }
0x28d: {  	v3 =	vperm.xlane v3, v2;
	v4 =	vadd.s32 v1, v4;
	_ =	sdelay $0x1  }
0x28e: {  	v3 =	vadd.s32 v1, v3;
	_ =	sdelay $0x1  }
0x28f: {  	s17 =	simm.s32 $0x7200  }
0x290: {  	[tilespmem:s17], [sflag:$0x1] =	stream.indirect_vreg.gather [hbm4b:s4+s3], $0x80, v4, vm0, $0xb8;
	[tilespmem:$0x19200] =	vst v63  }
0x291: {  	s24 =	simm.s32 $0x7A00  }
0x292: {  	[tilespmem:s24], [sflag:$0x1] =	stream.indirect_vreg.gather [hbm4b:s4+s3], $0x80, v3, vm0, $0xb8;
	[tilespmem:$0x19200] =	vst v63  }
0x293: {  	v3 =	vld [tilespmem:$0x80];
	_ =	sdelay $0x4  }
0x294: {  	v48 =	vshll.u32 v3, $0x1  }
0x295: {  	v3 =	vand.u32 $0x7, v3;
	v4 =	vand.u32 $0xFFFFFFF0, v48  }
0x296: {  	v3 =	vor.u32 v3, v4  }
0x297: {  	v4 =	vperm.xlane v3, v0;
	_ =	sdelay $0x1  }
0x298: {  	v3 =	vperm.xlane v3, v2;
	v4 =	vadd.s32 v1, v4;
	_ =	sdelay $0x1  }
0x299: {  	v3 =	vadd.s32 v1, v3;
	_ =	sdelay $0x1  }
0x29a: {  	s25 =	simm.s32 $0x8200  }
0x29b: {  	[tilespmem:s25], [sflag:$0x1] =	stream.indirect_vreg.gather [hbm4b:s4+s3], $0x80, v4, vm0, $0xb8;
	[tilespmem:$0x19200] =	vst v63  }
0x29c: {  	s26 =	simm.s32 $0x8A00  }
0x29d: {  	[tilespmem:s26], [sflag:$0x1] =	stream.indirect_vreg.gather [hbm4b:s4+s3], $0x80, v3, vm0, $0xb8;
	[tilespmem:$0x19200] =	vst v63  }
0x29e: {  	v3 =	vld [tilespmem:$0x90];
	_ =	sdelay $0x4  }
0x29f: {  	v49 =	vshll.u32 v3, $0x1  }
0x2a0: {  	v3 =	vand.u32 $0x7, v3;
	v4 =	vand.u32 $0xFFFFFFF0, v49  }
0x2a1: {  	v3 =	vor.u32 v3, v4  }
0x2a2: {  	v4 =	vperm.xlane v3, v0;
	_ =	sdelay $0x1  }
0x2a3: {  	v3 =	vperm.xlane v3, v2;
	v4 =	vadd.s32 v1, v4;
	_ =	sdelay $0x1  }
0x2a4: {  	v3 =	vadd.s32 v1, v3;
	_ =	sdelay $0x1  }
0x2a5: {  	s28 =	simm.s32 $0x9200  }
0x2a6: {  	[tilespmem:s28], [sflag:$0x1] =	stream.indirect_vreg.gather [hbm4b:s4+s3], $0x80, v4, vm0, $0xb8;
	[tilespmem:$0x19200] =	vst v63  }
0x2a7: {  	s30 =	simm.s32 $0x9A00  }
0x2a8: {  	[tilespmem:s30], [sflag:$0x1] =	stream.indirect_vreg.gather [hbm4b:s4+s3], $0x80, v3, vm0, $0xb8;
	[tilespmem:$0x19200] =	vst v63  }
0x2a9: {  	v3 =	vld [tilespmem:$0xA0];
	_ =	sdelay $0x4  }
0x2aa: {  	v50 =	vshll.u32 v3, $0x1  }
0x2ab: {  	v3 =	vand.u32 $0x7, v3;
	v4 =	vand.u32 $0xFFFFFFF0, v50  }
0x2ac: {  	v3 =	vor.u32 v3, v4  }
0x2ad: {  	v4 =	vperm.xlane v3, v0;
	_ =	sdelay $0x1  }
0x2ae: {  	v3 =	vperm.xlane v3, v2;
	v4 =	vadd.s32 v1, v4;
	_ =	sdelay $0x1  }
0x2af: {  	v3 =	vadd.s32 v1, v3;
	_ =	sdelay $0x1  }
0x2b0: {  	s31 =	simm.s32 $0xA200  }
0x2b1: {  	[tilespmem:s31], [sflag:$0x1] =	stream.indirect_vreg.gather [hbm4b:s4+s3], $0x80, v4, vm0, $0xb8;
	[tilespmem:$0x19200] =	vst v63  }
0x2b2: {  	s2 =	simm.s32 $0xAA00  }
0x2b3: {  	[tilespmem:s2], [sflag:$0x1] =	stream.indirect_vreg.gather [hbm4b:s4+s3], $0x80, v3, vm0, $0xb8;
	[tilespmem:$0x19200] =	vst v63  }
0x2b4: {  	v3 =	vld [tilespmem:$0xB0];
	_ =	sdelay $0x4  }
0x2b5: {  	v51 =	vshll.u32 v3, $0x1  }
0x2b6: {  	v3 =	vand.u32 $0x7, v3;
	v4 =	vand.u32 $0xFFFFFFF0, v51  }
0x2b7: {  	v3 =	vor.u32 v3, v4  }
0x2b8: {  	v4 =	vperm.xlane v3, v0;
	_ =	sdelay $0x1  }
0x2b9: {  	v3 =	vperm.xlane v3, v2;
	v4 =	vadd.s32 v1, v4;
	_ =	sdelay $0x1  }
0x2ba: {  	v3 =	vadd.s32 v1, v3;
	_ =	sdelay $0x1  }
0x2bb: {  	s24 =	simm.s32 $0xB200  }
0x2bc: {  	[tilespmem:s24], [sflag:$0x1] =	stream.indirect_vreg.gather [hbm4b:s4+s3], $0x80, v4, vm0, $0xb8;
	[tilespmem:$0x19200] =	vst v63  }
0x2bd: {  	s25 =	simm.s32 $0xBA00  }
0x2be: {  	[tilespmem:s25], [sflag:$0x1] =	stream.indirect_vreg.gather [hbm4b:s4+s3], $0x80, v3, vm0, $0xb8;
	[tilespmem:$0x19200] =	vst v63  }
0x2bf: {  	v3 =	vld [tilespmem:$0xC0];
	_ =	sdelay $0x4  }
0x2c0: {  	v52 =	vshll.u32 v3, $0x1  }
0x2c1: {  	v3 =	vand.u32 $0x7, v3;
	v4 =	vand.u32 $0xFFFFFFF0, v52  }
0x2c2: {  	v3 =	vor.u32 v3, v4  }
0x2c3: {  	v4 =	vperm.xlane v3, v0;
	_ =	sdelay $0x1  }
0x2c4: {  	v3 =	vperm.xlane v3, v2;
	v4 =	vadd.s32 v1, v4;
	_ =	sdelay $0x1  }
0x2c5: {  	v3 =	vadd.s32 v1, v3;
	_ =	sdelay $0x1  }
0x2c6: {  	s26 =	simm.s32 $0xC200  }
0x2c7: {  	[tilespmem:s26], [sflag:$0x1] =	stream.indirect_vreg.gather [hbm4b:s4+s3], $0x80, v4, vm0, $0xb8;
	[tilespmem:$0x19200] =	vst v63  }
0x2c8: {  	s28 =	simm.s32 $0xCA00  }
0x2c9: {  	[tilespmem:s28], [sflag:$0x1] =	stream.indirect_vreg.gather [hbm4b:s4+s3], $0x80, v3, vm0, $0xb8;
	[tilespmem:$0x19200] =	vst v63  }
0x2ca: {  	v3 =	vld [tilespmem:$0xD0];
	_ =	sdelay $0x4  }
0x2cb: {  	v53 =	vshll.u32 v3, $0x1  }
0x2cc: {  	v3 =	vand.u32 $0x7, v3;
	v4 =	vand.u32 $0xFFFFFFF0, v53  }
0x2cd: {  	v3 =	vor.u32 v3, v4  }
0x2ce: {  	v4 =	vperm.xlane v3, v0;
	_ =	sdelay $0x1  }
0x2cf: {  	v3 =	vperm.xlane v3, v2;
	v4 =	vadd.s32 v1, v4;
	_ =	sdelay $0x1  }
0x2d0: {  	v3 =	vadd.s32 v1, v3;
	_ =	sdelay $0x1  }
0x2d1: {  	s30 =	simm.s32 $0xD200  }
0x2d2: {  	[tilespmem:s30], [sflag:$0x1] =	stream.indirect_vreg.gather [hbm4b:s4+s3], $0x80, v4, vm0, $0xb8;
	[tilespmem:$0x19200] =	vst v63  }
0x2d3: {  	s31 =	simm.s32 $0xDA00  }
0x2d4: {  	[tilespmem:s31], [sflag:$0x1] =	stream.indirect_vreg.gather [hbm4b:s4+s3], $0x80, v3, vm0, $0xb8;
	[tilespmem:$0x19200] =	vst v63  }
0x2d5: {  	v3 =	vld [tilespmem:$0xE0];
	_ =	sdelay $0x4  }
0x2d6: {  	v54 =	vshll.u32 v3, $0x1  }
0x2d7: {  	v3 =	vand.u32 $0x7, v3;
	v4 =	vand.u32 $0xFFFFFFF0, v54  }
0x2d8: {  	v3 =	vor.u32 v3, v4  }
0x2d9: {  	v4 =	vperm.xlane v3, v0;
	_ =	sdelay $0x1  }
0x2da: {  	v3 =	vperm.xlane v3, v2;
	v4 =	vadd.s32 v1, v4;
	_ =	sdelay $0x1  }
0x2db: {  	v3 =	vadd.s32 v1, v3;
	_ =	sdelay $0x1  }
0x2dc: {  	s2 =	simm.s32 $0xE200  }
0x2dd: {  	[tilespmem:s2], [sflag:$0x1] =	stream.indirect_vreg.gather [hbm4b:s4+s3], $0x80, v4, vm0, $0xb8;
	[tilespmem:$0x19200] =	vst v63  }
0x2de: {  	s24 =	simm.s32 $0xEA00  }
0x2df: {  	[tilespmem:s24], [sflag:$0x1] =	stream.indirect_vreg.gather [hbm4b:s4+s3], $0x80, v3, vm0, $0xb8;
	[tilespmem:$0x19200] =	vst v63  }
0x2e0: {  	v3 =	vld [tilespmem:$0xF0];
	_ =	sdelay $0x4  }
0x2e1: {  	v55 =	vshll.u32 v3, $0x1  }
0x2e2: {  	v3 =	vand.u32 $0x7, v3;
	v4 =	vand.u32 $0xFFFFFFF0, v55  }
0x2e3: {  	v3 =	vor.u32 v3, v4  }
0x2e4: {  	v4 =	vperm.xlane v3, v0;
	_ =	sdelay $0x1  }
0x2e5: {  	v3 =	vperm.xlane v3, v2;
	v4 =	vadd.s32 v1, v4;
	_ =	sdelay $0x1  }
0x2e6: {  	v3 =	vadd.s32 v1, v3;
	_ =	sdelay $0x1  }
0x2e7: {  	s25 =	simm.s32 $0xF200  }
0x2e8: {  	[tilespmem:s25], [sflag:$0x1] =	stream.indirect_vreg.gather [hbm4b:s4+s3], $0x80, v4, vm0, $0xb8;
	[tilespmem:$0x19200] =	vst v63  }
0x2e9: {  	s26 =	simm.s32 $0xFA00  }
0x2ea: {  	[tilespmem:s26], [sflag:$0x1] =	stream.indirect_vreg.gather [hbm4b:s4+s3], $0x80, v3, vm0, $0xb8;
	[tilespmem:$0x19200] =	vst v63  }
0x2eb: {  	_ =	swait.ge [sflag:s29], $0x10000  }
0x2ec: {  	[sflag:s29] =	ssyncset.done $0x0  }
0x2ed: {  	s28 =	rddreg [dreg:$0xc];
	[sflag:s29] =	ssyncadd.s32 $0xFFFF0000  }
0x2ee: {  	[hbm4b:s28+s3] =	stream.linear.scatter [tilespmem:s5], [sflag:$0x2], $0x10000, $0x38;
	[tilespmem:$0x19200] =	vst v63  }
0x2ef: {  	_ =	swait.ge [sflag:s9], $0x10000  }
0x2f0: {  	s0 =	simm.s32 @!p0 $0x180;
	[sflag:s9] =	ssyncset.done $0x0  }
0x2f1: {  	s31 =	simm.s32 @!p0 $0x0;
	s30 =	rddreg [dreg:$0xd];
	[sflag:s9] =	ssyncadd.s32 $0xFFFF0000  }
0x2f2: {  	[tilespmem:s0], [sflag:$0x2] =	stream.linear.gather @!p0 [hbm4b:s30+s31], $0x80, $0x38;
	[tilespmem:$0x19200] =	vst v63  }
0x2f3: {  	s0 =	simm.s32 @!p0 $0x2  }
0x2f4: {  	_ =	swait.ge @!p0 [sflag:s0], $0x80  }
0x2f5: {  	[sflag:s0] =	ssyncset.done @!p0 $0x0  }
0x2f6: {  	[sflag:s0] =	ssyncadd.s32 @!p0 $0xFFFFFF80  }
0x2f7: {  	v3 =	vld @!p0 [tilespmem:$0x180];
	_ =	sdelay $0x4  }
0x2f8: {  	v4 =	vshll.u32 @!p0 v3, $0x1  }
0x2f9: {  	v5 =	vlaneseq.u32 @!p0;
	v3 =	vand.u32 @!p0 $0x7, v3;
	v4 =	vand.u32 @!p0 $0xFFFFFFF0, v4  }
0x2fa: {  	v6 =	vshrl.u32 @!p0 v5, $0x3;
	v3 =	vor.u32 @!p0 v3, v4;
	v4 =	vand.u32 @!p0 $0x7, v5  }
0x2fb: {  	v6 =	vmul.u32 @!p0 $0x8, v6;
	v4 =	vperm.xlane @!p0 v3, v4  }
0x2fc: {  	v5 =	vor.u32 @!p0 $0x8, v5  }
0x2fd: {  	v3 =	vperm.xlane @!p0 v3, v5;
	v4 =	vadd.s32 @!p0 v6, v4;
	_ =	sdelay $0x1  }
0x2fe: {  	v3 =	vadd.s32 @!p0 v6, v3;
	_ =	sdelay $0x1  }
0x2ff: {  	s30 =	simm.s32 @!p0 $0x18200  }
0x300: {  	[tilespmem:s30], [sflag:$0x1] =	stream.indirect_vreg.gather @!p0 [hbm4b:s4+s31], $0x80, v4, vm1, $0xb8;
	[tilespmem:$0x19200] =	vst v63  }
0x301: {  	s2 =	simm.s32 @!p0 $0x18A00  }
0x302: {  	[tilespmem:s2], [sflag:$0x1] =	stream.indirect_vreg.gather @!p0 [hbm4b:s4+s31], $0x80, v3, vm1, $0xb8;
	[tilespmem:$0x19200] =	vst v63  }
0x303: {  	s2 =	simm.s32 @!p0 $0x1  }
0x304: {  	_ =	swait.ge @!p0 [sflag:s2], $0x1000  }
0x305: {  	[sflag:s2] =	ssyncset.done @!p0 $0x0  }
0x306: {  	[sflag:s2] =	ssyncadd.s32 @!p0 $0xFFFFF000;
	s2 =	rddreg [dreg:$0x11]  }
0x307: {  	[hbm4b:s2+s31] =	stream.linear.scatter @!p0 [tilespmem:s30], [sflag:$0x2], $0x80, $0x38;
	[tilespmem:$0x19200] =	vst v63  }
0x308: {  	s2 =	sadd.s32 @!p0 $0x80, s2;
	s30 =	simm.s32 @!p0 $0x18600  }
0x309: {  	[hbm4b:s2+s31] =	stream.linear.scatter @!p0 [tilespmem:s30], [sflag:$0x2], $0x80, $0x38;
	[tilespmem:$0x19200] =	vst v63  }
0x30a: {  	_ =	swait.ge @!p0 [sflag:s0], $0x100  }
0x30b: {  	[sflag:s0] =	ssyncset.done @!p0 $0x0  }
0x30c: {  	s30 =	rddreg [dreg:$0xe];
	[sflag:s0] =	ssyncadd.s32 @!p0 $0xFFFFFF00  }
0x30d: {  	[tilespmem:s3], [sflag:$0x2] =	stream.linear.gather [hbm4b:s30+s3], $0x80, $0x38;
	[tilespmem:$0x19200] =	vst v63  }
0x30e: {  	_ =	swait.ge [sflag:s9], $0x80  }
0x30f: {  	[sflag:s9] =	ssyncset.done $0x0  }
0x310: {  	[sflag:s9] =	ssyncadd.s32 $0xFFFFFF80  }
0x311: {  	v3 =	vld [tilespmem:$0x0];
	_ =	sdelay $0x4  }
0x312: {  	v56 =	vshll.u32 v3, $0x1  }
0x313: {  	v3 =	vand.u32 $0x7, v3;
	v4 =	vand.u32 $0xFFFFFFF0, v56  }
0x314: {  	v3 =	vor.u32 v3, v4  }
0x315: {  	v4 =	vperm.xlane v3, v0;
	_ =	sdelay $0x1  }
0x316: {  	v3 =	vperm.xlane v3, v2;
	v4 =	vadd.s32 v1, v4;
	_ =	sdelay $0x1  }
0x317: {  	v3 =	vadd.s32 v1, v3;
	_ =	sdelay $0x2  }
0x318: {  	[tilespmem:s5], [sflag:$0x1] =	stream.indirect_vreg.gather [hbm4b:s6+s3], $0x80, v4, vm0, $0xb8;
	[tilespmem:$0x19200] =	vst v63  }
0x319: {  	s18 =	simm.s32 $0xA00  }
0x31a: {  	[tilespmem:s18], [sflag:$0x1] =	stream.indirect_vreg.gather [hbm4b:s6+s3], $0x80, v3, vm0, $0xb8;
	[tilespmem:$0x19200] =	vst v63  }
0x31b: {  	v3 =	vld [tilespmem:$0x10];
	_ =	sdelay $0x4  }
0x31c: {  	v57 =	vshll.u32 v3, $0x1  }
0x31d: {  	v3 =	vand.u32 $0x7, v3;
	v4 =	vand.u32 $0xFFFFFFF0, v57  }
0x31e: {  	v3 =	vor.u32 v3, v4  }
0x31f: {  	v4 =	vperm.xlane v3, v0;
	_ =	sdelay $0x1  }
0x320: {  	v3 =	vperm.xlane v3, v2;
	v4 =	vadd.s32 v1, v4;
	_ =	sdelay $0x1  }
0x321: {  	v3 =	vadd.s32 v1, v3;
	_ =	sdelay $0x1  }
0x322: {  	s14 =	simm.s32 $0x1200  }
0x323: {  	[tilespmem:s14], [sflag:$0x1] =	stream.indirect_vreg.gather [hbm4b:s6+s3], $0x80, v4, vm0, $0xb8;
	[tilespmem:$0x19200] =	vst v63  }
0x324: {  	s19 =	simm.s32 $0x1A00  }
0x325: {  	[tilespmem:s19], [sflag:$0x1] =	stream.indirect_vreg.gather [hbm4b:s6+s3], $0x80, v3, vm0, $0xb8;
	[tilespmem:$0x19200] =	vst v63  }
0x326: {  	v3 =	vld [tilespmem:$0x20];
	_ =	sdelay $0x4  }
0x327: {  	v58 =	vshll.u32 v3, $0x1  }
0x328: {  	v3 =	vand.u32 $0x7, v3;
	v4 =	vand.u32 $0xFFFFFFF0, v58  }
0x329: {  	v3 =	vor.u32 v3, v4  }
0x32a: {  	v4 =	vperm.xlane v3, v0;
	_ =	sdelay $0x1  }
0x32b: {  	v3 =	vperm.xlane v3, v2;
	v4 =	vadd.s32 v1, v4;
	_ =	sdelay $0x1  }
0x32c: {  	v3 =	vadd.s32 v1, v3;
	_ =	sdelay $0x1  }
0x32d: {  	s7 =	simm.s32 $0x2200  }
0x32e: {  	[tilespmem:s7], [sflag:$0x1] =	stream.indirect_vreg.gather [hbm4b:s6+s3], $0x80, v4, vm0, $0xb8;
	[tilespmem:$0x19200] =	vst v63  }
0x32f: {  	s20 =	simm.s32 $0x2A00  }
0x330: {  	[tilespmem:s20], [sflag:$0x1] =	stream.indirect_vreg.gather [hbm4b:s6+s3], $0x80, v3, vm0, $0xb8;
	[tilespmem:$0x19200] =	vst v63  }
0x331: {  	v3 =	vld [tilespmem:$0x30];
	_ =	sdelay $0x4  }
0x332: {  	v59 =	vshll.u32 v3, $0x1  }
0x333: {  	v3 =	vand.u32 $0x7, v3;
	v4 =	vand.u32 $0xFFFFFFF0, v59  }
0x334: {  	v3 =	vor.u32 v3, v4  }
0x335: {  	v4 =	vperm.xlane v3, v0;
	_ =	sdelay $0x1  }
0x336: {  	v3 =	vperm.xlane v3, v2;
	v4 =	vadd.s32 v1, v4;
	_ =	sdelay $0x1  }
0x337: {  	v3 =	vadd.s32 v1, v3;
	_ =	sdelay $0x1  }
0x338: {  	s10 =	simm.s32 $0x3200  }
0x339: {  	[tilespmem:s10], [sflag:$0x1] =	stream.indirect_vreg.gather [hbm4b:s6+s3], $0x80, v4, vm0, $0xb8;
	[tilespmem:$0x19200] =	vst v63  }
0x33a: {  	s21 =	simm.s32 $0x3A00  }
0x33b: {  	[tilespmem:s21], [sflag:$0x1] =	stream.indirect_vreg.gather [hbm4b:s6+s3], $0x80, v3, vm0, $0xb8;
	[tilespmem:$0x19200] =	vst v63  }
0x33c: {  	v3 =	vld [tilespmem:$0x40];
	_ =	sdelay $0x4  }
0x33d: {  	v60 =	vshll.u32 v3, $0x1  }
0x33e: {  	v3 =	vand.u32 $0x7, v3;
	v4 =	vand.u32 $0xFFFFFFF0, v60  }
0x33f: {  	v3 =	vor.u32 v3, v4  }
0x340: {  	v4 =	vperm.xlane v3, v0;
	_ =	sdelay $0x1  }
0x341: {  	v3 =	vperm.xlane v3, v2;
	v4 =	vadd.s32 v1, v4;
	_ =	sdelay $0x1  }
0x342: {  	v3 =	vadd.s32 v1, v3;
	_ =	sdelay $0x1  }
0x343: {  	s11 =	simm.s32 $0x4200  }
0x344: {  	[tilespmem:s11], [sflag:$0x1] =	stream.indirect_vreg.gather [hbm4b:s6+s3], $0x80, v4, vm0, $0xb8;
	[tilespmem:$0x19200] =	vst v63  }
0x345: {  	s22 =	simm.s32 $0x4A00  }
0x346: {  	[tilespmem:s22], [sflag:$0x1] =	stream.indirect_vreg.gather [hbm4b:s6+s3], $0x80, v3, vm0, $0xb8;
	[tilespmem:$0x19200] =	vst v63  }
0x347: {  	v3 =	vld [tilespmem:$0x50];
	_ =	sdelay $0x4  }
0x348: {  	v61 =	vshll.u32 v3, $0x1  }
0x349: {  	v3 =	vand.u32 $0x7, v3;
	v4 =	vand.u32 $0xFFFFFFF0, v61  }
0x34a: {  	v3 =	vor.u32 v3, v4  }
0x34b: {  	v4 =	vperm.xlane v3, v0;
	_ =	sdelay $0x1  }
0x34c: {  	v3 =	vperm.xlane v3, v2;
	v4 =	vadd.s32 v1, v4;
	_ =	sdelay $0x1  }
0x34d: {  	v3 =	vadd.s32 v1, v3;
	_ =	sdelay $0x1  }
0x34e: {  	s12 =	simm.s32 $0x5200  }
0x34f: {  	[tilespmem:s12], [sflag:$0x1] =	stream.indirect_vreg.gather [hbm4b:s6+s3], $0x80, v4, vm0, $0xb8;
	[tilespmem:$0x19200] =	vst v63  }
0x350: {  	s23 =	simm.s32 $0x5A00  }
0x351: {  	[tilespmem:s23], [sflag:$0x1] =	stream.indirect_vreg.gather [hbm4b:s6+s3], $0x80, v3, vm0, $0xb8;
	[tilespmem:$0x19200] =	vst v63  }
0x352: {  	v3 =	vld [tilespmem:$0x60];
	_ =	sdelay $0x4  }
0x353: {  	v62 =	vshll.u32 v3, $0x1  }
0x354: {  	v3 =	vand.u32 $0x7, v3;
	v4 =	vand.u32 $0xFFFFFFF0, v62  }
0x355: {  	v3 =	vor.u32 v3, v4  }
0x356: {  	v4 =	vperm.xlane v3, v0;
	_ =	sdelay $0x1  }
0x357: {  	v3 =	vperm.xlane v3, v2;
	v4 =	vadd.s32 v1, v4;
	_ =	sdelay $0x1  }
0x358: {  	v3 =	vadd.s32 v1, v3;
	_ =	sdelay $0x1  }
0x359: {  	s13 =	simm.s32 $0x6200  }
0x35a: {  	[tilespmem:s13], [sflag:$0x1] =	stream.indirect_vreg.gather [hbm4b:s6+s3], $0x80, v4, vm0, $0xb8;
	[tilespmem:$0x19200] =	vst v63  }
0x35b: {  	s16 =	simm.s32 $0x6A00  }
0x35c: {  	[tilespmem:s16], [sflag:$0x1] =	stream.indirect_vreg.gather [hbm4b:s6+s3], $0x80, v3, vm0, $0xb8;
	[tilespmem:$0x19200] =	vst v63  }
0x35d: {  	v3 =	vld [tilespmem:$0x70];
	_ =	sdelay $0x4  }
0x35e: {  	v63 =	vshll.u32 v3, $0x1  }
0x35f: {  	v3 =	vand.u32 $0x7, v3;
	v4 =	vand.u32 $0xFFFFFFF0, v63  }
0x360: {  	v3 =	vor.u32 v3, v4  }
0x361: {  	v4 =	vperm.xlane v3, v0;
	_ =	sdelay $0x1  }
0x362: {  	v3 =	vperm.xlane v3, v2;
	v4 =	vadd.s32 v1, v4;
	_ =	sdelay $0x1  }
0x363: {  	v3 =	vadd.s32 v1, v3;
	_ =	sdelay $0x1  }
0x364: {  	s15 =	simm.s32 $0x7200  }
0x365: {  	[tilespmem:s15], [sflag:$0x1] =	stream.indirect_vreg.gather [hbm4b:s6+s3], $0x80, v4, vm0, $0xb8;
	[tilespmem:$0x19200] =	vst v63  }
0x366: {  	s17 =	simm.s32 $0x7A00  }
0x367: {  	[tilespmem:s17], [sflag:$0x1] =	stream.indirect_vreg.gather [hbm4b:s6+s3], $0x80, v3, vm0, $0xb8;
	[tilespmem:$0x19200] =	vst v63  }
0x368: {  	_ =	swait.ge [sflag:s29], $0x8000  }
0x369: {  	[sflag:s29] =	ssyncset.done $0x0  }
0x36a: {  	s31 =	rddreg [dreg:$0xf];
	[sflag:s29] =	ssyncadd.s32 $0xFFFF8000  }
0x36b: {  	[hbm4b:s31+s3] =	stream.linear.scatter [tilespmem:s5], [sflag:$0x2], $0x8000, $0x38;
	[tilespmem:$0x19200] =	vst v63  }
0x36c: {  	_ =	swait.ge [sflag:s9], $0x8000  }
0x36d: {  	s2 =	simm.s32 @!p1 $0x0;
	[sflag:s9] =	ssyncset.done $0x0  }
0x36e: {  	s30 =	simm.s32 @!p1 $0x180;
	s0 =	rddreg [dreg:$0x10];
	[sflag:s9] =	ssyncadd.s32 $0xFFFF8000  }
0x36f: {  	[tilespmem:s30], [sflag:$0x2] =	stream.linear.gather @!p1 [hbm4b:s0+s2], $0x80, $0x38;
	[tilespmem:$0x19200] =	vst v63  }
0x370: {  	s0 =	simm.s32 @!p1 $0x2  }
0x371: {  	_ =	swait.ge @!p1 [sflag:s0], $0x80  }
0x372: {  	[sflag:s0] =	ssyncset.done @!p1 $0x0  }
0x373: {  	[sflag:s0] =	ssyncadd.s32 @!p1 $0xFFFFFF80  }
0x374: {  	v3 =	vld @!p1 [tilespmem:$0x180];
	_ =	sdelay $0x4  }
0x375: {  	v4 =	vshll.u32 @!p1 v3, $0x1  }
0x376: {  	v5 =	vlaneseq.u32 @!p1;
	v3 =	vand.u32 @!p1 $0x7, v3;
	v4 =	vand.u32 @!p1 $0xFFFFFFF0, v4  }
0x377: {  	v6 =	vshrl.u32 @!p1 v5, $0x3;
	v3 =	vor.u32 @!p1 v3, v4;
	v4 =	vand.u32 @!p1 $0x7, v5  }
0x378: {  	v6 =	vmul.u32 @!p1 $0x8, v6;
	v4 =	vperm.xlane @!p1 v3, v4  }
0x379: {  	v5 =	vor.u32 @!p1 $0x8, v5  }
0x37a: {  	v3 =	vperm.xlane @!p1 v3, v5;
	v4 =	vadd.s32 @!p1 v6, v4;
	_ =	sdelay $0x1  }
0x37b: {  	v3 =	vadd.s32 @!p1 v6, v3;
	_ =	sdelay $0x1  }
0x37c: {  	s30 =	simm.s32 @!p1 $0x18200  }
0x37d: {  	[tilespmem:s30], [sflag:$0x1] =	stream.indirect_vreg.gather @!p1 [hbm4b:s6+s2], $0x80, v4, vm2, $0xb8;
	[tilespmem:$0x19200] =	vst v63  }
0x37e: {  	s31 =	simm.s32 @!p1 $0x18A00  }
0x37f: {  	[tilespmem:s31], [sflag:$0x1] =	stream.indirect_vreg.gather @!p1 [hbm4b:s6+s2], $0x80, v3, vm2, $0xb8;
	[tilespmem:$0x19200] =	vst v63  }
0x380: {  	s31 =	simm.s32 @!p1 $0x1  }
0x381: {  	_ =	swait.ge @!p1 [sflag:s31], $0x1000  }
0x382: {  	s8 =	sadd.s32 $0xFFFFFFFF, s8;
	[sflag:s31] =	ssyncset.done @!p1 $0x0  }
0x383: {  	p2 =	sne.s32 s8, $0x0;
	s5 =	rddreg [dreg:$0x12];
	[sflag:s31] =	ssyncadd.s32 @!p1 $0xFFFFF000  }
0x384: {  	[hbm4b:s5+s2] =	stream.linear.scatter @!p1 [tilespmem:s30], [sflag:$0x2], $0x80, $0x38;
	[tilespmem:$0x19200] =	vst v63  }
.Ltmp0:
0x385: {  	s31 =	simm.s32 @!p1 $0x18600;
	s30 =	sadd.s32 @!p1 $0x80, s5;
	(pc) =	sbr.rel @p2 .LBB2_1-.Ltmp0, $4  }
0x386: {  	[hbm4b:s30+s2] =	stream.linear.scatter @!p1 [tilespmem:s31], [sflag:$0x2], $0x80, $0x38;
	[tilespmem:$0x19200] =	vst v63  }
0x387: {  	_ =	swait.ge @!p1 [sflag:s0], $0x100  }
0x388: {  	[sflag:s0] =	ssyncset.done @!p1 $0x0  }
0x389: {  	[sflag:s0] =	ssyncadd.s32 @!p1 $0xFFFFFF00  }
0x38a: {  	_ =	sfence.sel $0x180000  }
0x38b: {  	[bflag:$0x0] =	sbarrier.arrive $0xFFFF  }
0x38c: {  	_ =	strace $0x90000047  }
0x38d: {  	s0 =	stileid.u32;
	[bflag:$0x2] =	sbarrier.arrive $0xFFFF  }
0x38e: {  	p0 =	sne.s32 s0, $0x0;
	s0 =	rddreg [dreg:$0x6]  }
0x38f: {  	s0 =	sadd.s32 @!p0 $0x100000, s0  }
0x390: {  	[sflag:s0] =	ssyncadd.tile.s32 @!p0 $0x1;
	_ =	shalt  }
.Lfunc_end2:
_tile_overlayer_lowered:
.L_overlay_start_2:
0x391: {  	(tag) =	ssettag $0x2  }
0x392: {  	s0 =	rddreg [dreg:$0x0];
	s2 =	stileid.u32  }
0x393: {  	s1 =	rddreg [dreg:$0x1];
	p0 =	sne.s32 s2, $0x0  }
0x394: {  	s3 =	rddreg [dreg:$0x2];
	[bflag:$0x3] =	sbarrier.arrive $0xFFFF;
	s2 =	simm.s32 @!p0 $0x1C02  }
0x395: {  	[timem:s3], [sflag:s2] =	dma.local @!p0 [hbm:s0], s1  }
0x396: {  	s0 =	simm.s32 @!p0 $0x2  }
0x397: {  	_ =	swait.ge @!p0 [sflag:s0], s1  }
0x398: {  	s1 =	ssub.s32 @!p0 $0x0, s1;
	[sflag:s0] =	ssyncset.done @!p0 $0x0  }
0x399: {  	[sflag:s0] =	ssyncadd.s32 @!p0 s1  }
0x39a: {  	[bflag:$0x3] =	sbarrier.arrive $0xFFFF  }
0x39b: {  	_ =	shalt  }

</sc_bundles>
